<compile_context>
chip_gen: v7x
topology: tpu7x:2x2x1
jax: 0.10.2.dev20260603
libtpu: 0.0.44.dev20260713+nightly
codegen_flags: <defaults>
</compile_context>

<pallas_src>
import jax
import jax.numpy as jnp
from jax import lax
from jax.experimental import pallas as pl
from jax.experimental.pallas import tpu as pltpu

NL = 2048; NP = 4096; ANF = 128; CNF = 128; ND = 3; NB = 32
HN = 64; ENF = 16; EF = ENF + 1; NLAYERS = 2; SUB = 2
CR = 15.0 / NLAYERS; NORMF = 100.0; NC = 1.0
TI = 64
TJ = 64


def _silu(x):
    return x * jax.nn.sigmoid(x)


def _layer_norm(h):
    m = h.mean(-1, keepdims=True)
    v = ((h - m) ** 2).mean(-1, keepdims=True)
    return (h - m) / jnp.sqrt(v + 1e-5)


def _mlp(ps, x):
    return _silu(x @ ps[0]['w'] + ps[0]['b']) @ ps[1]['w'] + ps[1]['b']


def _pair_pass(mode, h_ref, hsrc_ref, x_ref, xsrc_ref, segs_ref, sege_ref,
               jlo_ref, jhi_ref, out_ref, a_scr, b_scr,
               w1, b1, w2, b2, eattr, self_mask, c3w=None):
    nrt = NL // TI
    ns = hsrc_ref.shape[0]
    W1h = w1[0:HN]
    W1s = w1[HN:2 * HN]
    w1r = w1[2 * HN:2 * HN + 1]
    cvec = eattr @ w1[2 * HN + 1:] + b1.reshape(1, HN)
    zw = jnp.zeros_like(w2)
    w2d = jnp.concatenate([jnp.concatenate([w2, zw], 1),
                           jnp.concatenate([zw, w2], 1)], 0)
    b2d = jnp.concatenate([b2, b2])
    if c3w is None:
        c3d = None
    else:
        zc = jnp.zeros_like(c3w)
        c3d = jnp.concatenate([jnp.concatenate([c3w, zc], 1),
                               jnp.concatenate([zc, c3w], 1)], 0)
    odim = HN if mode == 'gcl' else ND
    TJH = TJ // 2

    a_scr[...] = h_ref[...] @ W1h + cvec
    b_scr[0:ns, :] = hsrc_ref[...] @ W1s

    def row_body(i, carry):
        i0 = i * TI
        xI = x_ref[pl.ds(i0, TI), :]
        sI = segs_ref[pl.ds(i0, TI), :]
        eI = sege_ref[pl.ds(i0, TI), :]
        AI = a_scr[pl.ds(i0, TI), :]
        AI2 = jnp.concatenate([AI, AI], axis=1)
        iglob = i0 + lax.broadcasted_iota(jnp.int32, (TI, 1), 0)

        def col_body(j, acc):
            j0 = j * TJ
            xJ = xsrc_ref[pl.ds(j0, TJ), :]
            BJ = b_scr[pl.ds(j0, TJ), :]
            BJ2 = jnp.concatenate([BJ[:TJH], BJ[TJH:]], axis=1)
            d = xI[:, None, :] - xJ[None, :, :]
            r = jnp.sum(d * d, axis=-1)
            rw = jnp.concatenate([r[:, :TJH, None] * w1r,
                                  r[:, TJH:, None] * w1r], axis=-1)
            pre = AI2[:, None, :] + BJ2[None, :, :] + rw
            m2 = jnp.dot(_silu(pre).reshape(TI * TJH, 2 * HN), w2d,
                         preferred_element_type=jnp.float32)
            m = _silu(m2 + b2d)
            jglob = j0 + lax.broadcasted_iota(jnp.int32, (1, TJ), 1)
            am = (jglob >= sI) & (jglob < eI)
            if self_mask:
                am = am & (iglob != jglob)
            amb = am.astype(jnp.float32)
            if mode == 'gcl':
                oneh = jnp.ones((1, 1, HN), jnp.float32)
                ame = jnp.concatenate([amb[:, :TJH, None] * oneh,
                                       amb[:, TJH:, None] * oneh], axis=-1)
                mm = m.reshape(TI, TJH, 2 * HN) * ame
                s = mm.sum(axis=1)
                contrib = s[:, :HN] + s[:, HN:]
            else:
                phi = jnp.tanh(jnp.dot(m, c3d,
                                       preferred_element_type=jnp.float32)
                               ) * CR
                ph3 = phi.reshape(TI, TJH, 2)
                ph = jnp.concatenate([ph3[:, :, 0], ph3[:, :, 1]], axis=1)
                wgt = (ph * amb)[..., None]
                cd = d / (jnp.sqrt(r + 1e-8)[..., None] + NC)
                contrib = (cd * wgt).sum(axis=1)
            return acc + contrib

        acc = lax.fori_loop(jlo_ref[i], jhi_ref[i], col_body,
                            jnp.zeros((TI, odim), jnp.float32))
        out_ref[pl.ds(i0, TI), :] = acc
        return carry

    lax.fori_loop(0, nrt, row_body, 0)


def _gcl(gp, h_ref, hsrc_ref, x_ref, xsrc_ref, segs, sege, jlo, jhi,
         agg_ref, a_scr, b_scr, eattr, self_mask):
    _pair_pass('gcl', h_ref, hsrc_ref, x_ref, xsrc_ref, segs, sege, jlo, jhi,
               agg_ref, a_scr, b_scr, gp['e1']['w'], gp['e1']['b'],
               gp['e2']['w'], gp['e2']['b'], eattr, self_mask)
    h = h_ref[...]
    agg = agg_ref[...] / NORMF
    u = _silu(h @ gp['n1']['w'][0:HN] + agg @ gp['n1']['w'][HN:2 * HN]
              + gp['n1']['b'])
    h_ref[...] = h + u @ gp['n2']['w'] + gp['n2']['b']


def _cup(cp, h_ref, hsrc_ref, x_ref, xsrc_ref, segs, sege, jlo, jhi,
         dx_ref, a_scr, b_scr, eattr, self_mask):
    _pair_pass('cup', h_ref, hsrc_ref, x_ref, xsrc_ref, segs, sege, jlo, jhi,
               dx_ref, a_scr, b_scr, cp['c1']['w'], cp['c1']['b'],
               cp['c2']['w'], cp['c2']['b'], eattr, self_mask, c3w=cp['c3w'])
    x_ref[...] = x_ref[...] + dx_ref[...] / NORMF


def _net_body(treedef, refs):
    (x_l0_ref, h_l0_ref, x_p_ref, h_p0_ref, jitter_ref, t_ref,
     sll_ref, ell_ref, slp_ref, elp_ref,
     jlo_ll_ref, jhi_ll_ref, jlo_lp_ref, jhi_lp_ref,
     *rest) = refs
    vel_ref, feat_ref = rest[-9:-7]
    h_scr, hk_scr, x_scr, agg_scr, dx_scr, a_scr, b_scr = rest[-7:]
    params = jax.tree_util.tree_unflatten(treedef, [r[...] for r in rest[:-9]])

    t = t_ref[0]
    x_l = x_l0_ref[...] + jitter_ref[...]
    h_l = _mlp(params['atom_enc'], _layer_norm(h_l0_ref[...]))
    h_p = _mlp(params['ctx_enc'], _layer_norm(h_p0_ref[...]))
    h_l = jnp.concatenate([h_l, jnp.full((NL, 1), t, jnp.float32)], axis=1)
    h_p = jnp.concatenate([h_p, jnp.full((NP, 1), t, jnp.float32)], axis=1)
    ea_ll = params['edge_emb'][1:2]
    ea_lp = params['edge_emb'][0:1]

    pe = params['egnn']
    h_scr[...] = h_l @ pe['emb']['w'] + pe['emb']['b']
    x_scr[...] = x_l
    for blk in pe['blocks']:
        for gp in blk['gcls']:
            _gcl(gp, h_scr, h_scr, x_scr, x_scr, sll_ref, ell_ref,
                 jlo_ll_ref, jhi_ll_ref, agg_scr, a_scr, b_scr, ea_ll, True)
        _cup(blk['coord'], h_scr, h_scr, x_scr, x_scr, sll_ref, ell_ref,
             jlo_ll_ref, jhi_ll_ref, dx_scr, a_scr, b_scr, ea_ll, True)

    pc = params['cross']
    h65 = h_scr[...] @ pe['emb_out']['w'] + pe['emb_out']['b']
    h_scr[...] = h65 @ pc['emb_q']['w'] + pc['emb_q']['b']
    hk_scr[...] = h_p @ pc['emb_kv']['w'] + pc['emb_kv']['b']
    for blk in pc['blocks']:
        for gp in blk['gcls']:
            _gcl(gp, h_scr, hk_scr, x_scr, x_p_ref, slp_ref, elp_ref,
                 jlo_lp_ref, jhi_lp_ref, agg_scr, a_scr, b_scr, ea_lp, False)
        _cup(blk['coord'], h_scr, hk_scr, x_scr, x_p_ref, slp_ref, elp_ref,
             jlo_lp_ref, jhi_lp_ref, dx_scr, a_scr, b_scr, ea_lp, False)

    h_out = h_scr[...] @ pc['emb_out']['w'][:, 0:HN] + pc['emb_out']['b'][0:HN]
    feat_ref[...] = _mlp(params['atom_dec'], h_out)
    vel_ref[...] = x_scr[...] - x_l


def kernel(xh_lig, xh_context, t, mask_lig, mask_context, params):
    jitter = 1e-4 * jax.random.normal(jax.random.key(1), (NL, ND), jnp.float32)

    ml = mask_lig.astype(jnp.int32)
    mc = mask_context.astype(jnp.int32)
    s_ll = jnp.searchsorted(ml, ml, side='left').astype(jnp.int32)
    e_ll = jnp.searchsorted(ml, ml, side='right').astype(jnp.int32)
    s_lp = jnp.searchsorted(mc, ml, side='left').astype(jnp.int32)
    e_lp = jnp.searchsorted(mc, ml, side='right').astype(jnp.int32)
    nrt = NL // TI
    jlo_ll = s_ll.reshape(nrt, TI)[:, 0] // TJ
    jhi_ll = (e_ll.reshape(nrt, TI)[:, -1] + TJ - 1) // TJ
    jlo_lp = s_lp.reshape(nrt, TI)[:, 0] // TJ
    jhi_lp = (e_lp.reshape(nrt, TI)[:, -1] + TJ - 1) // TJ

    leaves, treedef = jax.tree_util.tree_flatten(params)

    x_l0 = xh_lig[:, :ND]
    h_l0 = xh_lig[:, ND:]
    x_p = xh_context[:, :ND]
    h_p0 = xh_context[:, ND:]

    smem = pl.BlockSpec(memory_space=pltpu.SMEM)
    vmem = pl.BlockSpec(memory_space=pltpu.VMEM)
    in_specs = ([vmem] * 5 + [smem]
                + [vmem] * 4 + [smem] * 4
                + [vmem] * len(leaves))

    with jax.default_matmul_precision('float32'):
        vel, feat = pl.pallas_call(
        lambda *refs: _net_body(treedef, refs),
        out_shape=[jax.ShapeDtypeStruct((NL, ND), jnp.float32),
                   jax.ShapeDtypeStruct((NL, ANF), jnp.float32)],
        in_specs=in_specs,
        out_specs=[vmem, vmem],
        compiler_params=pltpu.CompilerParams(
            vmem_limit_bytes=100 * 1024 * 1024),
        scratch_shapes=[pltpu.VMEM((NL, HN), jnp.float32),
                        pltpu.VMEM((NP, HN), jnp.float32),
                        pltpu.VMEM((NL, ND), jnp.float32),
                        pltpu.VMEM((NL, HN), jnp.float32),
                        pltpu.VMEM((NL, ND), jnp.float32),
                        pltpu.VMEM((NL, HN), jnp.float32),
                        pltpu.VMEM((NP, HN), jnp.float32)],
    )(x_l0, h_l0, x_p, h_p0, jitter, t,
      s_ll.reshape(NL, 1), e_ll.reshape(NL, 1),
      s_lp.reshape(NL, 1), e_lp.reshape(NL, 1),
      jlo_ll, jhi_ll, jlo_lp, jhi_lp, *leaves)

    ligand_update = jnp.concatenate([vel, feat], axis=-1)
    pocket_update = jnp.zeros_like(xh_context)
    return ligand_update, pocket_update

# --- scband reference (transcript-rebuilt; emitter-appended) ---
"""Pipeline reference for scband-atomica-dynamics-6493990552278 (READ-ONLY COPY).

The authoritative reference and input builder live on the scoring server;
editing this copy changes nothing except your own understanding.
"""

import jax, jax.numpy as jnp
import numpy as np

NL = 2048; NP = 4096; ANF = 128; CNF = 128; ND = 3; NB = 32
HN = 64; ENF = 16; EF = ENF + 1; NLAYERS = 2; SUB = 2
CR = 15.0 / NLAYERS; NORMF = 100.0; NC = 1.0

def silu(x):
    return x * jax.nn.sigmoid(x)

def lin(p, x):
    return x @ p['w'] + p['b']

def mlp(ps, x):
    return lin(ps[1], silu(lin(ps[0], x)))

def layer_norm(h):
    m = h.mean(-1, keepdims=True)
    v = h.var(-1, keepdims=True)
    return (h - m) / jnp.sqrt(v + 1e-5)

def coord2diff(xr, xc):
    d = xr - xc
    r = jnp.sum(d * d, axis=1, keepdims=True)
    n = jnp.sqrt(r + 1e-8)
    return r, d / (n + NC)

def gcl(p, h, row, col, ea, n, hsrc, emask):
    inp = jnp.concatenate([h[row], hsrc[col], ea], axis=1)
    m = silu(lin(p['e2'], silu(lin(p['e1'], inp))))
    agg = jax.ops.segment_sum(m * emask, row, num_segments=n) / NORMF
    return h + lin(p['n2'], silu(lin(p['n1'], jnp.concatenate([h, agg], axis=1))))

def cupdate(p, h, xq, row, col, cd, ea, n, hsrc, emask):
    inp = jnp.concatenate([h[row], hsrc[col], ea], axis=1)
    m = silu(lin(p['c2'], silu(lin(p['c1'], inp))))
    phi = jnp.tanh(m @ p['c3w']) * CR
    return xq + jax.ops.segment_sum(cd * phi * emask, row, num_segments=n) / NORMF

def egnn_fwd(pp, h, x, row, col, eattr, n, emask):
    h = lin(pp['emb'], h)
    for blk in pp['blocks']:
        r, cd = coord2diff(x[row], x[col])
        ea = jnp.concatenate([r, eattr], axis=1)
        for gp in blk['gcls']:
            h = gcl(gp, h, row, col, ea, n, h, emask)
        x = cupdate(blk['coord'], h, x, row, col, cd, ea, n, h, emask)
    return lin(pp['emb_out'], h), x

def cross_fwd(pp, hq, xq, hkv, xkv, row, col, eattr, n, emask):
    hq = lin(pp['emb_q'], hq)
    hk = lin(pp['emb_kv'], hkv)
    for blk in pp['blocks']:
        r, cd = coord2diff(xq[row], xkv[col])
        ea = jnp.concatenate([r, eattr], axis=1)
        for gp in blk['gcls']:
            hq = gcl(gp, hq, row, col, ea, n, hk, emask)
        xq = cupdate(blk['coord'], hq, xq, row, col, cd, ea, n, hk, emask)
    return lin(pp['emb_out'], hq), xq

def _forward(xh_lig, xh_context, t, params, row, col, rowc, colc, jitter, emask, emaskc):
    x_l = xh_lig[:, :ND] + jitter
    h_l = xh_lig[:, ND:]
    x_p = xh_context[:, :ND]
    h_p = xh_context[:, ND:]
    h_l = mlp(params['atom_enc'], layer_norm(h_l))
    h_p = mlp(params['ctx_enc'], layer_norm(h_p))
    h_l = jnp.concatenate([h_l, jnp.ones((h_l.shape[0], 1), jnp.float32) * t[0]], axis=1)
    h_p = jnp.concatenate([h_p, jnp.ones((h_p.shape[0], 1), jnp.float32) * t[0]], axis=1)
    ea_ll = jnp.take(params['edge_emb'], jnp.ones(row.shape[0], dtype=jnp.int32), axis=0)
    h_ll, x_ll = egnn_fwd(params['egnn'], h_l, x_l, row, col, ea_ll, NL, emask)
    ea_lp = jnp.take(params['edge_emb'], jnp.zeros(rowc.shape[0], dtype=jnp.int32), axis=0)
    h_lp, x_lp = cross_fwd(params['cross'], h_ll, x_ll, h_p, x_p, rowc, colc, ea_lp, NL, emaskc)
    vel = x_lp - x_l
    feat = mlp(params['atom_dec'], h_lp[:, :-1])
    return jnp.concatenate([vel, feat], axis=-1)

def _edges(mask_lig, mask_context):
    adj = (mask_lig[:, None] == mask_lig[None, :]) & (~jnp.eye(NL, dtype=bool))
    row, col = jnp.where(adj, size=NL * NL, fill_value=0)
    emask = (jnp.arange(NL * NL) < jnp.count_nonzero(adj)).astype(jnp.float32)[:, None]
    adjc = mask_lig[:, None] == mask_context[None, :]
    rowc, colc = jnp.where(adjc, size=NL * NP, fill_value=0)
    emaskc = (jnp.arange(NL * NP) < jnp.count_nonzero(adjc)).astype(jnp.float32)[:, None]
    return row, col, rowc, colc, emask, emaskc

def setup_inputs(seed: int = 0):
    key = jax.random.key(seed)
    kc = [0]
    def nk():
        kc[0] += 1
        return jax.random.fold_in(key, kc[0])
    def _lin(din, dout, scale=None):
        s = (1.0 / np.sqrt(din)) if scale is None else scale
        return {'w': jax.random.normal(nk(), (din, dout), jnp.float32) * s,
                'b': jnp.zeros((dout,), jnp.float32)}
    def gclp():
        return {'e1': _lin(2 * HN + EF, HN), 'e2': _lin(HN, HN),
                'n1': _lin(2 * HN, HN), 'n2': _lin(HN, HN)}
    def cup():
        return {'c1': _lin(2 * HN + EF, HN), 'c2': _lin(HN, HN),
                'c3w': jax.random.normal(nk(), (HN, 1), jnp.float32) * 0.001}
    def blocks():
        return [{'gcls': [gclp() for _ in range(SUB)], 'coord': cup()} for _ in range(NLAYERS)]
    dnn = HN + 1
    params = {
        'atom_enc': [_lin(ANF, 2 * ANF, 0.01 / np.sqrt(ANF)), _lin(2 * ANF, HN, 0.01 / np.sqrt(2 * ANF))],
        'ctx_enc': [_lin(CNF, 2 * CNF, 0.01 / np.sqrt(CNF)), _lin(2 * CNF, HN, 0.01 / np.sqrt(2 * CNF))],
        'atom_dec': [_lin(HN, 2 * ANF, 0.01 / np.sqrt(HN)), _lin(2 * ANF, ANF, 0.01 / np.sqrt(2 * ANF))],
        'edge_emb': jax.random.normal(nk(), (2, ENF), jnp.float32),
        'egnn': {'emb': _lin(dnn, HN), 'emb_out': _lin(HN, dnn), 'blocks': blocks()},
        'cross': {'emb_q': _lin(dnn, HN), 'emb_kv': _lin(dnn, HN), 'emb_out': _lin(HN, dnn), 'blocks': blocks()},
    }
    xh_lig = jax.random.normal(nk(), (NL, ND + ANF), jnp.float32)
    xh_context = jax.random.normal(nk(), (NP, ND + CNF), jnp.float32)
    t = jax.random.uniform(nk(), (1,), jnp.float32)
    mask_lig = jnp.sort(jax.random.randint(nk(), (NL,), 0, NB))
    mask_context = jnp.sort(jax.random.randint(nk(), (NP,), 0, NB))
    return {'xh_lig': xh_lig, 'xh_context': xh_context, 't': t,
            'mask_lig': mask_lig, 'mask_context': mask_context, 'params': params}

def reference(xh_lig, xh_context, t, mask_lig, mask_context, params):
    jitter = 1e-4 * jax.random.normal(jax.random.key(1), (NL, ND), jnp.float32)
    row, col, rowc, colc, emask, emaskc = _edges(mask_lig, mask_context)
    ligand_update = _forward(xh_lig, xh_context, t, params, row, col, rowc, colc, jitter, emask, emaskc)
    pocket_update = jnp.zeros_like(xh_context)
    return ligand_update, pocket_update

if __name__ == "__main__":
    import jax
    _d = setup_inputs()
    print(jax.jit(kernel)(*tuple(_d.values())))

</pallas_src>

<mosaic_0001>
module attributes {stable_mosaic.version = 14 : i64} {
  func.func @_lambda_(%arg0: memref<2048x3xf32, #tpu.memory_space<vmem>>, %arg1: memref<2048x128xf32, #tpu.memory_space<vmem>>, %arg2: memref<4096x3xf32, #tpu.memory_space<vmem>>, %arg3: memref<4096x128xf32, #tpu.memory_space<vmem>>, %arg4: memref<2048x3xf32, #tpu.memory_space<vmem>>, %arg5: memref<1xf32, #tpu.memory_space<smem>>, %arg6: memref<2048x1xi32, #tpu.memory_space<vmem>>, %arg7: memref<2048x1xi32, #tpu.memory_space<vmem>>, %arg8: memref<2048x1xi32, #tpu.memory_space<vmem>>, %arg9: memref<2048x1xi32, #tpu.memory_space<vmem>>, %arg10: memref<32xi32, #tpu.memory_space<smem>>, %arg11: memref<32xi32, #tpu.memory_space<smem>>, %arg12: memref<32xi32, #tpu.memory_space<smem>>, %arg13: memref<32xi32, #tpu.memory_space<smem>>, %arg14: memref<256xf32, #tpu.memory_space<vmem>>, %arg15: memref<64x256xf32, #tpu.memory_space<vmem>>, %arg16: memref<128xf32, #tpu.memory_space<vmem>>, %arg17: memref<256x128xf32, #tpu.memory_space<vmem>>, %arg18: memref<256xf32, #tpu.memory_space<vmem>>, %arg19: memref<128x256xf32, #tpu.memory_space<vmem>>, %arg20: memref<64xf32, #tpu.memory_space<vmem>>, %arg21: memref<256x64xf32, #tpu.memory_space<vmem>>, %arg22: memref<64xf32, #tpu.memory_space<vmem>>, %arg23: memref<145x64xf32, #tpu.memory_space<vmem>>, %arg24: memref<64xf32, #tpu.memory_space<vmem>>, %arg25: memref<64x64xf32, #tpu.memory_space<vmem>>, %arg26: memref<64x1xf32, #tpu.memory_space<vmem>>, %arg27: memref<64xf32, #tpu.memory_space<vmem>>, %arg28: memref<145x64xf32, #tpu.memory_space<vmem>>, %arg29: memref<64xf32, #tpu.memory_space<vmem>>, %arg30: memref<64x64xf32, #tpu.memory_space<vmem>>, %arg31: memref<64xf32, #tpu.memory_space<vmem>>, %arg32: memref<128x64xf32, #tpu.memory_space<vmem>>, %arg33: memref<64xf32, #tpu.memory_space<vmem>>, %arg34: memref<64x64xf32, #tpu.memory_space<vmem>>, %arg35: memref<64xf32, #tpu.memory_space<vmem>>, %arg36: memref<145x64xf32, #tpu.memory_space<vmem>>, %arg37: memref<64xf32, #tpu.memory_space<vmem>>, %arg38: memref<64x64xf32, #tpu.memory_space<vmem>>, %arg39: memref<64xf32, #tpu.memory_space<vmem>>, %arg40: memref<128x64xf32, #tpu.memory_space<vmem>>, %arg41: memref<64xf32, #tpu.memory_space<vmem>>, %arg42: memref<64x64xf32, #tpu.memory_space<vmem>>, %arg43: memref<64xf32, #tpu.memory_space<vmem>>, %arg44: memref<145x64xf32, #tpu.memory_space<vmem>>, %arg45: memref<64xf32, #tpu.memory_space<vmem>>, %arg46: memref<64x64xf32, #tpu.memory_space<vmem>>, %arg47: memref<64x1xf32, #tpu.memory_space<vmem>>, %arg48: memref<64xf32, #tpu.memory_space<vmem>>, %arg49: memref<145x64xf32, #tpu.memory_space<vmem>>, %arg50: memref<64xf32, #tpu.memory_space<vmem>>, %arg51: memref<64x64xf32, #tpu.memory_space<vmem>>, %arg52: memref<64xf32, #tpu.memory_space<vmem>>, %arg53: memref<128x64xf32, #tpu.memory_space<vmem>>, %arg54: memref<64xf32, #tpu.memory_space<vmem>>, %arg55: memref<64x64xf32, #tpu.memory_space<vmem>>, %arg56: memref<64xf32, #tpu.memory_space<vmem>>, %arg57: memref<145x64xf32, #tpu.memory_space<vmem>>, %arg58: memref<64xf32, #tpu.memory_space<vmem>>, %arg59: memref<64x64xf32, #tpu.memory_space<vmem>>, %arg60: memref<64xf32, #tpu.memory_space<vmem>>, %arg61: memref<128x64xf32, #tpu.memory_space<vmem>>, %arg62: memref<64xf32, #tpu.memory_space<vmem>>, %arg63: memref<64x64xf32, #tpu.memory_space<vmem>>, %arg64: memref<64xf32, #tpu.memory_space<vmem>>, %arg65: memref<65x64xf32, #tpu.memory_space<vmem>>, %arg66: memref<65xf32, #tpu.memory_space<vmem>>, %arg67: memref<64x65xf32, #tpu.memory_space<vmem>>, %arg68: memref<64xf32, #tpu.memory_space<vmem>>, %arg69: memref<65x64xf32, #tpu.memory_space<vmem>>, %arg70: memref<256xf32, #tpu.memory_space<vmem>>, %arg71: memref<128x256xf32, #tpu.memory_space<vmem>>, %arg72: memref<64xf32, #tpu.memory_space<vmem>>, %arg73: memref<256x64xf32, #tpu.memory_space<vmem>>, %arg74: memref<2x16xf32, #tpu.memory_space<vmem>>, %arg75: memref<64xf32, #tpu.memory_space<vmem>>, %arg76: memref<145x64xf32, #tpu.memory_space<vmem>>, %arg77: memref<64xf32, #tpu.memory_space<vmem>>, %arg78: memref<64x64xf32, #tpu.memory_space<vmem>>, %arg79: memref<64x1xf32, #tpu.memory_space<vmem>>, %arg80: memref<64xf32, #tpu.memory_space<vmem>>, %arg81: memref<145x64xf32, #tpu.memory_space<vmem>>, %arg82: memref<64xf32, #tpu.memory_space<vmem>>, %arg83: memref<64x64xf32, #tpu.memory_space<vmem>>, %arg84: memref<64xf32, #tpu.memory_space<vmem>>, %arg85: memref<128x64xf32, #tpu.memory_space<vmem>>, %arg86: memref<64xf32, #tpu.memory_space<vmem>>, %arg87: memref<64x64xf32, #tpu.memory_space<vmem>>, %arg88: memref<64xf32, #tpu.memory_space<vmem>>, %arg89: memref<145x64xf32, #tpu.memory_space<vmem>>, %arg90: memref<64xf32, #tpu.memory_space<vmem>>, %arg91: memref<64x64xf32, #tpu.memory_space<vmem>>, %arg92: memref<64xf32, #tpu.memory_space<vmem>>, %arg93: memref<128x64xf32, #tpu.memory_space<vmem>>, %arg94: memref<64xf32, #tpu.memory_space<vmem>>, %arg95: memref<64x64xf32, #tpu.memory_space<vmem>>, %arg96: memref<64xf32, #tpu.memory_space<vmem>>, %arg97: memref<145x64xf32, #tpu.memory_space<vmem>>, %arg98: memref<64xf32, #tpu.memory_space<vmem>>, %arg99: memref<64x64xf32, #tpu.memory_space<vmem>>, %arg100: memref<64x1xf32, #tpu.memory_space<vmem>>, %arg101: memref<64xf32, #tpu.memory_space<vmem>>, %arg102: memref<145x64xf32, #tpu.memory_space<vmem>>, %arg103: memref<64xf32, #tpu.memory_space<vmem>>, %arg104: memref<64x64xf32, #tpu.memory_space<vmem>>, %arg105: memref<64xf32, #tpu.memory_space<vmem>>, %arg106: memref<128x64xf32, #tpu.memory_space<vmem>>, %arg107: memref<64xf32, #tpu.memory_space<vmem>>, %arg108: memref<64x64xf32, #tpu.memory_space<vmem>>, %arg109: memref<64xf32, #tpu.memory_space<vmem>>, %arg110: memref<145x64xf32, #tpu.memory_space<vmem>>, %arg111: memref<64xf32, #tpu.memory_space<vmem>>, %arg112: memref<64x64xf32, #tpu.memory_space<vmem>>, %arg113: memref<64xf32, #tpu.memory_space<vmem>>, %arg114: memref<128x64xf32, #tpu.memory_space<vmem>>, %arg115: memref<64xf32, #tpu.memory_space<vmem>>, %arg116: memref<64x64xf32, #tpu.memory_space<vmem>>, %arg117: memref<64xf32, #tpu.memory_space<vmem>>, %arg118: memref<65x64xf32, #tpu.memory_space<vmem>>, %arg119: memref<65xf32, #tpu.memory_space<vmem>>, %arg120: memref<64x65xf32, #tpu.memory_space<vmem>>, %arg121: memref<2048x3xf32, #tpu.memory_space<vmem>>, %arg122: memref<2048x128xf32, #tpu.memory_space<vmem>>, %arg123: memref<2048x64xf32, #tpu.memory_space<vmem>>, %arg124: memref<4096x64xf32, #tpu.memory_space<vmem>>, %arg125: memref<2048x3xf32, #tpu.memory_space<vmem>>, %arg126: memref<2048x64xf32, #tpu.memory_space<vmem>>, %arg127: memref<2048x3xf32, #tpu.memory_space<vmem>>, %arg128: memref<2048x64xf32, #tpu.memory_space<vmem>>, %arg129: memref<4096x64xf32, #tpu.memory_space<vmem>>) attributes {dimension_semantics = [], scalar_prefetch = 0 : i64, scratch_operands = 7 : i64, tpu.core_type = #tpu.core_type<tc>} {
    %get3A = arith.constant 0 : index
    %get3A_0 = vector.load %arg14[%get3A] : memref<256xf32, #tpu.memory_space<vmem>>, vector<256xf32>
    %get3A_1 = arith.constant 0 : index
    %get3A_2 = arith.constant 0 : index
    %get3A_3 = vector.load %arg15[%get3A_1, %get3A_2] : memref<64x256xf32, #tpu.memory_space<vmem>>, vector<64x256xf32>
    %get3A_4 = arith.constant 0 : index
    %get3A_5 = vector.load %arg16[%get3A_4] : memref<128xf32, #tpu.memory_space<vmem>>, vector<128xf32>
    %get3A_6 = arith.constant 0 : index
    %get3A_7 = arith.constant 0 : index
    %get3A_8 = vector.load %arg17[%get3A_6, %get3A_7] : memref<256x128xf32, #tpu.memory_space<vmem>>, vector<256x128xf32>
    %get3A_9 = arith.constant 0 : index
    %get3A_10 = vector.load %arg18[%get3A_9] : memref<256xf32, #tpu.memory_space<vmem>>, vector<256xf32>
    %get3A_11 = arith.constant 0 : index
    %get3A_12 = arith.constant 0 : index
    %get3A_13 = vector.load %arg19[%get3A_11, %get3A_12] : memref<128x256xf32, #tpu.memory_space<vmem>>, vector<128x256xf32>
    %get3A_14 = arith.constant 0 : index
    %get3A_15 = vector.load %arg20[%get3A_14] : memref<64xf32, #tpu.memory_space<vmem>>, vector<64xf32>
    %get3A_16 = arith.constant 0 : index
    %get3A_17 = arith.constant 0 : index
    %get3A_18 = vector.load %arg21[%get3A_16, %get3A_17] : memref<256x64xf32, #tpu.memory_space<vmem>>, vector<256x64xf32>
    %get3A_19 = arith.constant 0 : index
    %get3A_20 = vector.load %arg22[%get3A_19] : memref<64xf32, #tpu.memory_space<vmem>>, vector<64xf32>
    %get3A_21 = arith.constant 0 : index
    %get3A_22 = arith.constant 0 : index
    %get3A_23 = vector.load %arg23[%get3A_21, %get3A_22] : memref<145x64xf32, #tpu.memory_space<vmem>>, vector<145x64xf32>
    %get3A_24 = arith.constant 0 : index
    %get3A_25 = vector.load %arg24[%get3A_24] : memref<64xf32, #tpu.memory_space<vmem>>, vector<64xf32>
    %get3A_26 = arith.constant 0 : index
    %get3A_27 = arith.constant 0 : index
    %get3A_28 = vector.load %arg25[%get3A_26, %get3A_27] : memref<64x64xf32, #tpu.memory_space<vmem>>, vector<64x64xf32>
    %get3A_29 = arith.constant 0 : index
    %get3A_30 = arith.constant 0 : index
    %get3A_31 = vector.load %arg26[%get3A_29, %get3A_30] : memref<64x1xf32, #tpu.memory_space<vmem>>, vector<64x1xf32>
    %get3A_32 = arith.constant 0 : index
    %get3A_33 = vector.load %arg27[%get3A_32] : memref<64xf32, #tpu.memory_space<vmem>>, vector<64xf32>
    %get3A_34 = arith.constant 0 : index
    %get3A_35 = arith.constant 0 : index
    %get3A_36 = vector.load %arg28[%get3A_34, %get3A_35] : memref<145x64xf32, #tpu.memory_space<vmem>>, vector<145x64xf32>
    %get3A_37 = arith.constant 0 : index
    %get3A_38 = vector.load %arg29[%get3A_37] : memref<64xf32, #tpu.memory_space<vmem>>, vector<64xf32>
    %get3A_39 = arith.constant 0 : index
    %get3A_40 = arith.constant 0 : index
    %get3A_41 = vector.load %arg30[%get3A_39, %get3A_40] : memref<64x64xf32, #tpu.memory_space<vmem>>, vector<64x64xf32>
    %get3A_42 = arith.constant 0 : index
    %get3A_43 = vector.load %arg31[%get3A_42] : memref<64xf32, #tpu.memory_space<vmem>>, vector<64xf32>
    %get3A_44 = arith.constant 0 : index
    %get3A_45 = arith.constant 0 : index
    %get3A_46 = vector.load %arg32[%get3A_44, %get3A_45] : memref<128x64xf32, #tpu.memory_space<vmem>>, vector<128x64xf32>
    %get3A_47 = arith.constant 0 : index
    %get3A_48 = vector.load %arg33[%get3A_47] : memref<64xf32, #tpu.memory_space<vmem>>, vector<64xf32>
    %get3A_49 = arith.constant 0 : index
    %get3A_50 = arith.constant 0 : index
    %get3A_51 = vector.load %arg34[%get3A_49, %get3A_50] : memref<64x64xf32, #tpu.memory_space<vmem>>, vector<64x64xf32>
    %get3A_52 = arith.constant 0 : index
    %get3A_53 = vector.load %arg35[%get3A_52] : memref<64xf32, #tpu.memory_space<vmem>>, vector<64xf32>
    %get3A_54 = arith.constant 0 : index
    %get3A_55 = arith.constant 0 : index
    %get3A_56 = vector.load %arg36[%get3A_54, %get3A_55] : memref<145x64xf32, #tpu.memory_space<vmem>>, vector<145x64xf32>
    %get3A_57 = arith.constant 0 : index
    %get3A_58 = vector.load %arg37[%get3A_57] : memref<64xf32, #tpu.memory_space<vmem>>, vector<64xf32>
    %get3A_59 = arith.constant 0 : index
    %get3A_60 = arith.constant 0 : index
    %get3A_61 = vector.load %arg38[%get3A_59, %get3A_60] : memref<64x64xf32, #tpu.memory_space<vmem>>, vector<64x64xf32>
    %get3A_62 = arith.constant 0 : index
    %get3A_63 = vector.load %arg39[%get3A_62] : memref<64xf32, #tpu.memory_space<vmem>>, vector<64xf32>
    %get3A_64 = arith.constant 0 : index
    %get3A_65 = arith.constant 0 : index
    %get3A_66 = vector.load %arg40[%get3A_64, %get3A_65] : memref<128x64xf32, #tpu.memory_space<vmem>>, vector<128x64xf32>
    %get3A_67 = arith.constant 0 : index
    %get3A_68 = vector.load %arg41[%get3A_67] : memref<64xf32, #tpu.memory_space<vmem>>, vector<64xf32>
    %get3A_69 = arith.constant 0 : index
    %get3A_70 = arith.constant 0 : index
    %get3A_71 = vector.load %arg42[%get3A_69, %get3A_70] : memref<64x64xf32, #tpu.memory_space<vmem>>, vector<64x64xf32>
    %get3A_72 = arith.constant 0 : index
    %get3A_73 = vector.load %arg43[%get3A_72] : memref<64xf32, #tpu.memory_space<vmem>>, vector<64xf32>
    %get3A_74 = arith.constant 0 : index
    %get3A_75 = arith.constant 0 : index
    %get3A_76 = vector.load %arg44[%get3A_74, %get3A_75] : memref<145x64xf32, #tpu.memory_space<vmem>>, vector<145x64xf32>
    %get3A_77 = arith.constant 0 : index
    %get3A_78 = vector.load %arg45[%get3A_77] : memref<64xf32, #tpu.memory_space<vmem>>, vector<64xf32>
    %get3A_79 = arith.constant 0 : index
    %get3A_80 = arith.constant 0 : index
    %get3A_81 = vector.load %arg46[%get3A_79, %get3A_80] : memref<64x64xf32, #tpu.memory_space<vmem>>, vector<64x64xf32>
    %get3A_82 = arith.constant 0 : index
    %get3A_83 = arith.constant 0 : index
    %get3A_84 = vector.load %arg47[%get3A_82, %get3A_83] : memref<64x1xf32, #tpu.memory_space<vmem>>, vector<64x1xf32>
    %get3A_85 = arith.constant 0 : index
    %get3A_86 = vector.load %arg48[%get3A_85] : memref<64xf32, #tpu.memory_space<vmem>>, vector<64xf32>
    %get3A_87 = arith.constant 0 : index
    %get3A_88 = arith.constant 0 : index
    %get3A_89 = vector.load %arg49[%get3A_87, %get3A_88] : memref<145x64xf32, #tpu.memory_space<vmem>>, vector<145x64xf32>
    %get3A_90 = arith.constant 0 : index
    %get3A_91 = vector.load %arg50[%get3A_90] : memref<64xf32, #tpu.memory_space<vmem>>, vector<64xf32>
    %get3A_92 = arith.constant 0 : index
    %get3A_93 = arith.constant 0 : index
    %get3A_94 = vector.load %arg51[%get3A_92, %get3A_93] : memref<64x64xf32, #tpu.memory_space<vmem>>, vector<64x64xf32>
    %get3A_95 = arith.constant 0 : index
    %get3A_96 = vector.load %arg52[%get3A_95] : memref<64xf32, #tpu.memory_space<vmem>>, vector<64xf32>
    %get3A_97 = arith.constant 0 : index
    %get3A_98 = arith.constant 0 : index
    %get3A_99 = vector.load %arg53[%get3A_97, %get3A_98] : memref<128x64xf32, #tpu.memory_space<vmem>>, vector<128x64xf32>
    %get3A_100 = arith.constant 0 : index
    %get3A_101 = vector.load %arg54[%get3A_100] : memref<64xf32, #tpu.memory_space<vmem>>, vector<64xf32>
    %get3A_102 = arith.constant 0 : index
    %get3A_103 = arith.constant 0 : index
    %get3A_104 = vector.load %arg55[%get3A_102, %get3A_103] : memref<64x64xf32, #tpu.memory_space<vmem>>, vector<64x64xf32>
    %get3A_105 = arith.constant 0 : index
    %get3A_106 = vector.load %arg56[%get3A_105] : memref<64xf32, #tpu.memory_space<vmem>>, vector<64xf32>
    %get3A_107 = arith.constant 0 : index
    %get3A_108 = arith.constant 0 : index
    %get3A_109 = vector.load %arg57[%get3A_107, %get3A_108] : memref<145x64xf32, #tpu.memory_space<vmem>>, vector<145x64xf32>
    %get3A_110 = arith.constant 0 : index
    %get3A_111 = vector.load %arg58[%get3A_110] : memref<64xf32, #tpu.memory_space<vmem>>, vector<64xf32>
    %get3A_112 = arith.constant 0 : index
    %get3A_113 = arith.constant 0 : index
    %get3A_114 = vector.load %arg59[%get3A_112, %get3A_113] : memref<64x64xf32, #tpu.memory_space<vmem>>, vector<64x64xf32>
    %get3A_115 = arith.constant 0 : index
    %get3A_116 = vector.load %arg60[%get3A_115] : memref<64xf32, #tpu.memory_space<vmem>>, vector<64xf32>
    %get3A_117 = arith.constant 0 : index
    %get3A_118 = arith.constant 0 : index
    %get3A_119 = vector.load %arg61[%get3A_117, %get3A_118] : memref<128x64xf32, #tpu.memory_space<vmem>>, vector<128x64xf32>
    %get3A_120 = arith.constant 0 : index
    %get3A_121 = vector.load %arg62[%get3A_120] : memref<64xf32, #tpu.memory_space<vmem>>, vector<64xf32>
    %get3A_122 = arith.constant 0 : index
    %get3A_123 = arith.constant 0 : index
    %get3A_124 = vector.load %arg63[%get3A_122, %get3A_123] : memref<64x64xf32, #tpu.memory_space<vmem>>, vector<64x64xf32>
    %get3A_125 = arith.constant 0 : index
    %get3A_126 = vector.load %arg64[%get3A_125] : memref<64xf32, #tpu.memory_space<vmem>>, vector<64xf32>
    %get3A_127 = arith.constant 0 : index
    %get3A_128 = arith.constant 0 : index
    %get3A_129 = vector.load %arg65[%get3A_127, %get3A_128] : memref<65x64xf32, #tpu.memory_space<vmem>>, vector<65x64xf32>
    %get3A_130 = arith.constant 0 : index
    %get3A_131 = vector.load %arg66[%get3A_130] : memref<65xf32, #tpu.memory_space<vmem>>, vector<65xf32>
    %get3A_132 = arith.constant 0 : index
    %get3A_133 = arith.constant 0 : index
    %get3A_134 = vector.load %arg67[%get3A_132, %get3A_133] : memref<64x65xf32, #tpu.memory_space<vmem>>, vector<64x65xf32>
    %get3A_135 = arith.constant 0 : index
    %get3A_136 = vector.load %arg68[%get3A_135] : memref<64xf32, #tpu.memory_space<vmem>>, vector<64xf32>
    %get3A_137 = arith.constant 0 : index
    %get3A_138 = arith.constant 0 : index
    %get3A_139 = vector.load %arg69[%get3A_137, %get3A_138] : memref<65x64xf32, #tpu.memory_space<vmem>>, vector<65x64xf32>
    %get3A_140 = arith.constant 0 : index
    %get3A_141 = vector.load %arg70[%get3A_140] : memref<256xf32, #tpu.memory_space<vmem>>, vector<256xf32>
    %get3A_142 = arith.constant 0 : index
    %get3A_143 = arith.constant 0 : index
    %get3A_144 = vector.load %arg71[%get3A_142, %get3A_143] : memref<128x256xf32, #tpu.memory_space<vmem>>, vector<128x256xf32>
    %get3A_145 = arith.constant 0 : index
    %get3A_146 = vector.load %arg72[%get3A_145] : memref<64xf32, #tpu.memory_space<vmem>>, vector<64xf32>
    %get3A_147 = arith.constant 0 : index
    %get3A_148 = arith.constant 0 : index
    %get3A_149 = vector.load %arg73[%get3A_147, %get3A_148] : memref<256x64xf32, #tpu.memory_space<vmem>>, vector<256x64xf32>
    %get3A_150 = arith.constant 0 : index
    %get3A_151 = arith.constant 0 : index
    %get3A_152 = vector.load %arg74[%get3A_150, %get3A_151] : memref<2x16xf32, #tpu.memory_space<vmem>>, vector<2x16xf32>
    %get3A_153 = arith.constant 0 : index
    %get3A_154 = vector.load %arg75[%get3A_153] : memref<64xf32, #tpu.memory_space<vmem>>, vector<64xf32>
    %get3A_155 = arith.constant 0 : index
    %get3A_156 = arith.constant 0 : index
    %get3A_157 = vector.load %arg76[%get3A_155, %get3A_156] : memref<145x64xf32, #tpu.memory_space<vmem>>, vector<145x64xf32>
    %get3A_158 = arith.constant 0 : index
    %get3A_159 = vector.load %arg77[%get3A_158] : memref<64xf32, #tpu.memory_space<vmem>>, vector<64xf32>
    %get3A_160 = arith.constant 0 : index
    %get3A_161 = arith.constant 0 : index
    %get3A_162 = vector.load %arg78[%get3A_160, %get3A_161] : memref<64x64xf32, #tpu.memory_space<vmem>>, vector<64x64xf32>
    %get3A_163 = arith.constant 0 : index
    %get3A_164 = arith.constant 0 : index
    %get3A_165 = vector.load %arg79[%get3A_163, %get3A_164] : memref<64x1xf32, #tpu.memory_space<vmem>>, vector<64x1xf32>
    %get3A_166 = arith.constant 0 : index
    %get3A_167 = vector.load %arg80[%get3A_166] : memref<64xf32, #tpu.memory_space<vmem>>, vector<64xf32>
    %get3A_168 = arith.constant 0 : index
    %get3A_169 = arith.constant 0 : index
    %get3A_170 = vector.load %arg81[%get3A_168, %get3A_169] : memref<145x64xf32, #tpu.memory_space<vmem>>, vector<145x64xf32>
    %get3A_171 = arith.constant 0 : index
    %get3A_172 = vector.load %arg82[%get3A_171] : memref<64xf32, #tpu.memory_space<vmem>>, vector<64xf32>
    %get3A_173 = arith.constant 0 : index
    %get3A_174 = arith.constant 0 : index
    %get3A_175 = vector.load %arg83[%get3A_173, %get3A_174] : memref<64x64xf32, #tpu.memory_space<vmem>>, vector<64x64xf32>
    %get3A_176 = arith.constant 0 : index
    %get3A_177 = vector.load %arg84[%get3A_176] : memref<64xf32, #tpu.memory_space<vmem>>, vector<64xf32>
    %get3A_178 = arith.constant 0 : index
    %get3A_179 = arith.constant 0 : index
    %get3A_180 = vector.load %arg85[%get3A_178, %get3A_179] : memref<128x64xf32, #tpu.memory_space<vmem>>, vector<128x64xf32>
    %get3A_181 = arith.constant 0 : index
    %get3A_182 = vector.load %arg86[%get3A_181] : memref<64xf32, #tpu.memory_space<vmem>>, vector<64xf32>
    %get3A_183 = arith.constant 0 : index
    %get3A_184 = arith.constant 0 : index
    %get3A_185 = vector.load %arg87[%get3A_183, %get3A_184] : memref<64x64xf32, #tpu.memory_space<vmem>>, vector<64x64xf32>
    %get3A_186 = arith.constant 0 : index
    %get3A_187 = vector.load %arg88[%get3A_186] : memref<64xf32, #tpu.memory_space<vmem>>, vector<64xf32>
    %get3A_188 = arith.constant 0 : index
    %get3A_189 = arith.constant 0 : index
    %get3A_190 = vector.load %arg89[%get3A_188, %get3A_189] : memref<145x64xf32, #tpu.memory_space<vmem>>, vector<145x64xf32>
    %get3A_191 = arith.constant 0 : index
    %get3A_192 = vector.load %arg90[%get3A_191] : memref<64xf32, #tpu.memory_space<vmem>>, vector<64xf32>
    %get3A_193 = arith.constant 0 : index
    %get3A_194 = arith.constant 0 : index
    %get3A_195 = vector.load %arg91[%get3A_193, %get3A_194] : memref<64x64xf32, #tpu.memory_space<vmem>>, vector<64x64xf32>
    %get3A_196 = arith.constant 0 : index
    %get3A_197 = vector.load %arg92[%get3A_196] : memref<64xf32, #tpu.memory_space<vmem>>, vector<64xf32>
    %get3A_198 = arith.constant 0 : index
    %get3A_199 = arith.constant 0 : index
    %get3A_200 = vector.load %arg93[%get3A_198, %get3A_199] : memref<128x64xf32, #tpu.memory_space<vmem>>, vector<128x64xf32>
    %get3A_201 = arith.constant 0 : index
    %get3A_202 = vector.load %arg94[%get3A_201] : memref<64xf32, #tpu.memory_space<vmem>>, vector<64xf32>
    %get3A_203 = arith.constant 0 : index
    %get3A_204 = arith.constant 0 : index
    %get3A_205 = vector.load %arg95[%get3A_203, %get3A_204] : memref<64x64xf32, #tpu.memory_space<vmem>>, vector<64x64xf32>
    %get3A_206 = arith.constant 0 : index
    %get3A_207 = vector.load %arg96[%get3A_206] : memref<64xf32, #tpu.memory_space<vmem>>, vector<64xf32>
    %get3A_208 = arith.constant 0 : index
    %get3A_209 = arith.constant 0 : index
    %get3A_210 = vector.load %arg97[%get3A_208, %get3A_209] : memref<145x64xf32, #tpu.memory_space<vmem>>, vector<145x64xf32>
    %get3A_211 = arith.constant 0 : index
    %get3A_212 = vector.load %arg98[%get3A_211] : memref<64xf32, #tpu.memory_space<vmem>>, vector<64xf32>
    %get3A_213 = arith.constant 0 : index
    %get3A_214 = arith.constant 0 : index
    %get3A_215 = vector.load %arg99[%get3A_213, %get3A_214] : memref<64x64xf32, #tpu.memory_space<vmem>>, vector<64x64xf32>
    %get3A_216 = arith.constant 0 : index
    %get3A_217 = arith.constant 0 : index
    %get3A_218 = vector.load %arg100[%get3A_216, %get3A_217] : memref<64x1xf32, #tpu.memory_space<vmem>>, vector<64x1xf32>
    %get3A_219 = arith.constant 0 : index
    %get3A_220 = vector.load %arg101[%get3A_219] : memref<64xf32, #tpu.memory_space<vmem>>, vector<64xf32>
    %get3A_221 = arith.constant 0 : index
    %get3A_222 = arith.constant 0 : index
    %get3A_223 = vector.load %arg102[%get3A_221, %get3A_222] : memref<145x64xf32, #tpu.memory_space<vmem>>, vector<145x64xf32>
    %get3A_224 = arith.constant 0 : index
    %get3A_225 = vector.load %arg103[%get3A_224] : memref<64xf32, #tpu.memory_space<vmem>>, vector<64xf32>
    %get3A_226 = arith.constant 0 : index
    %get3A_227 = arith.constant 0 : index
    %get3A_228 = vector.load %arg104[%get3A_226, %get3A_227] : memref<64x64xf32, #tpu.memory_space<vmem>>, vector<64x64xf32>
    %get3A_229 = arith.constant 0 : index
    %get3A_230 = vector.load %arg105[%get3A_229] : memref<64xf32, #tpu.memory_space<vmem>>, vector<64xf32>
    %get3A_231 = arith.constant 0 : index
    %get3A_232 = arith.constant 0 : index
    %get3A_233 = vector.load %arg106[%get3A_231, %get3A_232] : memref<128x64xf32, #tpu.memory_space<vmem>>, vector<128x64xf32>
    %get3A_234 = arith.constant 0 : index
    %get3A_235 = vector.load %arg107[%get3A_234] : memref<64xf32, #tpu.memory_space<vmem>>, vector<64xf32>
    %get3A_236 = arith.constant 0 : index
    %get3A_237 = arith.constant 0 : index
    %get3A_238 = vector.load %arg108[%get3A_236, %get3A_237] : memref<64x64xf32, #tpu.memory_space<vmem>>, vector<64x64xf32>
    %get3A_239 = arith.constant 0 : index
    %get3A_240 = vector.load %arg109[%get3A_239] : memref<64xf32, #tpu.memory_space<vmem>>, vector<64xf32>
    %get3A_241 = arith.constant 0 : index
    %get3A_242 = arith.constant 0 : index
    %get3A_243 = vector.load %arg110[%get3A_241, %get3A_242] : memref<145x64xf32, #tpu.memory_space<vmem>>, vector<145x64xf32>
    %get3A_244 = arith.constant 0 : index
    %get3A_245 = vector.load %arg111[%get3A_244] : memref<64xf32, #tpu.memory_space<vmem>>, vector<64xf32>
    %get3A_246 = arith.constant 0 : index
    %get3A_247 = arith.constant 0 : index
    %get3A_248 = vector.load %arg112[%get3A_246, %get3A_247] : memref<64x64xf32, #tpu.memory_space<vmem>>, vector<64x64xf32>
    %get3A_249 = arith.constant 0 : index
    %get3A_250 = vector.load %arg113[%get3A_249] : memref<64xf32, #tpu.memory_space<vmem>>, vector<64xf32>
    %get3A_251 = arith.constant 0 : index
    %get3A_252 = arith.constant 0 : index
    %get3A_253 = vector.load %arg114[%get3A_251, %get3A_252] : memref<128x64xf32, #tpu.memory_space<vmem>>, vector<128x64xf32>
    %get3A_254 = arith.constant 0 : index
    %get3A_255 = vector.load %arg115[%get3A_254] : memref<64xf32, #tpu.memory_space<vmem>>, vector<64xf32>
    %get3A_256 = arith.constant 0 : index
    %get3A_257 = arith.constant 0 : index
    %get3A_258 = vector.load %arg116[%get3A_256, %get3A_257] : memref<64x64xf32, #tpu.memory_space<vmem>>, vector<64x64xf32>
    %get3A_259 = arith.constant 0 : index
    %get3A_260 = vector.load %arg117[%get3A_259] : memref<64xf32, #tpu.memory_space<vmem>>, vector<64xf32>
    %get3A_261 = arith.constant 0 : index
    %get3A_262 = arith.constant 0 : index
    %get3A_263 = vector.load %arg118[%get3A_261, %get3A_262] : memref<65x64xf32, #tpu.memory_space<vmem>>, vector<65x64xf32>
    %get3A_264 = arith.constant 0 : index
    %get3A_265 = vector.load %arg119[%get3A_264] : memref<65xf32, #tpu.memory_space<vmem>>, vector<65xf32>
    %get3A_266 = arith.constant 0 : index
    %get3A_267 = arith.constant 0 : index
    %get3A_268 = vector.load %arg120[%get3A_266, %get3A_267] : memref<64x65xf32, #tpu.memory_space<vmem>>, vector<64x65xf32>
    %get3A_269 = arith.constant 0 : index
    %get3A_270 = memref.load %arg5[%get3A_269] : memref<1xf32, #tpu.memory_space<smem>>
    %get3A_271 = arith.constant 0 : index
    %get3A_272 = arith.constant 0 : index
    %get3A_273 = vector.load %arg0[%get3A_271, %get3A_272] : memref<2048x3xf32, #tpu.memory_space<vmem>>, vector<2048x3xf32>
    %get3A_274 = arith.constant 0 : index
    %get3A_275 = arith.constant 0 : index
    %get3A_276 = vector.load %arg4[%get3A_274, %get3A_275] : memref<2048x3xf32, #tpu.memory_space<vmem>>, vector<2048x3xf32>
    %add3A = arith.addf %get3A_273, %get3A_276 : vector<2048x3xf32>
    %get3A_277 = arith.constant 0 : index
    %get3A_278 = arith.constant 0 : index
    %get3A_279 = vector.load %arg1[%get3A_277, %get3A_278] : memref<2048x128xf32, #tpu.memory_space<vmem>>, vector<2048x128xf32>
    %reduce_sum3A = arith.constant dense<0.000000e+00> : vector<2048xf32>
    %reduce_sum3A_280 = vector.multi_reduction <add>, %get3A_279, %reduce_sum3A [1] : vector<2048x128xf32> to vector<2048xf32>
    %broadcast_in_dim3A = vector.shape_cast %reduce_sum3A_280 : vector<2048xf32> to vector<2048x1xf32>
    %div3A = arith.constant 1.280000e+02 : f32
    %div3A_281 = vector.broadcast %div3A : f32 to vector<2048x1xf32>
    %div3A_282 = arith.divf %broadcast_in_dim3A, %div3A_281 : vector<2048x1xf32>
    %sub3A = vector.broadcast %div3A_282 : vector<2048x1xf32> to vector<2048x128xf32>
    %sub3A_283 = arith.subf %get3A_279, %sub3A : vector<2048x128xf32>
    %integer_pow3A = arith.mulf %sub3A_283, %sub3A_283 : vector<2048x128xf32>
    %reduce_sum3A_284 = arith.constant dense<0.000000e+00> : vector<2048xf32>
    %reduce_sum3A_285 = vector.multi_reduction <add>, %integer_pow3A, %reduce_sum3A_284 [1] : vector<2048x128xf32> to vector<2048xf32>
    %broadcast_in_dim3A_286 = vector.shape_cast %reduce_sum3A_285 : vector<2048xf32> to vector<2048x1xf32>
    %div3A_287 = arith.constant 1.280000e+02 : f32
    %div3A_288 = vector.broadcast %div3A_287 : f32 to vector<2048x1xf32>
    %div3A_289 = arith.divf %broadcast_in_dim3A_286, %div3A_288 : vector<2048x1xf32>
    %sub3A_290 = vector.broadcast %div3A_282 : vector<2048x1xf32> to vector<2048x128xf32>
    %sub3A_291 = arith.subf %get3A_279, %sub3A_290 : vector<2048x128xf32>
    %add3A_292 = arith.constant 9.99999974E-6 : f32
    %add3A_293 = vector.broadcast %add3A_292 : f32 to vector<2048x1xf32>
    %add3A_294 = arith.addf %div3A_289, %add3A_293 : vector<2048x1xf32>
    %sqrt3A = math.sqrt %add3A_294 : vector<2048x1xf32>
    %div3A_295 = vector.broadcast %sqrt3A : vector<2048x1xf32> to vector<2048x128xf32>
    %div3A_296 = arith.divf %sub3A_291, %div3A_295 : vector<2048x128xf32>
    %dot_general3A = arith.constant dense<0.000000e+00> : vector<2048x256xf32>
    %dot_general3A_297 = tpu.matmul %div3A_296, %get3A_13, %dot_general3A {dimension_numbers = #tpu.dot_dimension_numbers<[1], [0], [0], [1], [0, 0, 1, 1], [], []>, precision = #tpu.contract_precision<fp32>, transpose_lhs_hint = false} : vector<2048x128xf32>, vector<128x256xf32>, vector<2048x256xf32> -> vector<2048x256xf32>
    %broadcast_in_dim3A_298 = vector.shape_cast %get3A_10 : vector<256xf32> to vector<1x256xf32>
    %add3A_299 = vector.broadcast %broadcast_in_dim3A_298 : vector<1x256xf32> to vector<2048x256xf32>
    %add3A_300 = arith.addf %dot_general3A_297, %add3A_299 : vector<2048x256xf32>
    %logistic3A = arith.negf %add3A_300 : vector<2048x256xf32>
    %logistic3A_301 = math.exp %logistic3A : vector<2048x256xf32>
    %logistic3A_302 = arith.constant 1.000000e+00 : f32
    %logistic3A_303 = vector.broadcast %logistic3A_302 : f32 to vector<2048x256xf32>
    %logistic3A_304 = arith.addf %logistic3A_303, %logistic3A_301 : vector<2048x256xf32>
    %logistic3A_305 = arith.divf %logistic3A_303, %logistic3A_304 : vector<2048x256xf32>
    %mul3A = arith.mulf %add3A_300, %logistic3A_305 : vector<2048x256xf32>
    %dot_general3A_306 = arith.constant dense<0.000000e+00> : vector<2048x64xf32>
    %dot_general3A_307 = tpu.matmul %mul3A, %get3A_18, %dot_general3A_306 {dimension_numbers = #tpu.dot_dimension_numbers<[1], [0], [0], [1], [0, 0, 1, 1], [], []>, precision = #tpu.contract_precision<fp32>, transpose_lhs_hint = false} : vector<2048x256xf32>, vector<256x64xf32>, vector<2048x64xf32> -> vector<2048x64xf32>
    %broadcast_in_dim3A_308 = vector.shape_cast %get3A_15 : vector<64xf32> to vector<1x64xf32>
    %add3A_309 = vector.broadcast %broadcast_in_dim3A_308 : vector<1x64xf32> to vector<2048x64xf32>
    %add3A_310 = arith.addf %dot_general3A_307, %add3A_309 : vector<2048x64xf32>
    %get3A_311 = arith.constant 0 : index
    %get3A_312 = arith.constant 0 : index
    %get3A_313 = vector.load %arg3[%get3A_311, %get3A_312] : memref<4096x128xf32, #tpu.memory_space<vmem>>, vector<4096x128xf32>
    %reduce_sum3A_314 = arith.constant dense<0.000000e+00> : vector<4096xf32>
    %reduce_sum3A_315 = vector.multi_reduction <add>, %get3A_313, %reduce_sum3A_314 [1] : vector<4096x128xf32> to vector<4096xf32>
    %broadcast_in_dim3A_316 = vector.shape_cast %reduce_sum3A_315 : vector<4096xf32> to vector<4096x1xf32>
    %div3A_317 = arith.constant 1.280000e+02 : f32
    %div3A_318 = vector.broadcast %div3A_317 : f32 to vector<4096x1xf32>
    %div3A_319 = arith.divf %broadcast_in_dim3A_316, %div3A_318 : vector<4096x1xf32>
    %sub3A_320 = vector.broadcast %div3A_319 : vector<4096x1xf32> to vector<4096x128xf32>
    %sub3A_321 = arith.subf %get3A_313, %sub3A_320 : vector<4096x128xf32>
    %integer_pow3A_322 = arith.mulf %sub3A_321, %sub3A_321 : vector<4096x128xf32>
    %reduce_sum3A_323 = arith.constant dense<0.000000e+00> : vector<4096xf32>
    %reduce_sum3A_324 = vector.multi_reduction <add>, %integer_pow3A_322, %reduce_sum3A_323 [1] : vector<4096x128xf32> to vector<4096xf32>
    %broadcast_in_dim3A_325 = vector.shape_cast %reduce_sum3A_324 : vector<4096xf32> to vector<4096x1xf32>
    %div3A_326 = arith.constant 1.280000e+02 : f32
    %div3A_327 = vector.broadcast %div3A_326 : f32 to vector<4096x1xf32>
    %div3A_328 = arith.divf %broadcast_in_dim3A_325, %div3A_327 : vector<4096x1xf32>
    %sub3A_329 = vector.broadcast %div3A_319 : vector<4096x1xf32> to vector<4096x128xf32>
    %sub3A_330 = arith.subf %get3A_313, %sub3A_329 : vector<4096x128xf32>
    %add3A_331 = arith.constant 9.99999974E-6 : f32
    %add3A_332 = vector.broadcast %add3A_331 : f32 to vector<4096x1xf32>
    %add3A_333 = arith.addf %div3A_328, %add3A_332 : vector<4096x1xf32>
    %sqrt3A_334 = math.sqrt %add3A_333 : vector<4096x1xf32>
    %div3A_335 = vector.broadcast %sqrt3A_334 : vector<4096x1xf32> to vector<4096x128xf32>
    %div3A_336 = arith.divf %sub3A_330, %div3A_335 : vector<4096x128xf32>
    %dot_general3A_337 = arith.constant dense<0.000000e+00> : vector<4096x256xf32>
    %dot_general3A_338 = tpu.matmul %div3A_336, %get3A_144, %dot_general3A_337 {dimension_numbers = #tpu.dot_dimension_numbers<[1], [0], [0], [1], [0, 0, 1, 1], [], []>, precision = #tpu.contract_precision<fp32>, transpose_lhs_hint = false} : vector<4096x128xf32>, vector<128x256xf32>, vector<4096x256xf32> -> vector<4096x256xf32>
    %broadcast_in_dim3A_339 = vector.shape_cast %get3A_141 : vector<256xf32> to vector<1x256xf32>
    %add3A_340 = vector.broadcast %broadcast_in_dim3A_339 : vector<1x256xf32> to vector<4096x256xf32>
    %add3A_341 = arith.addf %dot_general3A_338, %add3A_340 : vector<4096x256xf32>
    %logistic3A_342 = arith.negf %add3A_341 : vector<4096x256xf32>
    %logistic3A_343 = math.exp %logistic3A_342 : vector<4096x256xf32>
    %logistic3A_344 = arith.constant 1.000000e+00 : f32
    %logistic3A_345 = vector.broadcast %logistic3A_344 : f32 to vector<4096x256xf32>
    %logistic3A_346 = arith.addf %logistic3A_345, %logistic3A_343 : vector<4096x256xf32>
    %logistic3A_347 = arith.divf %logistic3A_345, %logistic3A_346 : vector<4096x256xf32>
    %mul3A_348 = arith.mulf %add3A_341, %logistic3A_347 : vector<4096x256xf32>
    %dot_general3A_349 = arith.constant dense<0.000000e+00> : vector<4096x64xf32>
    %dot_general3A_350 = tpu.matmul %mul3A_348, %get3A_149, %dot_general3A_349 {dimension_numbers = #tpu.dot_dimension_numbers<[1], [0], [0], [1], [0, 0, 1, 1], [], []>, precision = #tpu.contract_precision<fp32>, transpose_lhs_hint = false} : vector<4096x256xf32>, vector<256x64xf32>, vector<4096x64xf32> -> vector<4096x64xf32>
    %broadcast_in_dim3A_351 = vector.shape_cast %get3A_146 : vector<64xf32> to vector<1x64xf32>
    %add3A_352 = vector.broadcast %broadcast_in_dim3A_351 : vector<1x64xf32> to vector<4096x64xf32>
    %add3A_353 = arith.addf %dot_general3A_350, %add3A_352 : vector<4096x64xf32>
    %broadcast_in_dim3A_354 = vector.broadcast %get3A_270 : f32 to vector<2048x1xf32>
    %concatenate3A = tpu.concatenate %add3A_310, %broadcast_in_dim3A_354 in 1 : vector<2048x64xf32>, vector<2048x1xf32> -> vector<2048x65xf32>
    %broadcast_in_dim3A_355 = vector.broadcast %get3A_270 : f32 to vector<4096x1xf32>
    %concatenate3A_356 = tpu.concatenate %add3A_353, %broadcast_in_dim3A_355 in 1 : vector<4096x64xf32>, vector<4096x1xf32> -> vector<4096x65xf32>
    %slice3A = vector.extract_strided_slice %get3A_152 {offsets = [1, 0], sizes = [1, 16], strides = [1, 1]} : vector<2x16xf32> to vector<1x16xf32>
    %slice3A_357 = vector.extract_strided_slice %get3A_152 {offsets = [0, 0], sizes = [1, 16], strides = [1, 1]} : vector<2x16xf32> to vector<1x16xf32>
    %dot_general3A_358 = arith.constant dense<0.000000e+00> : vector<2048x64xf32>
    %dot_general3A_359 = tpu.matmul %concatenate3A, %get3A_263, %dot_general3A_358 {dimension_numbers = #tpu.dot_dimension_numbers<[1], [0], [0], [1], [0, 0, 1, 1], [], []>, precision = #tpu.contract_precision<fp32>, transpose_lhs_hint = false} : vector<2048x65xf32>, vector<65x64xf32>, vector<2048x64xf32> -> vector<2048x64xf32>
    %broadcast_in_dim3A_360 = vector.shape_cast %get3A_260 : vector<64xf32> to vector<1x64xf32>
    %add3A_361 = vector.broadcast %broadcast_in_dim3A_360 : vector<1x64xf32> to vector<2048x64xf32>
    %add3A_362 = arith.addf %dot_general3A_359, %add3A_361 : vector<2048x64xf32>
    %swap3A = arith.constant 0 : index
    %swap3A_363 = arith.constant 0 : index
    %swap3A_364 = vector.load %arg123[%swap3A, %swap3A_363] : memref<2048x64xf32, #tpu.memory_space<vmem>>, vector<2048x64xf32>
    tpu.vector_store %arg123[%swap3A, %swap3A_363], %add3A_362 {strides = array<i32>} : memref<2048x64xf32, #tpu.memory_space<vmem>>, vector<2048x64xf32>,
    %swap3A_365 = arith.constant 0 : index
    %swap3A_366 = arith.constant 0 : index
    %swap3A_367 = vector.load %arg125[%swap3A_365, %swap3A_366] : memref<2048x3xf32, #tpu.memory_space<vmem>>, vector<2048x3xf32>
    tpu.vector_store %arg125[%swap3A_365, %swap3A_366], %add3A {strides = array<i32>} : memref<2048x3xf32, #tpu.memory_space<vmem>>, vector<2048x3xf32>,
    %slice3A_368 = vector.extract_strided_slice %get3A_170 {offsets = [0, 0], sizes = [64, 64], strides = [1, 1]} : vector<145x64xf32> to vector<64x64xf32>
    %slice3A_369 = vector.extract_strided_slice %get3A_170 {offsets = [64, 0], sizes = [64, 64], strides = [1, 1]} : vector<145x64xf32> to vector<64x64xf32>
    %slice3A_370 = vector.extract_strided_slice %get3A_170 {offsets = [128, 0], sizes = [1, 64], strides = [1, 1]} : vector<145x64xf32> to vector<1x64xf32>
    %slice3A_371 = vector.extract_strided_slice %get3A_170 {offsets = [129, 0], sizes = [16, 64], strides = [1, 1]} : vector<145x64xf32> to vector<16x64xf32>
    %dot_general3A_372 = arith.constant dense<0.000000e+00> : vector<1x64xf32>
    %dot_general3A_373 = tpu.matmul %slice3A, %slice3A_371, %dot_general3A_372 {dimension_numbers = #tpu.dot_dimension_numbers<[1], [0], [0], [1], [0, 0, 1, 1], [], []>, precision = #tpu.contract_precision<fp32>, transpose_lhs_hint = false} : vector<1x16xf32>, vector<16x64xf32>, vector<1x64xf32> -> vector<1x64xf32>
    %reshape3A = vector.shape_cast %get3A_167 : vector<64xf32> to vector<1x64xf32>
    %add3A_374 = arith.addf %dot_general3A_373, %reshape3A : vector<1x64xf32>
    %broadcast_in_dim3A_375 = arith.constant 0.000000e+00 : f32
    %broadcast_in_dim3A_376 = vector.broadcast %broadcast_in_dim3A_375 : f32 to vector<64x64xf32>
    %concatenate3A_377 = tpu.concatenate %get3A_175, %broadcast_in_dim3A_376 in 1 : vector<64x64xf32>, vector<64x64xf32> -> vector<64x128xf32>
    %concatenate3A_378 = tpu.concatenate %broadcast_in_dim3A_376, %get3A_175 in 1 : vector<64x64xf32>, vector<64x64xf32> -> vector<64x128xf32>
    %concatenate3A_379 = tpu.concatenate %concatenate3A_377, %concatenate3A_378 in 0 : vector<64x128xf32>, vector<64x128xf32> -> vector<128x128xf32>
    %concatenate3A_380 = tpu.concatenate %get3A_172, %get3A_172 in 0 : vector<64xf32>, vector<64xf32> -> vector<128xf32>
    %get3A_381 = arith.constant 0 : index
    %get3A_382 = arith.constant 0 : index
    %get3A_383 = vector.load %arg123[%get3A_381, %get3A_382] : memref<2048x64xf32, #tpu.memory_space<vmem>>, vector<2048x64xf32>
    %dot_general3A_384 = arith.constant dense<0.000000e+00> : vector<2048x64xf32>
    %dot_general3A_385 = tpu.matmul %get3A_383, %slice3A_368, %dot_general3A_384 {dimension_numbers = #tpu.dot_dimension_numbers<[1], [0], [0], [1], [0, 0, 1, 1], [], []>, precision = #tpu.contract_precision<fp32>, transpose_lhs_hint = false} : vector<2048x64xf32>, vector<64x64xf32>, vector<2048x64xf32> -> vector<2048x64xf32>
    %add3A_386 = vector.broadcast %add3A_374 : vector<1x64xf32> to vector<2048x64xf32>
    %add3A_387 = arith.addf %dot_general3A_385, %add3A_386 : vector<2048x64xf32>
    %swap3A_388 = arith.constant 0 : index
    %swap3A_389 = arith.constant 0 : index
    %swap3A_390 = vector.load %arg128[%swap3A_388, %swap3A_389] : memref<2048x64xf32, #tpu.memory_space<vmem>>, vector<2048x64xf32>
    tpu.vector_store %arg128[%swap3A_388, %swap3A_389], %add3A_387 {strides = array<i32>} : memref<2048x64xf32, #tpu.memory_space<vmem>>, vector<2048x64xf32>,
    %get3A_391 = arith.constant 0 : index
    %get3A_392 = arith.constant 0 : index
    %get3A_393 = vector.load %arg123[%get3A_391, %get3A_392] : memref<2048x64xf32, #tpu.memory_space<vmem>>, vector<2048x64xf32>
    %dot_general3A_394 = arith.constant dense<0.000000e+00> : vector<2048x64xf32>
    %dot_general3A_395 = tpu.matmul %get3A_393, %slice3A_369, %dot_general3A_394 {dimension_numbers = #tpu.dot_dimension_numbers<[1], [0], [0], [1], [0, 0, 1, 1], [], []>, precision = #tpu.contract_precision<fp32>, transpose_lhs_hint = false} : vector<2048x64xf32>, vector<64x64xf32>, vector<2048x64xf32> -> vector<2048x64xf32>
    %swap3A_396 = arith.constant 0 : index
    %swap3A_397 = arith.constant 0 : index
    %swap3A_398 = vector.load %arg129[%swap3A_396, %swap3A_397] : memref<4096x64xf32, #tpu.memory_space<vmem>>, vector<2048x64xf32>
    tpu.vector_store %arg129[%swap3A_396, %swap3A_397], %dot_general3A_395 {strides = array<i32>} : memref<4096x64xf32, #tpu.memory_space<vmem>>, vector<2048x64xf32>,
    %scan3A = arith.constant 0 : i32
    %scan3A_399 = arith.constant 32 : i32
    %scan3A_400 = arith.addi %scan3A, %scan3A_399 : i32
    %scan3A_401 = arith.constant 1 : i32
    scf.for %scan3A_1223 = %scan3A to %scan3A_400 step %scan3A_401  : i32 {
      %mul3A_1224 = arith.constant 64 : i32
      %mul3A_1225 = arith.muli %scan3A_1223, %mul3A_1224 : i32
      %get3A_1226 = arith.index_cast %mul3A_1225 : i32 to index
      %get3A_1227 = arith.constant 0 : index
      %get3A_1228 = vector.load %arg125[%get3A_1226, %get3A_1227] : memref<2048x3xf32, #tpu.memory_space<vmem>>, vector<64x3xf32>
      %get3A_1229 = arith.index_cast %mul3A_1225 : i32 to index
      %get3A_1230 = arith.constant 0 : index
      %get3A_1231 = vector.load %arg6[%get3A_1229, %get3A_1230] : memref<2048x1xi32, #tpu.memory_space<vmem>>, vector<64x1xi32>
      %get3A_1232 = arith.index_cast %mul3A_1225 : i32 to index
      %get3A_1233 = arith.constant 0 : index
      %get3A_1234 = vector.load %arg7[%get3A_1232, %get3A_1233] : memref<2048x1xi32, #tpu.memory_space<vmem>>, vector<64x1xi32>
      %get3A_1235 = arith.index_cast %mul3A_1225 : i32 to index
      %get3A_1236 = arith.constant 0 : index
      %get3A_1237 = vector.load %arg128[%get3A_1235, %get3A_1236] : memref<2048x64xf32, #tpu.memory_space<vmem>>, vector<64x64xf32>
      %concatenate3A_1238 = tpu.concatenate %get3A_1237, %get3A_1237 in 1 : vector<64x64xf32>, vector<64x64xf32> -> vector<64x128xf32>
      %iota3A = tpu.iota {dimensions = array<i32: 0>} : vector<64x1xi32>
      %add3A_1239 = vector.broadcast %mul3A_1225 : i32 to vector<64x1xi32>
      %add3A_1240 = arith.addi %add3A_1239, %iota3A : vector<64x1xi32>
      %get3A_1241 = arith.index_cast %scan3A_1223 : i32 to index
      %get3A_1242 = memref.load %arg10[%get3A_1241] : memref<32xi32, #tpu.memory_space<smem>>
      %get3A_1243 = arith.index_cast %scan3A_1223 : i32 to index
      %get3A_1244 = memref.load %arg11[%get3A_1243] : memref<32xi32, #tpu.memory_space<smem>>
      %broadcast_in_dim3A_1245 = arith.constant 0.000000e+00 : f32
      %broadcast_in_dim3A_1246 = vector.broadcast %broadcast_in_dim3A_1245 : f32 to vector<64x64xf32>
      %while3A = arith.subi %get3A_1244, %get3A_1242 : i32
      %while3A_1247 = arith.addi %get3A_1242, %while3A : i32
      %while3A_1248 = arith.constant 1 : i32
      %while3A_1249 = arith.divsi %while3A, %while3A_1248 : i32
      %while3A_1250 = arith.muli %while3A_1249, %while3A_1248 : i32
      %while3A_1251 = arith.addi %get3A_1242, %while3A_1250 : i32
      %while3A_1252 = arith.constant 1 : i32
      %while3A_1253 = scf.for %while3A_1259 = %get3A_1242 to %while3A_1251 step %while3A_1252 iter_args(%while3A_1260 = %broadcast_in_dim3A_1246) -> (vector<64x64xf32>)  : i32 {
        %mul3A_1261 = arith.constant 64 : i32
        %mul3A_1262 = arith.muli %while3A_1259, %mul3A_1261 : i32
        %get3A_1263 = arith.index_cast %mul3A_1262 : i32 to index
        %get3A_1264 = arith.constant 0 : index
        %get3A_1265 = vector.load %arg125[%get3A_1263, %get3A_1264] : memref<2048x3xf32, #tpu.memory_space<vmem>>, vector<64x3xf32>
        %get3A_1266 = arith.index_cast %mul3A_1262 : i32 to index
        %get3A_1267 = arith.constant 0 : index
        %get3A_1268 = vector.load %arg129[%get3A_1266, %get3A_1267] : memref<4096x64xf32, #tpu.memory_space<vmem>>, vector<64x64xf32>
        %slice3A_1269 = vector.extract_strided_slice %get3A_1268 {offsets = [0, 0], sizes = [32, 64], strides = [1, 1]} : vector<64x64xf32> to vector<32x64xf32>
        %slice3A_1270 = vector.extract_strided_slice %get3A_1268 {offsets = [32, 0], sizes = [32, 64], strides = [1, 1]} : vector<64x64xf32> to vector<32x64xf32>
        %concatenate3A_1271 = tpu.concatenate %slice3A_1269, %slice3A_1270 in 1 : vector<32x64xf32>, vector<32x64xf32> -> vector<32x128xf32>
        %broadcast_in_dim3A_1272 = vector.shape_cast %get3A_1228 : vector<64x3xf32> to vector<64x1x3xf32>
        %broadcast_in_dim3A_1273 = vector.shape_cast %get3A_1265 : vector<64x3xf32> to vector<1x64x3xf32>
        %sub3A_1274 = vector.broadcast %broadcast_in_dim3A_1272 : vector<64x1x3xf32> to vector<64x64x3xf32>
        %sub3A_1275 = vector.broadcast %broadcast_in_dim3A_1273 : vector<1x64x3xf32> to vector<64x64x3xf32>
        %sub3A_1276 = arith.subf %sub3A_1274, %sub3A_1275 : vector<64x64x3xf32>
        %mul3A_1277 = arith.mulf %sub3A_1276, %sub3A_1276 : vector<64x64x3xf32>
        %reduce_sum3A_1278 = arith.constant dense<0.000000e+00> : vector<64x64xf32>
        %reduce_sum3A_1279 = vector.multi_reduction <add>, %mul3A_1277, %reduce_sum3A_1278 [2] : vector<64x64x3xf32> to vector<64x64xf32>
        %slice3A_1280 = vector.extract_strided_slice %reduce_sum3A_1279 {offsets = [0, 0], sizes = [64, 32], strides = [1, 1]} : vector<64x64xf32> to vector<64x32xf32>
        %broadcast_in_dim3A_1281 = vector.shape_cast %slice3A_1280 : vector<64x32xf32> to vector<64x32x1xf32>
        %broadcast_in_dim3A_1282 = vector.shape_cast %slice3A_370 : vector<1x64xf32> to vector<1x1x64xf32>
        %mul3A_1283 = vector.broadcast %broadcast_in_dim3A_1281 : vector<64x32x1xf32> to vector<64x32x64xf32>
        %mul3A_1284 = vector.broadcast %broadcast_in_dim3A_1282 : vector<1x1x64xf32> to vector<64x32x64xf32>
        %mul3A_1285 = arith.mulf %mul3A_1283, %mul3A_1284 : vector<64x32x64xf32>
        %slice3A_1286 = vector.extract_strided_slice %reduce_sum3A_1279 {offsets = [0, 32], sizes = [64, 32], strides = [1, 1]} : vector<64x64xf32> to vector<64x32xf32>
        %broadcast_in_dim3A_1287 = vector.shape_cast %slice3A_1286 : vector<64x32xf32> to vector<64x32x1xf32>
        %broadcast_in_dim3A_1288 = vector.shape_cast %slice3A_370 : vector<1x64xf32> to vector<1x1x64xf32>
        %mul3A_1289 = vector.broadcast %broadcast_in_dim3A_1287 : vector<64x32x1xf32> to vector<64x32x64xf32>
        %mul3A_1290 = vector.broadcast %broadcast_in_dim3A_1288 : vector<1x1x64xf32> to vector<64x32x64xf32>
        %mul3A_1291 = arith.mulf %mul3A_1289, %mul3A_1290 : vector<64x32x64xf32>
        %concatenate3A_1292 = tpu.concatenate %mul3A_1285, %mul3A_1291 in 2 : vector<64x32x64xf32>, vector<64x32x64xf32> -> vector<64x32x128xf32>
        %broadcast_in_dim3A_1293 = vector.shape_cast %concatenate3A_1238 : vector<64x128xf32> to vector<64x1x128xf32>
        %broadcast_in_dim3A_1294 = vector.shape_cast %concatenate3A_1271 : vector<32x128xf32> to vector<1x32x128xf32>
        %add3A_1295 = vector.broadcast %broadcast_in_dim3A_1293 : vector<64x1x128xf32> to vector<64x32x128xf32>
        %add3A_1296 = vector.broadcast %broadcast_in_dim3A_1294 : vector<1x32x128xf32> to vector<64x32x128xf32>
        %add3A_1297 = arith.addf %add3A_1295, %add3A_1296 : vector<64x32x128xf32>
        %add3A_1298 = arith.addf %add3A_1297, %concatenate3A_1292 : vector<64x32x128xf32>
        %logistic3A_1299 = arith.negf %add3A_1298 : vector<64x32x128xf32>
        %logistic3A_1300 = math.exp %logistic3A_1299 : vector<64x32x128xf32>
        %logistic3A_1301 = arith.constant 1.000000e+00 : f32
        %logistic3A_1302 = vector.broadcast %logistic3A_1301 : f32 to vector<64x32x128xf32>
        %logistic3A_1303 = arith.addf %logistic3A_1302, %logistic3A_1300 : vector<64x32x128xf32>
        %logistic3A_1304 = arith.divf %logistic3A_1302, %logistic3A_1303 : vector<64x32x128xf32>
        %mul3A_1305 = arith.mulf %add3A_1298, %logistic3A_1304 : vector<64x32x128xf32>
        %reshape3A_1306 = vector.shape_cast %mul3A_1305 : vector<64x32x128xf32> to vector<2048x128xf32>
        %dot_general3A_1307 = arith.constant dense<0.000000e+00> : vector<2048x128xf32>
        %dot_general3A_1308 = tpu.matmul %reshape3A_1306, %concatenate3A_379, %dot_general3A_1307 {dimension_numbers = #tpu.dot_dimension_numbers<[1], [0], [0], [1], [0, 0, 1, 1], [], []>, precision = #tpu.contract_precision<fp32>, transpose_lhs_hint = false} : vector<2048x128xf32>, vector<128x128xf32>, vector<2048x128xf32> -> vector<2048x128xf32>
        %broadcast_in_dim3A_1309 = vector.shape_cast %concatenate3A_380 : vector<128xf32> to vector<1x128xf32>
        %add3A_1310 = vector.broadcast %broadcast_in_dim3A_1309 : vector<1x128xf32> to vector<2048x128xf32>
        %add3A_1311 = arith.addf %dot_general3A_1308, %add3A_1310 : vector<2048x128xf32>
        %logistic3A_1312 = arith.negf %add3A_1311 : vector<2048x128xf32>
        %logistic3A_1313 = math.exp %logistic3A_1312 : vector<2048x128xf32>
        %logistic3A_1314 = arith.constant 1.000000e+00 : f32
        %logistic3A_1315 = vector.broadcast %logistic3A_1314 : f32 to vector<2048x128xf32>
        %logistic3A_1316 = arith.addf %logistic3A_1315, %logistic3A_1313 : vector<2048x128xf32>
        %logistic3A_1317 = arith.divf %logistic3A_1315, %logistic3A_1316 : vector<2048x128xf32>
        %mul3A_1318 = arith.mulf %add3A_1311, %logistic3A_1317 : vector<2048x128xf32>
        %iota3A_1319 = tpu.iota {dimensions = array<i32: 1>} : vector<1x64xi32>
        %add3A_1320 = vector.broadcast %mul3A_1262 : i32 to vector<1x64xi32>
        %add3A_1321 = arith.addi %add3A_1320, %iota3A_1319 : vector<1x64xi32>
        %ge3A = vector.broadcast %add3A_1321 : vector<1x64xi32> to vector<64x64xi32>
        %ge3A_1322 = vector.broadcast %get3A_1231 : vector<64x1xi32> to vector<64x64xi32>
        %ge3A_1323 = arith.cmpi sge, %ge3A, %ge3A_1322 : vector<64x64xi32>
        %lt3A = vector.broadcast %add3A_1321 : vector<1x64xi32> to vector<64x64xi32>
        %lt3A_1324 = vector.broadcast %get3A_1234 : vector<64x1xi32> to vector<64x64xi32>
        %lt3A_1325 = arith.cmpi slt, %lt3A, %lt3A_1324 : vector<64x64xi32>
        %and3A = arith.andi %ge3A_1323, %lt3A_1325 : vector<64x64xi1>
        %ne3A = vector.broadcast %add3A_1240 : vector<64x1xi32> to vector<64x64xi32>
        %ne3A_1326 = vector.broadcast %add3A_1321 : vector<1x64xi32> to vector<64x64xi32>
        %ne3A_1327 = arith.cmpi ne, %ne3A, %ne3A_1326 : vector<64x64xi32>
        %and3A_1328 = arith.andi %and3A, %ne3A_1327 : vector<64x64xi1>
        %convert_element_type3A = arith.extui %and3A_1328 : vector<64x64xi1> to vector<64x64xi32>
        %convert_element_type3A_1329 = arith.sitofp %convert_element_type3A : vector<64x64xi32> to vector<64x64xf32>
        %broadcast_in_dim3A_1330 = arith.constant 1.000000e+00 : f32
        %broadcast_in_dim3A_1331 = vector.broadcast %broadcast_in_dim3A_1330 : f32 to vector<1x1x64xf32>
        %slice3A_1332 = vector.extract_strided_slice %convert_element_type3A_1329 {offsets = [0, 0], sizes = [64, 32], strides = [1, 1]} : vector<64x64xf32> to vector<64x32xf32>
        %broadcast_in_dim3A_1333 = vector.shape_cast %slice3A_1332 : vector<64x32xf32> to vector<64x32x1xf32>
        %mul3A_1334 = vector.broadcast %broadcast_in_dim3A_1333 : vector<64x32x1xf32> to vector<64x32x64xf32>
        %mul3A_1335 = vector.broadcast %broadcast_in_dim3A_1331 : vector<1x1x64xf32> to vector<64x32x64xf32>
        %mul3A_1336 = arith.mulf %mul3A_1334, %mul3A_1335 : vector<64x32x64xf32>
        %slice3A_1337 = vector.extract_strided_slice %convert_element_type3A_1329 {offsets = [0, 32], sizes = [64, 32], strides = [1, 1]} : vector<64x64xf32> to vector<64x32xf32>
        %broadcast_in_dim3A_1338 = vector.shape_cast %slice3A_1337 : vector<64x32xf32> to vector<64x32x1xf32>
        %mul3A_1339 = vector.broadcast %broadcast_in_dim3A_1338 : vector<64x32x1xf32> to vector<64x32x64xf32>
        %mul3A_1340 = vector.broadcast %broadcast_in_dim3A_1331 : vector<1x1x64xf32> to vector<64x32x64xf32>
        %mul3A_1341 = arith.mulf %mul3A_1339, %mul3A_1340 : vector<64x32x64xf32>
        %concatenate3A_1342 = tpu.concatenate %mul3A_1336, %mul3A_1341 in 2 : vector<64x32x64xf32>, vector<64x32x64xf32> -> vector<64x32x128xf32>
        %reshape3A_1343 = vector.shape_cast %mul3A_1318 : vector<2048x128xf32> to vector<64x32x128xf32>
        %mul3A_1344 = arith.mulf %reshape3A_1343, %concatenate3A_1342 : vector<64x32x128xf32>
        %reduce_sum3A_1345 = arith.constant dense<0.000000e+00> : vector<64x128xf32>
        %reduce_sum3A_1346 = vector.multi_reduction <add>, %mul3A_1344, %reduce_sum3A_1345 [1] : vector<64x32x128xf32> to vector<64x128xf32>
        %slice3A_1347 = vector.extract_strided_slice %reduce_sum3A_1346 {offsets = [0, 0], sizes = [64, 64], strides = [1, 1]} : vector<64x128xf32> to vector<64x64xf32>
        %slice3A_1348 = vector.extract_strided_slice %reduce_sum3A_1346 {offsets = [0, 64], sizes = [64, 64], strides = [1, 1]} : vector<64x128xf32> to vector<64x64xf32>
        %add3A_1349 = arith.addf %slice3A_1347, %slice3A_1348 : vector<64x64xf32>
        %add3A_1350 = arith.addf %while3A_1260, %add3A_1349 : vector<64x64xf32>
        scf.yield %add3A_1350 : vector<64x64xf32>
      }
      %while3A_1254 = arith.constant 1 : i32
      %while3A_1255 = scf.for %while3A_1259 = %while3A_1251 to %while3A_1247 step %while3A_1254 iter_args(%while3A_1260 = %while3A_1253) -> (vector<64x64xf32>)  : i32 {
        %mul3A_1261 = arith.constant 64 : i32
        %mul3A_1262 = arith.muli %while3A_1259, %mul3A_1261 : i32
        %get3A_1263 = arith.index_cast %mul3A_1262 : i32 to index
        %get3A_1264 = arith.constant 0 : index
        %get3A_1265 = vector.load %arg125[%get3A_1263, %get3A_1264] : memref<2048x3xf32, #tpu.memory_space<vmem>>, vector<64x3xf32>
        %get3A_1266 = arith.index_cast %mul3A_1262 : i32 to index
        %get3A_1267 = arith.constant 0 : index
        %get3A_1268 = vector.load %arg129[%get3A_1266, %get3A_1267] : memref<4096x64xf32, #tpu.memory_space<vmem>>, vector<64x64xf32>
        %slice3A_1269 = vector.extract_strided_slice %get3A_1268 {offsets = [0, 0], sizes = [32, 64], strides = [1, 1]} : vector<64x64xf32> to vector<32x64xf32>
        %slice3A_1270 = vector.extract_strided_slice %get3A_1268 {offsets = [32, 0], sizes = [32, 64], strides = [1, 1]} : vector<64x64xf32> to vector<32x64xf32>
        %concatenate3A_1271 = tpu.concatenate %slice3A_1269, %slice3A_1270 in 1 : vector<32x64xf32>, vector<32x64xf32> -> vector<32x128xf32>
        %broadcast_in_dim3A_1272 = vector.shape_cast %get3A_1228 : vector<64x3xf32> to vector<64x1x3xf32>
        %broadcast_in_dim3A_1273 = vector.shape_cast %get3A_1265 : vector<64x3xf32> to vector<1x64x3xf32>
        %sub3A_1274 = vector.broadcast %broadcast_in_dim3A_1272 : vector<64x1x3xf32> to vector<64x64x3xf32>
        %sub3A_1275 = vector.broadcast %broadcast_in_dim3A_1273 : vector<1x64x3xf32> to vector<64x64x3xf32>
        %sub3A_1276 = arith.subf %sub3A_1274, %sub3A_1275 : vector<64x64x3xf32>
        %mul3A_1277 = arith.mulf %sub3A_1276, %sub3A_1276 : vector<64x64x3xf32>
        %reduce_sum3A_1278 = arith.constant dense<0.000000e+00> : vector<64x64xf32>
        %reduce_sum3A_1279 = vector.multi_reduction <add>, %mul3A_1277, %reduce_sum3A_1278 [2] : vector<64x64x3xf32> to vector<64x64xf32>
        %slice3A_1280 = vector.extract_strided_slice %reduce_sum3A_1279 {offsets = [0, 0], sizes = [64, 32], strides = [1, 1]} : vector<64x64xf32> to vector<64x32xf32>
        %broadcast_in_dim3A_1281 = vector.shape_cast %slice3A_1280 : vector<64x32xf32> to vector<64x32x1xf32>
        %broadcast_in_dim3A_1282 = vector.shape_cast %slice3A_370 : vector<1x64xf32> to vector<1x1x64xf32>
        %mul3A_1283 = vector.broadcast %broadcast_in_dim3A_1281 : vector<64x32x1xf32> to vector<64x32x64xf32>
        %mul3A_1284 = vector.broadcast %broadcast_in_dim3A_1282 : vector<1x1x64xf32> to vector<64x32x64xf32>
        %mul3A_1285 = arith.mulf %mul3A_1283, %mul3A_1284 : vector<64x32x64xf32>
        %slice3A_1286 = vector.extract_strided_slice %reduce_sum3A_1279 {offsets = [0, 32], sizes = [64, 32], strides = [1, 1]} : vector<64x64xf32> to vector<64x32xf32>
        %broadcast_in_dim3A_1287 = vector.shape_cast %slice3A_1286 : vector<64x32xf32> to vector<64x32x1xf32>
        %broadcast_in_dim3A_1288 = vector.shape_cast %slice3A_370 : vector<1x64xf32> to vector<1x1x64xf32>
        %mul3A_1289 = vector.broadcast %broadcast_in_dim3A_1287 : vector<64x32x1xf32> to vector<64x32x64xf32>
        %mul3A_1290 = vector.broadcast %broadcast_in_dim3A_1288 : vector<1x1x64xf32> to vector<64x32x64xf32>
        %mul3A_1291 = arith.mulf %mul3A_1289, %mul3A_1290 : vector<64x32x64xf32>
        %concatenate3A_1292 = tpu.concatenate %mul3A_1285, %mul3A_1291 in 2 : vector<64x32x64xf32>, vector<64x32x64xf32> -> vector<64x32x128xf32>
        %broadcast_in_dim3A_1293 = vector.shape_cast %concatenate3A_1238 : vector<64x128xf32> to vector<64x1x128xf32>
        %broadcast_in_dim3A_1294 = vector.shape_cast %concatenate3A_1271 : vector<32x128xf32> to vector<1x32x128xf32>
        %add3A_1295 = vector.broadcast %broadcast_in_dim3A_1293 : vector<64x1x128xf32> to vector<64x32x128xf32>
        %add3A_1296 = vector.broadcast %broadcast_in_dim3A_1294 : vector<1x32x128xf32> to vector<64x32x128xf32>
        %add3A_1297 = arith.addf %add3A_1295, %add3A_1296 : vector<64x32x128xf32>
        %add3A_1298 = arith.addf %add3A_1297, %concatenate3A_1292 : vector<64x32x128xf32>
        %logistic3A_1299 = arith.negf %add3A_1298 : vector<64x32x128xf32>
        %logistic3A_1300 = math.exp %logistic3A_1299 : vector<64x32x128xf32>
        %logistic3A_1301 = arith.constant 1.000000e+00 : f32
        %logistic3A_1302 = vector.broadcast %logistic3A_1301 : f32 to vector<64x32x128xf32>
        %logistic3A_1303 = arith.addf %logistic3A_1302, %logistic3A_1300 : vector<64x32x128xf32>
        %logistic3A_1304 = arith.divf %logistic3A_1302, %logistic3A_1303 : vector<64x32x128xf32>
        %mul3A_1305 = arith.mulf %add3A_1298, %logistic3A_1304 : vector<64x32x128xf32>
        %reshape3A_1306 = vector.shape_cast %mul3A_1305 : vector<64x32x128xf32> to vector<2048x128xf32>
        %dot_general3A_1307 = arith.constant dense<0.000000e+00> : vector<2048x128xf32>
        %dot_general3A_1308 = tpu.matmul %reshape3A_1306, %concatenate3A_379, %dot_general3A_1307 {dimension_numbers = #tpu.dot_dimension_numbers<[1], [0], [0], [1], [0, 0, 1, 1], [], []>, precision = #tpu.contract_precision<fp32>, transpose_lhs_hint = false} : vector<2048x128xf32>, vector<128x128xf32>, vector<2048x128xf32> -> vector<2048x128xf32>
        %broadcast_in_dim3A_1309 = vector.shape_cast %concatenate3A_380 : vector<128xf32> to vector<1x128xf32>
        %add3A_1310 = vector.broadcast %broadcast_in_dim3A_1309 : vector<1x128xf32> to vector<2048x128xf32>
        %add3A_1311 = arith.addf %dot_general3A_1308, %add3A_1310 : vector<2048x128xf32>
        %logistic3A_1312 = arith.negf %add3A_1311 : vector<2048x128xf32>
        %logistic3A_1313 = math.exp %logistic3A_1312 : vector<2048x128xf32>
        %logistic3A_1314 = arith.constant 1.000000e+00 : f32
        %logistic3A_1315 = vector.broadcast %logistic3A_1314 : f32 to vector<2048x128xf32>
        %logistic3A_1316 = arith.addf %logistic3A_1315, %logistic3A_1313 : vector<2048x128xf32>
        %logistic3A_1317 = arith.divf %logistic3A_1315, %logistic3A_1316 : vector<2048x128xf32>
        %mul3A_1318 = arith.mulf %add3A_1311, %logistic3A_1317 : vector<2048x128xf32>
        %iota3A_1319 = tpu.iota {dimensions = array<i32: 1>} : vector<1x64xi32>
        %add3A_1320 = vector.broadcast %mul3A_1262 : i32 to vector<1x64xi32>
        %add3A_1321 = arith.addi %add3A_1320, %iota3A_1319 : vector<1x64xi32>
        %ge3A = vector.broadcast %add3A_1321 : vector<1x64xi32> to vector<64x64xi32>
        %ge3A_1322 = vector.broadcast %get3A_1231 : vector<64x1xi32> to vector<64x64xi32>
        %ge3A_1323 = arith.cmpi sge, %ge3A, %ge3A_1322 : vector<64x64xi32>
        %lt3A = vector.broadcast %add3A_1321 : vector<1x64xi32> to vector<64x64xi32>
        %lt3A_1324 = vector.broadcast %get3A_1234 : vector<64x1xi32> to vector<64x64xi32>
        %lt3A_1325 = arith.cmpi slt, %lt3A, %lt3A_1324 : vector<64x64xi32>
        %and3A = arith.andi %ge3A_1323, %lt3A_1325 : vector<64x64xi1>
        %ne3A = vector.broadcast %add3A_1240 : vector<64x1xi32> to vector<64x64xi32>
        %ne3A_1326 = vector.broadcast %add3A_1321 : vector<1x64xi32> to vector<64x64xi32>
        %ne3A_1327 = arith.cmpi ne, %ne3A, %ne3A_1326 : vector<64x64xi32>
        %and3A_1328 = arith.andi %and3A, %ne3A_1327 : vector<64x64xi1>
        %convert_element_type3A = arith.extui %and3A_1328 : vector<64x64xi1> to vector<64x64xi32>
        %convert_element_type3A_1329 = arith.sitofp %convert_element_type3A : vector<64x64xi32> to vector<64x64xf32>
        %broadcast_in_dim3A_1330 = arith.constant 1.000000e+00 : f32
        %broadcast_in_dim3A_1331 = vector.broadcast %broadcast_in_dim3A_1330 : f32 to vector<1x1x64xf32>
        %slice3A_1332 = vector.extract_strided_slice %convert_element_type3A_1329 {offsets = [0, 0], sizes = [64, 32], strides = [1, 1]} : vector<64x64xf32> to vector<64x32xf32>
        %broadcast_in_dim3A_1333 = vector.shape_cast %slice3A_1332 : vector<64x32xf32> to vector<64x32x1xf32>
        %mul3A_1334 = vector.broadcast %broadcast_in_dim3A_1333 : vector<64x32x1xf32> to vector<64x32x64xf32>
        %mul3A_1335 = vector.broadcast %broadcast_in_dim3A_1331 : vector<1x1x64xf32> to vector<64x32x64xf32>
        %mul3A_1336 = arith.mulf %mul3A_1334, %mul3A_1335 : vector<64x32x64xf32>
        %slice3A_1337 = vector.extract_strided_slice %convert_element_type3A_1329 {offsets = [0, 32], sizes = [64, 32], strides = [1, 1]} : vector<64x64xf32> to vector<64x32xf32>
        %broadcast_in_dim3A_1338 = vector.shape_cast %slice3A_1337 : vector<64x32xf32> to vector<64x32x1xf32>
        %mul3A_1339 = vector.broadcast %broadcast_in_dim3A_1338 : vector<64x32x1xf32> to vector<64x32x64xf32>
        %mul3A_1340 = vector.broadcast %broadcast_in_dim3A_1331 : vector<1x1x64xf32> to vector<64x32x64xf32>
        %mul3A_1341 = arith.mulf %mul3A_1339, %mul3A_1340 : vector<64x32x64xf32>
        %concatenate3A_1342 = tpu.concatenate %mul3A_1336, %mul3A_1341 in 2 : vector<64x32x64xf32>, vector<64x32x64xf32> -> vector<64x32x128xf32>
        %reshape3A_1343 = vector.shape_cast %mul3A_1318 : vector<2048x128xf32> to vector<64x32x128xf32>
        %mul3A_1344 = arith.mulf %reshape3A_1343, %concatenate3A_1342 : vector<64x32x128xf32>
        %reduce_sum3A_1345 = arith.constant dense<0.000000e+00> : vector<64x128xf32>
        %reduce_sum3A_1346 = vector.multi_reduction <add>, %mul3A_1344, %reduce_sum3A_1345 [1] : vector<64x32x128xf32> to vector<64x128xf32>
        %slice3A_1347 = vector.extract_strided_slice %reduce_sum3A_1346 {offsets = [0, 0], sizes = [64, 64], strides = [1, 1]} : vector<64x128xf32> to vector<64x64xf32>
        %slice3A_1348 = vector.extract_strided_slice %reduce_sum3A_1346 {offsets = [0, 64], sizes = [64, 64], strides = [1, 1]} : vector<64x128xf32> to vector<64x64xf32>
        %add3A_1349 = arith.addf %slice3A_1347, %slice3A_1348 : vector<64x64xf32>
        %add3A_1350 = arith.addf %while3A_1260, %add3A_1349 : vector<64x64xf32>
        scf.yield %add3A_1350 : vector<64x64xf32>
      }
      %swap3A_1256 = arith.index_cast %mul3A_1225 : i32 to index
      %swap3A_1257 = arith.constant 0 : index
      %swap3A_1258 = vector.load %arg126[%swap3A_1256, %swap3A_1257] : memref<2048x64xf32, #tpu.memory_space<vmem>>, vector<64x64xf32>
      tpu.vector_store %arg126[%swap3A_1256, %swap3A_1257], %while3A_1255 {strides = array<i32>} : memref<2048x64xf32, #tpu.memory_space<vmem>>, vector<64x64xf32>,
    }
    %scan3A_402 = arith.constant 32 : i32
    %get3A_403 = arith.constant 0 : index
    %get3A_404 = arith.constant 0 : index
    %get3A_405 = vector.load %arg123[%get3A_403, %get3A_404] : memref<2048x64xf32, #tpu.memory_space<vmem>>, vector<2048x64xf32>
    %get3A_406 = arith.constant 0 : index
    %get3A_407 = arith.constant 0 : index
    %get3A_408 = vector.load %arg126[%get3A_406, %get3A_407] : memref<2048x64xf32, #tpu.memory_space<vmem>>, vector<2048x64xf32>
    %div3A_409 = arith.constant 1.000000e+02 : f32
    %div3A_410 = vector.broadcast %div3A_409 : f32 to vector<2048x64xf32>
    %div3A_411 = arith.divf %get3A_408, %div3A_410 : vector<2048x64xf32>
    %slice3A_412 = vector.extract_strided_slice %get3A_180 {offsets = [0, 0], sizes = [64, 64], strides = [1, 1]} : vector<128x64xf32> to vector<64x64xf32>
    %dot_general3A_413 = arith.constant dense<0.000000e+00> : vector<2048x64xf32>
    %dot_general3A_414 = tpu.matmul %get3A_405, %slice3A_412, %dot_general3A_413 {dimension_numbers = #tpu.dot_dimension_numbers<[1], [0], [0], [1], [0, 0, 1, 1], [], []>, precision = #tpu.contract_precision<fp32>, transpose_lhs_hint = false} : vector<2048x64xf32>, vector<64x64xf32>, vector<2048x64xf32> -> vector<2048x64xf32>
    %slice3A_415 = vector.extract_strided_slice %get3A_180 {offsets = [64, 0], sizes = [64, 64], strides = [1, 1]} : vector<128x64xf32> to vector<64x64xf32>
    %dot_general3A_416 = arith.constant dense<0.000000e+00> : vector<2048x64xf32>
    %dot_general3A_417 = tpu.matmul %div3A_411, %slice3A_415, %dot_general3A_416 {dimension_numbers = #tpu.dot_dimension_numbers<[1], [0], [0], [1], [0, 0, 1, 1], [], []>, precision = #tpu.contract_precision<fp32>, transpose_lhs_hint = false} : vector<2048x64xf32>, vector<64x64xf32>, vector<2048x64xf32> -> vector<2048x64xf32>
    %add3A_418 = arith.addf %dot_general3A_414, %dot_general3A_417 : vector<2048x64xf32>
    %broadcast_in_dim3A_419 = vector.shape_cast %get3A_177 : vector<64xf32> to vector<1x64xf32>
    %add3A_420 = vector.broadcast %broadcast_in_dim3A_419 : vector<1x64xf32> to vector<2048x64xf32>
    %add3A_421 = arith.addf %add3A_418, %add3A_420 : vector<2048x64xf32>
    %logistic3A_422 = arith.negf %add3A_421 : vector<2048x64xf32>
    %logistic3A_423 = math.exp %logistic3A_422 : vector<2048x64xf32>
    %logistic3A_424 = arith.constant 1.000000e+00 : f32
    %logistic3A_425 = vector.broadcast %logistic3A_424 : f32 to vector<2048x64xf32>
    %logistic3A_426 = arith.addf %logistic3A_425, %logistic3A_423 : vector<2048x64xf32>
    %logistic3A_427 = arith.divf %logistic3A_425, %logistic3A_426 : vector<2048x64xf32>
    %mul3A_428 = arith.mulf %add3A_421, %logistic3A_427 : vector<2048x64xf32>
    %dot_general3A_429 = arith.constant dense<0.000000e+00> : vector<2048x64xf32>
    %dot_general3A_430 = tpu.matmul %mul3A_428, %get3A_185, %dot_general3A_429 {dimension_numbers = #tpu.dot_dimension_numbers<[1], [0], [0], [1], [0, 0, 1, 1], [], []>, precision = #tpu.contract_precision<fp32>, transpose_lhs_hint = false} : vector<2048x64xf32>, vector<64x64xf32>, vector<2048x64xf32> -> vector<2048x64xf32>
    %add3A_431 = arith.addf %get3A_405, %dot_general3A_430 : vector<2048x64xf32>
    %broadcast_in_dim3A_432 = vector.shape_cast %get3A_182 : vector<64xf32> to vector<1x64xf32>
    %add3A_433 = vector.broadcast %broadcast_in_dim3A_432 : vector<1x64xf32> to vector<2048x64xf32>
    %add3A_434 = arith.addf %add3A_431, %add3A_433 : vector<2048x64xf32>
    %swap3A_435 = arith.constant 0 : index
    %swap3A_436 = arith.constant 0 : index
    %swap3A_437 = vector.load %arg123[%swap3A_435, %swap3A_436] : memref<2048x64xf32, #tpu.memory_space<vmem>>, vector<2048x64xf32>
    tpu.vector_store %arg123[%swap3A_435, %swap3A_436], %add3A_434 {strides = array<i32>} : memref<2048x64xf32, #tpu.memory_space<vmem>>, vector<2048x64xf32>,
    %slice3A_438 = vector.extract_strided_slice %get3A_190 {offsets = [0, 0], sizes = [64, 64], strides = [1, 1]} : vector<145x64xf32> to vector<64x64xf32>
    %slice3A_439 = vector.extract_strided_slice %get3A_190 {offsets = [64, 0], sizes = [64, 64], strides = [1, 1]} : vector<145x64xf32> to vector<64x64xf32>
    %slice3A_440 = vector.extract_strided_slice %get3A_190 {offsets = [128, 0], sizes = [1, 64], strides = [1, 1]} : vector<145x64xf32> to vector<1x64xf32>
    %slice3A_441 = vector.extract_strided_slice %get3A_190 {offsets = [129, 0], sizes = [16, 64], strides = [1, 1]} : vector<145x64xf32> to vector<16x64xf32>
    %dot_general3A_442 = arith.constant dense<0.000000e+00> : vector<1x64xf32>
    %dot_general3A_443 = tpu.matmul %slice3A, %slice3A_441, %dot_general3A_442 {dimension_numbers = #tpu.dot_dimension_numbers<[1], [0], [0], [1], [0, 0, 1, 1], [], []>, precision = #tpu.contract_precision<fp32>, transpose_lhs_hint = false} : vector<1x16xf32>, vector<16x64xf32>, vector<1x64xf32> -> vector<1x64xf32>
    %reshape3A_444 = vector.shape_cast %get3A_187 : vector<64xf32> to vector<1x64xf32>
    %add3A_445 = arith.addf %dot_general3A_443, %reshape3A_444 : vector<1x64xf32>
    %broadcast_in_dim3A_446 = arith.constant 0.000000e+00 : f32
    %broadcast_in_dim3A_447 = vector.broadcast %broadcast_in_dim3A_446 : f32 to vector<64x64xf32>
    %concatenate3A_448 = tpu.concatenate %get3A_195, %broadcast_in_dim3A_447 in 1 : vector<64x64xf32>, vector<64x64xf32> -> vector<64x128xf32>
    %concatenate3A_449 = tpu.concatenate %broadcast_in_dim3A_447, %get3A_195 in 1 : vector<64x64xf32>, vector<64x64xf32> -> vector<64x128xf32>
    %concatenate3A_450 = tpu.concatenate %concatenate3A_448, %concatenate3A_449 in 0 : vector<64x128xf32>, vector<64x128xf32> -> vector<128x128xf32>
    %concatenate3A_451 = tpu.concatenate %get3A_192, %get3A_192 in 0 : vector<64xf32>, vector<64xf32> -> vector<128xf32>
    %get3A_452 = arith.constant 0 : index
    %get3A_453 = arith.constant 0 : index
    %get3A_454 = vector.load %arg123[%get3A_452, %get3A_453] : memref<2048x64xf32, #tpu.memory_space<vmem>>, vector<2048x64xf32>
    %dot_general3A_455 = arith.constant dense<0.000000e+00> : vector<2048x64xf32>
    %dot_general3A_456 = tpu.matmul %get3A_454, %slice3A_438, %dot_general3A_455 {dimension_numbers = #tpu.dot_dimension_numbers<[1], [0], [0], [1], [0, 0, 1, 1], [], []>, precision = #tpu.contract_precision<fp32>, transpose_lhs_hint = false} : vector<2048x64xf32>, vector<64x64xf32>, vector<2048x64xf32> -> vector<2048x64xf32>
    %add3A_457 = vector.broadcast %add3A_445 : vector<1x64xf32> to vector<2048x64xf32>
    %add3A_458 = arith.addf %dot_general3A_456, %add3A_457 : vector<2048x64xf32>
    %swap3A_459 = arith.constant 0 : index
    %swap3A_460 = arith.constant 0 : index
    %swap3A_461 = vector.load %arg128[%swap3A_459, %swap3A_460] : memref<2048x64xf32, #tpu.memory_space<vmem>>, vector<2048x64xf32>
    tpu.vector_store %arg128[%swap3A_459, %swap3A_460], %add3A_458 {strides = array<i32>} : memref<2048x64xf32, #tpu.memory_space<vmem>>, vector<2048x64xf32>,
    %get3A_462 = arith.constant 0 : index
    %get3A_463 = arith.constant 0 : index
    %get3A_464 = vector.load %arg123[%get3A_462, %get3A_463] : memref<2048x64xf32, #tpu.memory_space<vmem>>, vector<2048x64xf32>
    %dot_general3A_465 = arith.constant dense<0.000000e+00> : vector<2048x64xf32>
    %dot_general3A_466 = tpu.matmul %get3A_464, %slice3A_439, %dot_general3A_465 {dimension_numbers = #tpu.dot_dimension_numbers<[1], [0], [0], [1], [0, 0, 1, 1], [], []>, precision = #tpu.contract_precision<fp32>, transpose_lhs_hint = false} : vector<2048x64xf32>, vector<64x64xf32>, vector<2048x64xf32> -> vector<2048x64xf32>
    %swap3A_467 = arith.constant 0 : index
    %swap3A_468 = arith.constant 0 : index
    %swap3A_469 = vector.load %arg129[%swap3A_467, %swap3A_468] : memref<4096x64xf32, #tpu.memory_space<vmem>>, vector<2048x64xf32>
    tpu.vector_store %arg129[%swap3A_467, %swap3A_468], %dot_general3A_466 {strides = array<i32>} : memref<4096x64xf32, #tpu.memory_space<vmem>>, vector<2048x64xf32>,
    %scan3A_470 = arith.constant 0 : i32
    %scan3A_471 = arith.constant 32 : i32
    %scan3A_472 = arith.addi %scan3A_470, %scan3A_471 : i32
    %scan3A_473 = arith.constant 1 : i32
    scf.for %scan3A_1223 = %scan3A_470 to %scan3A_472 step %scan3A_473  : i32 {
      %mul3A_1224 = arith.constant 64 : i32
      %mul3A_1225 = arith.muli %scan3A_1223, %mul3A_1224 : i32
      %get3A_1226 = arith.index_cast %mul3A_1225 : i32 to index
      %get3A_1227 = arith.constant 0 : index
      %get3A_1228 = vector.load %arg125[%get3A_1226, %get3A_1227] : memref<2048x3xf32, #tpu.memory_space<vmem>>, vector<64x3xf32>
      %get3A_1229 = arith.index_cast %mul3A_1225 : i32 to index
      %get3A_1230 = arith.constant 0 : index
      %get3A_1231 = vector.load %arg6[%get3A_1229, %get3A_1230] : memref<2048x1xi32, #tpu.memory_space<vmem>>, vector<64x1xi32>
      %get3A_1232 = arith.index_cast %mul3A_1225 : i32 to index
      %get3A_1233 = arith.constant 0 : index
      %get3A_1234 = vector.load %arg7[%get3A_1232, %get3A_1233] : memref<2048x1xi32, #tpu.memory_space<vmem>>, vector<64x1xi32>
      %get3A_1235 = arith.index_cast %mul3A_1225 : i32 to index
      %get3A_1236 = arith.constant 0 : index
      %get3A_1237 = vector.load %arg128[%get3A_1235, %get3A_1236] : memref<2048x64xf32, #tpu.memory_space<vmem>>, vector<64x64xf32>
      %concatenate3A_1238 = tpu.concatenate %get3A_1237, %get3A_1237 in 1 : vector<64x64xf32>, vector<64x64xf32> -> vector<64x128xf32>
      %iota3A = tpu.iota {dimensions = array<i32: 0>} : vector<64x1xi32>
      %add3A_1239 = vector.broadcast %mul3A_1225 : i32 to vector<64x1xi32>
      %add3A_1240 = arith.addi %add3A_1239, %iota3A : vector<64x1xi32>
      %get3A_1241 = arith.index_cast %scan3A_1223 : i32 to index
      %get3A_1242 = memref.load %arg10[%get3A_1241] : memref<32xi32, #tpu.memory_space<smem>>
      %get3A_1243 = arith.index_cast %scan3A_1223 : i32 to index
      %get3A_1244 = memref.load %arg11[%get3A_1243] : memref<32xi32, #tpu.memory_space<smem>>
      %broadcast_in_dim3A_1245 = arith.constant 0.000000e+00 : f32
      %broadcast_in_dim3A_1246 = vector.broadcast %broadcast_in_dim3A_1245 : f32 to vector<64x64xf32>
      %while3A = arith.subi %get3A_1244, %get3A_1242 : i32
      %while3A_1247 = arith.addi %get3A_1242, %while3A : i32
      %while3A_1248 = arith.constant 1 : i32
      %while3A_1249 = arith.divsi %while3A, %while3A_1248 : i32
      %while3A_1250 = arith.muli %while3A_1249, %while3A_1248 : i32
      %while3A_1251 = arith.addi %get3A_1242, %while3A_1250 : i32
      %while3A_1252 = arith.constant 1 : i32
      %while3A_1253 = scf.for %while3A_1259 = %get3A_1242 to %while3A_1251 step %while3A_1252 iter_args(%while3A_1260 = %broadcast_in_dim3A_1246) -> (vector<64x64xf32>)  : i32 {
        %mul3A_1261 = arith.constant 64 : i32
        %mul3A_1262 = arith.muli %while3A_1259, %mul3A_1261 : i32
        %get3A_1263 = arith.index_cast %mul3A_1262 : i32 to index
        %get3A_1264 = arith.constant 0 : index
        %get3A_1265 = vector.load %arg125[%get3A_1263, %get3A_1264] : memref<2048x3xf32, #tpu.memory_space<vmem>>, vector<64x3xf32>
        %get3A_1266 = arith.index_cast %mul3A_1262 : i32 to index
        %get3A_1267 = arith.constant 0 : index
        %get3A_1268 = vector.load %arg129[%get3A_1266, %get3A_1267] : memref<4096x64xf32, #tpu.memory_space<vmem>>, vector<64x64xf32>
        %slice3A_1269 = vector.extract_strided_slice %get3A_1268 {offsets = [0, 0], sizes = [32, 64], strides = [1, 1]} : vector<64x64xf32> to vector<32x64xf32>
        %slice3A_1270 = vector.extract_strided_slice %get3A_1268 {offsets = [32, 0], sizes = [32, 64], strides = [1, 1]} : vector<64x64xf32> to vector<32x64xf32>
        %concatenate3A_1271 = tpu.concatenate %slice3A_1269, %slice3A_1270 in 1 : vector<32x64xf32>, vector<32x64xf32> -> vector<32x128xf32>
        %broadcast_in_dim3A_1272 = vector.shape_cast %get3A_1228 : vector<64x3xf32> to vector<64x1x3xf32>
        %broadcast_in_dim3A_1273 = vector.shape_cast %get3A_1265 : vector<64x3xf32> to vector<1x64x3xf32>
        %sub3A_1274 = vector.broadcast %broadcast_in_dim3A_1272 : vector<64x1x3xf32> to vector<64x64x3xf32>
        %sub3A_1275 = vector.broadcast %broadcast_in_dim3A_1273 : vector<1x64x3xf32> to vector<64x64x3xf32>
        %sub3A_1276 = arith.subf %sub3A_1274, %sub3A_1275 : vector<64x64x3xf32>
        %mul3A_1277 = arith.mulf %sub3A_1276, %sub3A_1276 : vector<64x64x3xf32>
        %reduce_sum3A_1278 = arith.constant dense<0.000000e+00> : vector<64x64xf32>
        %reduce_sum3A_1279 = vector.multi_reduction <add>, %mul3A_1277, %reduce_sum3A_1278 [2] : vector<64x64x3xf32> to vector<64x64xf32>
        %slice3A_1280 = vector.extract_strided_slice %reduce_sum3A_1279 {offsets = [0, 0], sizes = [64, 32], strides = [1, 1]} : vector<64x64xf32> to vector<64x32xf32>
        %broadcast_in_dim3A_1281 = vector.shape_cast %slice3A_1280 : vector<64x32xf32> to vector<64x32x1xf32>
        %broadcast_in_dim3A_1282 = vector.shape_cast %slice3A_440 : vector<1x64xf32> to vector<1x1x64xf32>
        %mul3A_1283 = vector.broadcast %broadcast_in_dim3A_1281 : vector<64x32x1xf32> to vector<64x32x64xf32>
        %mul3A_1284 = vector.broadcast %broadcast_in_dim3A_1282 : vector<1x1x64xf32> to vector<64x32x64xf32>
        %mul3A_1285 = arith.mulf %mul3A_1283, %mul3A_1284 : vector<64x32x64xf32>
        %slice3A_1286 = vector.extract_strided_slice %reduce_sum3A_1279 {offsets = [0, 32], sizes = [64, 32], strides = [1, 1]} : vector<64x64xf32> to vector<64x32xf32>
        %broadcast_in_dim3A_1287 = vector.shape_cast %slice3A_1286 : vector<64x32xf32> to vector<64x32x1xf32>
        %broadcast_in_dim3A_1288 = vector.shape_cast %slice3A_440 : vector<1x64xf32> to vector<1x1x64xf32>
        %mul3A_1289 = vector.broadcast %broadcast_in_dim3A_1287 : vector<64x32x1xf32> to vector<64x32x64xf32>
        %mul3A_1290 = vector.broadcast %broadcast_in_dim3A_1288 : vector<1x1x64xf32> to vector<64x32x64xf32>
        %mul3A_1291 = arith.mulf %mul3A_1289, %mul3A_1290 : vector<64x32x64xf32>
        %concatenate3A_1292 = tpu.concatenate %mul3A_1285, %mul3A_1291 in 2 : vector<64x32x64xf32>, vector<64x32x64xf32> -> vector<64x32x128xf32>
        %broadcast_in_dim3A_1293 = vector.shape_cast %concatenate3A_1238 : vector<64x128xf32> to vector<64x1x128xf32>
        %broadcast_in_dim3A_1294 = vector.shape_cast %concatenate3A_1271 : vector<32x128xf32> to vector<1x32x128xf32>
        %add3A_1295 = vector.broadcast %broadcast_in_dim3A_1293 : vector<64x1x128xf32> to vector<64x32x128xf32>
        %add3A_1296 = vector.broadcast %broadcast_in_dim3A_1294 : vector<1x32x128xf32> to vector<64x32x128xf32>
        %add3A_1297 = arith.addf %add3A_1295, %add3A_1296 : vector<64x32x128xf32>
        %add3A_1298 = arith.addf %add3A_1297, %concatenate3A_1292 : vector<64x32x128xf32>
        %logistic3A_1299 = arith.negf %add3A_1298 : vector<64x32x128xf32>
        %logistic3A_1300 = math.exp %logistic3A_1299 : vector<64x32x128xf32>
        %logistic3A_1301 = arith.constant 1.000000e+00 : f32
        %logistic3A_1302 = vector.broadcast %logistic3A_1301 : f32 to vector<64x32x128xf32>
        %logistic3A_1303 = arith.addf %logistic3A_1302, %logistic3A_1300 : vector<64x32x128xf32>
        %logistic3A_1304 = arith.divf %logistic3A_1302, %logistic3A_1303 : vector<64x32x128xf32>
        %mul3A_1305 = arith.mulf %add3A_1298, %logistic3A_1304 : vector<64x32x128xf32>
        %reshape3A_1306 = vector.shape_cast %mul3A_1305 : vector<64x32x128xf32> to vector<2048x128xf32>
        %dot_general3A_1307 = arith.constant dense<0.000000e+00> : vector<2048x128xf32>
        %dot_general3A_1308 = tpu.matmul %reshape3A_1306, %concatenate3A_450, %dot_general3A_1307 {dimension_numbers = #tpu.dot_dimension_numbers<[1], [0], [0], [1], [0, 0, 1, 1], [], []>, precision = #tpu.contract_precision<fp32>, transpose_lhs_hint = false} : vector<2048x128xf32>, vector<128x128xf32>, vector<2048x128xf32> -> vector<2048x128xf32>
        %broadcast_in_dim3A_1309 = vector.shape_cast %concatenate3A_451 : vector<128xf32> to vector<1x128xf32>
        %add3A_1310 = vector.broadcast %broadcast_in_dim3A_1309 : vector<1x128xf32> to vector<2048x128xf32>
        %add3A_1311 = arith.addf %dot_general3A_1308, %add3A_1310 : vector<2048x128xf32>
        %logistic3A_1312 = arith.negf %add3A_1311 : vector<2048x128xf32>
        %logistic3A_1313 = math.exp %logistic3A_1312 : vector<2048x128xf32>
        %logistic3A_1314 = arith.constant 1.000000e+00 : f32
        %logistic3A_1315 = vector.broadcast %logistic3A_1314 : f32 to vector<2048x128xf32>
        %logistic3A_1316 = arith.addf %logistic3A_1315, %logistic3A_1313 : vector<2048x128xf32>
        %logistic3A_1317 = arith.divf %logistic3A_1315, %logistic3A_1316 : vector<2048x128xf32>
        %mul3A_1318 = arith.mulf %add3A_1311, %logistic3A_1317 : vector<2048x128xf32>
        %iota3A_1319 = tpu.iota {dimensions = array<i32: 1>} : vector<1x64xi32>
        %add3A_1320 = vector.broadcast %mul3A_1262 : i32 to vector<1x64xi32>
        %add3A_1321 = arith.addi %add3A_1320, %iota3A_1319 : vector<1x64xi32>
        %ge3A = vector.broadcast %add3A_1321 : vector<1x64xi32> to vector<64x64xi32>
        %ge3A_1322 = vector.broadcast %get3A_1231 : vector<64x1xi32> to vector<64x64xi32>
        %ge3A_1323 = arith.cmpi sge, %ge3A, %ge3A_1322 : vector<64x64xi32>
        %lt3A = vector.broadcast %add3A_1321 : vector<1x64xi32> to vector<64x64xi32>
        %lt3A_1324 = vector.broadcast %get3A_1234 : vector<64x1xi32> to vector<64x64xi32>
        %lt3A_1325 = arith.cmpi slt, %lt3A, %lt3A_1324 : vector<64x64xi32>
        %and3A = arith.andi %ge3A_1323, %lt3A_1325 : vector<64x64xi1>
        %ne3A = vector.broadcast %add3A_1240 : vector<64x1xi32> to vector<64x64xi32>
        %ne3A_1326 = vector.broadcast %add3A_1321 : vector<1x64xi32> to vector<64x64xi32>
        %ne3A_1327 = arith.cmpi ne, %ne3A, %ne3A_1326 : vector<64x64xi32>
        %and3A_1328 = arith.andi %and3A, %ne3A_1327 : vector<64x64xi1>
        %convert_element_type3A = arith.extui %and3A_1328 : vector<64x64xi1> to vector<64x64xi32>
        %convert_element_type3A_1329 = arith.sitofp %convert_element_type3A : vector<64x64xi32> to vector<64x64xf32>
        %broadcast_in_dim3A_1330 = arith.constant 1.000000e+00 : f32
        %broadcast_in_dim3A_1331 = vector.broadcast %broadcast_in_dim3A_1330 : f32 to vector<1x1x64xf32>
        %slice3A_1332 = vector.extract_strided_slice %convert_element_type3A_1329 {offsets = [0, 0], sizes = [64, 32], strides = [1, 1]} : vector<64x64xf32> to vector<64x32xf32>
        %broadcast_in_dim3A_1333 = vector.shape_cast %slice3A_1332 : vector<64x32xf32> to vector<64x32x1xf32>
        %mul3A_1334 = vector.broadcast %broadcast_in_dim3A_1333 : vector<64x32x1xf32> to vector<64x32x64xf32>
        %mul3A_1335 = vector.broadcast %broadcast_in_dim3A_1331 : vector<1x1x64xf32> to vector<64x32x64xf32>
        %mul3A_1336 = arith.mulf %mul3A_1334, %mul3A_1335 : vector<64x32x64xf32>
        %slice3A_1337 = vector.extract_strided_slice %convert_element_type3A_1329 {offsets = [0, 32], sizes = [64, 32], strides = [1, 1]} : vector<64x64xf32> to vector<64x32xf32>
        %broadcast_in_dim3A_1338 = vector.shape_cast %slice3A_1337 : vector<64x32xf32> to vector<64x32x1xf32>
        %mul3A_1339 = vector.broadcast %broadcast_in_dim3A_1338 : vector<64x32x1xf32> to vector<64x32x64xf32>
        %mul3A_1340 = vector.broadcast %broadcast_in_dim3A_1331 : vector<1x1x64xf32> to vector<64x32x64xf32>
        %mul3A_1341 = arith.mulf %mul3A_1339, %mul3A_1340 : vector<64x32x64xf32>
        %concatenate3A_1342 = tpu.concatenate %mul3A_1336, %mul3A_1341 in 2 : vector<64x32x64xf32>, vector<64x32x64xf32> -> vector<64x32x128xf32>
        %reshape3A_1343 = vector.shape_cast %mul3A_1318 : vector<2048x128xf32> to vector<64x32x128xf32>
        %mul3A_1344 = arith.mulf %reshape3A_1343, %concatenate3A_1342 : vector<64x32x128xf32>
        %reduce_sum3A_1345 = arith.constant dense<0.000000e+00> : vector<64x128xf32>
        %reduce_sum3A_1346 = vector.multi_reduction <add>, %mul3A_1344, %reduce_sum3A_1345 [1] : vector<64x32x128xf32> to vector<64x128xf32>
        %slice3A_1347 = vector.extract_strided_slice %reduce_sum3A_1346 {offsets = [0, 0], sizes = [64, 64], strides = [1, 1]} : vector<64x128xf32> to vector<64x64xf32>
        %slice3A_1348 = vector.extract_strided_slice %reduce_sum3A_1346 {offsets = [0, 64], sizes = [64, 64], strides = [1, 1]} : vector<64x128xf32> to vector<64x64xf32>
        %add3A_1349 = arith.addf %slice3A_1347, %slice3A_1348 : vector<64x64xf32>
        %add3A_1350 = arith.addf %while3A_1260, %add3A_1349 : vector<64x64xf32>
        scf.yield %add3A_1350 : vector<64x64xf32>
      }
      %while3A_1254 = arith.constant 1 : i32
      %while3A_1255 = scf.for %while3A_1259 = %while3A_1251 to %while3A_1247 step %while3A_1254 iter_args(%while3A_1260 = %while3A_1253) -> (vector<64x64xf32>)  : i32 {
        %mul3A_1261 = arith.constant 64 : i32
        %mul3A_1262 = arith.muli %while3A_1259, %mul3A_1261 : i32
        %get3A_1263 = arith.index_cast %mul3A_1262 : i32 to index
        %get3A_1264 = arith.constant 0 : index
        %get3A_1265 = vector.load %arg125[%get3A_1263, %get3A_1264] : memref<2048x3xf32, #tpu.memory_space<vmem>>, vector<64x3xf32>
        %get3A_1266 = arith.index_cast %mul3A_1262 : i32 to index
        %get3A_1267 = arith.constant 0 : index
        %get3A_1268 = vector.load %arg129[%get3A_1266, %get3A_1267] : memref<4096x64xf32, #tpu.memory_space<vmem>>, vector<64x64xf32>
        %slice3A_1269 = vector.extract_strided_slice %get3A_1268 {offsets = [0, 0], sizes = [32, 64], strides = [1, 1]} : vector<64x64xf32> to vector<32x64xf32>
        %slice3A_1270 = vector.extract_strided_slice %get3A_1268 {offsets = [32, 0], sizes = [32, 64], strides = [1, 1]} : vector<64x64xf32> to vector<32x64xf32>
        %concatenate3A_1271 = tpu.concatenate %slice3A_1269, %slice3A_1270 in 1 : vector<32x64xf32>, vector<32x64xf32> -> vector<32x128xf32>
        %broadcast_in_dim3A_1272 = vector.shape_cast %get3A_1228 : vector<64x3xf32> to vector<64x1x3xf32>
        %broadcast_in_dim3A_1273 = vector.shape_cast %get3A_1265 : vector<64x3xf32> to vector<1x64x3xf32>
        %sub3A_1274 = vector.broadcast %broadcast_in_dim3A_1272 : vector<64x1x3xf32> to vector<64x64x3xf32>
        %sub3A_1275 = vector.broadcast %broadcast_in_dim3A_1273 : vector<1x64x3xf32> to vector<64x64x3xf32>
        %sub3A_1276 = arith.subf %sub3A_1274, %sub3A_1275 : vector<64x64x3xf32>
        %mul3A_1277 = arith.mulf %sub3A_1276, %sub3A_1276 : vector<64x64x3xf32>
        %reduce_sum3A_1278 = arith.constant dense<0.000000e+00> : vector<64x64xf32>
        %reduce_sum3A_1279 = vector.multi_reduction <add>, %mul3A_1277, %reduce_sum3A_1278 [2] : vector<64x64x3xf32> to vector<64x64xf32>
        %slice3A_1280 = vector.extract_strided_slice %reduce_sum3A_1279 {offsets = [0, 0], sizes = [64, 32], strides = [1, 1]} : vector<64x64xf32> to vector<64x32xf32>
        %broadcast_in_dim3A_1281 = vector.shape_cast %slice3A_1280 : vector<64x32xf32> to vector<64x32x1xf32>
        %broadcast_in_dim3A_1282 = vector.shape_cast %slice3A_440 : vector<1x64xf32> to vector<1x1x64xf32>
        %mul3A_1283 = vector.broadcast %broadcast_in_dim3A_1281 : vector<64x32x1xf32> to vector<64x32x64xf32>
        %mul3A_1284 = vector.broadcast %broadcast_in_dim3A_1282 : vector<1x1x64xf32> to vector<64x32x64xf32>
        %mul3A_1285 = arith.mulf %mul3A_1283, %mul3A_1284 : vector<64x32x64xf32>
        %slice3A_1286 = vector.extract_strided_slice %reduce_sum3A_1279 {offsets = [0, 32], sizes = [64, 32], strides = [1, 1]} : vector<64x64xf32> to vector<64x32xf32>
        %broadcast_in_dim3A_1287 = vector.shape_cast %slice3A_1286 : vector<64x32xf32> to vector<64x32x1xf32>
        %broadcast_in_dim3A_1288 = vector.shape_cast %slice3A_440 : vector<1x64xf32> to vector<1x1x64xf32>
        %mul3A_1289 = vector.broadcast %broadcast_in_dim3A_1287 : vector<64x32x1xf32> to vector<64x32x64xf32>
        %mul3A_1290 = vector.broadcast %broadcast_in_dim3A_1288 : vector<1x1x64xf32> to vector<64x32x64xf32>
        %mul3A_1291 = arith.mulf %mul3A_1289, %mul3A_1290 : vector<64x32x64xf32>
        %concatenate3A_1292 = tpu.concatenate %mul3A_1285, %mul3A_1291 in 2 : vector<64x32x64xf32>, vector<64x32x64xf32> -> vector<64x32x128xf32>
        %broadcast_in_dim3A_1293 = vector.shape_cast %concatenate3A_1238 : vector<64x128xf32> to vector<64x1x128xf32>
        %broadcast_in_dim3A_1294 = vector.shape_cast %concatenate3A_1271 : vector<32x128xf32> to vector<1x32x128xf32>
        %add3A_1295 = vector.broadcast %broadcast_in_dim3A_1293 : vector<64x1x128xf32> to vector<64x32x128xf32>
        %add3A_1296 = vector.broadcast %broadcast_in_dim3A_1294 : vector<1x32x128xf32> to vector<64x32x128xf32>
        %add3A_1297 = arith.addf %add3A_1295, %add3A_1296 : vector<64x32x128xf32>
        %add3A_1298 = arith.addf %add3A_1297, %concatenate3A_1292 : vector<64x32x128xf32>
        %logistic3A_1299 = arith.negf %add3A_1298 : vector<64x32x128xf32>
        %logistic3A_1300 = math.exp %logistic3A_1299 : vector<64x32x128xf32>
        %logistic3A_1301 = arith.constant 1.000000e+00 : f32
        %logistic3A_1302 = vector.broadcast %logistic3A_1301 : f32 to vector<64x32x128xf32>
        %logistic3A_1303 = arith.addf %logistic3A_1302, %logistic3A_1300 : vector<64x32x128xf32>
        %logistic3A_1304 = arith.divf %logistic3A_1302, %logistic3A_1303 : vector<64x32x128xf32>
        %mul3A_1305 = arith.mulf %add3A_1298, %logistic3A_1304 : vector<64x32x128xf32>
        %reshape3A_1306 = vector.shape_cast %mul3A_1305 : vector<64x32x128xf32> to vector<2048x128xf32>
        %dot_general3A_1307 = arith.constant dense<0.000000e+00> : vector<2048x128xf32>
        %dot_general3A_1308 = tpu.matmul %reshape3A_1306, %concatenate3A_450, %dot_general3A_1307 {dimension_numbers = #tpu.dot_dimension_numbers<[1], [0], [0], [1], [0, 0, 1, 1], [], []>, precision = #tpu.contract_precision<fp32>, transpose_lhs_hint = false} : vector<2048x128xf32>, vector<128x128xf32>, vector<2048x128xf32> -> vector<2048x128xf32>
        %broadcast_in_dim3A_1309 = vector.shape_cast %concatenate3A_451 : vector<128xf32> to vector<1x128xf32>
        %add3A_1310 = vector.broadcast %broadcast_in_dim3A_1309 : vector<1x128xf32> to vector<2048x128xf32>
        %add3A_1311 = arith.addf %dot_general3A_1308, %add3A_1310 : vector<2048x128xf32>
        %logistic3A_1312 = arith.negf %add3A_1311 : vector<2048x128xf32>
        %logistic3A_1313 = math.exp %logistic3A_1312 : vector<2048x128xf32>
        %logistic3A_1314 = arith.constant 1.000000e+00 : f32
        %logistic3A_1315 = vector.broadcast %logistic3A_1314 : f32 to vector<2048x128xf32>
        %logistic3A_1316 = arith.addf %logistic3A_1315, %logistic3A_1313 : vector<2048x128xf32>
        %logistic3A_1317 = arith.divf %logistic3A_1315, %logistic3A_1316 : vector<2048x128xf32>
        %mul3A_1318 = arith.mulf %add3A_1311, %logistic3A_1317 : vector<2048x128xf32>
        %iota3A_1319 = tpu.iota {dimensions = array<i32: 1>} : vector<1x64xi32>
        %add3A_1320 = vector.broadcast %mul3A_1262 : i32 to vector<1x64xi32>
        %add3A_1321 = arith.addi %add3A_1320, %iota3A_1319 : vector<1x64xi32>
        %ge3A = vector.broadcast %add3A_1321 : vector<1x64xi32> to vector<64x64xi32>
        %ge3A_1322 = vector.broadcast %get3A_1231 : vector<64x1xi32> to vector<64x64xi32>
        %ge3A_1323 = arith.cmpi sge, %ge3A, %ge3A_1322 : vector<64x64xi32>
        %lt3A = vector.broadcast %add3A_1321 : vector<1x64xi32> to vector<64x64xi32>
        %lt3A_1324 = vector.broadcast %get3A_1234 : vector<64x1xi32> to vector<64x64xi32>
        %lt3A_1325 = arith.cmpi slt, %lt3A, %lt3A_1324 : vector<64x64xi32>
        %and3A = arith.andi %ge3A_1323, %lt3A_1325 : vector<64x64xi1>
        %ne3A = vector.broadcast %add3A_1240 : vector<64x1xi32> to vector<64x64xi32>
        %ne3A_1326 = vector.broadcast %add3A_1321 : vector<1x64xi32> to vector<64x64xi32>
        %ne3A_1327 = arith.cmpi ne, %ne3A, %ne3A_1326 : vector<64x64xi32>
        %and3A_1328 = arith.andi %and3A, %ne3A_1327 : vector<64x64xi1>
        %convert_element_type3A = arith.extui %and3A_1328 : vector<64x64xi1> to vector<64x64xi32>
        %convert_element_type3A_1329 = arith.sitofp %convert_element_type3A : vector<64x64xi32> to vector<64x64xf32>
        %broadcast_in_dim3A_1330 = arith.constant 1.000000e+00 : f32
        %broadcast_in_dim3A_1331 = vector.broadcast %broadcast_in_dim3A_1330 : f32 to vector<1x1x64xf32>
        %slice3A_1332 = vector.extract_strided_slice %convert_element_type3A_1329 {offsets = [0, 0], sizes = [64, 32], strides = [1, 1]} : vector<64x64xf32> to vector<64x32xf32>
        %broadcast_in_dim3A_1333 = vector.shape_cast %slice3A_1332 : vector<64x32xf32> to vector<64x32x1xf32>
        %mul3A_1334 = vector.broadcast %broadcast_in_dim3A_1333 : vector<64x32x1xf32> to vector<64x32x64xf32>
        %mul3A_1335 = vector.broadcast %broadcast_in_dim3A_1331 : vector<1x1x64xf32> to vector<64x32x64xf32>
        %mul3A_1336 = arith.mulf %mul3A_1334, %mul3A_1335 : vector<64x32x64xf32>
        %slice3A_1337 = vector.extract_strided_slice %convert_element_type3A_1329 {offsets = [0, 32], sizes = [64, 32], strides = [1, 1]} : vector<64x64xf32> to vector<64x32xf32>
        %broadcast_in_dim3A_1338 = vector.shape_cast %slice3A_1337 : vector<64x32xf32> to vector<64x32x1xf32>
        %mul3A_1339 = vector.broadcast %broadcast_in_dim3A_1338 : vector<64x32x1xf32> to vector<64x32x64xf32>
        %mul3A_1340 = vector.broadcast %broadcast_in_dim3A_1331 : vector<1x1x64xf32> to vector<64x32x64xf32>
        %mul3A_1341 = arith.mulf %mul3A_1339, %mul3A_1340 : vector<64x32x64xf32>
        %concatenate3A_1342 = tpu.concatenate %mul3A_1336, %mul3A_1341 in 2 : vector<64x32x64xf32>, vector<64x32x64xf32> -> vector<64x32x128xf32>
        %reshape3A_1343 = vector.shape_cast %mul3A_1318 : vector<2048x128xf32> to vector<64x32x128xf32>
        %mul3A_1344 = arith.mulf %reshape3A_1343, %concatenate3A_1342 : vector<64x32x128xf32>
        %reduce_sum3A_1345 = arith.constant dense<0.000000e+00> : vector<64x128xf32>
        %reduce_sum3A_1346 = vector.multi_reduction <add>, %mul3A_1344, %reduce_sum3A_1345 [1] : vector<64x32x128xf32> to vector<64x128xf32>
        %slice3A_1347 = vector.extract_strided_slice %reduce_sum3A_1346 {offsets = [0, 0], sizes = [64, 64], strides = [1, 1]} : vector<64x128xf32> to vector<64x64xf32>
        %slice3A_1348 = vector.extract_strided_slice %reduce_sum3A_1346 {offsets = [0, 64], sizes = [64, 64], strides = [1, 1]} : vector<64x128xf32> to vector<64x64xf32>
        %add3A_1349 = arith.addf %slice3A_1347, %slice3A_1348 : vector<64x64xf32>
        %add3A_1350 = arith.addf %while3A_1260, %add3A_1349 : vector<64x64xf32>
        scf.yield %add3A_1350 : vector<64x64xf32>
      }
      %swap3A_1256 = arith.index_cast %mul3A_1225 : i32 to index
      %swap3A_1257 = arith.constant 0 : index
      %swap3A_1258 = vector.load %arg126[%swap3A_1256, %swap3A_1257] : memref<2048x64xf32, #tpu.memory_space<vmem>>, vector<64x64xf32>
      tpu.vector_store %arg126[%swap3A_1256, %swap3A_1257], %while3A_1255 {strides = array<i32>} : memref<2048x64xf32, #tpu.memory_space<vmem>>, vector<64x64xf32>,
    }
    %scan3A_474 = arith.constant 32 : i32
    %get3A_475 = arith.constant 0 : index
    %get3A_476 = arith.constant 0 : index
    %get3A_477 = vector.load %arg123[%get3A_475, %get3A_476] : memref<2048x64xf32, #tpu.memory_space<vmem>>, vector<2048x64xf32>
    %get3A_478 = arith.constant 0 : index
    %get3A_479 = arith.constant 0 : index
    %get3A_480 = vector.load %arg126[%get3A_478, %get3A_479] : memref<2048x64xf32, #tpu.memory_space<vmem>>, vector<2048x64xf32>
    %div3A_481 = arith.constant 1.000000e+02 : f32
    %div3A_482 = vector.broadcast %div3A_481 : f32 to vector<2048x64xf32>
    %div3A_483 = arith.divf %get3A_480, %div3A_482 : vector<2048x64xf32>
    %slice3A_484 = vector.extract_strided_slice %get3A_200 {offsets = [0, 0], sizes = [64, 64], strides = [1, 1]} : vector<128x64xf32> to vector<64x64xf32>
    %dot_general3A_485 = arith.constant dense<0.000000e+00> : vector<2048x64xf32>
    %dot_general3A_486 = tpu.matmul %get3A_477, %slice3A_484, %dot_general3A_485 {dimension_numbers = #tpu.dot_dimension_numbers<[1], [0], [0], [1], [0, 0, 1, 1], [], []>, precision = #tpu.contract_precision<fp32>, transpose_lhs_hint = false} : vector<2048x64xf32>, vector<64x64xf32>, vector<2048x64xf32> -> vector<2048x64xf32>
    %slice3A_487 = vector.extract_strided_slice %get3A_200 {offsets = [64, 0], sizes = [64, 64], strides = [1, 1]} : vector<128x64xf32> to vector<64x64xf32>
    %dot_general3A_488 = arith.constant dense<0.000000e+00> : vector<2048x64xf32>
    %dot_general3A_489 = tpu.matmul %div3A_483, %slice3A_487, %dot_general3A_488 {dimension_numbers = #tpu.dot_dimension_numbers<[1], [0], [0], [1], [0, 0, 1, 1], [], []>, precision = #tpu.contract_precision<fp32>, transpose_lhs_hint = false} : vector<2048x64xf32>, vector<64x64xf32>, vector<2048x64xf32> -> vector<2048x64xf32>
    %add3A_490 = arith.addf %dot_general3A_486, %dot_general3A_489 : vector<2048x64xf32>
    %broadcast_in_dim3A_491 = vector.shape_cast %get3A_197 : vector<64xf32> to vector<1x64xf32>
    %add3A_492 = vector.broadcast %broadcast_in_dim3A_491 : vector<1x64xf32> to vector<2048x64xf32>
    %add3A_493 = arith.addf %add3A_490, %add3A_492 : vector<2048x64xf32>
    %logistic3A_494 = arith.negf %add3A_493 : vector<2048x64xf32>
    %logistic3A_495 = math.exp %logistic3A_494 : vector<2048x64xf32>
    %logistic3A_496 = arith.constant 1.000000e+00 : f32
    %logistic3A_497 = vector.broadcast %logistic3A_496 : f32 to vector<2048x64xf32>
    %logistic3A_498 = arith.addf %logistic3A_497, %logistic3A_495 : vector<2048x64xf32>
    %logistic3A_499 = arith.divf %logistic3A_497, %logistic3A_498 : vector<2048x64xf32>
    %mul3A_500 = arith.mulf %add3A_493, %logistic3A_499 : vector<2048x64xf32>
    %dot_general3A_501 = arith.constant dense<0.000000e+00> : vector<2048x64xf32>
    %dot_general3A_502 = tpu.matmul %mul3A_500, %get3A_205, %dot_general3A_501 {dimension_numbers = #tpu.dot_dimension_numbers<[1], [0], [0], [1], [0, 0, 1, 1], [], []>, precision = #tpu.contract_precision<fp32>, transpose_lhs_hint = false} : vector<2048x64xf32>, vector<64x64xf32>, vector<2048x64xf32> -> vector<2048x64xf32>
    %add3A_503 = arith.addf %get3A_477, %dot_general3A_502 : vector<2048x64xf32>
    %broadcast_in_dim3A_504 = vector.shape_cast %get3A_202 : vector<64xf32> to vector<1x64xf32>
    %add3A_505 = vector.broadcast %broadcast_in_dim3A_504 : vector<1x64xf32> to vector<2048x64xf32>
    %add3A_506 = arith.addf %add3A_503, %add3A_505 : vector<2048x64xf32>
    %swap3A_507 = arith.constant 0 : index
    %swap3A_508 = arith.constant 0 : index
    %swap3A_509 = vector.load %arg123[%swap3A_507, %swap3A_508] : memref<2048x64xf32, #tpu.memory_space<vmem>>, vector<2048x64xf32>
    tpu.vector_store %arg123[%swap3A_507, %swap3A_508], %add3A_506 {strides = array<i32>} : memref<2048x64xf32, #tpu.memory_space<vmem>>, vector<2048x64xf32>,
    %slice3A_510 = vector.extract_strided_slice %get3A_157 {offsets = [0, 0], sizes = [64, 64], strides = [1, 1]} : vector<145x64xf32> to vector<64x64xf32>
    %slice3A_511 = vector.extract_strided_slice %get3A_157 {offsets = [64, 0], sizes = [64, 64], strides = [1, 1]} : vector<145x64xf32> to vector<64x64xf32>
    %slice3A_512 = vector.extract_strided_slice %get3A_157 {offsets = [128, 0], sizes = [1, 64], strides = [1, 1]} : vector<145x64xf32> to vector<1x64xf32>
    %slice3A_513 = vector.extract_strided_slice %get3A_157 {offsets = [129, 0], sizes = [16, 64], strides = [1, 1]} : vector<145x64xf32> to vector<16x64xf32>
    %dot_general3A_514 = arith.constant dense<0.000000e+00> : vector<1x64xf32>
    %dot_general3A_515 = tpu.matmul %slice3A, %slice3A_513, %dot_general3A_514 {dimension_numbers = #tpu.dot_dimension_numbers<[1], [0], [0], [1], [0, 0, 1, 1], [], []>, precision = #tpu.contract_precision<fp32>, transpose_lhs_hint = false} : vector<1x16xf32>, vector<16x64xf32>, vector<1x64xf32> -> vector<1x64xf32>
    %reshape3A_516 = vector.shape_cast %get3A_154 : vector<64xf32> to vector<1x64xf32>
    %add3A_517 = arith.addf %dot_general3A_515, %reshape3A_516 : vector<1x64xf32>
    %broadcast_in_dim3A_518 = arith.constant 0.000000e+00 : f32
    %broadcast_in_dim3A_519 = vector.broadcast %broadcast_in_dim3A_518 : f32 to vector<64x64xf32>
    %concatenate3A_520 = tpu.concatenate %get3A_162, %broadcast_in_dim3A_519 in 1 : vector<64x64xf32>, vector<64x64xf32> -> vector<64x128xf32>
    %concatenate3A_521 = tpu.concatenate %broadcast_in_dim3A_519, %get3A_162 in 1 : vector<64x64xf32>, vector<64x64xf32> -> vector<64x128xf32>
    %concatenate3A_522 = tpu.concatenate %concatenate3A_520, %concatenate3A_521 in 0 : vector<64x128xf32>, vector<64x128xf32> -> vector<128x128xf32>
    %concatenate3A_523 = tpu.concatenate %get3A_159, %get3A_159 in 0 : vector<64xf32>, vector<64xf32> -> vector<128xf32>
    %broadcast_in_dim3A_524 = arith.constant 0.000000e+00 : f32
    %broadcast_in_dim3A_525 = vector.broadcast %broadcast_in_dim3A_524 : f32 to vector<64x1xf32>
    %concatenate3A_526 = tpu.concatenate %get3A_165, %broadcast_in_dim3A_525 in 1 : vector<64x1xf32>, vector<64x1xf32> -> vector<64x2xf32>
    %concatenate3A_527 = tpu.concatenate %broadcast_in_dim3A_525, %get3A_165 in 1 : vector<64x1xf32>, vector<64x1xf32> -> vector<64x2xf32>
    %concatenate3A_528 = tpu.concatenate %concatenate3A_526, %concatenate3A_527 in 0 : vector<64x2xf32>, vector<64x2xf32> -> vector<128x2xf32>
    %get3A_529 = arith.constant 0 : index
    %get3A_530 = arith.constant 0 : index
    %get3A_531 = vector.load %arg123[%get3A_529, %get3A_530] : memref<2048x64xf32, #tpu.memory_space<vmem>>, vector<2048x64xf32>
    %dot_general3A_532 = arith.constant dense<0.000000e+00> : vector<2048x64xf32>
    %dot_general3A_533 = tpu.matmul %get3A_531, %slice3A_510, %dot_general3A_532 {dimension_numbers = #tpu.dot_dimension_numbers<[1], [0], [0], [1], [0, 0, 1, 1], [], []>, precision = #tpu.contract_precision<fp32>, transpose_lhs_hint = false} : vector<2048x64xf32>, vector<64x64xf32>, vector<2048x64xf32> -> vector<2048x64xf32>
    %add3A_534 = vector.broadcast %add3A_517 : vector<1x64xf32> to vector<2048x64xf32>
    %add3A_535 = arith.addf %dot_general3A_533, %add3A_534 : vector<2048x64xf32>
    %swap3A_536 = arith.constant 0 : index
    %swap3A_537 = arith.constant 0 : index
    %swap3A_538 = vector.load %arg128[%swap3A_536, %swap3A_537] : memref<2048x64xf32, #tpu.memory_space<vmem>>, vector<2048x64xf32>
    tpu.vector_store %arg128[%swap3A_536, %swap3A_537], %add3A_535 {strides = array<i32>} : memref<2048x64xf32, #tpu.memory_space<vmem>>, vector<2048x64xf32>,
    %get3A_539 = arith.constant 0 : index
    %get3A_540 = arith.constant 0 : index
    %get3A_541 = vector.load %arg123[%get3A_539, %get3A_540] : memref<2048x64xf32, #tpu.memory_space<vmem>>, vector<2048x64xf32>
    %dot_general3A_542 = arith.constant dense<0.000000e+00> : vector<2048x64xf32>
    %dot_general3A_543 = tpu.matmul %get3A_541, %slice3A_511, %dot_general3A_542 {dimension_numbers = #tpu.dot_dimension_numbers<[1], [0], [0], [1], [0, 0, 1, 1], [], []>, precision = #tpu.contract_precision<fp32>, transpose_lhs_hint = false} : vector<2048x64xf32>, vector<64x64xf32>, vector<2048x64xf32> -> vector<2048x64xf32>
    %swap3A_544 = arith.constant 0 : index
    %swap3A_545 = arith.constant 0 : index
    %swap3A_546 = vector.load %arg129[%swap3A_544, %swap3A_545] : memref<4096x64xf32, #tpu.memory_space<vmem>>, vector<2048x64xf32>
    tpu.vector_store %arg129[%swap3A_544, %swap3A_545], %dot_general3A_543 {strides = array<i32>} : memref<4096x64xf32, #tpu.memory_space<vmem>>, vector<2048x64xf32>,
    %scan3A_547 = arith.constant 0 : i32
    %scan3A_548 = arith.constant 32 : i32
    %scan3A_549 = arith.addi %scan3A_547, %scan3A_548 : i32
    %scan3A_550 = arith.constant 1 : i32
    scf.for %scan3A_1223 = %scan3A_547 to %scan3A_549 step %scan3A_550  : i32 {
      %mul3A_1224 = arith.constant 64 : i32
      %mul3A_1225 = arith.muli %scan3A_1223, %mul3A_1224 : i32
      %get3A_1226 = arith.index_cast %mul3A_1225 : i32 to index
      %get3A_1227 = arith.constant 0 : index
      %get3A_1228 = vector.load %arg125[%get3A_1226, %get3A_1227] : memref<2048x3xf32, #tpu.memory_space<vmem>>, vector<64x3xf32>
      %get3A_1229 = arith.index_cast %mul3A_1225 : i32 to index
      %get3A_1230 = arith.constant 0 : index
      %get3A_1231 = vector.load %arg6[%get3A_1229, %get3A_1230] : memref<2048x1xi32, #tpu.memory_space<vmem>>, vector<64x1xi32>
      %get3A_1232 = arith.index_cast %mul3A_1225 : i32 to index
      %get3A_1233 = arith.constant 0 : index
      %get3A_1234 = vector.load %arg7[%get3A_1232, %get3A_1233] : memref<2048x1xi32, #tpu.memory_space<vmem>>, vector<64x1xi32>
      %get3A_1235 = arith.index_cast %mul3A_1225 : i32 to index
      %get3A_1236 = arith.constant 0 : index
      %get3A_1237 = vector.load %arg128[%get3A_1235, %get3A_1236] : memref<2048x64xf32, #tpu.memory_space<vmem>>, vector<64x64xf32>
      %concatenate3A_1238 = tpu.concatenate %get3A_1237, %get3A_1237 in 1 : vector<64x64xf32>, vector<64x64xf32> -> vector<64x128xf32>
      %iota3A = tpu.iota {dimensions = array<i32: 0>} : vector<64x1xi32>
      %add3A_1239 = vector.broadcast %mul3A_1225 : i32 to vector<64x1xi32>
      %add3A_1240 = arith.addi %add3A_1239, %iota3A : vector<64x1xi32>
      %get3A_1241 = arith.index_cast %scan3A_1223 : i32 to index
      %get3A_1242 = memref.load %arg10[%get3A_1241] : memref<32xi32, #tpu.memory_space<smem>>
      %get3A_1243 = arith.index_cast %scan3A_1223 : i32 to index
      %get3A_1244 = memref.load %arg11[%get3A_1243] : memref<32xi32, #tpu.memory_space<smem>>
      %broadcast_in_dim3A_1245 = arith.constant 0.000000e+00 : f32
      %broadcast_in_dim3A_1246 = vector.broadcast %broadcast_in_dim3A_1245 : f32 to vector<64x3xf32>
      %while3A = arith.subi %get3A_1244, %get3A_1242 : i32
      %while3A_1247 = arith.addi %get3A_1242, %while3A : i32
      %while3A_1248 = arith.constant 1 : i32
      %while3A_1249 = arith.divsi %while3A, %while3A_1248 : i32
      %while3A_1250 = arith.muli %while3A_1249, %while3A_1248 : i32
      %while3A_1251 = arith.addi %get3A_1242, %while3A_1250 : i32
      %while3A_1252 = arith.constant 1 : i32
      %while3A_1253 = scf.for %while3A_1259 = %get3A_1242 to %while3A_1251 step %while3A_1252 iter_args(%while3A_1260 = %broadcast_in_dim3A_1246) -> (vector<64x3xf32>)  : i32 {
        %mul3A_1261 = arith.constant 64 : i32
        %mul3A_1262 = arith.muli %while3A_1259, %mul3A_1261 : i32
        %get3A_1263 = arith.index_cast %mul3A_1262 : i32 to index
        %get3A_1264 = arith.constant 0 : index
        %get3A_1265 = vector.load %arg125[%get3A_1263, %get3A_1264] : memref<2048x3xf32, #tpu.memory_space<vmem>>, vector<64x3xf32>
        %get3A_1266 = arith.index_cast %mul3A_1262 : i32 to index
        %get3A_1267 = arith.constant 0 : index
        %get3A_1268 = vector.load %arg129[%get3A_1266, %get3A_1267] : memref<4096x64xf32, #tpu.memory_space<vmem>>, vector<64x64xf32>
        %slice3A_1269 = vector.extract_strided_slice %get3A_1268 {offsets = [0, 0], sizes = [32, 64], strides = [1, 1]} : vector<64x64xf32> to vector<32x64xf32>
        %slice3A_1270 = vector.extract_strided_slice %get3A_1268 {offsets = [32, 0], sizes = [32, 64], strides = [1, 1]} : vector<64x64xf32> to vector<32x64xf32>
        %concatenate3A_1271 = tpu.concatenate %slice3A_1269, %slice3A_1270 in 1 : vector<32x64xf32>, vector<32x64xf32> -> vector<32x128xf32>
        %broadcast_in_dim3A_1272 = vector.shape_cast %get3A_1228 : vector<64x3xf32> to vector<64x1x3xf32>
        %broadcast_in_dim3A_1273 = vector.shape_cast %get3A_1265 : vector<64x3xf32> to vector<1x64x3xf32>
        %sub3A_1274 = vector.broadcast %broadcast_in_dim3A_1272 : vector<64x1x3xf32> to vector<64x64x3xf32>
        %sub3A_1275 = vector.broadcast %broadcast_in_dim3A_1273 : vector<1x64x3xf32> to vector<64x64x3xf32>
        %sub3A_1276 = arith.subf %sub3A_1274, %sub3A_1275 : vector<64x64x3xf32>
        %mul3A_1277 = arith.mulf %sub3A_1276, %sub3A_1276 : vector<64x64x3xf32>
        %reduce_sum3A_1278 = arith.constant dense<0.000000e+00> : vector<64x64xf32>
        %reduce_sum3A_1279 = vector.multi_reduction <add>, %mul3A_1277, %reduce_sum3A_1278 [2] : vector<64x64x3xf32> to vector<64x64xf32>
        %slice3A_1280 = vector.extract_strided_slice %reduce_sum3A_1279 {offsets = [0, 0], sizes = [64, 32], strides = [1, 1]} : vector<64x64xf32> to vector<64x32xf32>
        %broadcast_in_dim3A_1281 = vector.shape_cast %slice3A_1280 : vector<64x32xf32> to vector<64x32x1xf32>
        %broadcast_in_dim3A_1282 = vector.shape_cast %slice3A_512 : vector<1x64xf32> to vector<1x1x64xf32>
        %mul3A_1283 = vector.broadcast %broadcast_in_dim3A_1281 : vector<64x32x1xf32> to vector<64x32x64xf32>
        %mul3A_1284 = vector.broadcast %broadcast_in_dim3A_1282 : vector<1x1x64xf32> to vector<64x32x64xf32>
        %mul3A_1285 = arith.mulf %mul3A_1283, %mul3A_1284 : vector<64x32x64xf32>
        %slice3A_1286 = vector.extract_strided_slice %reduce_sum3A_1279 {offsets = [0, 32], sizes = [64, 32], strides = [1, 1]} : vector<64x64xf32> to vector<64x32xf32>
        %broadcast_in_dim3A_1287 = vector.shape_cast %slice3A_1286 : vector<64x32xf32> to vector<64x32x1xf32>
        %broadcast_in_dim3A_1288 = vector.shape_cast %slice3A_512 : vector<1x64xf32> to vector<1x1x64xf32>
        %mul3A_1289 = vector.broadcast %broadcast_in_dim3A_1287 : vector<64x32x1xf32> to vector<64x32x64xf32>
        %mul3A_1290 = vector.broadcast %broadcast_in_dim3A_1288 : vector<1x1x64xf32> to vector<64x32x64xf32>
        %mul3A_1291 = arith.mulf %mul3A_1289, %mul3A_1290 : vector<64x32x64xf32>
        %concatenate3A_1292 = tpu.concatenate %mul3A_1285, %mul3A_1291 in 2 : vector<64x32x64xf32>, vector<64x32x64xf32> -> vector<64x32x128xf32>
        %broadcast_in_dim3A_1293 = vector.shape_cast %concatenate3A_1238 : vector<64x128xf32> to vector<64x1x128xf32>
        %broadcast_in_dim3A_1294 = vector.shape_cast %concatenate3A_1271 : vector<32x128xf32> to vector<1x32x128xf32>
        %add3A_1295 = vector.broadcast %broadcast_in_dim3A_1293 : vector<64x1x128xf32> to vector<64x32x128xf32>
        %add3A_1296 = vector.broadcast %broadcast_in_dim3A_1294 : vector<1x32x128xf32> to vector<64x32x128xf32>
        %add3A_1297 = arith.addf %add3A_1295, %add3A_1296 : vector<64x32x128xf32>
        %add3A_1298 = arith.addf %add3A_1297, %concatenate3A_1292 : vector<64x32x128xf32>
        %logistic3A_1299 = arith.negf %add3A_1298 : vector<64x32x128xf32>
        %logistic3A_1300 = math.exp %logistic3A_1299 : vector<64x32x128xf32>
        %logistic3A_1301 = arith.constant 1.000000e+00 : f32
        %logistic3A_1302 = vector.broadcast %logistic3A_1301 : f32 to vector<64x32x128xf32>
        %logistic3A_1303 = arith.addf %logistic3A_1302, %logistic3A_1300 : vector<64x32x128xf32>
        %logistic3A_1304 = arith.divf %logistic3A_1302, %logistic3A_1303 : vector<64x32x128xf32>
        %mul3A_1305 = arith.mulf %add3A_1298, %logistic3A_1304 : vector<64x32x128xf32>
        %reshape3A_1306 = vector.shape_cast %mul3A_1305 : vector<64x32x128xf32> to vector<2048x128xf32>
        %dot_general3A_1307 = arith.constant dense<0.000000e+00> : vector<2048x128xf32>
        %dot_general3A_1308 = tpu.matmul %reshape3A_1306, %concatenate3A_522, %dot_general3A_1307 {dimension_numbers = #tpu.dot_dimension_numbers<[1], [0], [0], [1], [0, 0, 1, 1], [], []>, precision = #tpu.contract_precision<fp32>, transpose_lhs_hint = false} : vector<2048x128xf32>, vector<128x128xf32>, vector<2048x128xf32> -> vector<2048x128xf32>
        %broadcast_in_dim3A_1309 = vector.shape_cast %concatenate3A_523 : vector<128xf32> to vector<1x128xf32>
        %add3A_1310 = vector.broadcast %broadcast_in_dim3A_1309 : vector<1x128xf32> to vector<2048x128xf32>
        %add3A_1311 = arith.addf %dot_general3A_1308, %add3A_1310 : vector<2048x128xf32>
        %logistic3A_1312 = arith.negf %add3A_1311 : vector<2048x128xf32>
        %logistic3A_1313 = math.exp %logistic3A_1312 : vector<2048x128xf32>
        %logistic3A_1314 = arith.constant 1.000000e+00 : f32
        %logistic3A_1315 = vector.broadcast %logistic3A_1314 : f32 to vector<2048x128xf32>
        %logistic3A_1316 = arith.addf %logistic3A_1315, %logistic3A_1313 : vector<2048x128xf32>
        %logistic3A_1317 = arith.divf %logistic3A_1315, %logistic3A_1316 : vector<2048x128xf32>
        %mul3A_1318 = arith.mulf %add3A_1311, %logistic3A_1317 : vector<2048x128xf32>
        %iota3A_1319 = tpu.iota {dimensions = array<i32: 1>} : vector<1x64xi32>
        %add3A_1320 = vector.broadcast %mul3A_1262 : i32 to vector<1x64xi32>
        %add3A_1321 = arith.addi %add3A_1320, %iota3A_1319 : vector<1x64xi32>
        %ge3A = vector.broadcast %add3A_1321 : vector<1x64xi32> to vector<64x64xi32>
        %ge3A_1322 = vector.broadcast %get3A_1231 : vector<64x1xi32> to vector<64x64xi32>
        %ge3A_1323 = arith.cmpi sge, %ge3A, %ge3A_1322 : vector<64x64xi32>
        %lt3A = vector.broadcast %add3A_1321 : vector<1x64xi32> to vector<64x64xi32>
        %lt3A_1324 = vector.broadcast %get3A_1234 : vector<64x1xi32> to vector<64x64xi32>
        %lt3A_1325 = arith.cmpi slt, %lt3A, %lt3A_1324 : vector<64x64xi32>
        %and3A = arith.andi %ge3A_1323, %lt3A_1325 : vector<64x64xi1>
        %ne3A = vector.broadcast %add3A_1240 : vector<64x1xi32> to vector<64x64xi32>
        %ne3A_1326 = vector.broadcast %add3A_1321 : vector<1x64xi32> to vector<64x64xi32>
        %ne3A_1327 = arith.cmpi ne, %ne3A, %ne3A_1326 : vector<64x64xi32>
        %and3A_1328 = arith.andi %and3A, %ne3A_1327 : vector<64x64xi1>
        %convert_element_type3A = arith.extui %and3A_1328 : vector<64x64xi1> to vector<64x64xi32>
        %convert_element_type3A_1329 = arith.sitofp %convert_element_type3A : vector<64x64xi32> to vector<64x64xf32>
        %dot_general3A_1330 = arith.constant dense<0.000000e+00> : vector<2048x2xf32>
        %dot_general3A_1331 = tpu.matmul %mul3A_1318, %concatenate3A_528, %dot_general3A_1330 {dimension_numbers = #tpu.dot_dimension_numbers<[1], [0], [0], [1], [0, 0, 1, 1], [], []>, precision = #tpu.contract_precision<fp32>, transpose_lhs_hint = false} : vector<2048x128xf32>, vector<128x2xf32>, vector<2048x2xf32> -> vector<2048x2xf32>
        %tanh3A = math.tanh %dot_general3A_1331 : vector<2048x2xf32>
        %mul3A_1332 = arith.constant 7.500000e+00 : f32
        %mul3A_1333 = vector.broadcast %mul3A_1332 : f32 to vector<2048x2xf32>
        %mul3A_1334 = arith.mulf %tanh3A, %mul3A_1333 : vector<2048x2xf32>
        %reshape3A_1335 = vector.shape_cast %mul3A_1334 : vector<2048x2xf32> to vector<64x32x2xf32>
        %slice3A_1336 = vector.extract_strided_slice %reshape3A_1335 {offsets = [0, 0, 0], sizes = [64, 32, 1], strides = [1, 1, 1]} : vector<64x32x2xf32> to vector<64x32x1xf32>
        %squeeze3A = vector.shape_cast %slice3A_1336 : vector<64x32x1xf32> to vector<64x32xf32>
        %slice3A_1337 = vector.extract_strided_slice %reshape3A_1335 {offsets = [0, 0, 1], sizes = [64, 32, 1], strides = [1, 1, 1]} : vector<64x32x2xf32> to vector<64x32x1xf32>
        %squeeze3A_1338 = vector.shape_cast %slice3A_1337 : vector<64x32x1xf32> to vector<64x32xf32>
        %concatenate3A_1339 = tpu.concatenate %squeeze3A, %squeeze3A_1338 in 1 : vector<64x32xf32>, vector<64x32xf32> -> vector<64x64xf32>
        %mul3A_1340 = arith.mulf %concatenate3A_1339, %convert_element_type3A_1329 : vector<64x64xf32>
        %broadcast_in_dim3A_1341 = vector.shape_cast %mul3A_1340 : vector<64x64xf32> to vector<64x64x1xf32>
        %add3A_1342 = arith.constant 9.99999993E-9 : f32
        %add3A_1343 = vector.broadcast %add3A_1342 : f32 to vector<64x64xf32>
        %add3A_1344 = arith.addf %reduce_sum3A_1279, %add3A_1343 : vector<64x64xf32>
        %sqrt3A_1345 = math.sqrt %add3A_1344 : vector<64x64xf32>
        %broadcast_in_dim3A_1346 = vector.shape_cast %sqrt3A_1345 : vector<64x64xf32> to vector<64x64x1xf32>
        %add3A_1347 = arith.constant 1.000000e+00 : f32
        %add3A_1348 = vector.broadcast %add3A_1347 : f32 to vector<64x64x1xf32>
        %add3A_1349 = arith.addf %broadcast_in_dim3A_1346, %add3A_1348 : vector<64x64x1xf32>
        %div3A_1350 = vector.broadcast %add3A_1349 : vector<64x64x1xf32> to vector<64x64x3xf32>
        %div3A_1351 = arith.divf %sub3A_1276, %div3A_1350 : vector<64x64x3xf32>
        %mul3A_1352 = vector.broadcast %broadcast_in_dim3A_1341 : vector<64x64x1xf32> to vector<64x64x3xf32>
        %mul3A_1353 = arith.mulf %div3A_1351, %mul3A_1352 : vector<64x64x3xf32>
        %reduce_sum3A_1354 = arith.constant dense<0.000000e+00> : vector<64x3xf32>
        %reduce_sum3A_1355 = vector.multi_reduction <add>, %mul3A_1353, %reduce_sum3A_1354 [1] : vector<64x64x3xf32> to vector<64x3xf32>
        %add3A_1356 = arith.addf %while3A_1260, %reduce_sum3A_1355 : vector<64x3xf32>
        scf.yield %add3A_1356 : vector<64x3xf32>
      }
      %while3A_1254 = arith.constant 1 : i32
      %while3A_1255 = scf.for %while3A_1259 = %while3A_1251 to %while3A_1247 step %while3A_1254 iter_args(%while3A_1260 = %while3A_1253) -> (vector<64x3xf32>)  : i32 {
        %mul3A_1261 = arith.constant 64 : i32
        %mul3A_1262 = arith.muli %while3A_1259, %mul3A_1261 : i32
        %get3A_1263 = arith.index_cast %mul3A_1262 : i32 to index
        %get3A_1264 = arith.constant 0 : index
        %get3A_1265 = vector.load %arg125[%get3A_1263, %get3A_1264] : memref<2048x3xf32, #tpu.memory_space<vmem>>, vector<64x3xf32>
        %get3A_1266 = arith.index_cast %mul3A_1262 : i32 to index
        %get3A_1267 = arith.constant 0 : index
        %get3A_1268 = vector.load %arg129[%get3A_1266, %get3A_1267] : memref<4096x64xf32, #tpu.memory_space<vmem>>, vector<64x64xf32>
        %slice3A_1269 = vector.extract_strided_slice %get3A_1268 {offsets = [0, 0], sizes = [32, 64], strides = [1, 1]} : vector<64x64xf32> to vector<32x64xf32>
        %slice3A_1270 = vector.extract_strided_slice %get3A_1268 {offsets = [32, 0], sizes = [32, 64], strides = [1, 1]} : vector<64x64xf32> to vector<32x64xf32>
        %concatenate3A_1271 = tpu.concatenate %slice3A_1269, %slice3A_1270 in 1 : vector<32x64xf32>, vector<32x64xf32> -> vector<32x128xf32>
        %broadcast_in_dim3A_1272 = vector.shape_cast %get3A_1228 : vector<64x3xf32> to vector<64x1x3xf32>
        %broadcast_in_dim3A_1273 = vector.shape_cast %get3A_1265 : vector<64x3xf32> to vector<1x64x3xf32>
        %sub3A_1274 = vector.broadcast %broadcast_in_dim3A_1272 : vector<64x1x3xf32> to vector<64x64x3xf32>
        %sub3A_1275 = vector.broadcast %broadcast_in_dim3A_1273 : vector<1x64x3xf32> to vector<64x64x3xf32>
        %sub3A_1276 = arith.subf %sub3A_1274, %sub3A_1275 : vector<64x64x3xf32>
        %mul3A_1277 = arith.mulf %sub3A_1276, %sub3A_1276 : vector<64x64x3xf32>
        %reduce_sum3A_1278 = arith.constant dense<0.000000e+00> : vector<64x64xf32>
        %reduce_sum3A_1279 = vector.multi_reduction <add>, %mul3A_1277, %reduce_sum3A_1278 [2] : vector<64x64x3xf32> to vector<64x64xf32>
        %slice3A_1280 = vector.extract_strided_slice %reduce_sum3A_1279 {offsets = [0, 0], sizes = [64, 32], strides = [1, 1]} : vector<64x64xf32> to vector<64x32xf32>
        %broadcast_in_dim3A_1281 = vector.shape_cast %slice3A_1280 : vector<64x32xf32> to vector<64x32x1xf32>
        %broadcast_in_dim3A_1282 = vector.shape_cast %slice3A_512 : vector<1x64xf32> to vector<1x1x64xf32>
        %mul3A_1283 = vector.broadcast %broadcast_in_dim3A_1281 : vector<64x32x1xf32> to vector<64x32x64xf32>
        %mul3A_1284 = vector.broadcast %broadcast_in_dim3A_1282 : vector<1x1x64xf32> to vector<64x32x64xf32>
        %mul3A_1285 = arith.mulf %mul3A_1283, %mul3A_1284 : vector<64x32x64xf32>
        %slice3A_1286 = vector.extract_strided_slice %reduce_sum3A_1279 {offsets = [0, 32], sizes = [64, 32], strides = [1, 1]} : vector<64x64xf32> to vector<64x32xf32>
        %broadcast_in_dim3A_1287 = vector.shape_cast %slice3A_1286 : vector<64x32xf32> to vector<64x32x1xf32>
        %broadcast_in_dim3A_1288 = vector.shape_cast %slice3A_512 : vector<1x64xf32> to vector<1x1x64xf32>
        %mul3A_1289 = vector.broadcast %broadcast_in_dim3A_1287 : vector<64x32x1xf32> to vector<64x32x64xf32>
        %mul3A_1290 = vector.broadcast %broadcast_in_dim3A_1288 : vector<1x1x64xf32> to vector<64x32x64xf32>
        %mul3A_1291 = arith.mulf %mul3A_1289, %mul3A_1290 : vector<64x32x64xf32>
        %concatenate3A_1292 = tpu.concatenate %mul3A_1285, %mul3A_1291 in 2 : vector<64x32x64xf32>, vector<64x32x64xf32> -> vector<64x32x128xf32>
        %broadcast_in_dim3A_1293 = vector.shape_cast %concatenate3A_1238 : vector<64x128xf32> to vector<64x1x128xf32>
        %broadcast_in_dim3A_1294 = vector.shape_cast %concatenate3A_1271 : vector<32x128xf32> to vector<1x32x128xf32>
        %add3A_1295 = vector.broadcast %broadcast_in_dim3A_1293 : vector<64x1x128xf32> to vector<64x32x128xf32>
        %add3A_1296 = vector.broadcast %broadcast_in_dim3A_1294 : vector<1x32x128xf32> to vector<64x32x128xf32>
        %add3A_1297 = arith.addf %add3A_1295, %add3A_1296 : vector<64x32x128xf32>
        %add3A_1298 = arith.addf %add3A_1297, %concatenate3A_1292 : vector<64x32x128xf32>
        %logistic3A_1299 = arith.negf %add3A_1298 : vector<64x32x128xf32>
        %logistic3A_1300 = math.exp %logistic3A_1299 : vector<64x32x128xf32>
        %logistic3A_1301 = arith.constant 1.000000e+00 : f32
        %logistic3A_1302 = vector.broadcast %logistic3A_1301 : f32 to vector<64x32x128xf32>
        %logistic3A_1303 = arith.addf %logistic3A_1302, %logistic3A_1300 : vector<64x32x128xf32>
        %logistic3A_1304 = arith.divf %logistic3A_1302, %logistic3A_1303 : vector<64x32x128xf32>
        %mul3A_1305 = arith.mulf %add3A_1298, %logistic3A_1304 : vector<64x32x128xf32>
        %reshape3A_1306 = vector.shape_cast %mul3A_1305 : vector<64x32x128xf32> to vector<2048x128xf32>
        %dot_general3A_1307 = arith.constant dense<0.000000e+00> : vector<2048x128xf32>
        %dot_general3A_1308 = tpu.matmul %reshape3A_1306, %concatenate3A_522, %dot_general3A_1307 {dimension_numbers = #tpu.dot_dimension_numbers<[1], [0], [0], [1], [0, 0, 1, 1], [], []>, precision = #tpu.contract_precision<fp32>, transpose_lhs_hint = false} : vector<2048x128xf32>, vector<128x128xf32>, vector<2048x128xf32> -> vector<2048x128xf32>
        %broadcast_in_dim3A_1309 = vector.shape_cast %concatenate3A_523 : vector<128xf32> to vector<1x128xf32>
        %add3A_1310 = vector.broadcast %broadcast_in_dim3A_1309 : vector<1x128xf32> to vector<2048x128xf32>
        %add3A_1311 = arith.addf %dot_general3A_1308, %add3A_1310 : vector<2048x128xf32>
        %logistic3A_1312 = arith.negf %add3A_1311 : vector<2048x128xf32>
        %logistic3A_1313 = math.exp %logistic3A_1312 : vector<2048x128xf32>
        %logistic3A_1314 = arith.constant 1.000000e+00 : f32
        %logistic3A_1315 = vector.broadcast %logistic3A_1314 : f32 to vector<2048x128xf32>
        %logistic3A_1316 = arith.addf %logistic3A_1315, %logistic3A_1313 : vector<2048x128xf32>
        %logistic3A_1317 = arith.divf %logistic3A_1315, %logistic3A_1316 : vector<2048x128xf32>
        %mul3A_1318 = arith.mulf %add3A_1311, %logistic3A_1317 : vector<2048x128xf32>
        %iota3A_1319 = tpu.iota {dimensions = array<i32: 1>} : vector<1x64xi32>
        %add3A_1320 = vector.broadcast %mul3A_1262 : i32 to vector<1x64xi32>
        %add3A_1321 = arith.addi %add3A_1320, %iota3A_1319 : vector<1x64xi32>
        %ge3A = vector.broadcast %add3A_1321 : vector<1x64xi32> to vector<64x64xi32>
        %ge3A_1322 = vector.broadcast %get3A_1231 : vector<64x1xi32> to vector<64x64xi32>
        %ge3A_1323 = arith.cmpi sge, %ge3A, %ge3A_1322 : vector<64x64xi32>
        %lt3A = vector.broadcast %add3A_1321 : vector<1x64xi32> to vector<64x64xi32>
        %lt3A_1324 = vector.broadcast %get3A_1234 : vector<64x1xi32> to vector<64x64xi32>
        %lt3A_1325 = arith.cmpi slt, %lt3A, %lt3A_1324 : vector<64x64xi32>
        %and3A = arith.andi %ge3A_1323, %lt3A_1325 : vector<64x64xi1>
        %ne3A = vector.broadcast %add3A_1240 : vector<64x1xi32> to vector<64x64xi32>
        %ne3A_1326 = vector.broadcast %add3A_1321 : vector<1x64xi32> to vector<64x64xi32>
        %ne3A_1327 = arith.cmpi ne, %ne3A, %ne3A_1326 : vector<64x64xi32>
        %and3A_1328 = arith.andi %and3A, %ne3A_1327 : vector<64x64xi1>
        %convert_element_type3A = arith.extui %and3A_1328 : vector<64x64xi1> to vector<64x64xi32>
        %convert_element_type3A_1329 = arith.sitofp %convert_element_type3A : vector<64x64xi32> to vector<64x64xf32>
        %dot_general3A_1330 = arith.constant dense<0.000000e+00> : vector<2048x2xf32>
        %dot_general3A_1331 = tpu.matmul %mul3A_1318, %concatenate3A_528, %dot_general3A_1330 {dimension_numbers = #tpu.dot_dimension_numbers<[1], [0], [0], [1], [0, 0, 1, 1], [], []>, precision = #tpu.contract_precision<fp32>, transpose_lhs_hint = false} : vector<2048x128xf32>, vector<128x2xf32>, vector<2048x2xf32> -> vector<2048x2xf32>
        %tanh3A = math.tanh %dot_general3A_1331 : vector<2048x2xf32>
        %mul3A_1332 = arith.constant 7.500000e+00 : f32
        %mul3A_1333 = vector.broadcast %mul3A_1332 : f32 to vector<2048x2xf32>
        %mul3A_1334 = arith.mulf %tanh3A, %mul3A_1333 : vector<2048x2xf32>
        %reshape3A_1335 = vector.shape_cast %mul3A_1334 : vector<2048x2xf32> to vector<64x32x2xf32>
        %slice3A_1336 = vector.extract_strided_slice %reshape3A_1335 {offsets = [0, 0, 0], sizes = [64, 32, 1], strides = [1, 1, 1]} : vector<64x32x2xf32> to vector<64x32x1xf32>
        %squeeze3A = vector.shape_cast %slice3A_1336 : vector<64x32x1xf32> to vector<64x32xf32>
        %slice3A_1337 = vector.extract_strided_slice %reshape3A_1335 {offsets = [0, 0, 1], sizes = [64, 32, 1], strides = [1, 1, 1]} : vector<64x32x2xf32> to vector<64x32x1xf32>
        %squeeze3A_1338 = vector.shape_cast %slice3A_1337 : vector<64x32x1xf32> to vector<64x32xf32>
        %concatenate3A_1339 = tpu.concatenate %squeeze3A, %squeeze3A_1338 in 1 : vector<64x32xf32>, vector<64x32xf32> -> vector<64x64xf32>
        %mul3A_1340 = arith.mulf %concatenate3A_1339, %convert_element_type3A_1329 : vector<64x64xf32>
        %broadcast_in_dim3A_1341 = vector.shape_cast %mul3A_1340 : vector<64x64xf32> to vector<64x64x1xf32>
        %add3A_1342 = arith.constant 9.99999993E-9 : f32
        %add3A_1343 = vector.broadcast %add3A_1342 : f32 to vector<64x64xf32>
        %add3A_1344 = arith.addf %reduce_sum3A_1279, %add3A_1343 : vector<64x64xf32>
        %sqrt3A_1345 = math.sqrt %add3A_1344 : vector<64x64xf32>
        %broadcast_in_dim3A_1346 = vector.shape_cast %sqrt3A_1345 : vector<64x64xf32> to vector<64x64x1xf32>
        %add3A_1347 = arith.constant 1.000000e+00 : f32
        %add3A_1348 = vector.broadcast %add3A_1347 : f32 to vector<64x64x1xf32>
        %add3A_1349 = arith.addf %broadcast_in_dim3A_1346, %add3A_1348 : vector<64x64x1xf32>
        %div3A_1350 = vector.broadcast %add3A_1349 : vector<64x64x1xf32> to vector<64x64x3xf32>
        %div3A_1351 = arith.divf %sub3A_1276, %div3A_1350 : vector<64x64x3xf32>
        %mul3A_1352 = vector.broadcast %broadcast_in_dim3A_1341 : vector<64x64x1xf32> to vector<64x64x3xf32>
        %mul3A_1353 = arith.mulf %div3A_1351, %mul3A_1352 : vector<64x64x3xf32>
        %reduce_sum3A_1354 = arith.constant dense<0.000000e+00> : vector<64x3xf32>
        %reduce_sum3A_1355 = vector.multi_reduction <add>, %mul3A_1353, %reduce_sum3A_1354 [1] : vector<64x64x3xf32> to vector<64x3xf32>
        %add3A_1356 = arith.addf %while3A_1260, %reduce_sum3A_1355 : vector<64x3xf32>
        scf.yield %add3A_1356 : vector<64x3xf32>
      }
      %swap3A_1256 = arith.index_cast %mul3A_1225 : i32 to index
      %swap3A_1257 = arith.constant 0 : index
      %swap3A_1258 = vector.load %arg127[%swap3A_1256, %swap3A_1257] : memref<2048x3xf32, #tpu.memory_space<vmem>>, vector<64x3xf32>
      tpu.vector_store %arg127[%swap3A_1256, %swap3A_1257], %while3A_1255 {strides = array<i32>} : memref<2048x3xf32, #tpu.memory_space<vmem>>, vector<64x3xf32>,
    }
    %scan3A_551 = arith.constant 32 : i32
    %get3A_552 = arith.constant 0 : index
    %get3A_553 = arith.constant 0 : index
    %get3A_554 = vector.load %arg125[%get3A_552, %get3A_553] : memref<2048x3xf32, #tpu.memory_space<vmem>>, vector<2048x3xf32>
    %get3A_555 = arith.constant 0 : index
    %get3A_556 = arith.constant 0 : index
    %get3A_557 = vector.load %arg127[%get3A_555, %get3A_556] : memref<2048x3xf32, #tpu.memory_space<vmem>>, vector<2048x3xf32>
    %div3A_558 = arith.constant 1.000000e+02 : f32
    %div3A_559 = vector.broadcast %div3A_558 : f32 to vector<2048x3xf32>
    %div3A_560 = arith.divf %get3A_557, %div3A_559 : vector<2048x3xf32>
    %add3A_561 = arith.addf %get3A_554, %div3A_560 : vector<2048x3xf32>
    %swap3A_562 = arith.constant 0 : index
    %swap3A_563 = arith.constant 0 : index
    %swap3A_564 = vector.load %arg125[%swap3A_562, %swap3A_563] : memref<2048x3xf32, #tpu.memory_space<vmem>>, vector<2048x3xf32>
    tpu.vector_store %arg125[%swap3A_562, %swap3A_563], %add3A_561 {strides = array<i32>} : memref<2048x3xf32, #tpu.memory_space<vmem>>, vector<2048x3xf32>,
    %slice3A_565 = vector.extract_strided_slice %get3A_223 {offsets = [0, 0], sizes = [64, 64], strides = [1, 1]} : vector<145x64xf32> to vector<64x64xf32>
    %slice3A_566 = vector.extract_strided_slice %get3A_223 {offsets = [64, 0], sizes = [64, 64], strides = [1, 1]} : vector<145x64xf32> to vector<64x64xf32>
    %slice3A_567 = vector.extract_strided_slice %get3A_223 {offsets = [128, 0], sizes = [1, 64], strides = [1, 1]} : vector<145x64xf32> to vector<1x64xf32>
    %slice3A_568 = vector.extract_strided_slice %get3A_223 {offsets = [129, 0], sizes = [16, 64], strides = [1, 1]} : vector<145x64xf32> to vector<16x64xf32>
    %dot_general3A_569 = arith.constant dense<0.000000e+00> : vector<1x64xf32>
    %dot_general3A_570 = tpu.matmul %slice3A, %slice3A_568, %dot_general3A_569 {dimension_numbers = #tpu.dot_dimension_numbers<[1], [0], [0], [1], [0, 0, 1, 1], [], []>, precision = #tpu.contract_precision<fp32>, transpose_lhs_hint = false} : vector<1x16xf32>, vector<16x64xf32>, vector<1x64xf32> -> vector<1x64xf32>
    %reshape3A_571 = vector.shape_cast %get3A_220 : vector<64xf32> to vector<1x64xf32>
    %add3A_572 = arith.addf %dot_general3A_570, %reshape3A_571 : vector<1x64xf32>
    %broadcast_in_dim3A_573 = arith.constant 0.000000e+00 : f32
    %broadcast_in_dim3A_574 = vector.broadcast %broadcast_in_dim3A_573 : f32 to vector<64x64xf32>
    %concatenate3A_575 = tpu.concatenate %get3A_228, %broadcast_in_dim3A_574 in 1 : vector<64x64xf32>, vector<64x64xf32> -> vector<64x128xf32>
    %concatenate3A_576 = tpu.concatenate %broadcast_in_dim3A_574, %get3A_228 in 1 : vector<64x64xf32>, vector<64x64xf32> -> vector<64x128xf32>
    %concatenate3A_577 = tpu.concatenate %concatenate3A_575, %concatenate3A_576 in 0 : vector<64x128xf32>, vector<64x128xf32> -> vector<128x128xf32>
    %concatenate3A_578 = tpu.concatenate %get3A_225, %get3A_225 in 0 : vector<64xf32>, vector<64xf32> -> vector<128xf32>
    %get3A_579 = arith.constant 0 : index
    %get3A_580 = arith.constant 0 : index
    %get3A_581 = vector.load %arg123[%get3A_579, %get3A_580] : memref<2048x64xf32, #tpu.memory_space<vmem>>, vector<2048x64xf32>
    %dot_general3A_582 = arith.constant dense<0.000000e+00> : vector<2048x64xf32>
    %dot_general3A_583 = tpu.matmul %get3A_581, %slice3A_565, %dot_general3A_582 {dimension_numbers = #tpu.dot_dimension_numbers<[1], [0], [0], [1], [0, 0, 1, 1], [], []>, precision = #tpu.contract_precision<fp32>, transpose_lhs_hint = false} : vector<2048x64xf32>, vector<64x64xf32>, vector<2048x64xf32> -> vector<2048x64xf32>
    %add3A_584 = vector.broadcast %add3A_572 : vector<1x64xf32> to vector<2048x64xf32>
    %add3A_585 = arith.addf %dot_general3A_583, %add3A_584 : vector<2048x64xf32>
    %swap3A_586 = arith.constant 0 : index
    %swap3A_587 = arith.constant 0 : index
    %swap3A_588 = vector.load %arg128[%swap3A_586, %swap3A_587] : memref<2048x64xf32, #tpu.memory_space<vmem>>, vector<2048x64xf32>
    tpu.vector_store %arg128[%swap3A_586, %swap3A_587], %add3A_585 {strides = array<i32>} : memref<2048x64xf32, #tpu.memory_space<vmem>>, vector<2048x64xf32>,
    %get3A_589 = arith.constant 0 : index
    %get3A_590 = arith.constant 0 : index
    %get3A_591 = vector.load %arg123[%get3A_589, %get3A_590] : memref<2048x64xf32, #tpu.memory_space<vmem>>, vector<2048x64xf32>
    %dot_general3A_592 = arith.constant dense<0.000000e+00> : vector<2048x64xf32>
    %dot_general3A_593 = tpu.matmul %get3A_591, %slice3A_566, %dot_general3A_592 {dimension_numbers = #tpu.dot_dimension_numbers<[1], [0], [0], [1], [0, 0, 1, 1], [], []>, precision = #tpu.contract_precision<fp32>, transpose_lhs_hint = false} : vector<2048x64xf32>, vector<64x64xf32>, vector<2048x64xf32> -> vector<2048x64xf32>
    %swap3A_594 = arith.constant 0 : index
    %swap3A_595 = arith.constant 0 : index
    %swap3A_596 = vector.load %arg129[%swap3A_594, %swap3A_595] : memref<4096x64xf32, #tpu.memory_space<vmem>>, vector<2048x64xf32>
    tpu.vector_store %arg129[%swap3A_594, %swap3A_595], %dot_general3A_593 {strides = array<i32>} : memref<4096x64xf32, #tpu.memory_space<vmem>>, vector<2048x64xf32>,
    %scan3A_597 = arith.constant 0 : i32
    %scan3A_598 = arith.constant 32 : i32
    %scan3A_599 = arith.addi %scan3A_597, %scan3A_598 : i32
    %scan3A_600 = arith.constant 1 : i32
    scf.for %scan3A_1223 = %scan3A_597 to %scan3A_599 step %scan3A_600  : i32 {
      %mul3A_1224 = arith.constant 64 : i32
      %mul3A_1225 = arith.muli %scan3A_1223, %mul3A_1224 : i32
      %get3A_1226 = arith.index_cast %mul3A_1225 : i32 to index
      %get3A_1227 = arith.constant 0 : index
      %get3A_1228 = vector.load %arg125[%get3A_1226, %get3A_1227] : memref<2048x3xf32, #tpu.memory_space<vmem>>, vector<64x3xf32>
      %get3A_1229 = arith.index_cast %mul3A_1225 : i32 to index
      %get3A_1230 = arith.constant 0 : index
      %get3A_1231 = vector.load %arg6[%get3A_1229, %get3A_1230] : memref<2048x1xi32, #tpu.memory_space<vmem>>, vector<64x1xi32>
      %get3A_1232 = arith.index_cast %mul3A_1225 : i32 to index
      %get3A_1233 = arith.constant 0 : index
      %get3A_1234 = vector.load %arg7[%get3A_1232, %get3A_1233] : memref<2048x1xi32, #tpu.memory_space<vmem>>, vector<64x1xi32>
      %get3A_1235 = arith.index_cast %mul3A_1225 : i32 to index
      %get3A_1236 = arith.constant 0 : index
      %get3A_1237 = vector.load %arg128[%get3A_1235, %get3A_1236] : memref<2048x64xf32, #tpu.memory_space<vmem>>, vector<64x64xf32>
      %concatenate3A_1238 = tpu.concatenate %get3A_1237, %get3A_1237 in 1 : vector<64x64xf32>, vector<64x64xf32> -> vector<64x128xf32>
      %iota3A = tpu.iota {dimensions = array<i32: 0>} : vector<64x1xi32>
      %add3A_1239 = vector.broadcast %mul3A_1225 : i32 to vector<64x1xi32>
      %add3A_1240 = arith.addi %add3A_1239, %iota3A : vector<64x1xi32>
      %get3A_1241 = arith.index_cast %scan3A_1223 : i32 to index
      %get3A_1242 = memref.load %arg10[%get3A_1241] : memref<32xi32, #tpu.memory_space<smem>>
      %get3A_1243 = arith.index_cast %scan3A_1223 : i32 to index
      %get3A_1244 = memref.load %arg11[%get3A_1243] : memref<32xi32, #tpu.memory_space<smem>>
      %broadcast_in_dim3A_1245 = arith.constant 0.000000e+00 : f32
      %broadcast_in_dim3A_1246 = vector.broadcast %broadcast_in_dim3A_1245 : f32 to vector<64x64xf32>
      %while3A = arith.subi %get3A_1244, %get3A_1242 : i32
      %while3A_1247 = arith.addi %get3A_1242, %while3A : i32
      %while3A_1248 = arith.constant 1 : i32
      %while3A_1249 = arith.divsi %while3A, %while3A_1248 : i32
      %while3A_1250 = arith.muli %while3A_1249, %while3A_1248 : i32
      %while3A_1251 = arith.addi %get3A_1242, %while3A_1250 : i32
      %while3A_1252 = arith.constant 1 : i32
      %while3A_1253 = scf.for %while3A_1259 = %get3A_1242 to %while3A_1251 step %while3A_1252 iter_args(%while3A_1260 = %broadcast_in_dim3A_1246) -> (vector<64x64xf32>)  : i32 {
        %mul3A_1261 = arith.constant 64 : i32
        %mul3A_1262 = arith.muli %while3A_1259, %mul3A_1261 : i32
        %get3A_1263 = arith.index_cast %mul3A_1262 : i32 to index
        %get3A_1264 = arith.constant 0 : index
        %get3A_1265 = vector.load %arg125[%get3A_1263, %get3A_1264] : memref<2048x3xf32, #tpu.memory_space<vmem>>, vector<64x3xf32>
        %get3A_1266 = arith.index_cast %mul3A_1262 : i32 to index
        %get3A_1267 = arith.constant 0 : index
        %get3A_1268 = vector.load %arg129[%get3A_1266, %get3A_1267] : memref<4096x64xf32, #tpu.memory_space<vmem>>, vector<64x64xf32>
        %slice3A_1269 = vector.extract_strided_slice %get3A_1268 {offsets = [0, 0], sizes = [32, 64], strides = [1, 1]} : vector<64x64xf32> to vector<32x64xf32>
        %slice3A_1270 = vector.extract_strided_slice %get3A_1268 {offsets = [32, 0], sizes = [32, 64], strides = [1, 1]} : vector<64x64xf32> to vector<32x64xf32>
        %concatenate3A_1271 = tpu.concatenate %slice3A_1269, %slice3A_1270 in 1 : vector<32x64xf32>, vector<32x64xf32> -> vector<32x128xf32>
        %broadcast_in_dim3A_1272 = vector.shape_cast %get3A_1228 : vector<64x3xf32> to vector<64x1x3xf32>
        %broadcast_in_dim3A_1273 = vector.shape_cast %get3A_1265 : vector<64x3xf32> to vector<1x64x3xf32>
        %sub3A_1274 = vector.broadcast %broadcast_in_dim3A_1272 : vector<64x1x3xf32> to vector<64x64x3xf32>
        %sub3A_1275 = vector.broadcast %broadcast_in_dim3A_1273 : vector<1x64x3xf32> to vector<64x64x3xf32>
        %sub3A_1276 = arith.subf %sub3A_1274, %sub3A_1275 : vector<64x64x3xf32>
        %mul3A_1277 = arith.mulf %sub3A_1276, %sub3A_1276 : vector<64x64x3xf32>
        %reduce_sum3A_1278 = arith.constant dense<0.000000e+00> : vector<64x64xf32>
        %reduce_sum3A_1279 = vector.multi_reduction <add>, %mul3A_1277, %reduce_sum3A_1278 [2] : vector<64x64x3xf32> to vector<64x64xf32>
        %slice3A_1280 = vector.extract_strided_slice %reduce_sum3A_1279 {offsets = [0, 0], sizes = [64, 32], strides = [1, 1]} : vector<64x64xf32> to vector<64x32xf32>
        %broadcast_in_dim3A_1281 = vector.shape_cast %slice3A_1280 : vector<64x32xf32> to vector<64x32x1xf32>
        %broadcast_in_dim3A_1282 = vector.shape_cast %slice3A_567 : vector<1x64xf32> to vector<1x1x64xf32>
        %mul3A_1283 = vector.broadcast %broadcast_in_dim3A_1281 : vector<64x32x1xf32> to vector<64x32x64xf32>
        %mul3A_1284 = vector.broadcast %broadcast_in_dim3A_1282 : vector<1x1x64xf32> to vector<64x32x64xf32>
        %mul3A_1285 = arith.mulf %mul3A_1283, %mul3A_1284 : vector<64x32x64xf32>
        %slice3A_1286 = vector.extract_strided_slice %reduce_sum3A_1279 {offsets = [0, 32], sizes = [64, 32], strides = [1, 1]} : vector<64x64xf32> to vector<64x32xf32>
        %broadcast_in_dim3A_1287 = vector.shape_cast %slice3A_1286 : vector<64x32xf32> to vector<64x32x1xf32>
        %broadcast_in_dim3A_1288 = vector.shape_cast %slice3A_567 : vector<1x64xf32> to vector<1x1x64xf32>
        %mul3A_1289 = vector.broadcast %broadcast_in_dim3A_1287 : vector<64x32x1xf32> to vector<64x32x64xf32>
        %mul3A_1290 = vector.broadcast %broadcast_in_dim3A_1288 : vector<1x1x64xf32> to vector<64x32x64xf32>
        %mul3A_1291 = arith.mulf %mul3A_1289, %mul3A_1290 : vector<64x32x64xf32>
        %concatenate3A_1292 = tpu.concatenate %mul3A_1285, %mul3A_1291 in 2 : vector<64x32x64xf32>, vector<64x32x64xf32> -> vector<64x32x128xf32>
        %broadcast_in_dim3A_1293 = vector.shape_cast %concatenate3A_1238 : vector<64x128xf32> to vector<64x1x128xf32>
        %broadcast_in_dim3A_1294 = vector.shape_cast %concatenate3A_1271 : vector<32x128xf32> to vector<1x32x128xf32>
        %add3A_1295 = vector.broadcast %broadcast_in_dim3A_1293 : vector<64x1x128xf32> to vector<64x32x128xf32>
        %add3A_1296 = vector.broadcast %broadcast_in_dim3A_1294 : vector<1x32x128xf32> to vector<64x32x128xf32>
        %add3A_1297 = arith.addf %add3A_1295, %add3A_1296 : vector<64x32x128xf32>
        %add3A_1298 = arith.addf %add3A_1297, %concatenate3A_1292 : vector<64x32x128xf32>
        %logistic3A_1299 = arith.negf %add3A_1298 : vector<64x32x128xf32>
        %logistic3A_1300 = math.exp %logistic3A_1299 : vector<64x32x128xf32>
        %logistic3A_1301 = arith.constant 1.000000e+00 : f32
        %logistic3A_1302 = vector.broadcast %logistic3A_1301 : f32 to vector<64x32x128xf32>
        %logistic3A_1303 = arith.addf %logistic3A_1302, %logistic3A_1300 : vector<64x32x128xf32>
        %logistic3A_1304 = arith.divf %logistic3A_1302, %logistic3A_1303 : vector<64x32x128xf32>
        %mul3A_1305 = arith.mulf %add3A_1298, %logistic3A_1304 : vector<64x32x128xf32>
        %reshape3A_1306 = vector.shape_cast %mul3A_1305 : vector<64x32x128xf32> to vector<2048x128xf32>
        %dot_general3A_1307 = arith.constant dense<0.000000e+00> : vector<2048x128xf32>
        %dot_general3A_1308 = tpu.matmul %reshape3A_1306, %concatenate3A_577, %dot_general3A_1307 {dimension_numbers = #tpu.dot_dimension_numbers<[1], [0], [0], [1], [0, 0, 1, 1], [], []>, precision = #tpu.contract_precision<fp32>, transpose_lhs_hint = false} : vector<2048x128xf32>, vector<128x128xf32>, vector<2048x128xf32> -> vector<2048x128xf32>
        %broadcast_in_dim3A_1309 = vector.shape_cast %concatenate3A_578 : vector<128xf32> to vector<1x128xf32>
        %add3A_1310 = vector.broadcast %broadcast_in_dim3A_1309 : vector<1x128xf32> to vector<2048x128xf32>
        %add3A_1311 = arith.addf %dot_general3A_1308, %add3A_1310 : vector<2048x128xf32>
        %logistic3A_1312 = arith.negf %add3A_1311 : vector<2048x128xf32>
        %logistic3A_1313 = math.exp %logistic3A_1312 : vector<2048x128xf32>
        %logistic3A_1314 = arith.constant 1.000000e+00 : f32
        %logistic3A_1315 = vector.broadcast %logistic3A_1314 : f32 to vector<2048x128xf32>
        %logistic3A_1316 = arith.addf %logistic3A_1315, %logistic3A_1313 : vector<2048x128xf32>
        %logistic3A_1317 = arith.divf %logistic3A_1315, %logistic3A_1316 : vector<2048x128xf32>
        %mul3A_1318 = arith.mulf %add3A_1311, %logistic3A_1317 : vector<2048x128xf32>
        %iota3A_1319 = tpu.iota {dimensions = array<i32: 1>} : vector<1x64xi32>
        %add3A_1320 = vector.broadcast %mul3A_1262 : i32 to vector<1x64xi32>
        %add3A_1321 = arith.addi %add3A_1320, %iota3A_1319 : vector<1x64xi32>
        %ge3A = vector.broadcast %add3A_1321 : vector<1x64xi32> to vector<64x64xi32>
        %ge3A_1322 = vector.broadcast %get3A_1231 : vector<64x1xi32> to vector<64x64xi32>
        %ge3A_1323 = arith.cmpi sge, %ge3A, %ge3A_1322 : vector<64x64xi32>
        %lt3A = vector.broadcast %add3A_1321 : vector<1x64xi32> to vector<64x64xi32>
        %lt3A_1324 = vector.broadcast %get3A_1234 : vector<64x1xi32> to vector<64x64xi32>
        %lt3A_1325 = arith.cmpi slt, %lt3A, %lt3A_1324 : vector<64x64xi32>
        %and3A = arith.andi %ge3A_1323, %lt3A_1325 : vector<64x64xi1>
        %ne3A = vector.broadcast %add3A_1240 : vector<64x1xi32> to vector<64x64xi32>
        %ne3A_1326 = vector.broadcast %add3A_1321 : vector<1x64xi32> to vector<64x64xi32>
        %ne3A_1327 = arith.cmpi ne, %ne3A, %ne3A_1326 : vector<64x64xi32>
        %and3A_1328 = arith.andi %and3A, %ne3A_1327 : vector<64x64xi1>
        %convert_element_type3A = arith.extui %and3A_1328 : vector<64x64xi1> to vector<64x64xi32>
        %convert_element_type3A_1329 = arith.sitofp %convert_element_type3A : vector<64x64xi32> to vector<64x64xf32>
        %broadcast_in_dim3A_1330 = arith.constant 1.000000e+00 : f32
        %broadcast_in_dim3A_1331 = vector.broadcast %broadcast_in_dim3A_1330 : f32 to vector<1x1x64xf32>
        %slice3A_1332 = vector.extract_strided_slice %convert_element_type3A_1329 {offsets = [0, 0], sizes = [64, 32], strides = [1, 1]} : vector<64x64xf32> to vector<64x32xf32>
        %broadcast_in_dim3A_1333 = vector.shape_cast %slice3A_1332 : vector<64x32xf32> to vector<64x32x1xf32>
        %mul3A_1334 = vector.broadcast %broadcast_in_dim3A_1333 : vector<64x32x1xf32> to vector<64x32x64xf32>
        %mul3A_1335 = vector.broadcast %broadcast_in_dim3A_1331 : vector<1x1x64xf32> to vector<64x32x64xf32>
        %mul3A_1336 = arith.mulf %mul3A_1334, %mul3A_1335 : vector<64x32x64xf32>
        %slice3A_1337 = vector.extract_strided_slice %convert_element_type3A_1329 {offsets = [0, 32], sizes = [64, 32], strides = [1, 1]} : vector<64x64xf32> to vector<64x32xf32>
        %broadcast_in_dim3A_1338 = vector.shape_cast %slice3A_1337 : vector<64x32xf32> to vector<64x32x1xf32>
        %mul3A_1339 = vector.broadcast %broadcast_in_dim3A_1338 : vector<64x32x1xf32> to vector<64x32x64xf32>
        %mul3A_1340 = vector.broadcast %broadcast_in_dim3A_1331 : vector<1x1x64xf32> to vector<64x32x64xf32>
        %mul3A_1341 = arith.mulf %mul3A_1339, %mul3A_1340 : vector<64x32x64xf32>
        %concatenate3A_1342 = tpu.concatenate %mul3A_1336, %mul3A_1341 in 2 : vector<64x32x64xf32>, vector<64x32x64xf32> -> vector<64x32x128xf32>
        %reshape3A_1343 = vector.shape_cast %mul3A_1318 : vector<2048x128xf32> to vector<64x32x128xf32>
        %mul3A_1344 = arith.mulf %reshape3A_1343, %concatenate3A_1342 : vector<64x32x128xf32>
        %reduce_sum3A_1345 = arith.constant dense<0.000000e+00> : vector<64x128xf32>
        %reduce_sum3A_1346 = vector.multi_reduction <add>, %mul3A_1344, %reduce_sum3A_1345 [1] : vector<64x32x128xf32> to vector<64x128xf32>
        %slice3A_1347 = vector.extract_strided_slice %reduce_sum3A_1346 {offsets = [0, 0], sizes = [64, 64], strides = [1, 1]} : vector<64x128xf32> to vector<64x64xf32>
        %slice3A_1348 = vector.extract_strided_slice %reduce_sum3A_1346 {offsets = [0, 64], sizes = [64, 64], strides = [1, 1]} : vector<64x128xf32> to vector<64x64xf32>
        %add3A_1349 = arith.addf %slice3A_1347, %slice3A_1348 : vector<64x64xf32>
        %add3A_1350 = arith.addf %while3A_1260, %add3A_1349 : vector<64x64xf32>
        scf.yield %add3A_1350 : vector<64x64xf32>
      }
      %while3A_1254 = arith.constant 1 : i32
      %while3A_1255 = scf.for %while3A_1259 = %while3A_1251 to %while3A_1247 step %while3A_1254 iter_args(%while3A_1260 = %while3A_1253) -> (vector<64x64xf32>)  : i32 {
        %mul3A_1261 = arith.constant 64 : i32
        %mul3A_1262 = arith.muli %while3A_1259, %mul3A_1261 : i32
        %get3A_1263 = arith.index_cast %mul3A_1262 : i32 to index
        %get3A_1264 = arith.constant 0 : index
        %get3A_1265 = vector.load %arg125[%get3A_1263, %get3A_1264] : memref<2048x3xf32, #tpu.memory_space<vmem>>, vector<64x3xf32>
        %get3A_1266 = arith.index_cast %mul3A_1262 : i32 to index
        %get3A_1267 = arith.constant 0 : index
        %get3A_1268 = vector.load %arg129[%get3A_1266, %get3A_1267] : memref<4096x64xf32, #tpu.memory_space<vmem>>, vector<64x64xf32>
        %slice3A_1269 = vector.extract_strided_slice %get3A_1268 {offsets = [0, 0], sizes = [32, 64], strides = [1, 1]} : vector<64x64xf32> to vector<32x64xf32>
        %slice3A_1270 = vector.extract_strided_slice %get3A_1268 {offsets = [32, 0], sizes = [32, 64], strides = [1, 1]} : vector<64x64xf32> to vector<32x64xf32>
        %concatenate3A_1271 = tpu.concatenate %slice3A_1269, %slice3A_1270 in 1 : vector<32x64xf32>, vector<32x64xf32> -> vector<32x128xf32>
        %broadcast_in_dim3A_1272 = vector.shape_cast %get3A_1228 : vector<64x3xf32> to vector<64x1x3xf32>
        %broadcast_in_dim3A_1273 = vector.shape_cast %get3A_1265 : vector<64x3xf32> to vector<1x64x3xf32>
        %sub3A_1274 = vector.broadcast %broadcast_in_dim3A_1272 : vector<64x1x3xf32> to vector<64x64x3xf32>
        %sub3A_1275 = vector.broadcast %broadcast_in_dim3A_1273 : vector<1x64x3xf32> to vector<64x64x3xf32>
        %sub3A_1276 = arith.subf %sub3A_1274, %sub3A_1275 : vector<64x64x3xf32>
        %mul3A_1277 = arith.mulf %sub3A_1276, %sub3A_1276 : vector<64x64x3xf32>
        %reduce_sum3A_1278 = arith.constant dense<0.000000e+00> : vector<64x64xf32>
        %reduce_sum3A_1279 = vector.multi_reduction <add>, %mul3A_1277, %reduce_sum3A_1278 [2] : vector<64x64x3xf32> to vector<64x64xf32>
        %slice3A_1280 = vector.extract_strided_slice %reduce_sum3A_1279 {offsets = [0, 0], sizes = [64, 32], strides = [1, 1]} : vector<64x64xf32> to vector<64x32xf32>
        %broadcast_in_dim3A_1281 = vector.shape_cast %slice3A_1280 : vector<64x32xf32> to vector<64x32x1xf32>
        %broadcast_in_dim3A_1282 = vector.shape_cast %slice3A_567 : vector<1x64xf32> to vector<1x1x64xf32>
        %mul3A_1283 = vector.broadcast %broadcast_in_dim3A_1281 : vector<64x32x1xf32> to vector<64x32x64xf32>
        %mul3A_1284 = vector.broadcast %broadcast_in_dim3A_1282 : vector<1x1x64xf32> to vector<64x32x64xf32>
        %mul3A_1285 = arith.mulf %mul3A_1283, %mul3A_1284 : vector<64x32x64xf32>
        %slice3A_1286 = vector.extract_strided_slice %reduce_sum3A_1279 {offsets = [0, 32], sizes = [64, 32], strides = [1, 1]} : vector<64x64xf32> to vector<64x32xf32>
        %broadcast_in_dim3A_1287 = vector.shape_cast %slice3A_1286 : vector<64x32xf32> to vector<64x32x1xf32>
        %broadcast_in_dim3A_1288 = vector.shape_cast %slice3A_567 : vector<1x64xf32> to vector<1x1x64xf32>
        %mul3A_1289 = vector.broadcast %broadcast_in_dim3A_1287 : vector<64x32x1xf32> to vector<64x32x64xf32>
        %mul3A_1290 = vector.broadcast %broadcast_in_dim3A_1288 : vector<1x1x64xf32> to vector<64x32x64xf32>
        %mul3A_1291 = arith.mulf %mul3A_1289, %mul3A_1290 : vector<64x32x64xf32>
        %concatenate3A_1292 = tpu.concatenate %mul3A_1285, %mul3A_1291 in 2 : vector<64x32x64xf32>, vector<64x32x64xf32> -> vector<64x32x128xf32>
        %broadcast_in_dim3A_1293 = vector.shape_cast %concatenate3A_1238 : vector<64x128xf32> to vector<64x1x128xf32>
        %broadcast_in_dim3A_1294 = vector.shape_cast %concatenate3A_1271 : vector<32x128xf32> to vector<1x32x128xf32>
        %add3A_1295 = vector.broadcast %broadcast_in_dim3A_1293 : vector<64x1x128xf32> to vector<64x32x128xf32>
        %add3A_1296 = vector.broadcast %broadcast_in_dim3A_1294 : vector<1x32x128xf32> to vector<64x32x128xf32>
        %add3A_1297 = arith.addf %add3A_1295, %add3A_1296 : vector<64x32x128xf32>
        %add3A_1298 = arith.addf %add3A_1297, %concatenate3A_1292 : vector<64x32x128xf32>
        %logistic3A_1299 = arith.negf %add3A_1298 : vector<64x32x128xf32>
        %logistic3A_1300 = math.exp %logistic3A_1299 : vector<64x32x128xf32>
        %logistic3A_1301 = arith.constant 1.000000e+00 : f32
        %logistic3A_1302 = vector.broadcast %logistic3A_1301 : f32 to vector<64x32x128xf32>
        %logistic3A_1303 = arith.addf %logistic3A_1302, %logistic3A_1300 : vector<64x32x128xf32>
        %logistic3A_1304 = arith.divf %logistic3A_1302, %logistic3A_1303 : vector<64x32x128xf32>
        %mul3A_1305 = arith.mulf %add3A_1298, %logistic3A_1304 : vector<64x32x128xf32>
        %reshape3A_1306 = vector.shape_cast %mul3A_1305 : vector<64x32x128xf32> to vector<2048x128xf32>
        %dot_general3A_1307 = arith.constant dense<0.000000e+00> : vector<2048x128xf32>
        %dot_general3A_1308 = tpu.matmul %reshape3A_1306, %concatenate3A_577, %dot_general3A_1307 {dimension_numbers = #tpu.dot_dimension_numbers<[1], [0], [0], [1], [0, 0, 1, 1], [], []>, precision = #tpu.contract_precision<fp32>, transpose_lhs_hint = false} : vector<2048x128xf32>, vector<128x128xf32>, vector<2048x128xf32> -> vector<2048x128xf32>
        %broadcast_in_dim3A_1309 = vector.shape_cast %concatenate3A_578 : vector<128xf32> to vector<1x128xf32>
        %add3A_1310 = vector.broadcast %broadcast_in_dim3A_1309 : vector<1x128xf32> to vector<2048x128xf32>
        %add3A_1311 = arith.addf %dot_general3A_1308, %add3A_1310 : vector<2048x128xf32>
        %logistic3A_1312 = arith.negf %add3A_1311 : vector<2048x128xf32>
        %logistic3A_1313 = math.exp %logistic3A_1312 : vector<2048x128xf32>
        %logistic3A_1314 = arith.constant 1.000000e+00 : f32
        %logistic3A_1315 = vector.broadcast %logistic3A_1314 : f32 to vector<2048x128xf32>
        %logistic3A_1316 = arith.addf %logistic3A_1315, %logistic3A_1313 : vector<2048x128xf32>
        %logistic3A_1317 = arith.divf %logistic3A_1315, %logistic3A_1316 : vector<2048x128xf32>
        %mul3A_1318 = arith.mulf %add3A_1311, %logistic3A_1317 : vector<2048x128xf32>
        %iota3A_1319 = tpu.iota {dimensions = array<i32: 1>} : vector<1x64xi32>
        %add3A_1320 = vector.broadcast %mul3A_1262 : i32 to vector<1x64xi32>
        %add3A_1321 = arith.addi %add3A_1320, %iota3A_1319 : vector<1x64xi32>
        %ge3A = vector.broadcast %add3A_1321 : vector<1x64xi32> to vector<64x64xi32>
        %ge3A_1322 = vector.broadcast %get3A_1231 : vector<64x1xi32> to vector<64x64xi32>
        %ge3A_1323 = arith.cmpi sge, %ge3A, %ge3A_1322 : vector<64x64xi32>
        %lt3A = vector.broadcast %add3A_1321 : vector<1x64xi32> to vector<64x64xi32>
        %lt3A_1324 = vector.broadcast %get3A_1234 : vector<64x1xi32> to vector<64x64xi32>
        %lt3A_1325 = arith.cmpi slt, %lt3A, %lt3A_1324 : vector<64x64xi32>
        %and3A = arith.andi %ge3A_1323, %lt3A_1325 : vector<64x64xi1>
        %ne3A = vector.broadcast %add3A_1240 : vector<64x1xi32> to vector<64x64xi32>
        %ne3A_1326 = vector.broadcast %add3A_1321 : vector<1x64xi32> to vector<64x64xi32>
        %ne3A_1327 = arith.cmpi ne, %ne3A, %ne3A_1326 : vector<64x64xi32>
        %and3A_1328 = arith.andi %and3A, %ne3A_1327 : vector<64x64xi1>
        %convert_element_type3A = arith.extui %and3A_1328 : vector<64x64xi1> to vector<64x64xi32>
        %convert_element_type3A_1329 = arith.sitofp %convert_element_type3A : vector<64x64xi32> to vector<64x64xf32>
        %broadcast_in_dim3A_1330 = arith.constant 1.000000e+00 : f32
        %broadcast_in_dim3A_1331 = vector.broadcast %broadcast_in_dim3A_1330 : f32 to vector<1x1x64xf32>
        %slice3A_1332 = vector.extract_strided_slice %convert_element_type3A_1329 {offsets = [0, 0], sizes = [64, 32], strides = [1, 1]} : vector<64x64xf32> to vector<64x32xf32>
        %broadcast_in_dim3A_1333 = vector.shape_cast %slice3A_1332 : vector<64x32xf32> to vector<64x32x1xf32>
        %mul3A_1334 = vector.broadcast %broadcast_in_dim3A_1333 : vector<64x32x1xf32> to vector<64x32x64xf32>
        %mul3A_1335 = vector.broadcast %broadcast_in_dim3A_1331 : vector<1x1x64xf32> to vector<64x32x64xf32>
        %mul3A_1336 = arith.mulf %mul3A_1334, %mul3A_1335 : vector<64x32x64xf32>
        %slice3A_1337 = vector.extract_strided_slice %convert_element_type3A_1329 {offsets = [0, 32], sizes = [64, 32], strides = [1, 1]} : vector<64x64xf32> to vector<64x32xf32>
        %broadcast_in_dim3A_1338 = vector.shape_cast %slice3A_1337 : vector<64x32xf32> to vector<64x32x1xf32>
        %mul3A_1339 = vector.broadcast %broadcast_in_dim3A_1338 : vector<64x32x1xf32> to vector<64x32x64xf32>
        %mul3A_1340 = vector.broadcast %broadcast_in_dim3A_1331 : vector<1x1x64xf32> to vector<64x32x64xf32>
        %mul3A_1341 = arith.mulf %mul3A_1339, %mul3A_1340 : vector<64x32x64xf32>
        %concatenate3A_1342 = tpu.concatenate %mul3A_1336, %mul3A_1341 in 2 : vector<64x32x64xf32>, vector<64x32x64xf32> -> vector<64x32x128xf32>
        %reshape3A_1343 = vector.shape_cast %mul3A_1318 : vector<2048x128xf32> to vector<64x32x128xf32>
        %mul3A_1344 = arith.mulf %reshape3A_1343, %concatenate3A_1342 : vector<64x32x128xf32>
        %reduce_sum3A_1345 = arith.constant dense<0.000000e+00> : vector<64x128xf32>
        %reduce_sum3A_1346 = vector.multi_reduction <add>, %mul3A_1344, %reduce_sum3A_1345 [1] : vector<64x32x128xf32> to vector<64x128xf32>
        %slice3A_1347 = vector.extract_strided_slice %reduce_sum3A_1346 {offsets = [0, 0], sizes = [64, 64], strides = [1, 1]} : vector<64x128xf32> to vector<64x64xf32>
        %slice3A_1348 = vector.extract_strided_slice %reduce_sum3A_1346 {offsets = [0, 64], sizes = [64, 64], strides = [1, 1]} : vector<64x128xf32> to vector<64x64xf32>
        %add3A_1349 = arith.addf %slice3A_1347, %slice3A_1348 : vector<64x64xf32>
        %add3A_1350 = arith.addf %while3A_1260, %add3A_1349 : vector<64x64xf32>
        scf.yield %add3A_1350 : vector<64x64xf32>
      }
      %swap3A_1256 = arith.index_cast %mul3A_1225 : i32 to index
      %swap3A_1257 = arith.constant 0 : index
      %swap3A_1258 = vector.load %arg126[%swap3A_1256, %swap3A_1257] : memref<2048x64xf32, #tpu.memory_space<vmem>>, vector<64x64xf32>
      tpu.vector_store %arg126[%swap3A_1256, %swap3A_1257], %while3A_1255 {strides = array<i32>} : memref<2048x64xf32, #tpu.memory_space<vmem>>, vector<64x64xf32>,
    }
    %scan3A_601 = arith.constant 32 : i32
    %get3A_602 = arith.constant 0 : index
    %get3A_603 = arith.constant 0 : index
    %get3A_604 = vector.load %arg123[%get3A_602, %get3A_603] : memref<2048x64xf32, #tpu.memory_space<vmem>>, vector<2048x64xf32>
    %get3A_605 = arith.constant 0 : index
    %get3A_606 = arith.constant 0 : index
    %get3A_607 = vector.load %arg126[%get3A_605, %get3A_606] : memref<2048x64xf32, #tpu.memory_space<vmem>>, vector<2048x64xf32>
    %div3A_608 = arith.constant 1.000000e+02 : f32
    %div3A_609 = vector.broadcast %div3A_608 : f32 to vector<2048x64xf32>
    %div3A_610 = arith.divf %get3A_607, %div3A_609 : vector<2048x64xf32>
    %slice3A_611 = vector.extract_strided_slice %get3A_233 {offsets = [0, 0], sizes = [64, 64], strides = [1, 1]} : vector<128x64xf32> to vector<64x64xf32>
    %dot_general3A_612 = arith.constant dense<0.000000e+00> : vector<2048x64xf32>
    %dot_general3A_613 = tpu.matmul %get3A_604, %slice3A_611, %dot_general3A_612 {dimension_numbers = #tpu.dot_dimension_numbers<[1], [0], [0], [1], [0, 0, 1, 1], [], []>, precision = #tpu.contract_precision<fp32>, transpose_lhs_hint = false} : vector<2048x64xf32>, vector<64x64xf32>, vector<2048x64xf32> -> vector<2048x64xf32>
    %slice3A_614 = vector.extract_strided_slice %get3A_233 {offsets = [64, 0], sizes = [64, 64], strides = [1, 1]} : vector<128x64xf32> to vector<64x64xf32>
    %dot_general3A_615 = arith.constant dense<0.000000e+00> : vector<2048x64xf32>
    %dot_general3A_616 = tpu.matmul %div3A_610, %slice3A_614, %dot_general3A_615 {dimension_numbers = #tpu.dot_dimension_numbers<[1], [0], [0], [1], [0, 0, 1, 1], [], []>, precision = #tpu.contract_precision<fp32>, transpose_lhs_hint = false} : vector<2048x64xf32>, vector<64x64xf32>, vector<2048x64xf32> -> vector<2048x64xf32>
    %add3A_617 = arith.addf %dot_general3A_613, %dot_general3A_616 : vector<2048x64xf32>
    %broadcast_in_dim3A_618 = vector.shape_cast %get3A_230 : vector<64xf32> to vector<1x64xf32>
    %add3A_619 = vector.broadcast %broadcast_in_dim3A_618 : vector<1x64xf32> to vector<2048x64xf32>
    %add3A_620 = arith.addf %add3A_617, %add3A_619 : vector<2048x64xf32>
    %logistic3A_621 = arith.negf %add3A_620 : vector<2048x64xf32>
    %logistic3A_622 = math.exp %logistic3A_621 : vector<2048x64xf32>
    %logistic3A_623 = arith.constant 1.000000e+00 : f32
    %logistic3A_624 = vector.broadcast %logistic3A_623 : f32 to vector<2048x64xf32>
    %logistic3A_625 = arith.addf %logistic3A_624, %logistic3A_622 : vector<2048x64xf32>
    %logistic3A_626 = arith.divf %logistic3A_624, %logistic3A_625 : vector<2048x64xf32>
    %mul3A_627 = arith.mulf %add3A_620, %logistic3A_626 : vector<2048x64xf32>
    %dot_general3A_628 = arith.constant dense<0.000000e+00> : vector<2048x64xf32>
    %dot_general3A_629 = tpu.matmul %mul3A_627, %get3A_238, %dot_general3A_628 {dimension_numbers = #tpu.dot_dimension_numbers<[1], [0], [0], [1], [0, 0, 1, 1], [], []>, precision = #tpu.contract_precision<fp32>, transpose_lhs_hint = false} : vector<2048x64xf32>, vector<64x64xf32>, vector<2048x64xf32> -> vector<2048x64xf32>
    %add3A_630 = arith.addf %get3A_604, %dot_general3A_629 : vector<2048x64xf32>
    %broadcast_in_dim3A_631 = vector.shape_cast %get3A_235 : vector<64xf32> to vector<1x64xf32>
    %add3A_632 = vector.broadcast %broadcast_in_dim3A_631 : vector<1x64xf32> to vector<2048x64xf32>
    %add3A_633 = arith.addf %add3A_630, %add3A_632 : vector<2048x64xf32>
    %swap3A_634 = arith.constant 0 : index
    %swap3A_635 = arith.constant 0 : index
    %swap3A_636 = vector.load %arg123[%swap3A_634, %swap3A_635] : memref<2048x64xf32, #tpu.memory_space<vmem>>, vector<2048x64xf32>
    tpu.vector_store %arg123[%swap3A_634, %swap3A_635], %add3A_633 {strides = array<i32>} : memref<2048x64xf32, #tpu.memory_space<vmem>>, vector<2048x64xf32>,
    %slice3A_637 = vector.extract_strided_slice %get3A_243 {offsets = [0, 0], sizes = [64, 64], strides = [1, 1]} : vector<145x64xf32> to vector<64x64xf32>
    %slice3A_638 = vector.extract_strided_slice %get3A_243 {offsets = [64, 0], sizes = [64, 64], strides = [1, 1]} : vector<145x64xf32> to vector<64x64xf32>
    %slice3A_639 = vector.extract_strided_slice %get3A_243 {offsets = [128, 0], sizes = [1, 64], strides = [1, 1]} : vector<145x64xf32> to vector<1x64xf32>
    %slice3A_640 = vector.extract_strided_slice %get3A_243 {offsets = [129, 0], sizes = [16, 64], strides = [1, 1]} : vector<145x64xf32> to vector<16x64xf32>
    %dot_general3A_641 = arith.constant dense<0.000000e+00> : vector<1x64xf32>
    %dot_general3A_642 = tpu.matmul %slice3A, %slice3A_640, %dot_general3A_641 {dimension_numbers = #tpu.dot_dimension_numbers<[1], [0], [0], [1], [0, 0, 1, 1], [], []>, precision = #tpu.contract_precision<fp32>, transpose_lhs_hint = false} : vector<1x16xf32>, vector<16x64xf32>, vector<1x64xf32> -> vector<1x64xf32>
    %reshape3A_643 = vector.shape_cast %get3A_240 : vector<64xf32> to vector<1x64xf32>
    %add3A_644 = arith.addf %dot_general3A_642, %reshape3A_643 : vector<1x64xf32>
    %broadcast_in_dim3A_645 = arith.constant 0.000000e+00 : f32
    %broadcast_in_dim3A_646 = vector.broadcast %broadcast_in_dim3A_645 : f32 to vector<64x64xf32>
    %concatenate3A_647 = tpu.concatenate %get3A_248, %broadcast_in_dim3A_646 in 1 : vector<64x64xf32>, vector<64x64xf32> -> vector<64x128xf32>
    %concatenate3A_648 = tpu.concatenate %broadcast_in_dim3A_646, %get3A_248 in 1 : vector<64x64xf32>, vector<64x64xf32> -> vector<64x128xf32>
    %concatenate3A_649 = tpu.concatenate %concatenate3A_647, %concatenate3A_648 in 0 : vector<64x128xf32>, vector<64x128xf32> -> vector<128x128xf32>
    %concatenate3A_650 = tpu.concatenate %get3A_245, %get3A_245 in 0 : vector<64xf32>, vector<64xf32> -> vector<128xf32>
    %get3A_651 = arith.constant 0 : index
    %get3A_652 = arith.constant 0 : index
    %get3A_653 = vector.load %arg123[%get3A_651, %get3A_652] : memref<2048x64xf32, #tpu.memory_space<vmem>>, vector<2048x64xf32>
    %dot_general3A_654 = arith.constant dense<0.000000e+00> : vector<2048x64xf32>
    %dot_general3A_655 = tpu.matmul %get3A_653, %slice3A_637, %dot_general3A_654 {dimension_numbers = #tpu.dot_dimension_numbers<[1], [0], [0], [1], [0, 0, 1, 1], [], []>, precision = #tpu.contract_precision<fp32>, transpose_lhs_hint = false} : vector<2048x64xf32>, vector<64x64xf32>, vector<2048x64xf32> -> vector<2048x64xf32>
    %add3A_656 = vector.broadcast %add3A_644 : vector<1x64xf32> to vector<2048x64xf32>
    %add3A_657 = arith.addf %dot_general3A_655, %add3A_656 : vector<2048x64xf32>
    %swap3A_658 = arith.constant 0 : index
    %swap3A_659 = arith.constant 0 : index
    %swap3A_660 = vector.load %arg128[%swap3A_658, %swap3A_659] : memref<2048x64xf32, #tpu.memory_space<vmem>>, vector<2048x64xf32>
    tpu.vector_store %arg128[%swap3A_658, %swap3A_659], %add3A_657 {strides = array<i32>} : memref<2048x64xf32, #tpu.memory_space<vmem>>, vector<2048x64xf32>,
    %get3A_661 = arith.constant 0 : index
    %get3A_662 = arith.constant 0 : index
    %get3A_663 = vector.load %arg123[%get3A_661, %get3A_662] : memref<2048x64xf32, #tpu.memory_space<vmem>>, vector<2048x64xf32>
    %dot_general3A_664 = arith.constant dense<0.000000e+00> : vector<2048x64xf32>
    %dot_general3A_665 = tpu.matmul %get3A_663, %slice3A_638, %dot_general3A_664 {dimension_numbers = #tpu.dot_dimension_numbers<[1], [0], [0], [1], [0, 0, 1, 1], [], []>, precision = #tpu.contract_precision<fp32>, transpose_lhs_hint = false} : vector<2048x64xf32>, vector<64x64xf32>, vector<2048x64xf32> -> vector<2048x64xf32>
    %swap3A_666 = arith.constant 0 : index
    %swap3A_667 = arith.constant 0 : index
    %swap3A_668 = vector.load %arg129[%swap3A_666, %swap3A_667] : memref<4096x64xf32, #tpu.memory_space<vmem>>, vector<2048x64xf32>
    tpu.vector_store %arg129[%swap3A_666, %swap3A_667], %dot_general3A_665 {strides = array<i32>} : memref<4096x64xf32, #tpu.memory_space<vmem>>, vector<2048x64xf32>,
    %scan3A_669 = arith.constant 0 : i32
    %scan3A_670 = arith.constant 32 : i32
    %scan3A_671 = arith.addi %scan3A_669, %scan3A_670 : i32
    %scan3A_672 = arith.constant 1 : i32
    scf.for %scan3A_1223 = %scan3A_669 to %scan3A_671 step %scan3A_672  : i32 {
      %mul3A_1224 = arith.constant 64 : i32
      %mul3A_1225 = arith.muli %scan3A_1223, %mul3A_1224 : i32
      %get3A_1226 = arith.index_cast %mul3A_1225 : i32 to index
      %get3A_1227 = arith.constant 0 : index
      %get3A_1228 = vector.load %arg125[%get3A_1226, %get3A_1227] : memref<2048x3xf32, #tpu.memory_space<vmem>>, vector<64x3xf32>
      %get3A_1229 = arith.index_cast %mul3A_1225 : i32 to index
      %get3A_1230 = arith.constant 0 : index
      %get3A_1231 = vector.load %arg6[%get3A_1229, %get3A_1230] : memref<2048x1xi32, #tpu.memory_space<vmem>>, vector<64x1xi32>
      %get3A_1232 = arith.index_cast %mul3A_1225 : i32 to index
      %get3A_1233 = arith.constant 0 : index
      %get3A_1234 = vector.load %arg7[%get3A_1232, %get3A_1233] : memref<2048x1xi32, #tpu.memory_space<vmem>>, vector<64x1xi32>
      %get3A_1235 = arith.index_cast %mul3A_1225 : i32 to index
      %get3A_1236 = arith.constant 0 : index
      %get3A_1237 = vector.load %arg128[%get3A_1235, %get3A_1236] : memref<2048x64xf32, #tpu.memory_space<vmem>>, vector<64x64xf32>
      %concatenate3A_1238 = tpu.concatenate %get3A_1237, %get3A_1237 in 1 : vector<64x64xf32>, vector<64x64xf32> -> vector<64x128xf32>
      %iota3A = tpu.iota {dimensions = array<i32: 0>} : vector<64x1xi32>
      %add3A_1239 = vector.broadcast %mul3A_1225 : i32 to vector<64x1xi32>
      %add3A_1240 = arith.addi %add3A_1239, %iota3A : vector<64x1xi32>
      %get3A_1241 = arith.index_cast %scan3A_1223 : i32 to index
      %get3A_1242 = memref.load %arg10[%get3A_1241] : memref<32xi32, #tpu.memory_space<smem>>
      %get3A_1243 = arith.index_cast %scan3A_1223 : i32 to index
      %get3A_1244 = memref.load %arg11[%get3A_1243] : memref<32xi32, #tpu.memory_space<smem>>
      %broadcast_in_dim3A_1245 = arith.constant 0.000000e+00 : f32
      %broadcast_in_dim3A_1246 = vector.broadcast %broadcast_in_dim3A_1245 : f32 to vector<64x64xf32>
      %while3A = arith.subi %get3A_1244, %get3A_1242 : i32
      %while3A_1247 = arith.addi %get3A_1242, %while3A : i32
      %while3A_1248 = arith.constant 1 : i32
      %while3A_1249 = arith.divsi %while3A, %while3A_1248 : i32
      %while3A_1250 = arith.muli %while3A_1249, %while3A_1248 : i32
      %while3A_1251 = arith.addi %get3A_1242, %while3A_1250 : i32
      %while3A_1252 = arith.constant 1 : i32
      %while3A_1253 = scf.for %while3A_1259 = %get3A_1242 to %while3A_1251 step %while3A_1252 iter_args(%while3A_1260 = %broadcast_in_dim3A_1246) -> (vector<64x64xf32>)  : i32 {
        %mul3A_1261 = arith.constant 64 : i32
        %mul3A_1262 = arith.muli %while3A_1259, %mul3A_1261 : i32
        %get3A_1263 = arith.index_cast %mul3A_1262 : i32 to index
        %get3A_1264 = arith.constant 0 : index
        %get3A_1265 = vector.load %arg125[%get3A_1263, %get3A_1264] : memref<2048x3xf32, #tpu.memory_space<vmem>>, vector<64x3xf32>
        %get3A_1266 = arith.index_cast %mul3A_1262 : i32 to index
        %get3A_1267 = arith.constant 0 : index
        %get3A_1268 = vector.load %arg129[%get3A_1266, %get3A_1267] : memref<4096x64xf32, #tpu.memory_space<vmem>>, vector<64x64xf32>
        %slice3A_1269 = vector.extract_strided_slice %get3A_1268 {offsets = [0, 0], sizes = [32, 64], strides = [1, 1]} : vector<64x64xf32> to vector<32x64xf32>
        %slice3A_1270 = vector.extract_strided_slice %get3A_1268 {offsets = [32, 0], sizes = [32, 64], strides = [1, 1]} : vector<64x64xf32> to vector<32x64xf32>
        %concatenate3A_1271 = tpu.concatenate %slice3A_1269, %slice3A_1270 in 1 : vector<32x64xf32>, vector<32x64xf32> -> vector<32x128xf32>
        %broadcast_in_dim3A_1272 = vector.shape_cast %get3A_1228 : vector<64x3xf32> to vector<64x1x3xf32>
        %broadcast_in_dim3A_1273 = vector.shape_cast %get3A_1265 : vector<64x3xf32> to vector<1x64x3xf32>
        %sub3A_1274 = vector.broadcast %broadcast_in_dim3A_1272 : vector<64x1x3xf32> to vector<64x64x3xf32>
        %sub3A_1275 = vector.broadcast %broadcast_in_dim3A_1273 : vector<1x64x3xf32> to vector<64x64x3xf32>
        %sub3A_1276 = arith.subf %sub3A_1274, %sub3A_1275 : vector<64x64x3xf32>
        %mul3A_1277 = arith.mulf %sub3A_1276, %sub3A_1276 : vector<64x64x3xf32>
        %reduce_sum3A_1278 = arith.constant dense<0.000000e+00> : vector<64x64xf32>
        %reduce_sum3A_1279 = vector.multi_reduction <add>, %mul3A_1277, %reduce_sum3A_1278 [2] : vector<64x64x3xf32> to vector<64x64xf32>
        %slice3A_1280 = vector.extract_strided_slice %reduce_sum3A_1279 {offsets = [0, 0], sizes = [64, 32], strides = [1, 1]} : vector<64x64xf32> to vector<64x32xf32>
        %broadcast_in_dim3A_1281 = vector.shape_cast %slice3A_1280 : vector<64x32xf32> to vector<64x32x1xf32>
        %broadcast_in_dim3A_1282 = vector.shape_cast %slice3A_639 : vector<1x64xf32> to vector<1x1x64xf32>
        %mul3A_1283 = vector.broadcast %broadcast_in_dim3A_1281 : vector<64x32x1xf32> to vector<64x32x64xf32>
        %mul3A_1284 = vector.broadcast %broadcast_in_dim3A_1282 : vector<1x1x64xf32> to vector<64x32x64xf32>
        %mul3A_1285 = arith.mulf %mul3A_1283, %mul3A_1284 : vector<64x32x64xf32>
        %slice3A_1286 = vector.extract_strided_slice %reduce_sum3A_1279 {offsets = [0, 32], sizes = [64, 32], strides = [1, 1]} : vector<64x64xf32> to vector<64x32xf32>
        %broadcast_in_dim3A_1287 = vector.shape_cast %slice3A_1286 : vector<64x32xf32> to vector<64x32x1xf32>
        %broadcast_in_dim3A_1288 = vector.shape_cast %slice3A_639 : vector<1x64xf32> to vector<1x1x64xf32>
        %mul3A_1289 = vector.broadcast %broadcast_in_dim3A_1287 : vector<64x32x1xf32> to vector<64x32x64xf32>
        %mul3A_1290 = vector.broadcast %broadcast_in_dim3A_1288 : vector<1x1x64xf32> to vector<64x32x64xf32>
        %mul3A_1291 = arith.mulf %mul3A_1289, %mul3A_1290 : vector<64x32x64xf32>
        %concatenate3A_1292 = tpu.concatenate %mul3A_1285, %mul3A_1291 in 2 : vector<64x32x64xf32>, vector<64x32x64xf32> -> vector<64x32x128xf32>
        %broadcast_in_dim3A_1293 = vector.shape_cast %concatenate3A_1238 : vector<64x128xf32> to vector<64x1x128xf32>
        %broadcast_in_dim3A_1294 = vector.shape_cast %concatenate3A_1271 : vector<32x128xf32> to vector<1x32x128xf32>
        %add3A_1295 = vector.broadcast %broadcast_in_dim3A_1293 : vector<64x1x128xf32> to vector<64x32x128xf32>
        %add3A_1296 = vector.broadcast %broadcast_in_dim3A_1294 : vector<1x32x128xf32> to vector<64x32x128xf32>
        %add3A_1297 = arith.addf %add3A_1295, %add3A_1296 : vector<64x32x128xf32>
        %add3A_1298 = arith.addf %add3A_1297, %concatenate3A_1292 : vector<64x32x128xf32>
        %logistic3A_1299 = arith.negf %add3A_1298 : vector<64x32x128xf32>
        %logistic3A_1300 = math.exp %logistic3A_1299 : vector<64x32x128xf32>
        %logistic3A_1301 = arith.constant 1.000000e+00 : f32
        %logistic3A_1302 = vector.broadcast %logistic3A_1301 : f32 to vector<64x32x128xf32>
        %logistic3A_1303 = arith.addf %logistic3A_1302, %logistic3A_1300 : vector<64x32x128xf32>
        %logistic3A_1304 = arith.divf %logistic3A_1302, %logistic3A_1303 : vector<64x32x128xf32>
        %mul3A_1305 = arith.mulf %add3A_1298, %logistic3A_1304 : vector<64x32x128xf32>
        %reshape3A_1306 = vector.shape_cast %mul3A_1305 : vector<64x32x128xf32> to vector<2048x128xf32>
        %dot_general3A_1307 = arith.constant dense<0.000000e+00> : vector<2048x128xf32>
        %dot_general3A_1308 = tpu.matmul %reshape3A_1306, %concatenate3A_649, %dot_general3A_1307 {dimension_numbers = #tpu.dot_dimension_numbers<[1], [0], [0], [1], [0, 0, 1, 1], [], []>, precision = #tpu.contract_precision<fp32>, transpose_lhs_hint = false} : vector<2048x128xf32>, vector<128x128xf32>, vector<2048x128xf32> -> vector<2048x128xf32>
        %broadcast_in_dim3A_1309 = vector.shape_cast %concatenate3A_650 : vector<128xf32> to vector<1x128xf32>
        %add3A_1310 = vector.broadcast %broadcast_in_dim3A_1309 : vector<1x128xf32> to vector<2048x128xf32>
        %add3A_1311 = arith.addf %dot_general3A_1308, %add3A_1310 : vector<2048x128xf32>
        %logistic3A_1312 = arith.negf %add3A_1311 : vector<2048x128xf32>
        %logistic3A_1313 = math.exp %logistic3A_1312 : vector<2048x128xf32>
        %logistic3A_1314 = arith.constant 1.000000e+00 : f32
        %logistic3A_1315 = vector.broadcast %logistic3A_1314 : f32 to vector<2048x128xf32>
        %logistic3A_1316 = arith.addf %logistic3A_1315, %logistic3A_1313 : vector<2048x128xf32>
        %logistic3A_1317 = arith.divf %logistic3A_1315, %logistic3A_1316 : vector<2048x128xf32>
        %mul3A_1318 = arith.mulf %add3A_1311, %logistic3A_1317 : vector<2048x128xf32>
        %iota3A_1319 = tpu.iota {dimensions = array<i32: 1>} : vector<1x64xi32>
        %add3A_1320 = vector.broadcast %mul3A_1262 : i32 to vector<1x64xi32>
        %add3A_1321 = arith.addi %add3A_1320, %iota3A_1319 : vector<1x64xi32>
        %ge3A = vector.broadcast %add3A_1321 : vector<1x64xi32> to vector<64x64xi32>
        %ge3A_1322 = vector.broadcast %get3A_1231 : vector<64x1xi32> to vector<64x64xi32>
        %ge3A_1323 = arith.cmpi sge, %ge3A, %ge3A_1322 : vector<64x64xi32>
        %lt3A = vector.broadcast %add3A_1321 : vector<1x64xi32> to vector<64x64xi32>
        %lt3A_1324 = vector.broadcast %get3A_1234 : vector<64x1xi32> to vector<64x64xi32>
        %lt3A_1325 = arith.cmpi slt, %lt3A, %lt3A_1324 : vector<64x64xi32>
        %and3A = arith.andi %ge3A_1323, %lt3A_1325 : vector<64x64xi1>
        %ne3A = vector.broadcast %add3A_1240 : vector<64x1xi32> to vector<64x64xi32>
        %ne3A_1326 = vector.broadcast %add3A_1321 : vector<1x64xi32> to vector<64x64xi32>
        %ne3A_1327 = arith.cmpi ne, %ne3A, %ne3A_1326 : vector<64x64xi32>
        %and3A_1328 = arith.andi %and3A, %ne3A_1327 : vector<64x64xi1>
        %convert_element_type3A = arith.extui %and3A_1328 : vector<64x64xi1> to vector<64x64xi32>
        %convert_element_type3A_1329 = arith.sitofp %convert_element_type3A : vector<64x64xi32> to vector<64x64xf32>
        %broadcast_in_dim3A_1330 = arith.constant 1.000000e+00 : f32
        %broadcast_in_dim3A_1331 = vector.broadcast %broadcast_in_dim3A_1330 : f32 to vector<1x1x64xf32>
        %slice3A_1332 = vector.extract_strided_slice %convert_element_type3A_1329 {offsets = [0, 0], sizes = [64, 32], strides = [1, 1]} : vector<64x64xf32> to vector<64x32xf32>
        %broadcast_in_dim3A_1333 = vector.shape_cast %slice3A_1332 : vector<64x32xf32> to vector<64x32x1xf32>
        %mul3A_1334 = vector.broadcast %broadcast_in_dim3A_1333 : vector<64x32x1xf32> to vector<64x32x64xf32>
        %mul3A_1335 = vector.broadcast %broadcast_in_dim3A_1331 : vector<1x1x64xf32> to vector<64x32x64xf32>
        %mul3A_1336 = arith.mulf %mul3A_1334, %mul3A_1335 : vector<64x32x64xf32>
        %slice3A_1337 = vector.extract_strided_slice %convert_element_type3A_1329 {offsets = [0, 32], sizes = [64, 32], strides = [1, 1]} : vector<64x64xf32> to vector<64x32xf32>
        %broadcast_in_dim3A_1338 = vector.shape_cast %slice3A_1337 : vector<64x32xf32> to vector<64x32x1xf32>
        %mul3A_1339 = vector.broadcast %broadcast_in_dim3A_1338 : vector<64x32x1xf32> to vector<64x32x64xf32>
        %mul3A_1340 = vector.broadcast %broadcast_in_dim3A_1331 : vector<1x1x64xf32> to vector<64x32x64xf32>
        %mul3A_1341 = arith.mulf %mul3A_1339, %mul3A_1340 : vector<64x32x64xf32>
        %concatenate3A_1342 = tpu.concatenate %mul3A_1336, %mul3A_1341 in 2 : vector<64x32x64xf32>, vector<64x32x64xf32> -> vector<64x32x128xf32>
        %reshape3A_1343 = vector.shape_cast %mul3A_1318 : vector<2048x128xf32> to vector<64x32x128xf32>
        %mul3A_1344 = arith.mulf %reshape3A_1343, %concatenate3A_1342 : vector<64x32x128xf32>
        %reduce_sum3A_1345 = arith.constant dense<0.000000e+00> : vector<64x128xf32>
        %reduce_sum3A_1346 = vector.multi_reduction <add>, %mul3A_1344, %reduce_sum3A_1345 [1] : vector<64x32x128xf32> to vector<64x128xf32>
        %slice3A_1347 = vector.extract_strided_slice %reduce_sum3A_1346 {offsets = [0, 0], sizes = [64, 64], strides = [1, 1]} : vector<64x128xf32> to vector<64x64xf32>
        %slice3A_1348 = vector.extract_strided_slice %reduce_sum3A_1346 {offsets = [0, 64], sizes = [64, 64], strides = [1, 1]} : vector<64x128xf32> to vector<64x64xf32>
        %add3A_1349 = arith.addf %slice3A_1347, %slice3A_1348 : vector<64x64xf32>
        %add3A_1350 = arith.addf %while3A_1260, %add3A_1349 : vector<64x64xf32>
        scf.yield %add3A_1350 : vector<64x64xf32>
      }
      %while3A_1254 = arith.constant 1 : i32
      %while3A_1255 = scf.for %while3A_1259 = %while3A_1251 to %while3A_1247 step %while3A_1254 iter_args(%while3A_1260 = %while3A_1253) -> (vector<64x64xf32>)  : i32 {
        %mul3A_1261 = arith.constant 64 : i32
        %mul3A_1262 = arith.muli %while3A_1259, %mul3A_1261 : i32
        %get3A_1263 = arith.index_cast %mul3A_1262 : i32 to index
        %get3A_1264 = arith.constant 0 : index
        %get3A_1265 = vector.load %arg125[%get3A_1263, %get3A_1264] : memref<2048x3xf32, #tpu.memory_space<vmem>>, vector<64x3xf32>
        %get3A_1266 = arith.index_cast %mul3A_1262 : i32 to index
        %get3A_1267 = arith.constant 0 : index
        %get3A_1268 = vector.load %arg129[%get3A_1266, %get3A_1267] : memref<4096x64xf32, #tpu.memory_space<vmem>>, vector<64x64xf32>
        %slice3A_1269 = vector.extract_strided_slice %get3A_1268 {offsets = [0, 0], sizes = [32, 64], strides = [1, 1]} : vector<64x64xf32> to vector<32x64xf32>
        %slice3A_1270 = vector.extract_strided_slice %get3A_1268 {offsets = [32, 0], sizes = [32, 64], strides = [1, 1]} : vector<64x64xf32> to vector<32x64xf32>
        %concatenate3A_1271 = tpu.concatenate %slice3A_1269, %slice3A_1270 in 1 : vector<32x64xf32>, vector<32x64xf32> -> vector<32x128xf32>
        %broadcast_in_dim3A_1272 = vector.shape_cast %get3A_1228 : vector<64x3xf32> to vector<64x1x3xf32>
        %broadcast_in_dim3A_1273 = vector.shape_cast %get3A_1265 : vector<64x3xf32> to vector<1x64x3xf32>
        %sub3A_1274 = vector.broadcast %broadcast_in_dim3A_1272 : vector<64x1x3xf32> to vector<64x64x3xf32>
        %sub3A_1275 = vector.broadcast %broadcast_in_dim3A_1273 : vector<1x64x3xf32> to vector<64x64x3xf32>
        %sub3A_1276 = arith.subf %sub3A_1274, %sub3A_1275 : vector<64x64x3xf32>
        %mul3A_1277 = arith.mulf %sub3A_1276, %sub3A_1276 : vector<64x64x3xf32>
        %reduce_sum3A_1278 = arith.constant dense<0.000000e+00> : vector<64x64xf32>
        %reduce_sum3A_1279 = vector.multi_reduction <add>, %mul3A_1277, %reduce_sum3A_1278 [2] : vector<64x64x3xf32> to vector<64x64xf32>
        %slice3A_1280 = vector.extract_strided_slice %reduce_sum3A_1279 {offsets = [0, 0], sizes = [64, 32], strides = [1, 1]} : vector<64x64xf32> to vector<64x32xf32>
        %broadcast_in_dim3A_1281 = vector.shape_cast %slice3A_1280 : vector<64x32xf32> to vector<64x32x1xf32>
        %broadcast_in_dim3A_1282 = vector.shape_cast %slice3A_639 : vector<1x64xf32> to vector<1x1x64xf32>
        %mul3A_1283 = vector.broadcast %broadcast_in_dim3A_1281 : vector<64x32x1xf32> to vector<64x32x64xf32>
        %mul3A_1284 = vector.broadcast %broadcast_in_dim3A_1282 : vector<1x1x64xf32> to vector<64x32x64xf32>
        %mul3A_1285 = arith.mulf %mul3A_1283, %mul3A_1284 : vector<64x32x64xf32>
        %slice3A_1286 = vector.extract_strided_slice %reduce_sum3A_1279 {offsets = [0, 32], sizes = [64, 32], strides = [1, 1]} : vector<64x64xf32> to vector<64x32xf32>
        %broadcast_in_dim3A_1287 = vector.shape_cast %slice3A_1286 : vector<64x32xf32> to vector<64x32x1xf32>
        %broadcast_in_dim3A_1288 = vector.shape_cast %slice3A_639 : vector<1x64xf32> to vector<1x1x64xf32>
        %mul3A_1289 = vector.broadcast %broadcast_in_dim3A_1287 : vector<64x32x1xf32> to vector<64x32x64xf32>
        %mul3A_1290 = vector.broadcast %broadcast_in_dim3A_1288 : vector<1x1x64xf32> to vector<64x32x64xf32>
        %mul3A_1291 = arith.mulf %mul3A_1289, %mul3A_1290 : vector<64x32x64xf32>
        %concatenate3A_1292 = tpu.concatenate %mul3A_1285, %mul3A_1291 in 2 : vector<64x32x64xf32>, vector<64x32x64xf32> -> vector<64x32x128xf32>
        %broadcast_in_dim3A_1293 = vector.shape_cast %concatenate3A_1238 : vector<64x128xf32> to vector<64x1x128xf32>
        %broadcast_in_dim3A_1294 = vector.shape_cast %concatenate3A_1271 : vector<32x128xf32> to vector<1x32x128xf32>
        %add3A_1295 = vector.broadcast %broadcast_in_dim3A_1293 : vector<64x1x128xf32> to vector<64x32x128xf32>
        %add3A_1296 = vector.broadcast %broadcast_in_dim3A_1294 : vector<1x32x128xf32> to vector<64x32x128xf32>
        %add3A_1297 = arith.addf %add3A_1295, %add3A_1296 : vector<64x32x128xf32>
        %add3A_1298 = arith.addf %add3A_1297, %concatenate3A_1292 : vector<64x32x128xf32>
        %logistic3A_1299 = arith.negf %add3A_1298 : vector<64x32x128xf32>
        %logistic3A_1300 = math.exp %logistic3A_1299 : vector<64x32x128xf32>
        %logistic3A_1301 = arith.constant 1.000000e+00 : f32
        %logistic3A_1302 = vector.broadcast %logistic3A_1301 : f32 to vector<64x32x128xf32>
        %logistic3A_1303 = arith.addf %logistic3A_1302, %logistic3A_1300 : vector<64x32x128xf32>
        %logistic3A_1304 = arith.divf %logistic3A_1302, %logistic3A_1303 : vector<64x32x128xf32>
        %mul3A_1305 = arith.mulf %add3A_1298, %logistic3A_1304 : vector<64x32x128xf32>
        %reshape3A_1306 = vector.shape_cast %mul3A_1305 : vector<64x32x128xf32> to vector<2048x128xf32>
        %dot_general3A_1307 = arith.constant dense<0.000000e+00> : vector<2048x128xf32>
        %dot_general3A_1308 = tpu.matmul %reshape3A_1306, %concatenate3A_649, %dot_general3A_1307 {dimension_numbers = #tpu.dot_dimension_numbers<[1], [0], [0], [1], [0, 0, 1, 1], [], []>, precision = #tpu.contract_precision<fp32>, transpose_lhs_hint = false} : vector<2048x128xf32>, vector<128x128xf32>, vector<2048x128xf32> -> vector<2048x128xf32>
        %broadcast_in_dim3A_1309 = vector.shape_cast %concatenate3A_650 : vector<128xf32> to vector<1x128xf32>
        %add3A_1310 = vector.broadcast %broadcast_in_dim3A_1309 : vector<1x128xf32> to vector<2048x128xf32>
        %add3A_1311 = arith.addf %dot_general3A_1308, %add3A_1310 : vector<2048x128xf32>
        %logistic3A_1312 = arith.negf %add3A_1311 : vector<2048x128xf32>
        %logistic3A_1313 = math.exp %logistic3A_1312 : vector<2048x128xf32>
        %logistic3A_1314 = arith.constant 1.000000e+00 : f32
        %logistic3A_1315 = vector.broadcast %logistic3A_1314 : f32 to vector<2048x128xf32>
        %logistic3A_1316 = arith.addf %logistic3A_1315, %logistic3A_1313 : vector<2048x128xf32>
        %logistic3A_1317 = arith.divf %logistic3A_1315, %logistic3A_1316 : vector<2048x128xf32>
        %mul3A_1318 = arith.mulf %add3A_1311, %logistic3A_1317 : vector<2048x128xf32>
        %iota3A_1319 = tpu.iota {dimensions = array<i32: 1>} : vector<1x64xi32>
        %add3A_1320 = vector.broadcast %mul3A_1262 : i32 to vector<1x64xi32>
        %add3A_1321 = arith.addi %add3A_1320, %iota3A_1319 : vector<1x64xi32>
        %ge3A = vector.broadcast %add3A_1321 : vector<1x64xi32> to vector<64x64xi32>
        %ge3A_1322 = vector.broadcast %get3A_1231 : vector<64x1xi32> to vector<64x64xi32>
        %ge3A_1323 = arith.cmpi sge, %ge3A, %ge3A_1322 : vector<64x64xi32>
        %lt3A = vector.broadcast %add3A_1321 : vector<1x64xi32> to vector<64x64xi32>
        %lt3A_1324 = vector.broadcast %get3A_1234 : vector<64x1xi32> to vector<64x64xi32>
        %lt3A_1325 = arith.cmpi slt, %lt3A, %lt3A_1324 : vector<64x64xi32>
        %and3A = arith.andi %ge3A_1323, %lt3A_1325 : vector<64x64xi1>
        %ne3A = vector.broadcast %add3A_1240 : vector<64x1xi32> to vector<64x64xi32>
        %ne3A_1326 = vector.broadcast %add3A_1321 : vector<1x64xi32> to vector<64x64xi32>
        %ne3A_1327 = arith.cmpi ne, %ne3A, %ne3A_1326 : vector<64x64xi32>
        %and3A_1328 = arith.andi %and3A, %ne3A_1327 : vector<64x64xi1>
        %convert_element_type3A = arith.extui %and3A_1328 : vector<64x64xi1> to vector<64x64xi32>
        %convert_element_type3A_1329 = arith.sitofp %convert_element_type3A : vector<64x64xi32> to vector<64x64xf32>
        %broadcast_in_dim3A_1330 = arith.constant 1.000000e+00 : f32
        %broadcast_in_dim3A_1331 = vector.broadcast %broadcast_in_dim3A_1330 : f32 to vector<1x1x64xf32>
        %slice3A_1332 = vector.extract_strided_slice %convert_element_type3A_1329 {offsets = [0, 0], sizes = [64, 32], strides = [1, 1]} : vector<64x64xf32> to vector<64x32xf32>
        %broadcast_in_dim3A_1333 = vector.shape_cast %slice3A_1332 : vector<64x32xf32> to vector<64x32x1xf32>
        %mul3A_1334 = vector.broadcast %broadcast_in_dim3A_1333 : vector<64x32x1xf32> to vector<64x32x64xf32>
        %mul3A_1335 = vector.broadcast %broadcast_in_dim3A_1331 : vector<1x1x64xf32> to vector<64x32x64xf32>
        %mul3A_1336 = arith.mulf %mul3A_1334, %mul3A_1335 : vector<64x32x64xf32>
        %slice3A_1337 = vector.extract_strided_slice %convert_element_type3A_1329 {offsets = [0, 32], sizes = [64, 32], strides = [1, 1]} : vector<64x64xf32> to vector<64x32xf32>
        %broadcast_in_dim3A_1338 = vector.shape_cast %slice3A_1337 : vector<64x32xf32> to vector<64x32x1xf32>
        %mul3A_1339 = vector.broadcast %broadcast_in_dim3A_1338 : vector<64x32x1xf32> to vector<64x32x64xf32>
        %mul3A_1340 = vector.broadcast %broadcast_in_dim3A_1331 : vector<1x1x64xf32> to vector<64x32x64xf32>
        %mul3A_1341 = arith.mulf %mul3A_1339, %mul3A_1340 : vector<64x32x64xf32>
        %concatenate3A_1342 = tpu.concatenate %mul3A_1336, %mul3A_1341 in 2 : vector<64x32x64xf32>, vector<64x32x64xf32> -> vector<64x32x128xf32>
        %reshape3A_1343 = vector.shape_cast %mul3A_1318 : vector<2048x128xf32> to vector<64x32x128xf32>
        %mul3A_1344 = arith.mulf %reshape3A_1343, %concatenate3A_1342 : vector<64x32x128xf32>
        %reduce_sum3A_1345 = arith.constant dense<0.000000e+00> : vector<64x128xf32>
        %reduce_sum3A_1346 = vector.multi_reduction <add>, %mul3A_1344, %reduce_sum3A_1345 [1] : vector<64x32x128xf32> to vector<64x128xf32>
        %slice3A_1347 = vector.extract_strided_slice %reduce_sum3A_1346 {offsets = [0, 0], sizes = [64, 64], strides = [1, 1]} : vector<64x128xf32> to vector<64x64xf32>
        %slice3A_1348 = vector.extract_strided_slice %reduce_sum3A_1346 {offsets = [0, 64], sizes = [64, 64], strides = [1, 1]} : vector<64x128xf32> to vector<64x64xf32>
        %add3A_1349 = arith.addf %slice3A_1347, %slice3A_1348 : vector<64x64xf32>
        %add3A_1350 = arith.addf %while3A_1260, %add3A_1349 : vector<64x64xf32>
        scf.yield %add3A_1350 : vector<64x64xf32>
      }
      %swap3A_1256 = arith.index_cast %mul3A_1225 : i32 to index
      %swap3A_1257 = arith.constant 0 : index
      %swap3A_1258 = vector.load %arg126[%swap3A_1256, %swap3A_1257] : memref<2048x64xf32, #tpu.memory_space<vmem>>, vector<64x64xf32>
      tpu.vector_store %arg126[%swap3A_1256, %swap3A_1257], %while3A_1255 {strides = array<i32>} : memref<2048x64xf32, #tpu.memory_space<vmem>>, vector<64x64xf32>,
    }
    %scan3A_673 = arith.constant 32 : i32
    %get3A_674 = arith.constant 0 : index
    %get3A_675 = arith.constant 0 : index
    %get3A_676 = vector.load %arg123[%get3A_674, %get3A_675] : memref<2048x64xf32, #tpu.memory_space<vmem>>, vector<2048x64xf32>
    %get3A_677 = arith.constant 0 : index
    %get3A_678 = arith.constant 0 : index
    %get3A_679 = vector.load %arg126[%get3A_677, %get3A_678] : memref<2048x64xf32, #tpu.memory_space<vmem>>, vector<2048x64xf32>
    %div3A_680 = arith.constant 1.000000e+02 : f32
    %div3A_681 = vector.broadcast %div3A_680 : f32 to vector<2048x64xf32>
    %div3A_682 = arith.divf %get3A_679, %div3A_681 : vector<2048x64xf32>
    %slice3A_683 = vector.extract_strided_slice %get3A_253 {offsets = [0, 0], sizes = [64, 64], strides = [1, 1]} : vector<128x64xf32> to vector<64x64xf32>
    %dot_general3A_684 = arith.constant dense<0.000000e+00> : vector<2048x64xf32>
    %dot_general3A_685 = tpu.matmul %get3A_676, %slice3A_683, %dot_general3A_684 {dimension_numbers = #tpu.dot_dimension_numbers<[1], [0], [0], [1], [0, 0, 1, 1], [], []>, precision = #tpu.contract_precision<fp32>, transpose_lhs_hint = false} : vector<2048x64xf32>, vector<64x64xf32>, vector<2048x64xf32> -> vector<2048x64xf32>
    %slice3A_686 = vector.extract_strided_slice %get3A_253 {offsets = [64, 0], sizes = [64, 64], strides = [1, 1]} : vector<128x64xf32> to vector<64x64xf32>
    %dot_general3A_687 = arith.constant dense<0.000000e+00> : vector<2048x64xf32>
    %dot_general3A_688 = tpu.matmul %div3A_682, %slice3A_686, %dot_general3A_687 {dimension_numbers = #tpu.dot_dimension_numbers<[1], [0], [0], [1], [0, 0, 1, 1], [], []>, precision = #tpu.contract_precision<fp32>, transpose_lhs_hint = false} : vector<2048x64xf32>, vector<64x64xf32>, vector<2048x64xf32> -> vector<2048x64xf32>
    %add3A_689 = arith.addf %dot_general3A_685, %dot_general3A_688 : vector<2048x64xf32>
    %broadcast_in_dim3A_690 = vector.shape_cast %get3A_250 : vector<64xf32> to vector<1x64xf32>
    %add3A_691 = vector.broadcast %broadcast_in_dim3A_690 : vector<1x64xf32> to vector<2048x64xf32>
    %add3A_692 = arith.addf %add3A_689, %add3A_691 : vector<2048x64xf32>
    %logistic3A_693 = arith.negf %add3A_692 : vector<2048x64xf32>
    %logistic3A_694 = math.exp %logistic3A_693 : vector<2048x64xf32>
    %logistic3A_695 = arith.constant 1.000000e+00 : f32
    %logistic3A_696 = vector.broadcast %logistic3A_695 : f32 to vector<2048x64xf32>
    %logistic3A_697 = arith.addf %logistic3A_696, %logistic3A_694 : vector<2048x64xf32>
    %logistic3A_698 = arith.divf %logistic3A_696, %logistic3A_697 : vector<2048x64xf32>
    %mul3A_699 = arith.mulf %add3A_692, %logistic3A_698 : vector<2048x64xf32>
    %dot_general3A_700 = arith.constant dense<0.000000e+00> : vector<2048x64xf32>
    %dot_general3A_701 = tpu.matmul %mul3A_699, %get3A_258, %dot_general3A_700 {dimension_numbers = #tpu.dot_dimension_numbers<[1], [0], [0], [1], [0, 0, 1, 1], [], []>, precision = #tpu.contract_precision<fp32>, transpose_lhs_hint = false} : vector<2048x64xf32>, vector<64x64xf32>, vector<2048x64xf32> -> vector<2048x64xf32>
    %add3A_702 = arith.addf %get3A_676, %dot_general3A_701 : vector<2048x64xf32>
    %broadcast_in_dim3A_703 = vector.shape_cast %get3A_255 : vector<64xf32> to vector<1x64xf32>
    %add3A_704 = vector.broadcast %broadcast_in_dim3A_703 : vector<1x64xf32> to vector<2048x64xf32>
    %add3A_705 = arith.addf %add3A_702, %add3A_704 : vector<2048x64xf32>
    %swap3A_706 = arith.constant 0 : index
    %swap3A_707 = arith.constant 0 : index
    %swap3A_708 = vector.load %arg123[%swap3A_706, %swap3A_707] : memref<2048x64xf32, #tpu.memory_space<vmem>>, vector<2048x64xf32>
    tpu.vector_store %arg123[%swap3A_706, %swap3A_707], %add3A_705 {strides = array<i32>} : memref<2048x64xf32, #tpu.memory_space<vmem>>, vector<2048x64xf32>,
    %slice3A_709 = vector.extract_strided_slice %get3A_210 {offsets = [0, 0], sizes = [64, 64], strides = [1, 1]} : vector<145x64xf32> to vector<64x64xf32>
    %slice3A_710 = vector.extract_strided_slice %get3A_210 {offsets = [64, 0], sizes = [64, 64], strides = [1, 1]} : vector<145x64xf32> to vector<64x64xf32>
    %slice3A_711 = vector.extract_strided_slice %get3A_210 {offsets = [128, 0], sizes = [1, 64], strides = [1, 1]} : vector<145x64xf32> to vector<1x64xf32>
    %slice3A_712 = vector.extract_strided_slice %get3A_210 {offsets = [129, 0], sizes = [16, 64], strides = [1, 1]} : vector<145x64xf32> to vector<16x64xf32>
    %dot_general3A_713 = arith.constant dense<0.000000e+00> : vector<1x64xf32>
    %dot_general3A_714 = tpu.matmul %slice3A, %slice3A_712, %dot_general3A_713 {dimension_numbers = #tpu.dot_dimension_numbers<[1], [0], [0], [1], [0, 0, 1, 1], [], []>, precision = #tpu.contract_precision<fp32>, transpose_lhs_hint = false} : vector<1x16xf32>, vector<16x64xf32>, vector<1x64xf32> -> vector<1x64xf32>
    %reshape3A_715 = vector.shape_cast %get3A_207 : vector<64xf32> to vector<1x64xf32>
    %add3A_716 = arith.addf %dot_general3A_714, %reshape3A_715 : vector<1x64xf32>
    %broadcast_in_dim3A_717 = arith.constant 0.000000e+00 : f32
    %broadcast_in_dim3A_718 = vector.broadcast %broadcast_in_dim3A_717 : f32 to vector<64x64xf32>
    %concatenate3A_719 = tpu.concatenate %get3A_215, %broadcast_in_dim3A_718 in 1 : vector<64x64xf32>, vector<64x64xf32> -> vector<64x128xf32>
    %concatenate3A_720 = tpu.concatenate %broadcast_in_dim3A_718, %get3A_215 in 1 : vector<64x64xf32>, vector<64x64xf32> -> vector<64x128xf32>
    %concatenate3A_721 = tpu.concatenate %concatenate3A_719, %concatenate3A_720 in 0 : vector<64x128xf32>, vector<64x128xf32> -> vector<128x128xf32>
    %concatenate3A_722 = tpu.concatenate %get3A_212, %get3A_212 in 0 : vector<64xf32>, vector<64xf32> -> vector<128xf32>
    %broadcast_in_dim3A_723 = arith.constant 0.000000e+00 : f32
    %broadcast_in_dim3A_724 = vector.broadcast %broadcast_in_dim3A_723 : f32 to vector<64x1xf32>
    %concatenate3A_725 = tpu.concatenate %get3A_218, %broadcast_in_dim3A_724 in 1 : vector<64x1xf32>, vector<64x1xf32> -> vector<64x2xf32>
    %concatenate3A_726 = tpu.concatenate %broadcast_in_dim3A_724, %get3A_218 in 1 : vector<64x1xf32>, vector<64x1xf32> -> vector<64x2xf32>
    %concatenate3A_727 = tpu.concatenate %concatenate3A_725, %concatenate3A_726 in 0 : vector<64x2xf32>, vector<64x2xf32> -> vector<128x2xf32>
    %get3A_728 = arith.constant 0 : index
    %get3A_729 = arith.constant 0 : index
    %get3A_730 = vector.load %arg123[%get3A_728, %get3A_729] : memref<2048x64xf32, #tpu.memory_space<vmem>>, vector<2048x64xf32>
    %dot_general3A_731 = arith.constant dense<0.000000e+00> : vector<2048x64xf32>
    %dot_general3A_732 = tpu.matmul %get3A_730, %slice3A_709, %dot_general3A_731 {dimension_numbers = #tpu.dot_dimension_numbers<[1], [0], [0], [1], [0, 0, 1, 1], [], []>, precision = #tpu.contract_precision<fp32>, transpose_lhs_hint = false} : vector<2048x64xf32>, vector<64x64xf32>, vector<2048x64xf32> -> vector<2048x64xf32>
    %add3A_733 = vector.broadcast %add3A_716 : vector<1x64xf32> to vector<2048x64xf32>
    %add3A_734 = arith.addf %dot_general3A_732, %add3A_733 : vector<2048x64xf32>
    %swap3A_735 = arith.constant 0 : index
    %swap3A_736 = arith.constant 0 : index
    %swap3A_737 = vector.load %arg128[%swap3A_735, %swap3A_736] : memref<2048x64xf32, #tpu.memory_space<vmem>>, vector<2048x64xf32>
    tpu.vector_store %arg128[%swap3A_735, %swap3A_736], %add3A_734 {strides = array<i32>} : memref<2048x64xf32, #tpu.memory_space<vmem>>, vector<2048x64xf32>,
    %get3A_738 = arith.constant 0 : index
    %get3A_739 = arith.constant 0 : index
    %get3A_740 = vector.load %arg123[%get3A_738, %get3A_739] : memref<2048x64xf32, #tpu.memory_space<vmem>>, vector<2048x64xf32>
    %dot_general3A_741 = arith.constant dense<0.000000e+00> : vector<2048x64xf32>
    %dot_general3A_742 = tpu.matmul %get3A_740, %slice3A_710, %dot_general3A_741 {dimension_numbers = #tpu.dot_dimension_numbers<[1], [0], [0], [1], [0, 0, 1, 1], [], []>, precision = #tpu.contract_precision<fp32>, transpose_lhs_hint = false} : vector<2048x64xf32>, vector<64x64xf32>, vector<2048x64xf32> -> vector<2048x64xf32>
    %swap3A_743 = arith.constant 0 : index
    %swap3A_744 = arith.constant 0 : index
    %swap3A_745 = vector.load %arg129[%swap3A_743, %swap3A_744] : memref<4096x64xf32, #tpu.memory_space<vmem>>, vector<2048x64xf32>
    tpu.vector_store %arg129[%swap3A_743, %swap3A_744], %dot_general3A_742 {strides = array<i32>} : memref<4096x64xf32, #tpu.memory_space<vmem>>, vector<2048x64xf32>,
    %scan3A_746 = arith.constant 0 : i32
    %scan3A_747 = arith.constant 32 : i32
    %scan3A_748 = arith.addi %scan3A_746, %scan3A_747 : i32
    %scan3A_749 = arith.constant 1 : i32
    scf.for %scan3A_1223 = %scan3A_746 to %scan3A_748 step %scan3A_749  : i32 {
      %mul3A_1224 = arith.constant 64 : i32
      %mul3A_1225 = arith.muli %scan3A_1223, %mul3A_1224 : i32
      %get3A_1226 = arith.index_cast %mul3A_1225 : i32 to index
      %get3A_1227 = arith.constant 0 : index
      %get3A_1228 = vector.load %arg125[%get3A_1226, %get3A_1227] : memref<2048x3xf32, #tpu.memory_space<vmem>>, vector<64x3xf32>
      %get3A_1229 = arith.index_cast %mul3A_1225 : i32 to index
      %get3A_1230 = arith.constant 0 : index
      %get3A_1231 = vector.load %arg6[%get3A_1229, %get3A_1230] : memref<2048x1xi32, #tpu.memory_space<vmem>>, vector<64x1xi32>
      %get3A_1232 = arith.index_cast %mul3A_1225 : i32 to index
      %get3A_1233 = arith.constant 0 : index
      %get3A_1234 = vector.load %arg7[%get3A_1232, %get3A_1233] : memref<2048x1xi32, #tpu.memory_space<vmem>>, vector<64x1xi32>
      %get3A_1235 = arith.index_cast %mul3A_1225 : i32 to index
      %get3A_1236 = arith.constant 0 : index
      %get3A_1237 = vector.load %arg128[%get3A_1235, %get3A_1236] : memref<2048x64xf32, #tpu.memory_space<vmem>>, vector<64x64xf32>
      %concatenate3A_1238 = tpu.concatenate %get3A_1237, %get3A_1237 in 1 : vector<64x64xf32>, vector<64x64xf32> -> vector<64x128xf32>
      %iota3A = tpu.iota {dimensions = array<i32: 0>} : vector<64x1xi32>
      %add3A_1239 = vector.broadcast %mul3A_1225 : i32 to vector<64x1xi32>
      %add3A_1240 = arith.addi %add3A_1239, %iota3A : vector<64x1xi32>
      %get3A_1241 = arith.index_cast %scan3A_1223 : i32 to index
      %get3A_1242 = memref.load %arg10[%get3A_1241] : memref<32xi32, #tpu.memory_space<smem>>
      %get3A_1243 = arith.index_cast %scan3A_1223 : i32 to index
      %get3A_1244 = memref.load %arg11[%get3A_1243] : memref<32xi32, #tpu.memory_space<smem>>
      %broadcast_in_dim3A_1245 = arith.constant 0.000000e+00 : f32
      %broadcast_in_dim3A_1246 = vector.broadcast %broadcast_in_dim3A_1245 : f32 to vector<64x3xf32>
      %while3A = arith.subi %get3A_1244, %get3A_1242 : i32
      %while3A_1247 = arith.addi %get3A_1242, %while3A : i32
      %while3A_1248 = arith.constant 1 : i32
      %while3A_1249 = arith.divsi %while3A, %while3A_1248 : i32
      %while3A_1250 = arith.muli %while3A_1249, %while3A_1248 : i32
      %while3A_1251 = arith.addi %get3A_1242, %while3A_1250 : i32
      %while3A_1252 = arith.constant 1 : i32
      %while3A_1253 = scf.for %while3A_1259 = %get3A_1242 to %while3A_1251 step %while3A_1252 iter_args(%while3A_1260 = %broadcast_in_dim3A_1246) -> (vector<64x3xf32>)  : i32 {
        %mul3A_1261 = arith.constant 64 : i32
        %mul3A_1262 = arith.muli %while3A_1259, %mul3A_1261 : i32
        %get3A_1263 = arith.index_cast %mul3A_1262 : i32 to index
        %get3A_1264 = arith.constant 0 : index
        %get3A_1265 = vector.load %arg125[%get3A_1263, %get3A_1264] : memref<2048x3xf32, #tpu.memory_space<vmem>>, vector<64x3xf32>
        %get3A_1266 = arith.index_cast %mul3A_1262 : i32 to index
        %get3A_1267 = arith.constant 0 : index
        %get3A_1268 = vector.load %arg129[%get3A_1266, %get3A_1267] : memref<4096x64xf32, #tpu.memory_space<vmem>>, vector<64x64xf32>
        %slice3A_1269 = vector.extract_strided_slice %get3A_1268 {offsets = [0, 0], sizes = [32, 64], strides = [1, 1]} : vector<64x64xf32> to vector<32x64xf32>
        %slice3A_1270 = vector.extract_strided_slice %get3A_1268 {offsets = [32, 0], sizes = [32, 64], strides = [1, 1]} : vector<64x64xf32> to vector<32x64xf32>
        %concatenate3A_1271 = tpu.concatenate %slice3A_1269, %slice3A_1270 in 1 : vector<32x64xf32>, vector<32x64xf32> -> vector<32x128xf32>
        %broadcast_in_dim3A_1272 = vector.shape_cast %get3A_1228 : vector<64x3xf32> to vector<64x1x3xf32>
        %broadcast_in_dim3A_1273 = vector.shape_cast %get3A_1265 : vector<64x3xf32> to vector<1x64x3xf32>
        %sub3A_1274 = vector.broadcast %broadcast_in_dim3A_1272 : vector<64x1x3xf32> to vector<64x64x3xf32>
        %sub3A_1275 = vector.broadcast %broadcast_in_dim3A_1273 : vector<1x64x3xf32> to vector<64x64x3xf32>
        %sub3A_1276 = arith.subf %sub3A_1274, %sub3A_1275 : vector<64x64x3xf32>
        %mul3A_1277 = arith.mulf %sub3A_1276, %sub3A_1276 : vector<64x64x3xf32>
        %reduce_sum3A_1278 = arith.constant dense<0.000000e+00> : vector<64x64xf32>
        %reduce_sum3A_1279 = vector.multi_reduction <add>, %mul3A_1277, %reduce_sum3A_1278 [2] : vector<64x64x3xf32> to vector<64x64xf32>
        %slice3A_1280 = vector.extract_strided_slice %reduce_sum3A_1279 {offsets = [0, 0], sizes = [64, 32], strides = [1, 1]} : vector<64x64xf32> to vector<64x32xf32>
        %broadcast_in_dim3A_1281 = vector.shape_cast %slice3A_1280 : vector<64x32xf32> to vector<64x32x1xf32>
        %broadcast_in_dim3A_1282 = vector.shape_cast %slice3A_711 : vector<1x64xf32> to vector<1x1x64xf32>
        %mul3A_1283 = vector.broadcast %broadcast_in_dim3A_1281 : vector<64x32x1xf32> to vector<64x32x64xf32>
        %mul3A_1284 = vector.broadcast %broadcast_in_dim3A_1282 : vector<1x1x64xf32> to vector<64x32x64xf32>
        %mul3A_1285 = arith.mulf %mul3A_1283, %mul3A_1284 : vector<64x32x64xf32>
        %slice3A_1286 = vector.extract_strided_slice %reduce_sum3A_1279 {offsets = [0, 32], sizes = [64, 32], strides = [1, 1]} : vector<64x64xf32> to vector<64x32xf32>
        %broadcast_in_dim3A_1287 = vector.shape_cast %slice3A_1286 : vector<64x32xf32> to vector<64x32x1xf32>
        %broadcast_in_dim3A_1288 = vector.shape_cast %slice3A_711 : vector<1x64xf32> to vector<1x1x64xf32>
        %mul3A_1289 = vector.broadcast %broadcast_in_dim3A_1287 : vector<64x32x1xf32> to vector<64x32x64xf32>
        %mul3A_1290 = vector.broadcast %broadcast_in_dim3A_1288 : vector<1x1x64xf32> to vector<64x32x64xf32>
        %mul3A_1291 = arith.mulf %mul3A_1289, %mul3A_1290 : vector<64x32x64xf32>
        %concatenate3A_1292 = tpu.concatenate %mul3A_1285, %mul3A_1291 in 2 : vector<64x32x64xf32>, vector<64x32x64xf32> -> vector<64x32x128xf32>
        %broadcast_in_dim3A_1293 = vector.shape_cast %concatenate3A_1238 : vector<64x128xf32> to vector<64x1x128xf32>
        %broadcast_in_dim3A_1294 = vector.shape_cast %concatenate3A_1271 : vector<32x128xf32> to vector<1x32x128xf32>
        %add3A_1295 = vector.broadcast %broadcast_in_dim3A_1293 : vector<64x1x128xf32> to vector<64x32x128xf32>
        %add3A_1296 = vector.broadcast %broadcast_in_dim3A_1294 : vector<1x32x128xf32> to vector<64x32x128xf32>
        %add3A_1297 = arith.addf %add3A_1295, %add3A_1296 : vector<64x32x128xf32>
        %add3A_1298 = arith.addf %add3A_1297, %concatenate3A_1292 : vector<64x32x128xf32>
        %logistic3A_1299 = arith.negf %add3A_1298 : vector<64x32x128xf32>
        %logistic3A_1300 = math.exp %logistic3A_1299 : vector<64x32x128xf32>
        %logistic3A_1301 = arith.constant 1.000000e+00 : f32
        %logistic3A_1302 = vector.broadcast %logistic3A_1301 : f32 to vector<64x32x128xf32>
        %logistic3A_1303 = arith.addf %logistic3A_1302, %logistic3A_1300 : vector<64x32x128xf32>
        %logistic3A_1304 = arith.divf %logistic3A_1302, %logistic3A_1303 : vector<64x32x128xf32>
        %mul3A_1305 = arith.mulf %add3A_1298, %logistic3A_1304 : vector<64x32x128xf32>
        %reshape3A_1306 = vector.shape_cast %mul3A_1305 : vector<64x32x128xf32> to vector<2048x128xf32>
        %dot_general3A_1307 = arith.constant dense<0.000000e+00> : vector<2048x128xf32>
        %dot_general3A_1308 = tpu.matmul %reshape3A_1306, %concatenate3A_721, %dot_general3A_1307 {dimension_numbers = #tpu.dot_dimension_numbers<[1], [0], [0], [1], [0, 0, 1, 1], [], []>, precision = #tpu.contract_precision<fp32>, transpose_lhs_hint = false} : vector<2048x128xf32>, vector<128x128xf32>, vector<2048x128xf32> -> vector<2048x128xf32>
        %broadcast_in_dim3A_1309 = vector.shape_cast %concatenate3A_722 : vector<128xf32> to vector<1x128xf32>
        %add3A_1310 = vector.broadcast %broadcast_in_dim3A_1309 : vector<1x128xf32> to vector<2048x128xf32>
        %add3A_1311 = arith.addf %dot_general3A_1308, %add3A_1310 : vector<2048x128xf32>
        %logistic3A_1312 = arith.negf %add3A_1311 : vector<2048x128xf32>
        %logistic3A_1313 = math.exp %logistic3A_1312 : vector<2048x128xf32>
        %logistic3A_1314 = arith.constant 1.000000e+00 : f32
        %logistic3A_1315 = vector.broadcast %logistic3A_1314 : f32 to vector<2048x128xf32>
        %logistic3A_1316 = arith.addf %logistic3A_1315, %logistic3A_1313 : vector<2048x128xf32>
        %logistic3A_1317 = arith.divf %logistic3A_1315, %logistic3A_1316 : vector<2048x128xf32>
        %mul3A_1318 = arith.mulf %add3A_1311, %logistic3A_1317 : vector<2048x128xf32>
        %iota3A_1319 = tpu.iota {dimensions = array<i32: 1>} : vector<1x64xi32>
        %add3A_1320 = vector.broadcast %mul3A_1262 : i32 to vector<1x64xi32>
        %add3A_1321 = arith.addi %add3A_1320, %iota3A_1319 : vector<1x64xi32>
        %ge3A = vector.broadcast %add3A_1321 : vector<1x64xi32> to vector<64x64xi32>
        %ge3A_1322 = vector.broadcast %get3A_1231 : vector<64x1xi32> to vector<64x64xi32>
        %ge3A_1323 = arith.cmpi sge, %ge3A, %ge3A_1322 : vector<64x64xi32>
        %lt3A = vector.broadcast %add3A_1321 : vector<1x64xi32> to vector<64x64xi32>
        %lt3A_1324 = vector.broadcast %get3A_1234 : vector<64x1xi32> to vector<64x64xi32>
        %lt3A_1325 = arith.cmpi slt, %lt3A, %lt3A_1324 : vector<64x64xi32>
        %and3A = arith.andi %ge3A_1323, %lt3A_1325 : vector<64x64xi1>
        %ne3A = vector.broadcast %add3A_1240 : vector<64x1xi32> to vector<64x64xi32>
        %ne3A_1326 = vector.broadcast %add3A_1321 : vector<1x64xi32> to vector<64x64xi32>
        %ne3A_1327 = arith.cmpi ne, %ne3A, %ne3A_1326 : vector<64x64xi32>
        %and3A_1328 = arith.andi %and3A, %ne3A_1327 : vector<64x64xi1>
        %convert_element_type3A = arith.extui %and3A_1328 : vector<64x64xi1> to vector<64x64xi32>
        %convert_element_type3A_1329 = arith.sitofp %convert_element_type3A : vector<64x64xi32> to vector<64x64xf32>
        %dot_general3A_1330 = arith.constant dense<0.000000e+00> : vector<2048x2xf32>
        %dot_general3A_1331 = tpu.matmul %mul3A_1318, %concatenate3A_727, %dot_general3A_1330 {dimension_numbers = #tpu.dot_dimension_numbers<[1], [0], [0], [1], [0, 0, 1, 1], [], []>, precision = #tpu.contract_precision<fp32>, transpose_lhs_hint = false} : vector<2048x128xf32>, vector<128x2xf32>, vector<2048x2xf32> -> vector<2048x2xf32>
        %tanh3A = math.tanh %dot_general3A_1331 : vector<2048x2xf32>
        %mul3A_1332 = arith.constant 7.500000e+00 : f32
        %mul3A_1333 = vector.broadcast %mul3A_1332 : f32 to vector<2048x2xf32>
        %mul3A_1334 = arith.mulf %tanh3A, %mul3A_1333 : vector<2048x2xf32>
        %reshape3A_1335 = vector.shape_cast %mul3A_1334 : vector<2048x2xf32> to vector<64x32x2xf32>
        %slice3A_1336 = vector.extract_strided_slice %reshape3A_1335 {offsets = [0, 0, 0], sizes = [64, 32, 1], strides = [1, 1, 1]} : vector<64x32x2xf32> to vector<64x32x1xf32>
        %squeeze3A = vector.shape_cast %slice3A_1336 : vector<64x32x1xf32> to vector<64x32xf32>
        %slice3A_1337 = vector.extract_strided_slice %reshape3A_1335 {offsets = [0, 0, 1], sizes = [64, 32, 1], strides = [1, 1, 1]} : vector<64x32x2xf32> to vector<64x32x1xf32>
        %squeeze3A_1338 = vector.shape_cast %slice3A_1337 : vector<64x32x1xf32> to vector<64x32xf32>
        %concatenate3A_1339 = tpu.concatenate %squeeze3A, %squeeze3A_1338 in 1 : vector<64x32xf32>, vector<64x32xf32> -> vector<64x64xf32>
        %mul3A_1340 = arith.mulf %concatenate3A_1339, %convert_element_type3A_1329 : vector<64x64xf32>
        %broadcast_in_dim3A_1341 = vector.shape_cast %mul3A_1340 : vector<64x64xf32> to vector<64x64x1xf32>
        %add3A_1342 = arith.constant 9.99999993E-9 : f32
        %add3A_1343 = vector.broadcast %add3A_1342 : f32 to vector<64x64xf32>
        %add3A_1344 = arith.addf %reduce_sum3A_1279, %add3A_1343 : vector<64x64xf32>
        %sqrt3A_1345 = math.sqrt %add3A_1344 : vector<64x64xf32>
        %broadcast_in_dim3A_1346 = vector.shape_cast %sqrt3A_1345 : vector<64x64xf32> to vector<64x64x1xf32>
        %add3A_1347 = arith.constant 1.000000e+00 : f32
        %add3A_1348 = vector.broadcast %add3A_1347 : f32 to vector<64x64x1xf32>
        %add3A_1349 = arith.addf %broadcast_in_dim3A_1346, %add3A_1348 : vector<64x64x1xf32>
        %div3A_1350 = vector.broadcast %add3A_1349 : vector<64x64x1xf32> to vector<64x64x3xf32>
        %div3A_1351 = arith.divf %sub3A_1276, %div3A_1350 : vector<64x64x3xf32>
        %mul3A_1352 = vector.broadcast %broadcast_in_dim3A_1341 : vector<64x64x1xf32> to vector<64x64x3xf32>
        %mul3A_1353 = arith.mulf %div3A_1351, %mul3A_1352 : vector<64x64x3xf32>
        %reduce_sum3A_1354 = arith.constant dense<0.000000e+00> : vector<64x3xf32>
        %reduce_sum3A_1355 = vector.multi_reduction <add>, %mul3A_1353, %reduce_sum3A_1354 [1] : vector<64x64x3xf32> to vector<64x3xf32>
        %add3A_1356 = arith.addf %while3A_1260, %reduce_sum3A_1355 : vector<64x3xf32>
        scf.yield %add3A_1356 : vector<64x3xf32>
      }
      %while3A_1254 = arith.constant 1 : i32
      %while3A_1255 = scf.for %while3A_1259 = %while3A_1251 to %while3A_1247 step %while3A_1254 iter_args(%while3A_1260 = %while3A_1253) -> (vector<64x3xf32>)  : i32 {
        %mul3A_1261 = arith.constant 64 : i32
        %mul3A_1262 = arith.muli %while3A_1259, %mul3A_1261 : i32
        %get3A_1263 = arith.index_cast %mul3A_1262 : i32 to index
        %get3A_1264 = arith.constant 0 : index
        %get3A_1265 = vector.load %arg125[%get3A_1263, %get3A_1264] : memref<2048x3xf32, #tpu.memory_space<vmem>>, vector<64x3xf32>
        %get3A_1266 = arith.index_cast %mul3A_1262 : i32 to index
        %get3A_1267 = arith.constant 0 : index
        %get3A_1268 = vector.load %arg129[%get3A_1266, %get3A_1267] : memref<4096x64xf32, #tpu.memory_space<vmem>>, vector<64x64xf32>
        %slice3A_1269 = vector.extract_strided_slice %get3A_1268 {offsets = [0, 0], sizes = [32, 64], strides = [1, 1]} : vector<64x64xf32> to vector<32x64xf32>
        %slice3A_1270 = vector.extract_strided_slice %get3A_1268 {offsets = [32, 0], sizes = [32, 64], strides = [1, 1]} : vector<64x64xf32> to vector<32x64xf32>
        %concatenate3A_1271 = tpu.concatenate %slice3A_1269, %slice3A_1270 in 1 : vector<32x64xf32>, vector<32x64xf32> -> vector<32x128xf32>
        %broadcast_in_dim3A_1272 = vector.shape_cast %get3A_1228 : vector<64x3xf32> to vector<64x1x3xf32>
        %broadcast_in_dim3A_1273 = vector.shape_cast %get3A_1265 : vector<64x3xf32> to vector<1x64x3xf32>
        %sub3A_1274 = vector.broadcast %broadcast_in_dim3A_1272 : vector<64x1x3xf32> to vector<64x64x3xf32>
        %sub3A_1275 = vector.broadcast %broadcast_in_dim3A_1273 : vector<1x64x3xf32> to vector<64x64x3xf32>
        %sub3A_1276 = arith.subf %sub3A_1274, %sub3A_1275 : vector<64x64x3xf32>
        %mul3A_1277 = arith.mulf %sub3A_1276, %sub3A_1276 : vector<64x64x3xf32>
        %reduce_sum3A_1278 = arith.constant dense<0.000000e+00> : vector<64x64xf32>
        %reduce_sum3A_1279 = vector.multi_reduction <add>, %mul3A_1277, %reduce_sum3A_1278 [2] : vector<64x64x3xf32> to vector<64x64xf32>
        %slice3A_1280 = vector.extract_strided_slice %reduce_sum3A_1279 {offsets = [0, 0], sizes = [64, 32], strides = [1, 1]} : vector<64x64xf32> to vector<64x32xf32>
        %broadcast_in_dim3A_1281 = vector.shape_cast %slice3A_1280 : vector<64x32xf32> to vector<64x32x1xf32>
        %broadcast_in_dim3A_1282 = vector.shape_cast %slice3A_711 : vector<1x64xf32> to vector<1x1x64xf32>
        %mul3A_1283 = vector.broadcast %broadcast_in_dim3A_1281 : vector<64x32x1xf32> to vector<64x32x64xf32>
        %mul3A_1284 = vector.broadcast %broadcast_in_dim3A_1282 : vector<1x1x64xf32> to vector<64x32x64xf32>
        %mul3A_1285 = arith.mulf %mul3A_1283, %mul3A_1284 : vector<64x32x64xf32>
        %slice3A_1286 = vector.extract_strided_slice %reduce_sum3A_1279 {offsets = [0, 32], sizes = [64, 32], strides = [1, 1]} : vector<64x64xf32> to vector<64x32xf32>
        %broadcast_in_dim3A_1287 = vector.shape_cast %slice3A_1286 : vector<64x32xf32> to vector<64x32x1xf32>
        %broadcast_in_dim3A_1288 = vector.shape_cast %slice3A_711 : vector<1x64xf32> to vector<1x1x64xf32>
        %mul3A_1289 = vector.broadcast %broadcast_in_dim3A_1287 : vector<64x32x1xf32> to vector<64x32x64xf32>
        %mul3A_1290 = vector.broadcast %broadcast_in_dim3A_1288 : vector<1x1x64xf32> to vector<64x32x64xf32>
        %mul3A_1291 = arith.mulf %mul3A_1289, %mul3A_1290 : vector<64x32x64xf32>
        %concatenate3A_1292 = tpu.concatenate %mul3A_1285, %mul3A_1291 in 2 : vector<64x32x64xf32>, vector<64x32x64xf32> -> vector<64x32x128xf32>
        %broadcast_in_dim3A_1293 = vector.shape_cast %concatenate3A_1238 : vector<64x128xf32> to vector<64x1x128xf32>
        %broadcast_in_dim3A_1294 = vector.shape_cast %concatenate3A_1271 : vector<32x128xf32> to vector<1x32x128xf32>
        %add3A_1295 = vector.broadcast %broadcast_in_dim3A_1293 : vector<64x1x128xf32> to vector<64x32x128xf32>
        %add3A_1296 = vector.broadcast %broadcast_in_dim3A_1294 : vector<1x32x128xf32> to vector<64x32x128xf32>
        %add3A_1297 = arith.addf %add3A_1295, %add3A_1296 : vector<64x32x128xf32>
        %add3A_1298 = arith.addf %add3A_1297, %concatenate3A_1292 : vector<64x32x128xf32>
        %logistic3A_1299 = arith.negf %add3A_1298 : vector<64x32x128xf32>
        %logistic3A_1300 = math.exp %logistic3A_1299 : vector<64x32x128xf32>
        %logistic3A_1301 = arith.constant 1.000000e+00 : f32
        %logistic3A_1302 = vector.broadcast %logistic3A_1301 : f32 to vector<64x32x128xf32>
        %logistic3A_1303 = arith.addf %logistic3A_1302, %logistic3A_1300 : vector<64x32x128xf32>
        %logistic3A_1304 = arith.divf %logistic3A_1302, %logistic3A_1303 : vector<64x32x128xf32>
        %mul3A_1305 = arith.mulf %add3A_1298, %logistic3A_1304 : vector<64x32x128xf32>
        %reshape3A_1306 = vector.shape_cast %mul3A_1305 : vector<64x32x128xf32> to vector<2048x128xf32>
        %dot_general3A_1307 = arith.constant dense<0.000000e+00> : vector<2048x128xf32>
        %dot_general3A_1308 = tpu.matmul %reshape3A_1306, %concatenate3A_721, %dot_general3A_1307 {dimension_numbers = #tpu.dot_dimension_numbers<[1], [0], [0], [1], [0, 0, 1, 1], [], []>, precision = #tpu.contract_precision<fp32>, transpose_lhs_hint = false} : vector<2048x128xf32>, vector<128x128xf32>, vector<2048x128xf32> -> vector<2048x128xf32>
        %broadcast_in_dim3A_1309 = vector.shape_cast %concatenate3A_722 : vector<128xf32> to vector<1x128xf32>
        %add3A_1310 = vector.broadcast %broadcast_in_dim3A_1309 : vector<1x128xf32> to vector<2048x128xf32>
        %add3A_1311 = arith.addf %dot_general3A_1308, %add3A_1310 : vector<2048x128xf32>
        %logistic3A_1312 = arith.negf %add3A_1311 : vector<2048x128xf32>
        %logistic3A_1313 = math.exp %logistic3A_1312 : vector<2048x128xf32>
        %logistic3A_1314 = arith.constant 1.000000e+00 : f32
        %logistic3A_1315 = vector.broadcast %logistic3A_1314 : f32 to vector<2048x128xf32>
        %logistic3A_1316 = arith.addf %logistic3A_1315, %logistic3A_1313 : vector<2048x128xf32>
        %logistic3A_1317 = arith.divf %logistic3A_1315, %logistic3A_1316 : vector<2048x128xf32>
        %mul3A_1318 = arith.mulf %add3A_1311, %logistic3A_1317 : vector<2048x128xf32>
        %iota3A_1319 = tpu.iota {dimensions = array<i32: 1>} : vector<1x64xi32>
        %add3A_1320 = vector.broadcast %mul3A_1262 : i32 to vector<1x64xi32>
        %add3A_1321 = arith.addi %add3A_1320, %iota3A_1319 : vector<1x64xi32>
        %ge3A = vector.broadcast %add3A_1321 : vector<1x64xi32> to vector<64x64xi32>
        %ge3A_1322 = vector.broadcast %get3A_1231 : vector<64x1xi32> to vector<64x64xi32>
        %ge3A_1323 = arith.cmpi sge, %ge3A, %ge3A_1322 : vector<64x64xi32>
        %lt3A = vector.broadcast %add3A_1321 : vector<1x64xi32> to vector<64x64xi32>
        %lt3A_1324 = vector.broadcast %get3A_1234 : vector<64x1xi32> to vector<64x64xi32>
        %lt3A_1325 = arith.cmpi slt, %lt3A, %lt3A_1324 : vector<64x64xi32>
        %and3A = arith.andi %ge3A_1323, %lt3A_1325 : vector<64x64xi1>
        %ne3A = vector.broadcast %add3A_1240 : vector<64x1xi32> to vector<64x64xi32>
        %ne3A_1326 = vector.broadcast %add3A_1321 : vector<1x64xi32> to vector<64x64xi32>
        %ne3A_1327 = arith.cmpi ne, %ne3A, %ne3A_1326 : vector<64x64xi32>
        %and3A_1328 = arith.andi %and3A, %ne3A_1327 : vector<64x64xi1>
        %convert_element_type3A = arith.extui %and3A_1328 : vector<64x64xi1> to vector<64x64xi32>
        %convert_element_type3A_1329 = arith.sitofp %convert_element_type3A : vector<64x64xi32> to vector<64x64xf32>
        %dot_general3A_1330 = arith.constant dense<0.000000e+00> : vector<2048x2xf32>
        %dot_general3A_1331 = tpu.matmul %mul3A_1318, %concatenate3A_727, %dot_general3A_1330 {dimension_numbers = #tpu.dot_dimension_numbers<[1], [0], [0], [1], [0, 0, 1, 1], [], []>, precision = #tpu.contract_precision<fp32>, transpose_lhs_hint = false} : vector<2048x128xf32>, vector<128x2xf32>, vector<2048x2xf32> -> vector<2048x2xf32>
        %tanh3A = math.tanh %dot_general3A_1331 : vector<2048x2xf32>
        %mul3A_1332 = arith.constant 7.500000e+00 : f32
        %mul3A_1333 = vector.broadcast %mul3A_1332 : f32 to vector<2048x2xf32>
        %mul3A_1334 = arith.mulf %tanh3A, %mul3A_1333 : vector<2048x2xf32>
        %reshape3A_1335 = vector.shape_cast %mul3A_1334 : vector<2048x2xf32> to vector<64x32x2xf32>
        %slice3A_1336 = vector.extract_strided_slice %reshape3A_1335 {offsets = [0, 0, 0], sizes = [64, 32, 1], strides = [1, 1, 1]} : vector<64x32x2xf32> to vector<64x32x1xf32>
        %squeeze3A = vector.shape_cast %slice3A_1336 : vector<64x32x1xf32> to vector<64x32xf32>
        %slice3A_1337 = vector.extract_strided_slice %reshape3A_1335 {offsets = [0, 0, 1], sizes = [64, 32, 1], strides = [1, 1, 1]} : vector<64x32x2xf32> to vector<64x32x1xf32>
        %squeeze3A_1338 = vector.shape_cast %slice3A_1337 : vector<64x32x1xf32> to vector<64x32xf32>
        %concatenate3A_1339 = tpu.concatenate %squeeze3A, %squeeze3A_1338 in 1 : vector<64x32xf32>, vector<64x32xf32> -> vector<64x64xf32>
        %mul3A_1340 = arith.mulf %concatenate3A_1339, %convert_element_type3A_1329 : vector<64x64xf32>
        %broadcast_in_dim3A_1341 = vector.shape_cast %mul3A_1340 : vector<64x64xf32> to vector<64x64x1xf32>
        %add3A_1342 = arith.constant 9.99999993E-9 : f32
        %add3A_1343 = vector.broadcast %add3A_1342 : f32 to vector<64x64xf32>
        %add3A_1344 = arith.addf %reduce_sum3A_1279, %add3A_1343 : vector<64x64xf32>
        %sqrt3A_1345 = math.sqrt %add3A_1344 : vector<64x64xf32>
        %broadcast_in_dim3A_1346 = vector.shape_cast %sqrt3A_1345 : vector<64x64xf32> to vector<64x64x1xf32>
        %add3A_1347 = arith.constant 1.000000e+00 : f32
        %add3A_1348 = vector.broadcast %add3A_1347 : f32 to vector<64x64x1xf32>
        %add3A_1349 = arith.addf %broadcast_in_dim3A_1346, %add3A_1348 : vector<64x64x1xf32>
        %div3A_1350 = vector.broadcast %add3A_1349 : vector<64x64x1xf32> to vector<64x64x3xf32>
        %div3A_1351 = arith.divf %sub3A_1276, %div3A_1350 : vector<64x64x3xf32>
        %mul3A_1352 = vector.broadcast %broadcast_in_dim3A_1341 : vector<64x64x1xf32> to vector<64x64x3xf32>
        %mul3A_1353 = arith.mulf %div3A_1351, %mul3A_1352 : vector<64x64x3xf32>
        %reduce_sum3A_1354 = arith.constant dense<0.000000e+00> : vector<64x3xf32>
        %reduce_sum3A_1355 = vector.multi_reduction <add>, %mul3A_1353, %reduce_sum3A_1354 [1] : vector<64x64x3xf32> to vector<64x3xf32>
        %add3A_1356 = arith.addf %while3A_1260, %reduce_sum3A_1355 : vector<64x3xf32>
        scf.yield %add3A_1356 : vector<64x3xf32>
      }
      %swap3A_1256 = arith.index_cast %mul3A_1225 : i32 to index
      %swap3A_1257 = arith.constant 0 : index
      %swap3A_1258 = vector.load %arg127[%swap3A_1256, %swap3A_1257] : memref<2048x3xf32, #tpu.memory_space<vmem>>, vector<64x3xf32>
      tpu.vector_store %arg127[%swap3A_1256, %swap3A_1257], %while3A_1255 {strides = array<i32>} : memref<2048x3xf32, #tpu.memory_space<vmem>>, vector<64x3xf32>,
    }
    %scan3A_750 = arith.constant 32 : i32
    %get3A_751 = arith.constant 0 : index
    %get3A_752 = arith.constant 0 : index
    %get3A_753 = vector.load %arg125[%get3A_751, %get3A_752] : memref<2048x3xf32, #tpu.memory_space<vmem>>, vector<2048x3xf32>
    %get3A_754 = arith.constant 0 : index
    %get3A_755 = arith.constant 0 : index
    %get3A_756 = vector.load %arg127[%get3A_754, %get3A_755] : memref<2048x3xf32, #tpu.memory_space<vmem>>, vector<2048x3xf32>
    %div3A_757 = arith.constant 1.000000e+02 : f32
    %div3A_758 = vector.broadcast %div3A_757 : f32 to vector<2048x3xf32>
    %div3A_759 = arith.divf %get3A_756, %div3A_758 : vector<2048x3xf32>
    %add3A_760 = arith.addf %get3A_753, %div3A_759 : vector<2048x3xf32>
    %swap3A_761 = arith.constant 0 : index
    %swap3A_762 = arith.constant 0 : index
    %swap3A_763 = vector.load %arg125[%swap3A_761, %swap3A_762] : memref<2048x3xf32, #tpu.memory_space<vmem>>, vector<2048x3xf32>
    tpu.vector_store %arg125[%swap3A_761, %swap3A_762], %add3A_760 {strides = array<i32>} : memref<2048x3xf32, #tpu.memory_space<vmem>>, vector<2048x3xf32>,
    %get3A_764 = arith.constant 0 : index
    %get3A_765 = arith.constant 0 : index
    %get3A_766 = vector.load %arg123[%get3A_764, %get3A_765] : memref<2048x64xf32, #tpu.memory_space<vmem>>, vector<2048x64xf32>
    %dot_general3A_767 = arith.constant dense<0.000000e+00> : vector<2048x65xf32>
    %dot_general3A_768 = tpu.matmul %get3A_766, %get3A_268, %dot_general3A_767 {dimension_numbers = #tpu.dot_dimension_numbers<[1], [0], [0], [1], [0, 0, 1, 1], [], []>, precision = #tpu.contract_precision<fp32>, transpose_lhs_hint = false} : vector<2048x64xf32>, vector<64x65xf32>, vector<2048x65xf32> -> vector<2048x65xf32>
    %broadcast_in_dim3A_769 = vector.shape_cast %get3A_265 : vector<65xf32> to vector<1x65xf32>
    %add3A_770 = vector.broadcast %broadcast_in_dim3A_769 : vector<1x65xf32> to vector<2048x65xf32>
    %add3A_771 = arith.addf %dot_general3A_768, %add3A_770 : vector<2048x65xf32>
    %dot_general3A_772 = arith.constant dense<0.000000e+00> : vector<2048x64xf32>
    %dot_general3A_773 = tpu.matmul %add3A_771, %get3A_139, %dot_general3A_772 {dimension_numbers = #tpu.dot_dimension_numbers<[1], [0], [0], [1], [0, 0, 1, 1], [], []>, precision = #tpu.contract_precision<fp32>, transpose_lhs_hint = false} : vector<2048x65xf32>, vector<65x64xf32>, vector<2048x64xf32> -> vector<2048x64xf32>
    %broadcast_in_dim3A_774 = vector.shape_cast %get3A_136 : vector<64xf32> to vector<1x64xf32>
    %add3A_775 = vector.broadcast %broadcast_in_dim3A_774 : vector<1x64xf32> to vector<2048x64xf32>
    %add3A_776 = arith.addf %dot_general3A_773, %add3A_775 : vector<2048x64xf32>
    %swap3A_777 = arith.constant 0 : index
    %swap3A_778 = arith.constant 0 : index
    %swap3A_779 = vector.load %arg123[%swap3A_777, %swap3A_778] : memref<2048x64xf32, #tpu.memory_space<vmem>>, vector<2048x64xf32>
    tpu.vector_store %arg123[%swap3A_777, %swap3A_778], %add3A_776 {strides = array<i32>} : memref<2048x64xf32, #tpu.memory_space<vmem>>, vector<2048x64xf32>,
    %dot_general3A_780 = arith.constant dense<0.000000e+00> : vector<4096x64xf32>
    %dot_general3A_781 = tpu.matmul %concatenate3A_356, %get3A_129, %dot_general3A_780 {dimension_numbers = #tpu.dot_dimension_numbers<[1], [0], [0], [1], [0, 0, 1, 1], [], []>, precision = #tpu.contract_precision<fp32>, transpose_lhs_hint = false} : vector<4096x65xf32>, vector<65x64xf32>, vector<4096x64xf32> -> vector<4096x64xf32>
    %broadcast_in_dim3A_782 = vector.shape_cast %get3A_126 : vector<64xf32> to vector<1x64xf32>
    %add3A_783 = vector.broadcast %broadcast_in_dim3A_782 : vector<1x64xf32> to vector<4096x64xf32>
    %add3A_784 = arith.addf %dot_general3A_781, %add3A_783 : vector<4096x64xf32>
    %swap3A_785 = arith.constant 0 : index
    %swap3A_786 = arith.constant 0 : index
    %swap3A_787 = vector.load %arg124[%swap3A_785, %swap3A_786] : memref<4096x64xf32, #tpu.memory_space<vmem>>, vector<4096x64xf32>
    tpu.vector_store %arg124[%swap3A_785, %swap3A_786], %add3A_784 {strides = array<i32>} : memref<4096x64xf32, #tpu.memory_space<vmem>>, vector<4096x64xf32>,
    %slice3A_788 = vector.extract_strided_slice %get3A_36 {offsets = [0, 0], sizes = [64, 64], strides = [1, 1]} : vector<145x64xf32> to vector<64x64xf32>
    %slice3A_789 = vector.extract_strided_slice %get3A_36 {offsets = [64, 0], sizes = [64, 64], strides = [1, 1]} : vector<145x64xf32> to vector<64x64xf32>
    %slice3A_790 = vector.extract_strided_slice %get3A_36 {offsets = [128, 0], sizes = [1, 64], strides = [1, 1]} : vector<145x64xf32> to vector<1x64xf32>
    %slice3A_791 = vector.extract_strided_slice %get3A_36 {offsets = [129, 0], sizes = [16, 64], strides = [1, 1]} : vector<145x64xf32> to vector<16x64xf32>
    %dot_general3A_792 = arith.constant dense<0.000000e+00> : vector<1x64xf32>
    %dot_general3A_793 = tpu.matmul %slice3A_357, %slice3A_791, %dot_general3A_792 {dimension_numbers = #tpu.dot_dimension_numbers<[1], [0], [0], [1], [0, 0, 1, 1], [], []>, precision = #tpu.contract_precision<fp32>, transpose_lhs_hint = false} : vector<1x16xf32>, vector<16x64xf32>, vector<1x64xf32> -> vector<1x64xf32>
    %reshape3A_794 = vector.shape_cast %get3A_33 : vector<64xf32> to vector<1x64xf32>
    %add3A_795 = arith.addf %dot_general3A_793, %reshape3A_794 : vector<1x64xf32>
    %broadcast_in_dim3A_796 = arith.constant 0.000000e+00 : f32
    %broadcast_in_dim3A_797 = vector.broadcast %broadcast_in_dim3A_796 : f32 to vector<64x64xf32>
    %concatenate3A_798 = tpu.concatenate %get3A_41, %broadcast_in_dim3A_797 in 1 : vector<64x64xf32>, vector<64x64xf32> -> vector<64x128xf32>
    %concatenate3A_799 = tpu.concatenate %broadcast_in_dim3A_797, %get3A_41 in 1 : vector<64x64xf32>, vector<64x64xf32> -> vector<64x128xf32>
    %concatenate3A_800 = tpu.concatenate %concatenate3A_798, %concatenate3A_799 in 0 : vector<64x128xf32>, vector<64x128xf32> -> vector<128x128xf32>
    %concatenate3A_801 = tpu.concatenate %get3A_38, %get3A_38 in 0 : vector<64xf32>, vector<64xf32> -> vector<128xf32>
    %get3A_802 = arith.constant 0 : index
    %get3A_803 = arith.constant 0 : index
    %get3A_804 = vector.load %arg123[%get3A_802, %get3A_803] : memref<2048x64xf32, #tpu.memory_space<vmem>>, vector<2048x64xf32>
    %dot_general3A_805 = arith.constant dense<0.000000e+00> : vector<2048x64xf32>
    %dot_general3A_806 = tpu.matmul %get3A_804, %slice3A_788, %dot_general3A_805 {dimension_numbers = #tpu.dot_dimension_numbers<[1], [0], [0], [1], [0, 0, 1, 1], [], []>, precision = #tpu.contract_precision<fp32>, transpose_lhs_hint = false} : vector<2048x64xf32>, vector<64x64xf32>, vector<2048x64xf32> -> vector<2048x64xf32>
    %add3A_807 = vector.broadcast %add3A_795 : vector<1x64xf32> to vector<2048x64xf32>
    %add3A_808 = arith.addf %dot_general3A_806, %add3A_807 : vector<2048x64xf32>
    %swap3A_809 = arith.constant 0 : index
    %swap3A_810 = arith.constant 0 : index
    %swap3A_811 = vector.load %arg128[%swap3A_809, %swap3A_810] : memref<2048x64xf32, #tpu.memory_space<vmem>>, vector<2048x64xf32>
    tpu.vector_store %arg128[%swap3A_809, %swap3A_810], %add3A_808 {strides = array<i32>} : memref<2048x64xf32, #tpu.memory_space<vmem>>, vector<2048x64xf32>,
    %get3A_812 = arith.constant 0 : index
    %get3A_813 = arith.constant 0 : index
    %get3A_814 = vector.load %arg124[%get3A_812, %get3A_813] : memref<4096x64xf32, #tpu.memory_space<vmem>>, vector<4096x64xf32>
    %dot_general3A_815 = arith.constant dense<0.000000e+00> : vector<4096x64xf32>
    %dot_general3A_816 = tpu.matmul %get3A_814, %slice3A_789, %dot_general3A_815 {dimension_numbers = #tpu.dot_dimension_numbers<[1], [0], [0], [1], [0, 0, 1, 1], [], []>, precision = #tpu.contract_precision<fp32>, transpose_lhs_hint = false} : vector<4096x64xf32>, vector<64x64xf32>, vector<4096x64xf32> -> vector<4096x64xf32>
    %swap3A_817 = arith.constant 0 : index
    %swap3A_818 = arith.constant 0 : index
    %swap3A_819 = vector.load %arg129[%swap3A_817, %swap3A_818] : memref<4096x64xf32, #tpu.memory_space<vmem>>, vector<4096x64xf32>
    tpu.vector_store %arg129[%swap3A_817, %swap3A_818], %dot_general3A_816 {strides = array<i32>} : memref<4096x64xf32, #tpu.memory_space<vmem>>, vector<4096x64xf32>,
    %scan3A_820 = arith.constant 0 : i32
    %scan3A_821 = arith.constant 32 : i32
    %scan3A_822 = arith.addi %scan3A_820, %scan3A_821 : i32
    %scan3A_823 = arith.constant 1 : i32
    scf.for %scan3A_1223 = %scan3A_820 to %scan3A_822 step %scan3A_823  : i32 {
      %mul3A_1224 = arith.constant 64 : i32
      %mul3A_1225 = arith.muli %scan3A_1223, %mul3A_1224 : i32
      %get3A_1226 = arith.index_cast %mul3A_1225 : i32 to index
      %get3A_1227 = arith.constant 0 : index
      %get3A_1228 = vector.load %arg125[%get3A_1226, %get3A_1227] : memref<2048x3xf32, #tpu.memory_space<vmem>>, vector<64x3xf32>
      %get3A_1229 = arith.index_cast %mul3A_1225 : i32 to index
      %get3A_1230 = arith.constant 0 : index
      %get3A_1231 = vector.load %arg8[%get3A_1229, %get3A_1230] : memref<2048x1xi32, #tpu.memory_space<vmem>>, vector<64x1xi32>
      %get3A_1232 = arith.index_cast %mul3A_1225 : i32 to index
      %get3A_1233 = arith.constant 0 : index
      %get3A_1234 = vector.load %arg9[%get3A_1232, %get3A_1233] : memref<2048x1xi32, #tpu.memory_space<vmem>>, vector<64x1xi32>
      %get3A_1235 = arith.index_cast %mul3A_1225 : i32 to index
      %get3A_1236 = arith.constant 0 : index
      %get3A_1237 = vector.load %arg128[%get3A_1235, %get3A_1236] : memref<2048x64xf32, #tpu.memory_space<vmem>>, vector<64x64xf32>
      %concatenate3A_1238 = tpu.concatenate %get3A_1237, %get3A_1237 in 1 : vector<64x64xf32>, vector<64x64xf32> -> vector<64x128xf32>
      %get3A_1239 = arith.index_cast %scan3A_1223 : i32 to index
      %get3A_1240 = memref.load %arg12[%get3A_1239] : memref<32xi32, #tpu.memory_space<smem>>
      %get3A_1241 = arith.index_cast %scan3A_1223 : i32 to index
      %get3A_1242 = memref.load %arg13[%get3A_1241] : memref<32xi32, #tpu.memory_space<smem>>
      %broadcast_in_dim3A_1243 = arith.constant 0.000000e+00 : f32
      %broadcast_in_dim3A_1244 = vector.broadcast %broadcast_in_dim3A_1243 : f32 to vector<64x64xf32>
      %while3A = arith.subi %get3A_1242, %get3A_1240 : i32
      %while3A_1245 = arith.addi %get3A_1240, %while3A : i32
      %while3A_1246 = arith.constant 1 : i32
      %while3A_1247 = arith.divsi %while3A, %while3A_1246 : i32
      %while3A_1248 = arith.muli %while3A_1247, %while3A_1246 : i32
      %while3A_1249 = arith.addi %get3A_1240, %while3A_1248 : i32
      %while3A_1250 = arith.constant 1 : i32
      %while3A_1251 = scf.for %while3A_1257 = %get3A_1240 to %while3A_1249 step %while3A_1250 iter_args(%while3A_1258 = %broadcast_in_dim3A_1244) -> (vector<64x64xf32>)  : i32 {
        %mul3A_1259 = arith.constant 64 : i32
        %mul3A_1260 = arith.muli %while3A_1257, %mul3A_1259 : i32
        %get3A_1261 = arith.index_cast %mul3A_1260 : i32 to index
        %get3A_1262 = arith.constant 0 : index
        %get3A_1263 = vector.load %arg2[%get3A_1261, %get3A_1262] : memref<4096x3xf32, #tpu.memory_space<vmem>>, vector<64x3xf32>
        %get3A_1264 = arith.index_cast %mul3A_1260 : i32 to index
        %get3A_1265 = arith.constant 0 : index
        %get3A_1266 = vector.load %arg129[%get3A_1264, %get3A_1265] : memref<4096x64xf32, #tpu.memory_space<vmem>>, vector<64x64xf32>
        %slice3A_1267 = vector.extract_strided_slice %get3A_1266 {offsets = [0, 0], sizes = [32, 64], strides = [1, 1]} : vector<64x64xf32> to vector<32x64xf32>
        %slice3A_1268 = vector.extract_strided_slice %get3A_1266 {offsets = [32, 0], sizes = [32, 64], strides = [1, 1]} : vector<64x64xf32> to vector<32x64xf32>
        %concatenate3A_1269 = tpu.concatenate %slice3A_1267, %slice3A_1268 in 1 : vector<32x64xf32>, vector<32x64xf32> -> vector<32x128xf32>
        %broadcast_in_dim3A_1270 = vector.shape_cast %get3A_1228 : vector<64x3xf32> to vector<64x1x3xf32>
        %broadcast_in_dim3A_1271 = vector.shape_cast %get3A_1263 : vector<64x3xf32> to vector<1x64x3xf32>
        %sub3A_1272 = vector.broadcast %broadcast_in_dim3A_1270 : vector<64x1x3xf32> to vector<64x64x3xf32>
        %sub3A_1273 = vector.broadcast %broadcast_in_dim3A_1271 : vector<1x64x3xf32> to vector<64x64x3xf32>
        %sub3A_1274 = arith.subf %sub3A_1272, %sub3A_1273 : vector<64x64x3xf32>
        %mul3A_1275 = arith.mulf %sub3A_1274, %sub3A_1274 : vector<64x64x3xf32>
        %reduce_sum3A_1276 = arith.constant dense<0.000000e+00> : vector<64x64xf32>
        %reduce_sum3A_1277 = vector.multi_reduction <add>, %mul3A_1275, %reduce_sum3A_1276 [2] : vector<64x64x3xf32> to vector<64x64xf32>
        %slice3A_1278 = vector.extract_strided_slice %reduce_sum3A_1277 {offsets = [0, 0], sizes = [64, 32], strides = [1, 1]} : vector<64x64xf32> to vector<64x32xf32>
        %broadcast_in_dim3A_1279 = vector.shape_cast %slice3A_1278 : vector<64x32xf32> to vector<64x32x1xf32>
        %broadcast_in_dim3A_1280 = vector.shape_cast %slice3A_790 : vector<1x64xf32> to vector<1x1x64xf32>
        %mul3A_1281 = vector.broadcast %broadcast_in_dim3A_1279 : vector<64x32x1xf32> to vector<64x32x64xf32>
        %mul3A_1282 = vector.broadcast %broadcast_in_dim3A_1280 : vector<1x1x64xf32> to vector<64x32x64xf32>
        %mul3A_1283 = arith.mulf %mul3A_1281, %mul3A_1282 : vector<64x32x64xf32>
        %slice3A_1284 = vector.extract_strided_slice %reduce_sum3A_1277 {offsets = [0, 32], sizes = [64, 32], strides = [1, 1]} : vector<64x64xf32> to vector<64x32xf32>
        %broadcast_in_dim3A_1285 = vector.shape_cast %slice3A_1284 : vector<64x32xf32> to vector<64x32x1xf32>
        %broadcast_in_dim3A_1286 = vector.shape_cast %slice3A_790 : vector<1x64xf32> to vector<1x1x64xf32>
        %mul3A_1287 = vector.broadcast %broadcast_in_dim3A_1285 : vector<64x32x1xf32> to vector<64x32x64xf32>
        %mul3A_1288 = vector.broadcast %broadcast_in_dim3A_1286 : vector<1x1x64xf32> to vector<64x32x64xf32>
        %mul3A_1289 = arith.mulf %mul3A_1287, %mul3A_1288 : vector<64x32x64xf32>
        %concatenate3A_1290 = tpu.concatenate %mul3A_1283, %mul3A_1289 in 2 : vector<64x32x64xf32>, vector<64x32x64xf32> -> vector<64x32x128xf32>
        %broadcast_in_dim3A_1291 = vector.shape_cast %concatenate3A_1238 : vector<64x128xf32> to vector<64x1x128xf32>
        %broadcast_in_dim3A_1292 = vector.shape_cast %concatenate3A_1269 : vector<32x128xf32> to vector<1x32x128xf32>
        %add3A_1293 = vector.broadcast %broadcast_in_dim3A_1291 : vector<64x1x128xf32> to vector<64x32x128xf32>
        %add3A_1294 = vector.broadcast %broadcast_in_dim3A_1292 : vector<1x32x128xf32> to vector<64x32x128xf32>
        %add3A_1295 = arith.addf %add3A_1293, %add3A_1294 : vector<64x32x128xf32>
        %add3A_1296 = arith.addf %add3A_1295, %concatenate3A_1290 : vector<64x32x128xf32>
        %logistic3A_1297 = arith.negf %add3A_1296 : vector<64x32x128xf32>
        %logistic3A_1298 = math.exp %logistic3A_1297 : vector<64x32x128xf32>
        %logistic3A_1299 = arith.constant 1.000000e+00 : f32
        %logistic3A_1300 = vector.broadcast %logistic3A_1299 : f32 to vector<64x32x128xf32>
        %logistic3A_1301 = arith.addf %logistic3A_1300, %logistic3A_1298 : vector<64x32x128xf32>
        %logistic3A_1302 = arith.divf %logistic3A_1300, %logistic3A_1301 : vector<64x32x128xf32>
        %mul3A_1303 = arith.mulf %add3A_1296, %logistic3A_1302 : vector<64x32x128xf32>
        %reshape3A_1304 = vector.shape_cast %mul3A_1303 : vector<64x32x128xf32> to vector<2048x128xf32>
        %dot_general3A_1305 = arith.constant dense<0.000000e+00> : vector<2048x128xf32>
        %dot_general3A_1306 = tpu.matmul %reshape3A_1304, %concatenate3A_800, %dot_general3A_1305 {dimension_numbers = #tpu.dot_dimension_numbers<[1], [0], [0], [1], [0, 0, 1, 1], [], []>, precision = #tpu.contract_precision<fp32>, transpose_lhs_hint = false} : vector<2048x128xf32>, vector<128x128xf32>, vector<2048x128xf32> -> vector<2048x128xf32>
        %broadcast_in_dim3A_1307 = vector.shape_cast %concatenate3A_801 : vector<128xf32> to vector<1x128xf32>
        %add3A_1308 = vector.broadcast %broadcast_in_dim3A_1307 : vector<1x128xf32> to vector<2048x128xf32>
        %add3A_1309 = arith.addf %dot_general3A_1306, %add3A_1308 : vector<2048x128xf32>
        %logistic3A_1310 = arith.negf %add3A_1309 : vector<2048x128xf32>
        %logistic3A_1311 = math.exp %logistic3A_1310 : vector<2048x128xf32>
        %logistic3A_1312 = arith.constant 1.000000e+00 : f32
        %logistic3A_1313 = vector.broadcast %logistic3A_1312 : f32 to vector<2048x128xf32>
        %logistic3A_1314 = arith.addf %logistic3A_1313, %logistic3A_1311 : vector<2048x128xf32>
        %logistic3A_1315 = arith.divf %logistic3A_1313, %logistic3A_1314 : vector<2048x128xf32>
        %mul3A_1316 = arith.mulf %add3A_1309, %logistic3A_1315 : vector<2048x128xf32>
        %iota3A = tpu.iota {dimensions = array<i32: 1>} : vector<1x64xi32>
        %add3A_1317 = vector.broadcast %mul3A_1260 : i32 to vector<1x64xi32>
        %add3A_1318 = arith.addi %add3A_1317, %iota3A : vector<1x64xi32>
        %ge3A = vector.broadcast %add3A_1318 : vector<1x64xi32> to vector<64x64xi32>
        %ge3A_1319 = vector.broadcast %get3A_1231 : vector<64x1xi32> to vector<64x64xi32>
        %ge3A_1320 = arith.cmpi sge, %ge3A, %ge3A_1319 : vector<64x64xi32>
        %lt3A = vector.broadcast %add3A_1318 : vector<1x64xi32> to vector<64x64xi32>
        %lt3A_1321 = vector.broadcast %get3A_1234 : vector<64x1xi32> to vector<64x64xi32>
        %lt3A_1322 = arith.cmpi slt, %lt3A, %lt3A_1321 : vector<64x64xi32>
        %and3A = arith.andi %ge3A_1320, %lt3A_1322 : vector<64x64xi1>
        %convert_element_type3A = arith.extui %and3A : vector<64x64xi1> to vector<64x64xi32>
        %convert_element_type3A_1323 = arith.sitofp %convert_element_type3A : vector<64x64xi32> to vector<64x64xf32>
        %broadcast_in_dim3A_1324 = arith.constant 1.000000e+00 : f32
        %broadcast_in_dim3A_1325 = vector.broadcast %broadcast_in_dim3A_1324 : f32 to vector<1x1x64xf32>
        %slice3A_1326 = vector.extract_strided_slice %convert_element_type3A_1323 {offsets = [0, 0], sizes = [64, 32], strides = [1, 1]} : vector<64x64xf32> to vector<64x32xf32>
        %broadcast_in_dim3A_1327 = vector.shape_cast %slice3A_1326 : vector<64x32xf32> to vector<64x32x1xf32>
        %mul3A_1328 = vector.broadcast %broadcast_in_dim3A_1327 : vector<64x32x1xf32> to vector<64x32x64xf32>
        %mul3A_1329 = vector.broadcast %broadcast_in_dim3A_1325 : vector<1x1x64xf32> to vector<64x32x64xf32>
        %mul3A_1330 = arith.mulf %mul3A_1328, %mul3A_1329 : vector<64x32x64xf32>
        %slice3A_1331 = vector.extract_strided_slice %convert_element_type3A_1323 {offsets = [0, 32], sizes = [64, 32], strides = [1, 1]} : vector<64x64xf32> to vector<64x32xf32>
        %broadcast_in_dim3A_1332 = vector.shape_cast %slice3A_1331 : vector<64x32xf32> to vector<64x32x1xf32>
        %mul3A_1333 = vector.broadcast %broadcast_in_dim3A_1332 : vector<64x32x1xf32> to vector<64x32x64xf32>
        %mul3A_1334 = vector.broadcast %broadcast_in_dim3A_1325 : vector<1x1x64xf32> to vector<64x32x64xf32>
        %mul3A_1335 = arith.mulf %mul3A_1333, %mul3A_1334 : vector<64x32x64xf32>
        %concatenate3A_1336 = tpu.concatenate %mul3A_1330, %mul3A_1335 in 2 : vector<64x32x64xf32>, vector<64x32x64xf32> -> vector<64x32x128xf32>
        %reshape3A_1337 = vector.shape_cast %mul3A_1316 : vector<2048x128xf32> to vector<64x32x128xf32>
        %mul3A_1338 = arith.mulf %reshape3A_1337, %concatenate3A_1336 : vector<64x32x128xf32>
        %reduce_sum3A_1339 = arith.constant dense<0.000000e+00> : vector<64x128xf32>
        %reduce_sum3A_1340 = vector.multi_reduction <add>, %mul3A_1338, %reduce_sum3A_1339 [1] : vector<64x32x128xf32> to vector<64x128xf32>
        %slice3A_1341 = vector.extract_strided_slice %reduce_sum3A_1340 {offsets = [0, 0], sizes = [64, 64], strides = [1, 1]} : vector<64x128xf32> to vector<64x64xf32>
        %slice3A_1342 = vector.extract_strided_slice %reduce_sum3A_1340 {offsets = [0, 64], sizes = [64, 64], strides = [1, 1]} : vector<64x128xf32> to vector<64x64xf32>
        %add3A_1343 = arith.addf %slice3A_1341, %slice3A_1342 : vector<64x64xf32>
        %add3A_1344 = arith.addf %while3A_1258, %add3A_1343 : vector<64x64xf32>
        scf.yield %add3A_1344 : vector<64x64xf32>
      }
      %while3A_1252 = arith.constant 1 : i32
      %while3A_1253 = scf.for %while3A_1257 = %while3A_1249 to %while3A_1245 step %while3A_1252 iter_args(%while3A_1258 = %while3A_1251) -> (vector<64x64xf32>)  : i32 {
        %mul3A_1259 = arith.constant 64 : i32
        %mul3A_1260 = arith.muli %while3A_1257, %mul3A_1259 : i32
        %get3A_1261 = arith.index_cast %mul3A_1260 : i32 to index
        %get3A_1262 = arith.constant 0 : index
        %get3A_1263 = vector.load %arg2[%get3A_1261, %get3A_1262] : memref<4096x3xf32, #tpu.memory_space<vmem>>, vector<64x3xf32>
        %get3A_1264 = arith.index_cast %mul3A_1260 : i32 to index
        %get3A_1265 = arith.constant 0 : index
        %get3A_1266 = vector.load %arg129[%get3A_1264, %get3A_1265] : memref<4096x64xf32, #tpu.memory_space<vmem>>, vector<64x64xf32>
        %slice3A_1267 = vector.extract_strided_slice %get3A_1266 {offsets = [0, 0], sizes = [32, 64], strides = [1, 1]} : vector<64x64xf32> to vector<32x64xf32>
        %slice3A_1268 = vector.extract_strided_slice %get3A_1266 {offsets = [32, 0], sizes = [32, 64], strides = [1, 1]} : vector<64x64xf32> to vector<32x64xf32>
        %concatenate3A_1269 = tpu.concatenate %slice3A_1267, %slice3A_1268 in 1 : vector<32x64xf32>, vector<32x64xf32> -> vector<32x128xf32>
        %broadcast_in_dim3A_1270 = vector.shape_cast %get3A_1228 : vector<64x3xf32> to vector<64x1x3xf32>
        %broadcast_in_dim3A_1271 = vector.shape_cast %get3A_1263 : vector<64x3xf32> to vector<1x64x3xf32>
        %sub3A_1272 = vector.broadcast %broadcast_in_dim3A_1270 : vector<64x1x3xf32> to vector<64x64x3xf32>
        %sub3A_1273 = vector.broadcast %broadcast_in_dim3A_1271 : vector<1x64x3xf32> to vector<64x64x3xf32>
        %sub3A_1274 = arith.subf %sub3A_1272, %sub3A_1273 : vector<64x64x3xf32>
        %mul3A_1275 = arith.mulf %sub3A_1274, %sub3A_1274 : vector<64x64x3xf32>
        %reduce_sum3A_1276 = arith.constant dense<0.000000e+00> : vector<64x64xf32>
        %reduce_sum3A_1277 = vector.multi_reduction <add>, %mul3A_1275, %reduce_sum3A_1276 [2] : vector<64x64x3xf32> to vector<64x64xf32>
        %slice3A_1278 = vector.extract_strided_slice %reduce_sum3A_1277 {offsets = [0, 0], sizes = [64, 32], strides = [1, 1]} : vector<64x64xf32> to vector<64x32xf32>
        %broadcast_in_dim3A_1279 = vector.shape_cast %slice3A_1278 : vector<64x32xf32> to vector<64x32x1xf32>
        %broadcast_in_dim3A_1280 = vector.shape_cast %slice3A_790 : vector<1x64xf32> to vector<1x1x64xf32>
        %mul3A_1281 = vector.broadcast %broadcast_in_dim3A_1279 : vector<64x32x1xf32> to vector<64x32x64xf32>
        %mul3A_1282 = vector.broadcast %broadcast_in_dim3A_1280 : vector<1x1x64xf32> to vector<64x32x64xf32>
        %mul3A_1283 = arith.mulf %mul3A_1281, %mul3A_1282 : vector<64x32x64xf32>
        %slice3A_1284 = vector.extract_strided_slice %reduce_sum3A_1277 {offsets = [0, 32], sizes = [64, 32], strides = [1, 1]} : vector<64x64xf32> to vector<64x32xf32>
        %broadcast_in_dim3A_1285 = vector.shape_cast %slice3A_1284 : vector<64x32xf32> to vector<64x32x1xf32>
        %broadcast_in_dim3A_1286 = vector.shape_cast %slice3A_790 : vector<1x64xf32> to vector<1x1x64xf32>
        %mul3A_1287 = vector.broadcast %broadcast_in_dim3A_1285 : vector<64x32x1xf32> to vector<64x32x64xf32>
        %mul3A_1288 = vector.broadcast %broadcast_in_dim3A_1286 : vector<1x1x64xf32> to vector<64x32x64xf32>
        %mul3A_1289 = arith.mulf %mul3A_1287, %mul3A_1288 : vector<64x32x64xf32>
        %concatenate3A_1290 = tpu.concatenate %mul3A_1283, %mul3A_1289 in 2 : vector<64x32x64xf32>, vector<64x32x64xf32> -> vector<64x32x128xf32>
        %broadcast_in_dim3A_1291 = vector.shape_cast %concatenate3A_1238 : vector<64x128xf32> to vector<64x1x128xf32>
        %broadcast_in_dim3A_1292 = vector.shape_cast %concatenate3A_1269 : vector<32x128xf32> to vector<1x32x128xf32>
        %add3A_1293 = vector.broadcast %broadcast_in_dim3A_1291 : vector<64x1x128xf32> to vector<64x32x128xf32>
        %add3A_1294 = vector.broadcast %broadcast_in_dim3A_1292 : vector<1x32x128xf32> to vector<64x32x128xf32>
        %add3A_1295 = arith.addf %add3A_1293, %add3A_1294 : vector<64x32x128xf32>
        %add3A_1296 = arith.addf %add3A_1295, %concatenate3A_1290 : vector<64x32x128xf32>
        %logistic3A_1297 = arith.negf %add3A_1296 : vector<64x32x128xf32>
        %logistic3A_1298 = math.exp %logistic3A_1297 : vector<64x32x128xf32>
        %logistic3A_1299 = arith.constant 1.000000e+00 : f32
        %logistic3A_1300 = vector.broadcast %logistic3A_1299 : f32 to vector<64x32x128xf32>
        %logistic3A_1301 = arith.addf %logistic3A_1300, %logistic3A_1298 : vector<64x32x128xf32>
        %logistic3A_1302 = arith.divf %logistic3A_1300, %logistic3A_1301 : vector<64x32x128xf32>
        %mul3A_1303 = arith.mulf %add3A_1296, %logistic3A_1302 : vector<64x32x128xf32>
        %reshape3A_1304 = vector.shape_cast %mul3A_1303 : vector<64x32x128xf32> to vector<2048x128xf32>
        %dot_general3A_1305 = arith.constant dense<0.000000e+00> : vector<2048x128xf32>
        %dot_general3A_1306 = tpu.matmul %reshape3A_1304, %concatenate3A_800, %dot_general3A_1305 {dimension_numbers = #tpu.dot_dimension_numbers<[1], [0], [0], [1], [0, 0, 1, 1], [], []>, precision = #tpu.contract_precision<fp32>, transpose_lhs_hint = false} : vector<2048x128xf32>, vector<128x128xf32>, vector<2048x128xf32> -> vector<2048x128xf32>
        %broadcast_in_dim3A_1307 = vector.shape_cast %concatenate3A_801 : vector<128xf32> to vector<1x128xf32>
        %add3A_1308 = vector.broadcast %broadcast_in_dim3A_1307 : vector<1x128xf32> to vector<2048x128xf32>
        %add3A_1309 = arith.addf %dot_general3A_1306, %add3A_1308 : vector<2048x128xf32>
        %logistic3A_1310 = arith.negf %add3A_1309 : vector<2048x128xf32>
        %logistic3A_1311 = math.exp %logistic3A_1310 : vector<2048x128xf32>
        %logistic3A_1312 = arith.constant 1.000000e+00 : f32
        %logistic3A_1313 = vector.broadcast %logistic3A_1312 : f32 to vector<2048x128xf32>
        %logistic3A_1314 = arith.addf %logistic3A_1313, %logistic3A_1311 : vector<2048x128xf32>
        %logistic3A_1315 = arith.divf %logistic3A_1313, %logistic3A_1314 : vector<2048x128xf32>
        %mul3A_1316 = arith.mulf %add3A_1309, %logistic3A_1315 : vector<2048x128xf32>
        %iota3A = tpu.iota {dimensions = array<i32: 1>} : vector<1x64xi32>
        %add3A_1317 = vector.broadcast %mul3A_1260 : i32 to vector<1x64xi32>
        %add3A_1318 = arith.addi %add3A_1317, %iota3A : vector<1x64xi32>
        %ge3A = vector.broadcast %add3A_1318 : vector<1x64xi32> to vector<64x64xi32>
        %ge3A_1319 = vector.broadcast %get3A_1231 : vector<64x1xi32> to vector<64x64xi32>
        %ge3A_1320 = arith.cmpi sge, %ge3A, %ge3A_1319 : vector<64x64xi32>
        %lt3A = vector.broadcast %add3A_1318 : vector<1x64xi32> to vector<64x64xi32>
        %lt3A_1321 = vector.broadcast %get3A_1234 : vector<64x1xi32> to vector<64x64xi32>
        %lt3A_1322 = arith.cmpi slt, %lt3A, %lt3A_1321 : vector<64x64xi32>
        %and3A = arith.andi %ge3A_1320, %lt3A_1322 : vector<64x64xi1>
        %convert_element_type3A = arith.extui %and3A : vector<64x64xi1> to vector<64x64xi32>
        %convert_element_type3A_1323 = arith.sitofp %convert_element_type3A : vector<64x64xi32> to vector<64x64xf32>
        %broadcast_in_dim3A_1324 = arith.constant 1.000000e+00 : f32
        %broadcast_in_dim3A_1325 = vector.broadcast %broadcast_in_dim3A_1324 : f32 to vector<1x1x64xf32>
        %slice3A_1326 = vector.extract_strided_slice %convert_element_type3A_1323 {offsets = [0, 0], sizes = [64, 32], strides = [1, 1]} : vector<64x64xf32> to vector<64x32xf32>
        %broadcast_in_dim3A_1327 = vector.shape_cast %slice3A_1326 : vector<64x32xf32> to vector<64x32x1xf32>
        %mul3A_1328 = vector.broadcast %broadcast_in_dim3A_1327 : vector<64x32x1xf32> to vector<64x32x64xf32>
        %mul3A_1329 = vector.broadcast %broadcast_in_dim3A_1325 : vector<1x1x64xf32> to vector<64x32x64xf32>
        %mul3A_1330 = arith.mulf %mul3A_1328, %mul3A_1329 : vector<64x32x64xf32>
        %slice3A_1331 = vector.extract_strided_slice %convert_element_type3A_1323 {offsets = [0, 32], sizes = [64, 32], strides = [1, 1]} : vector<64x64xf32> to vector<64x32xf32>
        %broadcast_in_dim3A_1332 = vector.shape_cast %slice3A_1331 : vector<64x32xf32> to vector<64x32x1xf32>
        %mul3A_1333 = vector.broadcast %broadcast_in_dim3A_1332 : vector<64x32x1xf32> to vector<64x32x64xf32>
        %mul3A_1334 = vector.broadcast %broadcast_in_dim3A_1325 : vector<1x1x64xf32> to vector<64x32x64xf32>
        %mul3A_1335 = arith.mulf %mul3A_1333, %mul3A_1334 : vector<64x32x64xf32>
        %concatenate3A_1336 = tpu.concatenate %mul3A_1330, %mul3A_1335 in 2 : vector<64x32x64xf32>, vector<64x32x64xf32> -> vector<64x32x128xf32>
        %reshape3A_1337 = vector.shape_cast %mul3A_1316 : vector<2048x128xf32> to vector<64x32x128xf32>
        %mul3A_1338 = arith.mulf %reshape3A_1337, %concatenate3A_1336 : vector<64x32x128xf32>
        %reduce_sum3A_1339 = arith.constant dense<0.000000e+00> : vector<64x128xf32>
        %reduce_sum3A_1340 = vector.multi_reduction <add>, %mul3A_1338, %reduce_sum3A_1339 [1] : vector<64x32x128xf32> to vector<64x128xf32>
        %slice3A_1341 = vector.extract_strided_slice %reduce_sum3A_1340 {offsets = [0, 0], sizes = [64, 64], strides = [1, 1]} : vector<64x128xf32> to vector<64x64xf32>
        %slice3A_1342 = vector.extract_strided_slice %reduce_sum3A_1340 {offsets = [0, 64], sizes = [64, 64], strides = [1, 1]} : vector<64x128xf32> to vector<64x64xf32>
        %add3A_1343 = arith.addf %slice3A_1341, %slice3A_1342 : vector<64x64xf32>
        %add3A_1344 = arith.addf %while3A_1258, %add3A_1343 : vector<64x64xf32>
        scf.yield %add3A_1344 : vector<64x64xf32>
      }
      %swap3A_1254 = arith.index_cast %mul3A_1225 : i32 to index
      %swap3A_1255 = arith.constant 0 : index
      %swap3A_1256 = vector.load %arg126[%swap3A_1254, %swap3A_1255] : memref<2048x64xf32, #tpu.memory_space<vmem>>, vector<64x64xf32>
      tpu.vector_store %arg126[%swap3A_1254, %swap3A_1255], %while3A_1253 {strides = array<i32>} : memref<2048x64xf32, #tpu.memory_space<vmem>>, vector<64x64xf32>,
    }
    %scan3A_824 = arith.constant 32 : i32
    %get3A_825 = arith.constant 0 : index
    %get3A_826 = arith.constant 0 : index
    %get3A_827 = vector.load %arg123[%get3A_825, %get3A_826] : memref<2048x64xf32, #tpu.memory_space<vmem>>, vector<2048x64xf32>
    %get3A_828 = arith.constant 0 : index
    %get3A_829 = arith.constant 0 : index
    %get3A_830 = vector.load %arg126[%get3A_828, %get3A_829] : memref<2048x64xf32, #tpu.memory_space<vmem>>, vector<2048x64xf32>
    %div3A_831 = arith.constant 1.000000e+02 : f32
    %div3A_832 = vector.broadcast %div3A_831 : f32 to vector<2048x64xf32>
    %div3A_833 = arith.divf %get3A_830, %div3A_832 : vector<2048x64xf32>
    %slice3A_834 = vector.extract_strided_slice %get3A_46 {offsets = [0, 0], sizes = [64, 64], strides = [1, 1]} : vector<128x64xf32> to vector<64x64xf32>
    %dot_general3A_835 = arith.constant dense<0.000000e+00> : vector<2048x64xf32>
    %dot_general3A_836 = tpu.matmul %get3A_827, %slice3A_834, %dot_general3A_835 {dimension_numbers = #tpu.dot_dimension_numbers<[1], [0], [0], [1], [0, 0, 1, 1], [], []>, precision = #tpu.contract_precision<fp32>, transpose_lhs_hint = false} : vector<2048x64xf32>, vector<64x64xf32>, vector<2048x64xf32> -> vector<2048x64xf32>
    %slice3A_837 = vector.extract_strided_slice %get3A_46 {offsets = [64, 0], sizes = [64, 64], strides = [1, 1]} : vector<128x64xf32> to vector<64x64xf32>
    %dot_general3A_838 = arith.constant dense<0.000000e+00> : vector<2048x64xf32>
    %dot_general3A_839 = tpu.matmul %div3A_833, %slice3A_837, %dot_general3A_838 {dimension_numbers = #tpu.dot_dimension_numbers<[1], [0], [0], [1], [0, 0, 1, 1], [], []>, precision = #tpu.contract_precision<fp32>, transpose_lhs_hint = false} : vector<2048x64xf32>, vector<64x64xf32>, vector<2048x64xf32> -> vector<2048x64xf32>
    %add3A_840 = arith.addf %dot_general3A_836, %dot_general3A_839 : vector<2048x64xf32>
    %broadcast_in_dim3A_841 = vector.shape_cast %get3A_43 : vector<64xf32> to vector<1x64xf32>
    %add3A_842 = vector.broadcast %broadcast_in_dim3A_841 : vector<1x64xf32> to vector<2048x64xf32>
    %add3A_843 = arith.addf %add3A_840, %add3A_842 : vector<2048x64xf32>
    %logistic3A_844 = arith.negf %add3A_843 : vector<2048x64xf32>
    %logistic3A_845 = math.exp %logistic3A_844 : vector<2048x64xf32>
    %logistic3A_846 = arith.constant 1.000000e+00 : f32
    %logistic3A_847 = vector.broadcast %logistic3A_846 : f32 to vector<2048x64xf32>
    %logistic3A_848 = arith.addf %logistic3A_847, %logistic3A_845 : vector<2048x64xf32>
    %logistic3A_849 = arith.divf %logistic3A_847, %logistic3A_848 : vector<2048x64xf32>
    %mul3A_850 = arith.mulf %add3A_843, %logistic3A_849 : vector<2048x64xf32>
    %dot_general3A_851 = arith.constant dense<0.000000e+00> : vector<2048x64xf32>
    %dot_general3A_852 = tpu.matmul %mul3A_850, %get3A_51, %dot_general3A_851 {dimension_numbers = #tpu.dot_dimension_numbers<[1], [0], [0], [1], [0, 0, 1, 1], [], []>, precision = #tpu.contract_precision<fp32>, transpose_lhs_hint = false} : vector<2048x64xf32>, vector<64x64xf32>, vector<2048x64xf32> -> vector<2048x64xf32>
    %add3A_853 = arith.addf %get3A_827, %dot_general3A_852 : vector<2048x64xf32>
    %broadcast_in_dim3A_854 = vector.shape_cast %get3A_48 : vector<64xf32> to vector<1x64xf32>
    %add3A_855 = vector.broadcast %broadcast_in_dim3A_854 : vector<1x64xf32> to vector<2048x64xf32>
    %add3A_856 = arith.addf %add3A_853, %add3A_855 : vector<2048x64xf32>
    %swap3A_857 = arith.constant 0 : index
    %swap3A_858 = arith.constant 0 : index
    %swap3A_859 = vector.load %arg123[%swap3A_857, %swap3A_858] : memref<2048x64xf32, #tpu.memory_space<vmem>>, vector<2048x64xf32>
    tpu.vector_store %arg123[%swap3A_857, %swap3A_858], %add3A_856 {strides = array<i32>} : memref<2048x64xf32, #tpu.memory_space<vmem>>, vector<2048x64xf32>,
    %slice3A_860 = vector.extract_strided_slice %get3A_56 {offsets = [0, 0], sizes = [64, 64], strides = [1, 1]} : vector<145x64xf32> to vector<64x64xf32>
    %slice3A_861 = vector.extract_strided_slice %get3A_56 {offsets = [64, 0], sizes = [64, 64], strides = [1, 1]} : vector<145x64xf32> to vector<64x64xf32>
    %slice3A_862 = vector.extract_strided_slice %get3A_56 {offsets = [128, 0], sizes = [1, 64], strides = [1, 1]} : vector<145x64xf32> to vector<1x64xf32>
    %slice3A_863 = vector.extract_strided_slice %get3A_56 {offsets = [129, 0], sizes = [16, 64], strides = [1, 1]} : vector<145x64xf32> to vector<16x64xf32>
    %dot_general3A_864 = arith.constant dense<0.000000e+00> : vector<1x64xf32>
    %dot_general3A_865 = tpu.matmul %slice3A_357, %slice3A_863, %dot_general3A_864 {dimension_numbers = #tpu.dot_dimension_numbers<[1], [0], [0], [1], [0, 0, 1, 1], [], []>, precision = #tpu.contract_precision<fp32>, transpose_lhs_hint = false} : vector<1x16xf32>, vector<16x64xf32>, vector<1x64xf32> -> vector<1x64xf32>
    %reshape3A_866 = vector.shape_cast %get3A_53 : vector<64xf32> to vector<1x64xf32>
    %add3A_867 = arith.addf %dot_general3A_865, %reshape3A_866 : vector<1x64xf32>
    %broadcast_in_dim3A_868 = arith.constant 0.000000e+00 : f32
    %broadcast_in_dim3A_869 = vector.broadcast %broadcast_in_dim3A_868 : f32 to vector<64x64xf32>
    %concatenate3A_870 = tpu.concatenate %get3A_61, %broadcast_in_dim3A_869 in 1 : vector<64x64xf32>, vector<64x64xf32> -> vector<64x128xf32>
    %concatenate3A_871 = tpu.concatenate %broadcast_in_dim3A_869, %get3A_61 in 1 : vector<64x64xf32>, vector<64x64xf32> -> vector<64x128xf32>
    %concatenate3A_872 = tpu.concatenate %concatenate3A_870, %concatenate3A_871 in 0 : vector<64x128xf32>, vector<64x128xf32> -> vector<128x128xf32>
    %concatenate3A_873 = tpu.concatenate %get3A_58, %get3A_58 in 0 : vector<64xf32>, vector<64xf32> -> vector<128xf32>
    %get3A_874 = arith.constant 0 : index
    %get3A_875 = arith.constant 0 : index
    %get3A_876 = vector.load %arg123[%get3A_874, %get3A_875] : memref<2048x64xf32, #tpu.memory_space<vmem>>, vector<2048x64xf32>
    %dot_general3A_877 = arith.constant dense<0.000000e+00> : vector<2048x64xf32>
    %dot_general3A_878 = tpu.matmul %get3A_876, %slice3A_860, %dot_general3A_877 {dimension_numbers = #tpu.dot_dimension_numbers<[1], [0], [0], [1], [0, 0, 1, 1], [], []>, precision = #tpu.contract_precision<fp32>, transpose_lhs_hint = false} : vector<2048x64xf32>, vector<64x64xf32>, vector<2048x64xf32> -> vector<2048x64xf32>
    %add3A_879 = vector.broadcast %add3A_867 : vector<1x64xf32> to vector<2048x64xf32>
    %add3A_880 = arith.addf %dot_general3A_878, %add3A_879 : vector<2048x64xf32>
    %swap3A_881 = arith.constant 0 : index
    %swap3A_882 = arith.constant 0 : index
    %swap3A_883 = vector.load %arg128[%swap3A_881, %swap3A_882] : memref<2048x64xf32, #tpu.memory_space<vmem>>, vector<2048x64xf32>
    tpu.vector_store %arg128[%swap3A_881, %swap3A_882], %add3A_880 {strides = array<i32>} : memref<2048x64xf32, #tpu.memory_space<vmem>>, vector<2048x64xf32>,
    %get3A_884 = arith.constant 0 : index
    %get3A_885 = arith.constant 0 : index
    %get3A_886 = vector.load %arg124[%get3A_884, %get3A_885] : memref<4096x64xf32, #tpu.memory_space<vmem>>, vector<4096x64xf32>
    %dot_general3A_887 = arith.constant dense<0.000000e+00> : vector<4096x64xf32>
    %dot_general3A_888 = tpu.matmul %get3A_886, %slice3A_861, %dot_general3A_887 {dimension_numbers = #tpu.dot_dimension_numbers<[1], [0], [0], [1], [0, 0, 1, 1], [], []>, precision = #tpu.contract_precision<fp32>, transpose_lhs_hint = false} : vector<4096x64xf32>, vector<64x64xf32>, vector<4096x64xf32> -> vector<4096x64xf32>
    %swap3A_889 = arith.constant 0 : index
    %swap3A_890 = arith.constant 0 : index
    %swap3A_891 = vector.load %arg129[%swap3A_889, %swap3A_890] : memref<4096x64xf32, #tpu.memory_space<vmem>>, vector<4096x64xf32>
    tpu.vector_store %arg129[%swap3A_889, %swap3A_890], %dot_general3A_888 {strides = array<i32>} : memref<4096x64xf32, #tpu.memory_space<vmem>>, vector<4096x64xf32>,
    %scan3A_892 = arith.constant 0 : i32
    %scan3A_893 = arith.constant 32 : i32
    %scan3A_894 = arith.addi %scan3A_892, %scan3A_893 : i32
    %scan3A_895 = arith.constant 1 : i32
    scf.for %scan3A_1223 = %scan3A_892 to %scan3A_894 step %scan3A_895  : i32 {
      %mul3A_1224 = arith.constant 64 : i32
      %mul3A_1225 = arith.muli %scan3A_1223, %mul3A_1224 : i32
      %get3A_1226 = arith.index_cast %mul3A_1225 : i32 to index
      %get3A_1227 = arith.constant 0 : index
      %get3A_1228 = vector.load %arg125[%get3A_1226, %get3A_1227] : memref<2048x3xf32, #tpu.memory_space<vmem>>, vector<64x3xf32>
      %get3A_1229 = arith.index_cast %mul3A_1225 : i32 to index
      %get3A_1230 = arith.constant 0 : index
      %get3A_1231 = vector.load %arg8[%get3A_1229, %get3A_1230] : memref<2048x1xi32, #tpu.memory_space<vmem>>, vector<64x1xi32>
      %get3A_1232 = arith.index_cast %mul3A_1225 : i32 to index
      %get3A_1233 = arith.constant 0 : index
      %get3A_1234 = vector.load %arg9[%get3A_1232, %get3A_1233] : memref<2048x1xi32, #tpu.memory_space<vmem>>, vector<64x1xi32>
      %get3A_1235 = arith.index_cast %mul3A_1225 : i32 to index
      %get3A_1236 = arith.constant 0 : index
      %get3A_1237 = vector.load %arg128[%get3A_1235, %get3A_1236] : memref<2048x64xf32, #tpu.memory_space<vmem>>, vector<64x64xf32>
      %concatenate3A_1238 = tpu.concatenate %get3A_1237, %get3A_1237 in 1 : vector<64x64xf32>, vector<64x64xf32> -> vector<64x128xf32>
      %get3A_1239 = arith.index_cast %scan3A_1223 : i32 to index
      %get3A_1240 = memref.load %arg12[%get3A_1239] : memref<32xi32, #tpu.memory_space<smem>>
      %get3A_1241 = arith.index_cast %scan3A_1223 : i32 to index
      %get3A_1242 = memref.load %arg13[%get3A_1241] : memref<32xi32, #tpu.memory_space<smem>>
      %broadcast_in_dim3A_1243 = arith.constant 0.000000e+00 : f32
      %broadcast_in_dim3A_1244 = vector.broadcast %broadcast_in_dim3A_1243 : f32 to vector<64x64xf32>
      %while3A = arith.subi %get3A_1242, %get3A_1240 : i32
      %while3A_1245 = arith.addi %get3A_1240, %while3A : i32
      %while3A_1246 = arith.constant 1 : i32
      %while3A_1247 = arith.divsi %while3A, %while3A_1246 : i32
      %while3A_1248 = arith.muli %while3A_1247, %while3A_1246 : i32
      %while3A_1249 = arith.addi %get3A_1240, %while3A_1248 : i32
      %while3A_1250 = arith.constant 1 : i32
      %while3A_1251 = scf.for %while3A_1257 = %get3A_1240 to %while3A_1249 step %while3A_1250 iter_args(%while3A_1258 = %broadcast_in_dim3A_1244) -> (vector<64x64xf32>)  : i32 {
        %mul3A_1259 = arith.constant 64 : i32
        %mul3A_1260 = arith.muli %while3A_1257, %mul3A_1259 : i32
        %get3A_1261 = arith.index_cast %mul3A_1260 : i32 to index
        %get3A_1262 = arith.constant 0 : index
        %get3A_1263 = vector.load %arg2[%get3A_1261, %get3A_1262] : memref<4096x3xf32, #tpu.memory_space<vmem>>, vector<64x3xf32>
        %get3A_1264 = arith.index_cast %mul3A_1260 : i32 to index
        %get3A_1265 = arith.constant 0 : index
        %get3A_1266 = vector.load %arg129[%get3A_1264, %get3A_1265] : memref<4096x64xf32, #tpu.memory_space<vmem>>, vector<64x64xf32>
        %slice3A_1267 = vector.extract_strided_slice %get3A_1266 {offsets = [0, 0], sizes = [32, 64], strides = [1, 1]} : vector<64x64xf32> to vector<32x64xf32>
        %slice3A_1268 = vector.extract_strided_slice %get3A_1266 {offsets = [32, 0], sizes = [32, 64], strides = [1, 1]} : vector<64x64xf32> to vector<32x64xf32>
        %concatenate3A_1269 = tpu.concatenate %slice3A_1267, %slice3A_1268 in 1 : vector<32x64xf32>, vector<32x64xf32> -> vector<32x128xf32>
        %broadcast_in_dim3A_1270 = vector.shape_cast %get3A_1228 : vector<64x3xf32> to vector<64x1x3xf32>
        %broadcast_in_dim3A_1271 = vector.shape_cast %get3A_1263 : vector<64x3xf32> to vector<1x64x3xf32>
        %sub3A_1272 = vector.broadcast %broadcast_in_dim3A_1270 : vector<64x1x3xf32> to vector<64x64x3xf32>
        %sub3A_1273 = vector.broadcast %broadcast_in_dim3A_1271 : vector<1x64x3xf32> to vector<64x64x3xf32>
        %sub3A_1274 = arith.subf %sub3A_1272, %sub3A_1273 : vector<64x64x3xf32>
        %mul3A_1275 = arith.mulf %sub3A_1274, %sub3A_1274 : vector<64x64x3xf32>
        %reduce_sum3A_1276 = arith.constant dense<0.000000e+00> : vector<64x64xf32>
        %reduce_sum3A_1277 = vector.multi_reduction <add>, %mul3A_1275, %reduce_sum3A_1276 [2] : vector<64x64x3xf32> to vector<64x64xf32>
        %slice3A_1278 = vector.extract_strided_slice %reduce_sum3A_1277 {offsets = [0, 0], sizes = [64, 32], strides = [1, 1]} : vector<64x64xf32> to vector<64x32xf32>
        %broadcast_in_dim3A_1279 = vector.shape_cast %slice3A_1278 : vector<64x32xf32> to vector<64x32x1xf32>
        %broadcast_in_dim3A_1280 = vector.shape_cast %slice3A_862 : vector<1x64xf32> to vector<1x1x64xf32>
        %mul3A_1281 = vector.broadcast %broadcast_in_dim3A_1279 : vector<64x32x1xf32> to vector<64x32x64xf32>
        %mul3A_1282 = vector.broadcast %broadcast_in_dim3A_1280 : vector<1x1x64xf32> to vector<64x32x64xf32>
        %mul3A_1283 = arith.mulf %mul3A_1281, %mul3A_1282 : vector<64x32x64xf32>
        %slice3A_1284 = vector.extract_strided_slice %reduce_sum3A_1277 {offsets = [0, 32], sizes = [64, 32], strides = [1, 1]} : vector<64x64xf32> to vector<64x32xf32>
        %broadcast_in_dim3A_1285 = vector.shape_cast %slice3A_1284 : vector<64x32xf32> to vector<64x32x1xf32>
        %broadcast_in_dim3A_1286 = vector.shape_cast %slice3A_862 : vector<1x64xf32> to vector<1x1x64xf32>
        %mul3A_1287 = vector.broadcast %broadcast_in_dim3A_1285 : vector<64x32x1xf32> to vector<64x32x64xf32>
        %mul3A_1288 = vector.broadcast %broadcast_in_dim3A_1286 : vector<1x1x64xf32> to vector<64x32x64xf32>
        %mul3A_1289 = arith.mulf %mul3A_1287, %mul3A_1288 : vector<64x32x64xf32>
        %concatenate3A_1290 = tpu.concatenate %mul3A_1283, %mul3A_1289 in 2 : vector<64x32x64xf32>, vector<64x32x64xf32> -> vector<64x32x128xf32>
        %broadcast_in_dim3A_1291 = vector.shape_cast %concatenate3A_1238 : vector<64x128xf32> to vector<64x1x128xf32>
        %broadcast_in_dim3A_1292 = vector.shape_cast %concatenate3A_1269 : vector<32x128xf32> to vector<1x32x128xf32>
        %add3A_1293 = vector.broadcast %broadcast_in_dim3A_1291 : vector<64x1x128xf32> to vector<64x32x128xf32>
        %add3A_1294 = vector.broadcast %broadcast_in_dim3A_1292 : vector<1x32x128xf32> to vector<64x32x128xf32>
        %add3A_1295 = arith.addf %add3A_1293, %add3A_1294 : vector<64x32x128xf32>
        %add3A_1296 = arith.addf %add3A_1295, %concatenate3A_1290 : vector<64x32x128xf32>
        %logistic3A_1297 = arith.negf %add3A_1296 : vector<64x32x128xf32>
        %logistic3A_1298 = math.exp %logistic3A_1297 : vector<64x32x128xf32>
        %logistic3A_1299 = arith.constant 1.000000e+00 : f32
        %logistic3A_1300 = vector.broadcast %logistic3A_1299 : f32 to vector<64x32x128xf32>
        %logistic3A_1301 = arith.addf %logistic3A_1300, %logistic3A_1298 : vector<64x32x128xf32>
        %logistic3A_1302 = arith.divf %logistic3A_1300, %logistic3A_1301 : vector<64x32x128xf32>
        %mul3A_1303 = arith.mulf %add3A_1296, %logistic3A_1302 : vector<64x32x128xf32>
        %reshape3A_1304 = vector.shape_cast %mul3A_1303 : vector<64x32x128xf32> to vector<2048x128xf32>
        %dot_general3A_1305 = arith.constant dense<0.000000e+00> : vector<2048x128xf32>
        %dot_general3A_1306 = tpu.matmul %reshape3A_1304, %concatenate3A_872, %dot_general3A_1305 {dimension_numbers = #tpu.dot_dimension_numbers<[1], [0], [0], [1], [0, 0, 1, 1], [], []>, precision = #tpu.contract_precision<fp32>, transpose_lhs_hint = false} : vector<2048x128xf32>, vector<128x128xf32>, vector<2048x128xf32> -> vector<2048x128xf32>
        %broadcast_in_dim3A_1307 = vector.shape_cast %concatenate3A_873 : vector<128xf32> to vector<1x128xf32>
        %add3A_1308 = vector.broadcast %broadcast_in_dim3A_1307 : vector<1x128xf32> to vector<2048x128xf32>
        %add3A_1309 = arith.addf %dot_general3A_1306, %add3A_1308 : vector<2048x128xf32>
        %logistic3A_1310 = arith.negf %add3A_1309 : vector<2048x128xf32>
        %logistic3A_1311 = math.exp %logistic3A_1310 : vector<2048x128xf32>
        %logistic3A_1312 = arith.constant 1.000000e+00 : f32
        %logistic3A_1313 = vector.broadcast %logistic3A_1312 : f32 to vector<2048x128xf32>
        %logistic3A_1314 = arith.addf %logistic3A_1313, %logistic3A_1311 : vector<2048x128xf32>
        %logistic3A_1315 = arith.divf %logistic3A_1313, %logistic3A_1314 : vector<2048x128xf32>
        %mul3A_1316 = arith.mulf %add3A_1309, %logistic3A_1315 : vector<2048x128xf32>
        %iota3A = tpu.iota {dimensions = array<i32: 1>} : vector<1x64xi32>
        %add3A_1317 = vector.broadcast %mul3A_1260 : i32 to vector<1x64xi32>
        %add3A_1318 = arith.addi %add3A_1317, %iota3A : vector<1x64xi32>
        %ge3A = vector.broadcast %add3A_1318 : vector<1x64xi32> to vector<64x64xi32>
        %ge3A_1319 = vector.broadcast %get3A_1231 : vector<64x1xi32> to vector<64x64xi32>
        %ge3A_1320 = arith.cmpi sge, %ge3A, %ge3A_1319 : vector<64x64xi32>
        %lt3A = vector.broadcast %add3A_1318 : vector<1x64xi32> to vector<64x64xi32>
        %lt3A_1321 = vector.broadcast %get3A_1234 : vector<64x1xi32> to vector<64x64xi32>
        %lt3A_1322 = arith.cmpi slt, %lt3A, %lt3A_1321 : vector<64x64xi32>
        %and3A = arith.andi %ge3A_1320, %lt3A_1322 : vector<64x64xi1>
        %convert_element_type3A = arith.extui %and3A : vector<64x64xi1> to vector<64x64xi32>
        %convert_element_type3A_1323 = arith.sitofp %convert_element_type3A : vector<64x64xi32> to vector<64x64xf32>
        %broadcast_in_dim3A_1324 = arith.constant 1.000000e+00 : f32
        %broadcast_in_dim3A_1325 = vector.broadcast %broadcast_in_dim3A_1324 : f32 to vector<1x1x64xf32>
        %slice3A_1326 = vector.extract_strided_slice %convert_element_type3A_1323 {offsets = [0, 0], sizes = [64, 32], strides = [1, 1]} : vector<64x64xf32> to vector<64x32xf32>
        %broadcast_in_dim3A_1327 = vector.shape_cast %slice3A_1326 : vector<64x32xf32> to vector<64x32x1xf32>
        %mul3A_1328 = vector.broadcast %broadcast_in_dim3A_1327 : vector<64x32x1xf32> to vector<64x32x64xf32>
        %mul3A_1329 = vector.broadcast %broadcast_in_dim3A_1325 : vector<1x1x64xf32> to vector<64x32x64xf32>
        %mul3A_1330 = arith.mulf %mul3A_1328, %mul3A_1329 : vector<64x32x64xf32>
        %slice3A_1331 = vector.extract_strided_slice %convert_element_type3A_1323 {offsets = [0, 32], sizes = [64, 32], strides = [1, 1]} : vector<64x64xf32> to vector<64x32xf32>
        %broadcast_in_dim3A_1332 = vector.shape_cast %slice3A_1331 : vector<64x32xf32> to vector<64x32x1xf32>
        %mul3A_1333 = vector.broadcast %broadcast_in_dim3A_1332 : vector<64x32x1xf32> to vector<64x32x64xf32>
        %mul3A_1334 = vector.broadcast %broadcast_in_dim3A_1325 : vector<1x1x64xf32> to vector<64x32x64xf32>
        %mul3A_1335 = arith.mulf %mul3A_1333, %mul3A_1334 : vector<64x32x64xf32>
        %concatenate3A_1336 = tpu.concatenate %mul3A_1330, %mul3A_1335 in 2 : vector<64x32x64xf32>, vector<64x32x64xf32> -> vector<64x32x128xf32>
        %reshape3A_1337 = vector.shape_cast %mul3A_1316 : vector<2048x128xf32> to vector<64x32x128xf32>
        %mul3A_1338 = arith.mulf %reshape3A_1337, %concatenate3A_1336 : vector<64x32x128xf32>
        %reduce_sum3A_1339 = arith.constant dense<0.000000e+00> : vector<64x128xf32>
        %reduce_sum3A_1340 = vector.multi_reduction <add>, %mul3A_1338, %reduce_sum3A_1339 [1] : vector<64x32x128xf32> to vector<64x128xf32>
        %slice3A_1341 = vector.extract_strided_slice %reduce_sum3A_1340 {offsets = [0, 0], sizes = [64, 64], strides = [1, 1]} : vector<64x128xf32> to vector<64x64xf32>
        %slice3A_1342 = vector.extract_strided_slice %reduce_sum3A_1340 {offsets = [0, 64], sizes = [64, 64], strides = [1, 1]} : vector<64x128xf32> to vector<64x64xf32>
        %add3A_1343 = arith.addf %slice3A_1341, %slice3A_1342 : vector<64x64xf32>
        %add3A_1344 = arith.addf %while3A_1258, %add3A_1343 : vector<64x64xf32>
        scf.yield %add3A_1344 : vector<64x64xf32>
      }
      %while3A_1252 = arith.constant 1 : i32
      %while3A_1253 = scf.for %while3A_1257 = %while3A_1249 to %while3A_1245 step %while3A_1252 iter_args(%while3A_1258 = %while3A_1251) -> (vector<64x64xf32>)  : i32 {
        %mul3A_1259 = arith.constant 64 : i32
        %mul3A_1260 = arith.muli %while3A_1257, %mul3A_1259 : i32
        %get3A_1261 = arith.index_cast %mul3A_1260 : i32 to index
        %get3A_1262 = arith.constant 0 : index
        %get3A_1263 = vector.load %arg2[%get3A_1261, %get3A_1262] : memref<4096x3xf32, #tpu.memory_space<vmem>>, vector<64x3xf32>
        %get3A_1264 = arith.index_cast %mul3A_1260 : i32 to index
        %get3A_1265 = arith.constant 0 : index
        %get3A_1266 = vector.load %arg129[%get3A_1264, %get3A_1265] : memref<4096x64xf32, #tpu.memory_space<vmem>>, vector<64x64xf32>
        %slice3A_1267 = vector.extract_strided_slice %get3A_1266 {offsets = [0, 0], sizes = [32, 64], strides = [1, 1]} : vector<64x64xf32> to vector<32x64xf32>
        %slice3A_1268 = vector.extract_strided_slice %get3A_1266 {offsets = [32, 0], sizes = [32, 64], strides = [1, 1]} : vector<64x64xf32> to vector<32x64xf32>
        %concatenate3A_1269 = tpu.concatenate %slice3A_1267, %slice3A_1268 in 1 : vector<32x64xf32>, vector<32x64xf32> -> vector<32x128xf32>
        %broadcast_in_dim3A_1270 = vector.shape_cast %get3A_1228 : vector<64x3xf32> to vector<64x1x3xf32>
        %broadcast_in_dim3A_1271 = vector.shape_cast %get3A_1263 : vector<64x3xf32> to vector<1x64x3xf32>
        %sub3A_1272 = vector.broadcast %broadcast_in_dim3A_1270 : vector<64x1x3xf32> to vector<64x64x3xf32>
        %sub3A_1273 = vector.broadcast %broadcast_in_dim3A_1271 : vector<1x64x3xf32> to vector<64x64x3xf32>
        %sub3A_1274 = arith.subf %sub3A_1272, %sub3A_1273 : vector<64x64x3xf32>
        %mul3A_1275 = arith.mulf %sub3A_1274, %sub3A_1274 : vector<64x64x3xf32>
        %reduce_sum3A_1276 = arith.constant dense<0.000000e+00> : vector<64x64xf32>
        %reduce_sum3A_1277 = vector.multi_reduction <add>, %mul3A_1275, %reduce_sum3A_1276 [2] : vector<64x64x3xf32> to vector<64x64xf32>
        %slice3A_1278 = vector.extract_strided_slice %reduce_sum3A_1277 {offsets = [0, 0], sizes = [64, 32], strides = [1, 1]} : vector<64x64xf32> to vector<64x32xf32>
        %broadcast_in_dim3A_1279 = vector.shape_cast %slice3A_1278 : vector<64x32xf32> to vector<64x32x1xf32>
        %broadcast_in_dim3A_1280 = vector.shape_cast %slice3A_862 : vector<1x64xf32> to vector<1x1x64xf32>
        %mul3A_1281 = vector.broadcast %broadcast_in_dim3A_1279 : vector<64x32x1xf32> to vector<64x32x64xf32>
        %mul3A_1282 = vector.broadcast %broadcast_in_dim3A_1280 : vector<1x1x64xf32> to vector<64x32x64xf32>
        %mul3A_1283 = arith.mulf %mul3A_1281, %mul3A_1282 : vector<64x32x64xf32>
        %slice3A_1284 = vector.extract_strided_slice %reduce_sum3A_1277 {offsets = [0, 32], sizes = [64, 32], strides = [1, 1]} : vector<64x64xf32> to vector<64x32xf32>
        %broadcast_in_dim3A_1285 = vector.shape_cast %slice3A_1284 : vector<64x32xf32> to vector<64x32x1xf32>
        %broadcast_in_dim3A_1286 = vector.shape_cast %slice3A_862 : vector<1x64xf32> to vector<1x1x64xf32>
        %mul3A_1287 = vector.broadcast %broadcast_in_dim3A_1285 : vector<64x32x1xf32> to vector<64x32x64xf32>
        %mul3A_1288 = vector.broadcast %broadcast_in_dim3A_1286 : vector<1x1x64xf32> to vector<64x32x64xf32>
        %mul3A_1289 = arith.mulf %mul3A_1287, %mul3A_1288 : vector<64x32x64xf32>
        %concatenate3A_1290 = tpu.concatenate %mul3A_1283, %mul3A_1289 in 2 : vector<64x32x64xf32>, vector<64x32x64xf32> -> vector<64x32x128xf32>
        %broadcast_in_dim3A_1291 = vector.shape_cast %concatenate3A_1238 : vector<64x128xf32> to vector<64x1x128xf32>
        %broadcast_in_dim3A_1292 = vector.shape_cast %concatenate3A_1269 : vector<32x128xf32> to vector<1x32x128xf32>
        %add3A_1293 = vector.broadcast %broadcast_in_dim3A_1291 : vector<64x1x128xf32> to vector<64x32x128xf32>
        %add3A_1294 = vector.broadcast %broadcast_in_dim3A_1292 : vector<1x32x128xf32> to vector<64x32x128xf32>
        %add3A_1295 = arith.addf %add3A_1293, %add3A_1294 : vector<64x32x128xf32>
        %add3A_1296 = arith.addf %add3A_1295, %concatenate3A_1290 : vector<64x32x128xf32>
        %logistic3A_1297 = arith.negf %add3A_1296 : vector<64x32x128xf32>
        %logistic3A_1298 = math.exp %logistic3A_1297 : vector<64x32x128xf32>
        %logistic3A_1299 = arith.constant 1.000000e+00 : f32
        %logistic3A_1300 = vector.broadcast %logistic3A_1299 : f32 to vector<64x32x128xf32>
        %logistic3A_1301 = arith.addf %logistic3A_1300, %logistic3A_1298 : vector<64x32x128xf32>
        %logistic3A_1302 = arith.divf %logistic3A_1300, %logistic3A_1301 : vector<64x32x128xf32>
        %mul3A_1303 = arith.mulf %add3A_1296, %logistic3A_1302 : vector<64x32x128xf32>
        %reshape3A_1304 = vector.shape_cast %mul3A_1303 : vector<64x32x128xf32> to vector<2048x128xf32>
        %dot_general3A_1305 = arith.constant dense<0.000000e+00> : vector<2048x128xf32>
        %dot_general3A_1306 = tpu.matmul %reshape3A_1304, %concatenate3A_872, %dot_general3A_1305 {dimension_numbers = #tpu.dot_dimension_numbers<[1], [0], [0], [1], [0, 0, 1, 1], [], []>, precision = #tpu.contract_precision<fp32>, transpose_lhs_hint = false} : vector<2048x128xf32>, vector<128x128xf32>, vector<2048x128xf32> -> vector<2048x128xf32>
        %broadcast_in_dim3A_1307 = vector.shape_cast %concatenate3A_873 : vector<128xf32> to vector<1x128xf32>
        %add3A_1308 = vector.broadcast %broadcast_in_dim3A_1307 : vector<1x128xf32> to vector<2048x128xf32>
        %add3A_1309 = arith.addf %dot_general3A_1306, %add3A_1308 : vector<2048x128xf32>
        %logistic3A_1310 = arith.negf %add3A_1309 : vector<2048x128xf32>
        %logistic3A_1311 = math.exp %logistic3A_1310 : vector<2048x128xf32>
        %logistic3A_1312 = arith.constant 1.000000e+00 : f32
        %logistic3A_1313 = vector.broadcast %logistic3A_1312 : f32 to vector<2048x128xf32>
        %logistic3A_1314 = arith.addf %logistic3A_1313, %logistic3A_1311 : vector<2048x128xf32>
        %logistic3A_1315 = arith.divf %logistic3A_1313, %logistic3A_1314 : vector<2048x128xf32>
        %mul3A_1316 = arith.mulf %add3A_1309, %logistic3A_1315 : vector<2048x128xf32>
        %iota3A = tpu.iota {dimensions = array<i32: 1>} : vector<1x64xi32>
        %add3A_1317 = vector.broadcast %mul3A_1260 : i32 to vector<1x64xi32>
        %add3A_1318 = arith.addi %add3A_1317, %iota3A : vector<1x64xi32>
        %ge3A = vector.broadcast %add3A_1318 : vector<1x64xi32> to vector<64x64xi32>
        %ge3A_1319 = vector.broadcast %get3A_1231 : vector<64x1xi32> to vector<64x64xi32>
        %ge3A_1320 = arith.cmpi sge, %ge3A, %ge3A_1319 : vector<64x64xi32>
        %lt3A = vector.broadcast %add3A_1318 : vector<1x64xi32> to vector<64x64xi32>
        %lt3A_1321 = vector.broadcast %get3A_1234 : vector<64x1xi32> to vector<64x64xi32>
        %lt3A_1322 = arith.cmpi slt, %lt3A, %lt3A_1321 : vector<64x64xi32>
        %and3A = arith.andi %ge3A_1320, %lt3A_1322 : vector<64x64xi1>
        %convert_element_type3A = arith.extui %and3A : vector<64x64xi1> to vector<64x64xi32>
        %convert_element_type3A_1323 = arith.sitofp %convert_element_type3A : vector<64x64xi32> to vector<64x64xf32>
        %broadcast_in_dim3A_1324 = arith.constant 1.000000e+00 : f32
        %broadcast_in_dim3A_1325 = vector.broadcast %broadcast_in_dim3A_1324 : f32 to vector<1x1x64xf32>
        %slice3A_1326 = vector.extract_strided_slice %convert_element_type3A_1323 {offsets = [0, 0], sizes = [64, 32], strides = [1, 1]} : vector<64x64xf32> to vector<64x32xf32>
        %broadcast_in_dim3A_1327 = vector.shape_cast %slice3A_1326 : vector<64x32xf32> to vector<64x32x1xf32>
        %mul3A_1328 = vector.broadcast %broadcast_in_dim3A_1327 : vector<64x32x1xf32> to vector<64x32x64xf32>
        %mul3A_1329 = vector.broadcast %broadcast_in_dim3A_1325 : vector<1x1x64xf32> to vector<64x32x64xf32>
        %mul3A_1330 = arith.mulf %mul3A_1328, %mul3A_1329 : vector<64x32x64xf32>
        %slice3A_1331 = vector.extract_strided_slice %convert_element_type3A_1323 {offsets = [0, 32], sizes = [64, 32], strides = [1, 1]} : vector<64x64xf32> to vector<64x32xf32>
        %broadcast_in_dim3A_1332 = vector.shape_cast %slice3A_1331 : vector<64x32xf32> to vector<64x32x1xf32>
        %mul3A_1333 = vector.broadcast %broadcast_in_dim3A_1332 : vector<64x32x1xf32> to vector<64x32x64xf32>
        %mul3A_1334 = vector.broadcast %broadcast_in_dim3A_1325 : vector<1x1x64xf32> to vector<64x32x64xf32>
        %mul3A_1335 = arith.mulf %mul3A_1333, %mul3A_1334 : vector<64x32x64xf32>
        %concatenate3A_1336 = tpu.concatenate %mul3A_1330, %mul3A_1335 in 2 : vector<64x32x64xf32>, vector<64x32x64xf32> -> vector<64x32x128xf32>
        %reshape3A_1337 = vector.shape_cast %mul3A_1316 : vector<2048x128xf32> to vector<64x32x128xf32>
        %mul3A_1338 = arith.mulf %reshape3A_1337, %concatenate3A_1336 : vector<64x32x128xf32>
        %reduce_sum3A_1339 = arith.constant dense<0.000000e+00> : vector<64x128xf32>
        %reduce_sum3A_1340 = vector.multi_reduction <add>, %mul3A_1338, %reduce_sum3A_1339 [1] : vector<64x32x128xf32> to vector<64x128xf32>
        %slice3A_1341 = vector.extract_strided_slice %reduce_sum3A_1340 {offsets = [0, 0], sizes = [64, 64], strides = [1, 1]} : vector<64x128xf32> to vector<64x64xf32>
        %slice3A_1342 = vector.extract_strided_slice %reduce_sum3A_1340 {offsets = [0, 64], sizes = [64, 64], strides = [1, 1]} : vector<64x128xf32> to vector<64x64xf32>
        %add3A_1343 = arith.addf %slice3A_1341, %slice3A_1342 : vector<64x64xf32>
        %add3A_1344 = arith.addf %while3A_1258, %add3A_1343 : vector<64x64xf32>
        scf.yield %add3A_1344 : vector<64x64xf32>
      }
      %swap3A_1254 = arith.index_cast %mul3A_1225 : i32 to index
      %swap3A_1255 = arith.constant 0 : index
      %swap3A_1256 = vector.load %arg126[%swap3A_1254, %swap3A_1255] : memref<2048x64xf32, #tpu.memory_space<vmem>>, vector<64x64xf32>
      tpu.vector_store %arg126[%swap3A_1254, %swap3A_1255], %while3A_1253 {strides = array<i32>} : memref<2048x64xf32, #tpu.memory_space<vmem>>, vector<64x64xf32>,
    }
    %scan3A_896 = arith.constant 32 : i32
    %get3A_897 = arith.constant 0 : index
    %get3A_898 = arith.constant 0 : index
    %get3A_899 = vector.load %arg123[%get3A_897, %get3A_898] : memref<2048x64xf32, #tpu.memory_space<vmem>>, vector<2048x64xf32>
    %get3A_900 = arith.constant 0 : index
    %get3A_901 = arith.constant 0 : index
    %get3A_902 = vector.load %arg126[%get3A_900, %get3A_901] : memref<2048x64xf32, #tpu.memory_space<vmem>>, vector<2048x64xf32>
    %div3A_903 = arith.constant 1.000000e+02 : f32
    %div3A_904 = vector.broadcast %div3A_903 : f32 to vector<2048x64xf32>
    %div3A_905 = arith.divf %get3A_902, %div3A_904 : vector<2048x64xf32>
    %slice3A_906 = vector.extract_strided_slice %get3A_66 {offsets = [0, 0], sizes = [64, 64], strides = [1, 1]} : vector<128x64xf32> to vector<64x64xf32>
    %dot_general3A_907 = arith.constant dense<0.000000e+00> : vector<2048x64xf32>
    %dot_general3A_908 = tpu.matmul %get3A_899, %slice3A_906, %dot_general3A_907 {dimension_numbers = #tpu.dot_dimension_numbers<[1], [0], [0], [1], [0, 0, 1, 1], [], []>, precision = #tpu.contract_precision<fp32>, transpose_lhs_hint = false} : vector<2048x64xf32>, vector<64x64xf32>, vector<2048x64xf32> -> vector<2048x64xf32>
    %slice3A_909 = vector.extract_strided_slice %get3A_66 {offsets = [64, 0], sizes = [64, 64], strides = [1, 1]} : vector<128x64xf32> to vector<64x64xf32>
    %dot_general3A_910 = arith.constant dense<0.000000e+00> : vector<2048x64xf32>
    %dot_general3A_911 = tpu.matmul %div3A_905, %slice3A_909, %dot_general3A_910 {dimension_numbers = #tpu.dot_dimension_numbers<[1], [0], [0], [1], [0, 0, 1, 1], [], []>, precision = #tpu.contract_precision<fp32>, transpose_lhs_hint = false} : vector<2048x64xf32>, vector<64x64xf32>, vector<2048x64xf32> -> vector<2048x64xf32>
    %add3A_912 = arith.addf %dot_general3A_908, %dot_general3A_911 : vector<2048x64xf32>
    %broadcast_in_dim3A_913 = vector.shape_cast %get3A_63 : vector<64xf32> to vector<1x64xf32>
    %add3A_914 = vector.broadcast %broadcast_in_dim3A_913 : vector<1x64xf32> to vector<2048x64xf32>
    %add3A_915 = arith.addf %add3A_912, %add3A_914 : vector<2048x64xf32>
    %logistic3A_916 = arith.negf %add3A_915 : vector<2048x64xf32>
    %logistic3A_917 = math.exp %logistic3A_916 : vector<2048x64xf32>
    %logistic3A_918 = arith.constant 1.000000e+00 : f32
    %logistic3A_919 = vector.broadcast %logistic3A_918 : f32 to vector<2048x64xf32>
    %logistic3A_920 = arith.addf %logistic3A_919, %logistic3A_917 : vector<2048x64xf32>
    %logistic3A_921 = arith.divf %logistic3A_919, %logistic3A_920 : vector<2048x64xf32>
    %mul3A_922 = arith.mulf %add3A_915, %logistic3A_921 : vector<2048x64xf32>
    %dot_general3A_923 = arith.constant dense<0.000000e+00> : vector<2048x64xf32>
    %dot_general3A_924 = tpu.matmul %mul3A_922, %get3A_71, %dot_general3A_923 {dimension_numbers = #tpu.dot_dimension_numbers<[1], [0], [0], [1], [0, 0, 1, 1], [], []>, precision = #tpu.contract_precision<fp32>, transpose_lhs_hint = false} : vector<2048x64xf32>, vector<64x64xf32>, vector<2048x64xf32> -> vector<2048x64xf32>
    %add3A_925 = arith.addf %get3A_899, %dot_general3A_924 : vector<2048x64xf32>
    %broadcast_in_dim3A_926 = vector.shape_cast %get3A_68 : vector<64xf32> to vector<1x64xf32>
    %add3A_927 = vector.broadcast %broadcast_in_dim3A_926 : vector<1x64xf32> to vector<2048x64xf32>
    %add3A_928 = arith.addf %add3A_925, %add3A_927 : vector<2048x64xf32>
    %swap3A_929 = arith.constant 0 : index
    %swap3A_930 = arith.constant 0 : index
    %swap3A_931 = vector.load %arg123[%swap3A_929, %swap3A_930] : memref<2048x64xf32, #tpu.memory_space<vmem>>, vector<2048x64xf32>
    tpu.vector_store %arg123[%swap3A_929, %swap3A_930], %add3A_928 {strides = array<i32>} : memref<2048x64xf32, #tpu.memory_space<vmem>>, vector<2048x64xf32>,
    %slice3A_932 = vector.extract_strided_slice %get3A_23 {offsets = [0, 0], sizes = [64, 64], strides = [1, 1]} : vector<145x64xf32> to vector<64x64xf32>
    %slice3A_933 = vector.extract_strided_slice %get3A_23 {offsets = [64, 0], sizes = [64, 64], strides = [1, 1]} : vector<145x64xf32> to vector<64x64xf32>
    %slice3A_934 = vector.extract_strided_slice %get3A_23 {offsets = [128, 0], sizes = [1, 64], strides = [1, 1]} : vector<145x64xf32> to vector<1x64xf32>
    %slice3A_935 = vector.extract_strided_slice %get3A_23 {offsets = [129, 0], sizes = [16, 64], strides = [1, 1]} : vector<145x64xf32> to vector<16x64xf32>
    %dot_general3A_936 = arith.constant dense<0.000000e+00> : vector<1x64xf32>
    %dot_general3A_937 = tpu.matmul %slice3A_357, %slice3A_935, %dot_general3A_936 {dimension_numbers = #tpu.dot_dimension_numbers<[1], [0], [0], [1], [0, 0, 1, 1], [], []>, precision = #tpu.contract_precision<fp32>, transpose_lhs_hint = false} : vector<1x16xf32>, vector<16x64xf32>, vector<1x64xf32> -> vector<1x64xf32>
    %reshape3A_938 = vector.shape_cast %get3A_20 : vector<64xf32> to vector<1x64xf32>
    %add3A_939 = arith.addf %dot_general3A_937, %reshape3A_938 : vector<1x64xf32>
    %broadcast_in_dim3A_940 = arith.constant 0.000000e+00 : f32
    %broadcast_in_dim3A_941 = vector.broadcast %broadcast_in_dim3A_940 : f32 to vector<64x64xf32>
    %concatenate3A_942 = tpu.concatenate %get3A_28, %broadcast_in_dim3A_941 in 1 : vector<64x64xf32>, vector<64x64xf32> -> vector<64x128xf32>
    %concatenate3A_943 = tpu.concatenate %broadcast_in_dim3A_941, %get3A_28 in 1 : vector<64x64xf32>, vector<64x64xf32> -> vector<64x128xf32>
    %concatenate3A_944 = tpu.concatenate %concatenate3A_942, %concatenate3A_943 in 0 : vector<64x128xf32>, vector<64x128xf32> -> vector<128x128xf32>
    %concatenate3A_945 = tpu.concatenate %get3A_25, %get3A_25 in 0 : vector<64xf32>, vector<64xf32> -> vector<128xf32>
    %broadcast_in_dim3A_946 = arith.constant 0.000000e+00 : f32
    %broadcast_in_dim3A_947 = vector.broadcast %broadcast_in_dim3A_946 : f32 to vector<64x1xf32>
    %concatenate3A_948 = tpu.concatenate %get3A_31, %broadcast_in_dim3A_947 in 1 : vector<64x1xf32>, vector<64x1xf32> -> vector<64x2xf32>
    %concatenate3A_949 = tpu.concatenate %broadcast_in_dim3A_947, %get3A_31 in 1 : vector<64x1xf32>, vector<64x1xf32> -> vector<64x2xf32>
    %concatenate3A_950 = tpu.concatenate %concatenate3A_948, %concatenate3A_949 in 0 : vector<64x2xf32>, vector<64x2xf32> -> vector<128x2xf32>
    %get3A_951 = arith.constant 0 : index
    %get3A_952 = arith.constant 0 : index
    %get3A_953 = vector.load %arg123[%get3A_951, %get3A_952] : memref<2048x64xf32, #tpu.memory_space<vmem>>, vector<2048x64xf32>
    %dot_general3A_954 = arith.constant dense<0.000000e+00> : vector<2048x64xf32>
    %dot_general3A_955 = tpu.matmul %get3A_953, %slice3A_932, %dot_general3A_954 {dimension_numbers = #tpu.dot_dimension_numbers<[1], [0], [0], [1], [0, 0, 1, 1], [], []>, precision = #tpu.contract_precision<fp32>, transpose_lhs_hint = false} : vector<2048x64xf32>, vector<64x64xf32>, vector<2048x64xf32> -> vector<2048x64xf32>
    %add3A_956 = vector.broadcast %add3A_939 : vector<1x64xf32> to vector<2048x64xf32>
    %add3A_957 = arith.addf %dot_general3A_955, %add3A_956 : vector<2048x64xf32>
    %swap3A_958 = arith.constant 0 : index
    %swap3A_959 = arith.constant 0 : index
    %swap3A_960 = vector.load %arg128[%swap3A_958, %swap3A_959] : memref<2048x64xf32, #tpu.memory_space<vmem>>, vector<2048x64xf32>
    tpu.vector_store %arg128[%swap3A_958, %swap3A_959], %add3A_957 {strides = array<i32>} : memref<2048x64xf32, #tpu.memory_space<vmem>>, vector<2048x64xf32>,
    %get3A_961 = arith.constant 0 : index
    %get3A_962 = arith.constant 0 : index
    %get3A_963 = vector.load %arg124[%get3A_961, %get3A_962] : memref<4096x64xf32, #tpu.memory_space<vmem>>, vector<4096x64xf32>
    %dot_general3A_964 = arith.constant dense<0.000000e+00> : vector<4096x64xf32>
    %dot_general3A_965 = tpu.matmul %get3A_963, %slice3A_933, %dot_general3A_964 {dimension_numbers = #tpu.dot_dimension_numbers<[1], [0], [0], [1], [0, 0, 1, 1], [], []>, precision = #tpu.contract_precision<fp32>, transpose_lhs_hint = false} : vector<4096x64xf32>, vector<64x64xf32>, vector<4096x64xf32> -> vector<4096x64xf32>
    %swap3A_966 = arith.constant 0 : index
    %swap3A_967 = arith.constant 0 : index
    %swap3A_968 = vector.load %arg129[%swap3A_966, %swap3A_967] : memref<4096x64xf32, #tpu.memory_space<vmem>>, vector<4096x64xf32>
    tpu.vector_store %arg129[%swap3A_966, %swap3A_967], %dot_general3A_965 {strides = array<i32>} : memref<4096x64xf32, #tpu.memory_space<vmem>>, vector<4096x64xf32>,
    %scan3A_969 = arith.constant 0 : i32
    %scan3A_970 = arith.constant 32 : i32
    %scan3A_971 = arith.addi %scan3A_969, %scan3A_970 : i32
    %scan3A_972 = arith.constant 1 : i32
    scf.for %scan3A_1223 = %scan3A_969 to %scan3A_971 step %scan3A_972  : i32 {
      %mul3A_1224 = arith.constant 64 : i32
      %mul3A_1225 = arith.muli %scan3A_1223, %mul3A_1224 : i32
      %get3A_1226 = arith.index_cast %mul3A_1225 : i32 to index
      %get3A_1227 = arith.constant 0 : index
      %get3A_1228 = vector.load %arg125[%get3A_1226, %get3A_1227] : memref<2048x3xf32, #tpu.memory_space<vmem>>, vector<64x3xf32>
      %get3A_1229 = arith.index_cast %mul3A_1225 : i32 to index
      %get3A_1230 = arith.constant 0 : index
      %get3A_1231 = vector.load %arg8[%get3A_1229, %get3A_1230] : memref<2048x1xi32, #tpu.memory_space<vmem>>, vector<64x1xi32>
      %get3A_1232 = arith.index_cast %mul3A_1225 : i32 to index
      %get3A_1233 = arith.constant 0 : index
      %get3A_1234 = vector.load %arg9[%get3A_1232, %get3A_1233] : memref<2048x1xi32, #tpu.memory_space<vmem>>, vector<64x1xi32>
      %get3A_1235 = arith.index_cast %mul3A_1225 : i32 to index
      %get3A_1236 = arith.constant 0 : index
      %get3A_1237 = vector.load %arg128[%get3A_1235, %get3A_1236] : memref<2048x64xf32, #tpu.memory_space<vmem>>, vector<64x64xf32>
      %concatenate3A_1238 = tpu.concatenate %get3A_1237, %get3A_1237 in 1 : vector<64x64xf32>, vector<64x64xf32> -> vector<64x128xf32>
      %get3A_1239 = arith.index_cast %scan3A_1223 : i32 to index
      %get3A_1240 = memref.load %arg12[%get3A_1239] : memref<32xi32, #tpu.memory_space<smem>>
      %get3A_1241 = arith.index_cast %scan3A_1223 : i32 to index
      %get3A_1242 = memref.load %arg13[%get3A_1241] : memref<32xi32, #tpu.memory_space<smem>>
      %broadcast_in_dim3A_1243 = arith.constant 0.000000e+00 : f32
      %broadcast_in_dim3A_1244 = vector.broadcast %broadcast_in_dim3A_1243 : f32 to vector<64x3xf32>
      %while3A = arith.subi %get3A_1242, %get3A_1240 : i32
      %while3A_1245 = arith.addi %get3A_1240, %while3A : i32
      %while3A_1246 = arith.constant 1 : i32
      %while3A_1247 = arith.divsi %while3A, %while3A_1246 : i32
      %while3A_1248 = arith.muli %while3A_1247, %while3A_1246 : i32
      %while3A_1249 = arith.addi %get3A_1240, %while3A_1248 : i32
      %while3A_1250 = arith.constant 1 : i32
      %while3A_1251 = scf.for %while3A_1257 = %get3A_1240 to %while3A_1249 step %while3A_1250 iter_args(%while3A_1258 = %broadcast_in_dim3A_1244) -> (vector<64x3xf32>)  : i32 {
        %mul3A_1259 = arith.constant 64 : i32
        %mul3A_1260 = arith.muli %while3A_1257, %mul3A_1259 : i32
        %get3A_1261 = arith.index_cast %mul3A_1260 : i32 to index
        %get3A_1262 = arith.constant 0 : index
        %get3A_1263 = vector.load %arg2[%get3A_1261, %get3A_1262] : memref<4096x3xf32, #tpu.memory_space<vmem>>, vector<64x3xf32>
        %get3A_1264 = arith.index_cast %mul3A_1260 : i32 to index
        %get3A_1265 = arith.constant 0 : index
        %get3A_1266 = vector.load %arg129[%get3A_1264, %get3A_1265] : memref<4096x64xf32, #tpu.memory_space<vmem>>, vector<64x64xf32>
        %slice3A_1267 = vector.extract_strided_slice %get3A_1266 {offsets = [0, 0], sizes = [32, 64], strides = [1, 1]} : vector<64x64xf32> to vector<32x64xf32>
        %slice3A_1268 = vector.extract_strided_slice %get3A_1266 {offsets = [32, 0], sizes = [32, 64], strides = [1, 1]} : vector<64x64xf32> to vector<32x64xf32>
        %concatenate3A_1269 = tpu.concatenate %slice3A_1267, %slice3A_1268 in 1 : vector<32x64xf32>, vector<32x64xf32> -> vector<32x128xf32>
        %broadcast_in_dim3A_1270 = vector.shape_cast %get3A_1228 : vector<64x3xf32> to vector<64x1x3xf32>
        %broadcast_in_dim3A_1271 = vector.shape_cast %get3A_1263 : vector<64x3xf32> to vector<1x64x3xf32>
        %sub3A_1272 = vector.broadcast %broadcast_in_dim3A_1270 : vector<64x1x3xf32> to vector<64x64x3xf32>
        %sub3A_1273 = vector.broadcast %broadcast_in_dim3A_1271 : vector<1x64x3xf32> to vector<64x64x3xf32>
        %sub3A_1274 = arith.subf %sub3A_1272, %sub3A_1273 : vector<64x64x3xf32>
        %mul3A_1275 = arith.mulf %sub3A_1274, %sub3A_1274 : vector<64x64x3xf32>
        %reduce_sum3A_1276 = arith.constant dense<0.000000e+00> : vector<64x64xf32>
        %reduce_sum3A_1277 = vector.multi_reduction <add>, %mul3A_1275, %reduce_sum3A_1276 [2] : vector<64x64x3xf32> to vector<64x64xf32>
        %slice3A_1278 = vector.extract_strided_slice %reduce_sum3A_1277 {offsets = [0, 0], sizes = [64, 32], strides = [1, 1]} : vector<64x64xf32> to vector<64x32xf32>
        %broadcast_in_dim3A_1279 = vector.shape_cast %slice3A_1278 : vector<64x32xf32> to vector<64x32x1xf32>
        %broadcast_in_dim3A_1280 = vector.shape_cast %slice3A_934 : vector<1x64xf32> to vector<1x1x64xf32>
        %mul3A_1281 = vector.broadcast %broadcast_in_dim3A_1279 : vector<64x32x1xf32> to vector<64x32x64xf32>
        %mul3A_1282 = vector.broadcast %broadcast_in_dim3A_1280 : vector<1x1x64xf32> to vector<64x32x64xf32>
        %mul3A_1283 = arith.mulf %mul3A_1281, %mul3A_1282 : vector<64x32x64xf32>
        %slice3A_1284 = vector.extract_strided_slice %reduce_sum3A_1277 {offsets = [0, 32], sizes = [64, 32], strides = [1, 1]} : vector<64x64xf32> to vector<64x32xf32>
        %broadcast_in_dim3A_1285 = vector.shape_cast %slice3A_1284 : vector<64x32xf32> to vector<64x32x1xf32>
        %broadcast_in_dim3A_1286 = vector.shape_cast %slice3A_934 : vector<1x64xf32> to vector<1x1x64xf32>
        %mul3A_1287 = vector.broadcast %broadcast_in_dim3A_1285 : vector<64x32x1xf32> to vector<64x32x64xf32>
        %mul3A_1288 = vector.broadcast %broadcast_in_dim3A_1286 : vector<1x1x64xf32> to vector<64x32x64xf32>
        %mul3A_1289 = arith.mulf %mul3A_1287, %mul3A_1288 : vector<64x32x64xf32>
        %concatenate3A_1290 = tpu.concatenate %mul3A_1283, %mul3A_1289 in 2 : vector<64x32x64xf32>, vector<64x32x64xf32> -> vector<64x32x128xf32>
        %broadcast_in_dim3A_1291 = vector.shape_cast %concatenate3A_1238 : vector<64x128xf32> to vector<64x1x128xf32>
        %broadcast_in_dim3A_1292 = vector.shape_cast %concatenate3A_1269 : vector<32x128xf32> to vector<1x32x128xf32>
        %add3A_1293 = vector.broadcast %broadcast_in_dim3A_1291 : vector<64x1x128xf32> to vector<64x32x128xf32>
        %add3A_1294 = vector.broadcast %broadcast_in_dim3A_1292 : vector<1x32x128xf32> to vector<64x32x128xf32>
        %add3A_1295 = arith.addf %add3A_1293, %add3A_1294 : vector<64x32x128xf32>
        %add3A_1296 = arith.addf %add3A_1295, %concatenate3A_1290 : vector<64x32x128xf32>
        %logistic3A_1297 = arith.negf %add3A_1296 : vector<64x32x128xf32>
        %logistic3A_1298 = math.exp %logistic3A_1297 : vector<64x32x128xf32>
        %logistic3A_1299 = arith.constant 1.000000e+00 : f32
        %logistic3A_1300 = vector.broadcast %logistic3A_1299 : f32 to vector<64x32x128xf32>
        %logistic3A_1301 = arith.addf %logistic3A_1300, %logistic3A_1298 : vector<64x32x128xf32>
        %logistic3A_1302 = arith.divf %logistic3A_1300, %logistic3A_1301 : vector<64x32x128xf32>
        %mul3A_1303 = arith.mulf %add3A_1296, %logistic3A_1302 : vector<64x32x128xf32>
        %reshape3A_1304 = vector.shape_cast %mul3A_1303 : vector<64x32x128xf32> to vector<2048x128xf32>
        %dot_general3A_1305 = arith.constant dense<0.000000e+00> : vector<2048x128xf32>
        %dot_general3A_1306 = tpu.matmul %reshape3A_1304, %concatenate3A_944, %dot_general3A_1305 {dimension_numbers = #tpu.dot_dimension_numbers<[1], [0], [0], [1], [0, 0, 1, 1], [], []>, precision = #tpu.contract_precision<fp32>, transpose_lhs_hint = false} : vector<2048x128xf32>, vector<128x128xf32>, vector<2048x128xf32> -> vector<2048x128xf32>
        %broadcast_in_dim3A_1307 = vector.shape_cast %concatenate3A_945 : vector<128xf32> to vector<1x128xf32>
        %add3A_1308 = vector.broadcast %broadcast_in_dim3A_1307 : vector<1x128xf32> to vector<2048x128xf32>
        %add3A_1309 = arith.addf %dot_general3A_1306, %add3A_1308 : vector<2048x128xf32>
        %logistic3A_1310 = arith.negf %add3A_1309 : vector<2048x128xf32>
        %logistic3A_1311 = math.exp %logistic3A_1310 : vector<2048x128xf32>
        %logistic3A_1312 = arith.constant 1.000000e+00 : f32
        %logistic3A_1313 = vector.broadcast %logistic3A_1312 : f32 to vector<2048x128xf32>
        %logistic3A_1314 = arith.addf %logistic3A_1313, %logistic3A_1311 : vector<2048x128xf32>
        %logistic3A_1315 = arith.divf %logistic3A_1313, %logistic3A_1314 : vector<2048x128xf32>
        %mul3A_1316 = arith.mulf %add3A_1309, %logistic3A_1315 : vector<2048x128xf32>
        %iota3A = tpu.iota {dimensions = array<i32: 1>} : vector<1x64xi32>
        %add3A_1317 = vector.broadcast %mul3A_1260 : i32 to vector<1x64xi32>
        %add3A_1318 = arith.addi %add3A_1317, %iota3A : vector<1x64xi32>
        %ge3A = vector.broadcast %add3A_1318 : vector<1x64xi32> to vector<64x64xi32>
        %ge3A_1319 = vector.broadcast %get3A_1231 : vector<64x1xi32> to vector<64x64xi32>
        %ge3A_1320 = arith.cmpi sge, %ge3A, %ge3A_1319 : vector<64x64xi32>
        %lt3A = vector.broadcast %add3A_1318 : vector<1x64xi32> to vector<64x64xi32>
        %lt3A_1321 = vector.broadcast %get3A_1234 : vector<64x1xi32> to vector<64x64xi32>
        %lt3A_1322 = arith.cmpi slt, %lt3A, %lt3A_1321 : vector<64x64xi32>
        %and3A = arith.andi %ge3A_1320, %lt3A_1322 : vector<64x64xi1>
        %convert_element_type3A = arith.extui %and3A : vector<64x64xi1> to vector<64x64xi32>
        %convert_element_type3A_1323 = arith.sitofp %convert_element_type3A : vector<64x64xi32> to vector<64x64xf32>
        %dot_general3A_1324 = arith.constant dense<0.000000e+00> : vector<2048x2xf32>
        %dot_general3A_1325 = tpu.matmul %mul3A_1316, %concatenate3A_950, %dot_general3A_1324 {dimension_numbers = #tpu.dot_dimension_numbers<[1], [0], [0], [1], [0, 0, 1, 1], [], []>, precision = #tpu.contract_precision<fp32>, transpose_lhs_hint = false} : vector<2048x128xf32>, vector<128x2xf32>, vector<2048x2xf32> -> vector<2048x2xf32>
        %tanh3A = math.tanh %dot_general3A_1325 : vector<2048x2xf32>
        %mul3A_1326 = arith.constant 7.500000e+00 : f32
        %mul3A_1327 = vector.broadcast %mul3A_1326 : f32 to vector<2048x2xf32>
        %mul3A_1328 = arith.mulf %tanh3A, %mul3A_1327 : vector<2048x2xf32>
        %reshape3A_1329 = vector.shape_cast %mul3A_1328 : vector<2048x2xf32> to vector<64x32x2xf32>
        %slice3A_1330 = vector.extract_strided_slice %reshape3A_1329 {offsets = [0, 0, 0], sizes = [64, 32, 1], strides = [1, 1, 1]} : vector<64x32x2xf32> to vector<64x32x1xf32>
        %squeeze3A = vector.shape_cast %slice3A_1330 : vector<64x32x1xf32> to vector<64x32xf32>
        %slice3A_1331 = vector.extract_strided_slice %reshape3A_1329 {offsets = [0, 0, 1], sizes = [64, 32, 1], strides = [1, 1, 1]} : vector<64x32x2xf32> to vector<64x32x1xf32>
        %squeeze3A_1332 = vector.shape_cast %slice3A_1331 : vector<64x32x1xf32> to vector<64x32xf32>
        %concatenate3A_1333 = tpu.concatenate %squeeze3A, %squeeze3A_1332 in 1 : vector<64x32xf32>, vector<64x32xf32> -> vector<64x64xf32>
        %mul3A_1334 = arith.mulf %concatenate3A_1333, %convert_element_type3A_1323 : vector<64x64xf32>
        %broadcast_in_dim3A_1335 = vector.shape_cast %mul3A_1334 : vector<64x64xf32> to vector<64x64x1xf32>
        %add3A_1336 = arith.constant 9.99999993E-9 : f32
        %add3A_1337 = vector.broadcast %add3A_1336 : f32 to vector<64x64xf32>
        %add3A_1338 = arith.addf %reduce_sum3A_1277, %add3A_1337 : vector<64x64xf32>
        %sqrt3A_1339 = math.sqrt %add3A_1338 : vector<64x64xf32>
        %broadcast_in_dim3A_1340 = vector.shape_cast %sqrt3A_1339 : vector<64x64xf32> to vector<64x64x1xf32>
        %add3A_1341 = arith.constant 1.000000e+00 : f32
        %add3A_1342 = vector.broadcast %add3A_1341 : f32 to vector<64x64x1xf32>
        %add3A_1343 = arith.addf %broadcast_in_dim3A_1340, %add3A_1342 : vector<64x64x1xf32>
        %div3A_1344 = vector.broadcast %add3A_1343 : vector<64x64x1xf32> to vector<64x64x3xf32>
        %div3A_1345 = arith.divf %sub3A_1274, %div3A_1344 : vector<64x64x3xf32>
        %mul3A_1346 = vector.broadcast %broadcast_in_dim3A_1335 : vector<64x64x1xf32> to vector<64x64x3xf32>
        %mul3A_1347 = arith.mulf %div3A_1345, %mul3A_1346 : vector<64x64x3xf32>
        %reduce_sum3A_1348 = arith.constant dense<0.000000e+00> : vector<64x3xf32>
        %reduce_sum3A_1349 = vector.multi_reduction <add>, %mul3A_1347, %reduce_sum3A_1348 [1] : vector<64x64x3xf32> to vector<64x3xf32>
        %add3A_1350 = arith.addf %while3A_1258, %reduce_sum3A_1349 : vector<64x3xf32>
        scf.yield %add3A_1350 : vector<64x3xf32>
      }
      %while3A_1252 = arith.constant 1 : i32
      %while3A_1253 = scf.for %while3A_1257 = %while3A_1249 to %while3A_1245 step %while3A_1252 iter_args(%while3A_1258 = %while3A_1251) -> (vector<64x3xf32>)  : i32 {
        %mul3A_1259 = arith.constant 64 : i32
        %mul3A_1260 = arith.muli %while3A_1257, %mul3A_1259 : i32
        %get3A_1261 = arith.index_cast %mul3A_1260 : i32 to index
        %get3A_1262 = arith.constant 0 : index
        %get3A_1263 = vector.load %arg2[%get3A_1261, %get3A_1262] : memref<4096x3xf32, #tpu.memory_space<vmem>>, vector<64x3xf32>
        %get3A_1264 = arith.index_cast %mul3A_1260 : i32 to index
        %get3A_1265 = arith.constant 0 : index
        %get3A_1266 = vector.load %arg129[%get3A_1264, %get3A_1265] : memref<4096x64xf32, #tpu.memory_space<vmem>>, vector<64x64xf32>
        %slice3A_1267 = vector.extract_strided_slice %get3A_1266 {offsets = [0, 0], sizes = [32, 64], strides = [1, 1]} : vector<64x64xf32> to vector<32x64xf32>
        %slice3A_1268 = vector.extract_strided_slice %get3A_1266 {offsets = [32, 0], sizes = [32, 64], strides = [1, 1]} : vector<64x64xf32> to vector<32x64xf32>
        %concatenate3A_1269 = tpu.concatenate %slice3A_1267, %slice3A_1268 in 1 : vector<32x64xf32>, vector<32x64xf32> -> vector<32x128xf32>
        %broadcast_in_dim3A_1270 = vector.shape_cast %get3A_1228 : vector<64x3xf32> to vector<64x1x3xf32>
        %broadcast_in_dim3A_1271 = vector.shape_cast %get3A_1263 : vector<64x3xf32> to vector<1x64x3xf32>
        %sub3A_1272 = vector.broadcast %broadcast_in_dim3A_1270 : vector<64x1x3xf32> to vector<64x64x3xf32>
        %sub3A_1273 = vector.broadcast %broadcast_in_dim3A_1271 : vector<1x64x3xf32> to vector<64x64x3xf32>
        %sub3A_1274 = arith.subf %sub3A_1272, %sub3A_1273 : vector<64x64x3xf32>
        %mul3A_1275 = arith.mulf %sub3A_1274, %sub3A_1274 : vector<64x64x3xf32>
        %reduce_sum3A_1276 = arith.constant dense<0.000000e+00> : vector<64x64xf32>
        %reduce_sum3A_1277 = vector.multi_reduction <add>, %mul3A_1275, %reduce_sum3A_1276 [2] : vector<64x64x3xf32> to vector<64x64xf32>
        %slice3A_1278 = vector.extract_strided_slice %reduce_sum3A_1277 {offsets = [0, 0], sizes = [64, 32], strides = [1, 1]} : vector<64x64xf32> to vector<64x32xf32>
        %broadcast_in_dim3A_1279 = vector.shape_cast %slice3A_1278 : vector<64x32xf32> to vector<64x32x1xf32>
        %broadcast_in_dim3A_1280 = vector.shape_cast %slice3A_934 : vector<1x64xf32> to vector<1x1x64xf32>
        %mul3A_1281 = vector.broadcast %broadcast_in_dim3A_1279 : vector<64x32x1xf32> to vector<64x32x64xf32>
        %mul3A_1282 = vector.broadcast %broadcast_in_dim3A_1280 : vector<1x1x64xf32> to vector<64x32x64xf32>
        %mul3A_1283 = arith.mulf %mul3A_1281, %mul3A_1282 : vector<64x32x64xf32>
        %slice3A_1284 = vector.extract_strided_slice %reduce_sum3A_1277 {offsets = [0, 32], sizes = [64, 32], strides = [1, 1]} : vector<64x64xf32> to vector<64x32xf32>
        %broadcast_in_dim3A_1285 = vector.shape_cast %slice3A_1284 : vector<64x32xf32> to vector<64x32x1xf32>
        %broadcast_in_dim3A_1286 = vector.shape_cast %slice3A_934 : vector<1x64xf32> to vector<1x1x64xf32>
        %mul3A_1287 = vector.broadcast %broadcast_in_dim3A_1285 : vector<64x32x1xf32> to vector<64x32x64xf32>
        %mul3A_1288 = vector.broadcast %broadcast_in_dim3A_1286 : vector<1x1x64xf32> to vector<64x32x64xf32>
        %mul3A_1289 = arith.mulf %mul3A_1287, %mul3A_1288 : vector<64x32x64xf32>
        %concatenate3A_1290 = tpu.concatenate %mul3A_1283, %mul3A_1289 in 2 : vector<64x32x64xf32>, vector<64x32x64xf32> -> vector<64x32x128xf32>
        %broadcast_in_dim3A_1291 = vector.shape_cast %concatenate3A_1238 : vector<64x128xf32> to vector<64x1x128xf32>
        %broadcast_in_dim3A_1292 = vector.shape_cast %concatenate3A_1269 : vector<32x128xf32> to vector<1x32x128xf32>
        %add3A_1293 = vector.broadcast %broadcast_in_dim3A_1291 : vector<64x1x128xf32> to vector<64x32x128xf32>
        %add3A_1294 = vector.broadcast %broadcast_in_dim3A_1292 : vector<1x32x128xf32> to vector<64x32x128xf32>
        %add3A_1295 = arith.addf %add3A_1293, %add3A_1294 : vector<64x32x128xf32>
        %add3A_1296 = arith.addf %add3A_1295, %concatenate3A_1290 : vector<64x32x128xf32>
        %logistic3A_1297 = arith.negf %add3A_1296 : vector<64x32x128xf32>
        %logistic3A_1298 = math.exp %logistic3A_1297 : vector<64x32x128xf32>
        %logistic3A_1299 = arith.constant 1.000000e+00 : f32
        %logistic3A_1300 = vector.broadcast %logistic3A_1299 : f32 to vector<64x32x128xf32>
        %logistic3A_1301 = arith.addf %logistic3A_1300, %logistic3A_1298 : vector<64x32x128xf32>
        %logistic3A_1302 = arith.divf %logistic3A_1300, %logistic3A_1301 : vector<64x32x128xf32>
        %mul3A_1303 = arith.mulf %add3A_1296, %logistic3A_1302 : vector<64x32x128xf32>
        %reshape3A_1304 = vector.shape_cast %mul3A_1303 : vector<64x32x128xf32> to vector<2048x128xf32>
        %dot_general3A_1305 = arith.constant dense<0.000000e+00> : vector<2048x128xf32>
        %dot_general3A_1306 = tpu.matmul %reshape3A_1304, %concatenate3A_944, %dot_general3A_1305 {dimension_numbers = #tpu.dot_dimension_numbers<[1], [0], [0], [1], [0, 0, 1, 1], [], []>, precision = #tpu.contract_precision<fp32>, transpose_lhs_hint = false} : vector<2048x128xf32>, vector<128x128xf32>, vector<2048x128xf32> -> vector<2048x128xf32>
        %broadcast_in_dim3A_1307 = vector.shape_cast %concatenate3A_945 : vector<128xf32> to vector<1x128xf32>
        %add3A_1308 = vector.broadcast %broadcast_in_dim3A_1307 : vector<1x128xf32> to vector<2048x128xf32>
        %add3A_1309 = arith.addf %dot_general3A_1306, %add3A_1308 : vector<2048x128xf32>
        %logistic3A_1310 = arith.negf %add3A_1309 : vector<2048x128xf32>
        %logistic3A_1311 = math.exp %logistic3A_1310 : vector<2048x128xf32>
        %logistic3A_1312 = arith.constant 1.000000e+00 : f32
        %logistic3A_1313 = vector.broadcast %logistic3A_1312 : f32 to vector<2048x128xf32>
        %logistic3A_1314 = arith.addf %logistic3A_1313, %logistic3A_1311 : vector<2048x128xf32>
        %logistic3A_1315 = arith.divf %logistic3A_1313, %logistic3A_1314 : vector<2048x128xf32>
        %mul3A_1316 = arith.mulf %add3A_1309, %logistic3A_1315 : vector<2048x128xf32>
        %iota3A = tpu.iota {dimensions = array<i32: 1>} : vector<1x64xi32>
        %add3A_1317 = vector.broadcast %mul3A_1260 : i32 to vector<1x64xi32>
        %add3A_1318 = arith.addi %add3A_1317, %iota3A : vector<1x64xi32>
        %ge3A = vector.broadcast %add3A_1318 : vector<1x64xi32> to vector<64x64xi32>
        %ge3A_1319 = vector.broadcast %get3A_1231 : vector<64x1xi32> to vector<64x64xi32>
        %ge3A_1320 = arith.cmpi sge, %ge3A, %ge3A_1319 : vector<64x64xi32>
        %lt3A = vector.broadcast %add3A_1318 : vector<1x64xi32> to vector<64x64xi32>
        %lt3A_1321 = vector.broadcast %get3A_1234 : vector<64x1xi32> to vector<64x64xi32>
        %lt3A_1322 = arith.cmpi slt, %lt3A, %lt3A_1321 : vector<64x64xi32>
        %and3A = arith.andi %ge3A_1320, %lt3A_1322 : vector<64x64xi1>
        %convert_element_type3A = arith.extui %and3A : vector<64x64xi1> to vector<64x64xi32>
        %convert_element_type3A_1323 = arith.sitofp %convert_element_type3A : vector<64x64xi32> to vector<64x64xf32>
        %dot_general3A_1324 = arith.constant dense<0.000000e+00> : vector<2048x2xf32>
        %dot_general3A_1325 = tpu.matmul %mul3A_1316, %concatenate3A_950, %dot_general3A_1324 {dimension_numbers = #tpu.dot_dimension_numbers<[1], [0], [0], [1], [0, 0, 1, 1], [], []>, precision = #tpu.contract_precision<fp32>, transpose_lhs_hint = false} : vector<2048x128xf32>, vector<128x2xf32>, vector<2048x2xf32> -> vector<2048x2xf32>
        %tanh3A = math.tanh %dot_general3A_1325 : vector<2048x2xf32>
        %mul3A_1326 = arith.constant 7.500000e+00 : f32
        %mul3A_1327 = vector.broadcast %mul3A_1326 : f32 to vector<2048x2xf32>
        %mul3A_1328 = arith.mulf %tanh3A, %mul3A_1327 : vector<2048x2xf32>
        %reshape3A_1329 = vector.shape_cast %mul3A_1328 : vector<2048x2xf32> to vector<64x32x2xf32>
        %slice3A_1330 = vector.extract_strided_slice %reshape3A_1329 {offsets = [0, 0, 0], sizes = [64, 32, 1], strides = [1, 1, 1]} : vector<64x32x2xf32> to vector<64x32x1xf32>
        %squeeze3A = vector.shape_cast %slice3A_1330 : vector<64x32x1xf32> to vector<64x32xf32>
        %slice3A_1331 = vector.extract_strided_slice %reshape3A_1329 {offsets = [0, 0, 1], sizes = [64, 32, 1], strides = [1, 1, 1]} : vector<64x32x2xf32> to vector<64x32x1xf32>
        %squeeze3A_1332 = vector.shape_cast %slice3A_1331 : vector<64x32x1xf32> to vector<64x32xf32>
        %concatenate3A_1333 = tpu.concatenate %squeeze3A, %squeeze3A_1332 in 1 : vector<64x32xf32>, vector<64x32xf32> -> vector<64x64xf32>
        %mul3A_1334 = arith.mulf %concatenate3A_1333, %convert_element_type3A_1323 : vector<64x64xf32>
        %broadcast_in_dim3A_1335 = vector.shape_cast %mul3A_1334 : vector<64x64xf32> to vector<64x64x1xf32>
        %add3A_1336 = arith.constant 9.99999993E-9 : f32
        %add3A_1337 = vector.broadcast %add3A_1336 : f32 to vector<64x64xf32>
        %add3A_1338 = arith.addf %reduce_sum3A_1277, %add3A_1337 : vector<64x64xf32>
        %sqrt3A_1339 = math.sqrt %add3A_1338 : vector<64x64xf32>
        %broadcast_in_dim3A_1340 = vector.shape_cast %sqrt3A_1339 : vector<64x64xf32> to vector<64x64x1xf32>
        %add3A_1341 = arith.constant 1.000000e+00 : f32
        %add3A_1342 = vector.broadcast %add3A_1341 : f32 to vector<64x64x1xf32>
        %add3A_1343 = arith.addf %broadcast_in_dim3A_1340, %add3A_1342 : vector<64x64x1xf32>
        %div3A_1344 = vector.broadcast %add3A_1343 : vector<64x64x1xf32> to vector<64x64x3xf32>
        %div3A_1345 = arith.divf %sub3A_1274, %div3A_1344 : vector<64x64x3xf32>
        %mul3A_1346 = vector.broadcast %broadcast_in_dim3A_1335 : vector<64x64x1xf32> to vector<64x64x3xf32>
        %mul3A_1347 = arith.mulf %div3A_1345, %mul3A_1346 : vector<64x64x3xf32>
        %reduce_sum3A_1348 = arith.constant dense<0.000000e+00> : vector<64x3xf32>
        %reduce_sum3A_1349 = vector.multi_reduction <add>, %mul3A_1347, %reduce_sum3A_1348 [1] : vector<64x64x3xf32> to vector<64x3xf32>
        %add3A_1350 = arith.addf %while3A_1258, %reduce_sum3A_1349 : vector<64x3xf32>
        scf.yield %add3A_1350 : vector<64x3xf32>
      }
      %swap3A_1254 = arith.index_cast %mul3A_1225 : i32 to index
      %swap3A_1255 = arith.constant 0 : index
      %swap3A_1256 = vector.load %arg127[%swap3A_1254, %swap3A_1255] : memref<2048x3xf32, #tpu.memory_space<vmem>>, vector<64x3xf32>
      tpu.vector_store %arg127[%swap3A_1254, %swap3A_1255], %while3A_1253 {strides = array<i32>} : memref<2048x3xf32, #tpu.memory_space<vmem>>, vector<64x3xf32>,
    }
    %scan3A_973 = arith.constant 32 : i32
    %get3A_974 = arith.constant 0 : index
    %get3A_975 = arith.constant 0 : index
    %get3A_976 = vector.load %arg125[%get3A_974, %get3A_975] : memref<2048x3xf32, #tpu.memory_space<vmem>>, vector<2048x3xf32>
    %get3A_977 = arith.constant 0 : index
    %get3A_978 = arith.constant 0 : index
    %get3A_979 = vector.load %arg127[%get3A_977, %get3A_978] : memref<2048x3xf32, #tpu.memory_space<vmem>>, vector<2048x3xf32>
    %div3A_980 = arith.constant 1.000000e+02 : f32
    %div3A_981 = vector.broadcast %div3A_980 : f32 to vector<2048x3xf32>
    %div3A_982 = arith.divf %get3A_979, %div3A_981 : vector<2048x3xf32>
    %add3A_983 = arith.addf %get3A_976, %div3A_982 : vector<2048x3xf32>
    %swap3A_984 = arith.constant 0 : index
    %swap3A_985 = arith.constant 0 : index
    %swap3A_986 = vector.load %arg125[%swap3A_984, %swap3A_985] : memref<2048x3xf32, #tpu.memory_space<vmem>>, vector<2048x3xf32>
    tpu.vector_store %arg125[%swap3A_984, %swap3A_985], %add3A_983 {strides = array<i32>} : memref<2048x3xf32, #tpu.memory_space<vmem>>, vector<2048x3xf32>,
    %slice3A_987 = vector.extract_strided_slice %get3A_89 {offsets = [0, 0], sizes = [64, 64], strides = [1, 1]} : vector<145x64xf32> to vector<64x64xf32>
    %slice3A_988 = vector.extract_strided_slice %get3A_89 {offsets = [64, 0], sizes = [64, 64], strides = [1, 1]} : vector<145x64xf32> to vector<64x64xf32>
    %slice3A_989 = vector.extract_strided_slice %get3A_89 {offsets = [128, 0], sizes = [1, 64], strides = [1, 1]} : vector<145x64xf32> to vector<1x64xf32>
    %slice3A_990 = vector.extract_strided_slice %get3A_89 {offsets = [129, 0], sizes = [16, 64], strides = [1, 1]} : vector<145x64xf32> to vector<16x64xf32>
    %dot_general3A_991 = arith.constant dense<0.000000e+00> : vector<1x64xf32>
    %dot_general3A_992 = tpu.matmul %slice3A_357, %slice3A_990, %dot_general3A_991 {dimension_numbers = #tpu.dot_dimension_numbers<[1], [0], [0], [1], [0, 0, 1, 1], [], []>, precision = #tpu.contract_precision<fp32>, transpose_lhs_hint = false} : vector<1x16xf32>, vector<16x64xf32>, vector<1x64xf32> -> vector<1x64xf32>
    %reshape3A_993 = vector.shape_cast %get3A_86 : vector<64xf32> to vector<1x64xf32>
    %add3A_994 = arith.addf %dot_general3A_992, %reshape3A_993 : vector<1x64xf32>
    %broadcast_in_dim3A_995 = arith.constant 0.000000e+00 : f32
    %broadcast_in_dim3A_996 = vector.broadcast %broadcast_in_dim3A_995 : f32 to vector<64x64xf32>
    %concatenate3A_997 = tpu.concatenate %get3A_94, %broadcast_in_dim3A_996 in 1 : vector<64x64xf32>, vector<64x64xf32> -> vector<64x128xf32>
    %concatenate3A_998 = tpu.concatenate %broadcast_in_dim3A_996, %get3A_94 in 1 : vector<64x64xf32>, vector<64x64xf32> -> vector<64x128xf32>
    %concatenate3A_999 = tpu.concatenate %concatenate3A_997, %concatenate3A_998 in 0 : vector<64x128xf32>, vector<64x128xf32> -> vector<128x128xf32>
    %concatenate3A_1000 = tpu.concatenate %get3A_91, %get3A_91 in 0 : vector<64xf32>, vector<64xf32> -> vector<128xf32>
    %get3A_1001 = arith.constant 0 : index
    %get3A_1002 = arith.constant 0 : index
    %get3A_1003 = vector.load %arg123[%get3A_1001, %get3A_1002] : memref<2048x64xf32, #tpu.memory_space<vmem>>, vector<2048x64xf32>
    %dot_general3A_1004 = arith.constant dense<0.000000e+00> : vector<2048x64xf32>
    %dot_general3A_1005 = tpu.matmul %get3A_1003, %slice3A_987, %dot_general3A_1004 {dimension_numbers = #tpu.dot_dimension_numbers<[1], [0], [0], [1], [0, 0, 1, 1], [], []>, precision = #tpu.contract_precision<fp32>, transpose_lhs_hint = false} : vector<2048x64xf32>, vector<64x64xf32>, vector<2048x64xf32> -> vector<2048x64xf32>
    %add3A_1006 = vector.broadcast %add3A_994 : vector<1x64xf32> to vector<2048x64xf32>
    %add3A_1007 = arith.addf %dot_general3A_1005, %add3A_1006 : vector<2048x64xf32>
    %swap3A_1008 = arith.constant 0 : index
    %swap3A_1009 = arith.constant 0 : index
    %swap3A_1010 = vector.load %arg128[%swap3A_1008, %swap3A_1009] : memref<2048x64xf32, #tpu.memory_space<vmem>>, vector<2048x64xf32>
    tpu.vector_store %arg128[%swap3A_1008, %swap3A_1009], %add3A_1007 {strides = array<i32>} : memref<2048x64xf32, #tpu.memory_space<vmem>>, vector<2048x64xf32>,
    %get3A_1011 = arith.constant 0 : index
    %get3A_1012 = arith.constant 0 : index
    %get3A_1013 = vector.load %arg124[%get3A_1011, %get3A_1012] : memref<4096x64xf32, #tpu.memory_space<vmem>>, vector<4096x64xf32>
    %dot_general3A_1014 = arith.constant dense<0.000000e+00> : vector<4096x64xf32>
    %dot_general3A_1015 = tpu.matmul %get3A_1013, %slice3A_988, %dot_general3A_1014 {dimension_numbers = #tpu.dot_dimension_numbers<[1], [0], [0], [1], [0, 0, 1, 1], [], []>, precision = #tpu.contract_precision<fp32>, transpose_lhs_hint = false} : vector<4096x64xf32>, vector<64x64xf32>, vector<4096x64xf32> -> vector<4096x64xf32>
    %swap3A_1016 = arith.constant 0 : index
    %swap3A_1017 = arith.constant 0 : index
    %swap3A_1018 = vector.load %arg129[%swap3A_1016, %swap3A_1017] : memref<4096x64xf32, #tpu.memory_space<vmem>>, vector<4096x64xf32>
    tpu.vector_store %arg129[%swap3A_1016, %swap3A_1017], %dot_general3A_1015 {strides = array<i32>} : memref<4096x64xf32, #tpu.memory_space<vmem>>, vector<4096x64xf32>,
    %scan3A_1019 = arith.constant 0 : i32
    %scan3A_1020 = arith.constant 32 : i32
    %scan3A_1021 = arith.addi %scan3A_1019, %scan3A_1020 : i32
    %scan3A_1022 = arith.constant 1 : i32
    scf.for %scan3A_1223 = %scan3A_1019 to %scan3A_1021 step %scan3A_1022  : i32 {
      %mul3A_1224 = arith.constant 64 : i32
      %mul3A_1225 = arith.muli %scan3A_1223, %mul3A_1224 : i32
      %get3A_1226 = arith.index_cast %mul3A_1225 : i32 to index
      %get3A_1227 = arith.constant 0 : index
      %get3A_1228 = vector.load %arg125[%get3A_1226, %get3A_1227] : memref<2048x3xf32, #tpu.memory_space<vmem>>, vector<64x3xf32>
      %get3A_1229 = arith.index_cast %mul3A_1225 : i32 to index
      %get3A_1230 = arith.constant 0 : index
      %get3A_1231 = vector.load %arg8[%get3A_1229, %get3A_1230] : memref<2048x1xi32, #tpu.memory_space<vmem>>, vector<64x1xi32>
      %get3A_1232 = arith.index_cast %mul3A_1225 : i32 to index
      %get3A_1233 = arith.constant 0 : index
      %get3A_1234 = vector.load %arg9[%get3A_1232, %get3A_1233] : memref<2048x1xi32, #tpu.memory_space<vmem>>, vector<64x1xi32>
      %get3A_1235 = arith.index_cast %mul3A_1225 : i32 to index
      %get3A_1236 = arith.constant 0 : index
      %get3A_1237 = vector.load %arg128[%get3A_1235, %get3A_1236] : memref<2048x64xf32, #tpu.memory_space<vmem>>, vector<64x64xf32>
      %concatenate3A_1238 = tpu.concatenate %get3A_1237, %get3A_1237 in 1 : vector<64x64xf32>, vector<64x64xf32> -> vector<64x128xf32>
      %get3A_1239 = arith.index_cast %scan3A_1223 : i32 to index
      %get3A_1240 = memref.load %arg12[%get3A_1239] : memref<32xi32, #tpu.memory_space<smem>>
      %get3A_1241 = arith.index_cast %scan3A_1223 : i32 to index
      %get3A_1242 = memref.load %arg13[%get3A_1241] : memref<32xi32, #tpu.memory_space<smem>>
      %broadcast_in_dim3A_1243 = arith.constant 0.000000e+00 : f32
      %broadcast_in_dim3A_1244 = vector.broadcast %broadcast_in_dim3A_1243 : f32 to vector<64x64xf32>
      %while3A = arith.subi %get3A_1242, %get3A_1240 : i32
      %while3A_1245 = arith.addi %get3A_1240, %while3A : i32
      %while3A_1246 = arith.constant 1 : i32
      %while3A_1247 = arith.divsi %while3A, %while3A_1246 : i32
      %while3A_1248 = arith.muli %while3A_1247, %while3A_1246 : i32
      %while3A_1249 = arith.addi %get3A_1240, %while3A_1248 : i32
      %while3A_1250 = arith.constant 1 : i32
      %while3A_1251 = scf.for %while3A_1257 = %get3A_1240 to %while3A_1249 step %while3A_1250 iter_args(%while3A_1258 = %broadcast_in_dim3A_1244) -> (vector<64x64xf32>)  : i32 {
        %mul3A_1259 = arith.constant 64 : i32
        %mul3A_1260 = arith.muli %while3A_1257, %mul3A_1259 : i32
        %get3A_1261 = arith.index_cast %mul3A_1260 : i32 to index
        %get3A_1262 = arith.constant 0 : index
        %get3A_1263 = vector.load %arg2[%get3A_1261, %get3A_1262] : memref<4096x3xf32, #tpu.memory_space<vmem>>, vector<64x3xf32>
        %get3A_1264 = arith.index_cast %mul3A_1260 : i32 to index
        %get3A_1265 = arith.constant 0 : index
        %get3A_1266 = vector.load %arg129[%get3A_1264, %get3A_1265] : memref<4096x64xf32, #tpu.memory_space<vmem>>, vector<64x64xf32>
        %slice3A_1267 = vector.extract_strided_slice %get3A_1266 {offsets = [0, 0], sizes = [32, 64], strides = [1, 1]} : vector<64x64xf32> to vector<32x64xf32>
        %slice3A_1268 = vector.extract_strided_slice %get3A_1266 {offsets = [32, 0], sizes = [32, 64], strides = [1, 1]} : vector<64x64xf32> to vector<32x64xf32>
        %concatenate3A_1269 = tpu.concatenate %slice3A_1267, %slice3A_1268 in 1 : vector<32x64xf32>, vector<32x64xf32> -> vector<32x128xf32>
        %broadcast_in_dim3A_1270 = vector.shape_cast %get3A_1228 : vector<64x3xf32> to vector<64x1x3xf32>
        %broadcast_in_dim3A_1271 = vector.shape_cast %get3A_1263 : vector<64x3xf32> to vector<1x64x3xf32>
        %sub3A_1272 = vector.broadcast %broadcast_in_dim3A_1270 : vector<64x1x3xf32> to vector<64x64x3xf32>
        %sub3A_1273 = vector.broadcast %broadcast_in_dim3A_1271 : vector<1x64x3xf32> to vector<64x64x3xf32>
        %sub3A_1274 = arith.subf %sub3A_1272, %sub3A_1273 : vector<64x64x3xf32>
        %mul3A_1275 = arith.mulf %sub3A_1274, %sub3A_1274 : vector<64x64x3xf32>
        %reduce_sum3A_1276 = arith.constant dense<0.000000e+00> : vector<64x64xf32>
        %reduce_sum3A_1277 = vector.multi_reduction <add>, %mul3A_1275, %reduce_sum3A_1276 [2] : vector<64x64x3xf32> to vector<64x64xf32>
        %slice3A_1278 = vector.extract_strided_slice %reduce_sum3A_1277 {offsets = [0, 0], sizes = [64, 32], strides = [1, 1]} : vector<64x64xf32> to vector<64x32xf32>
        %broadcast_in_dim3A_1279 = vector.shape_cast %slice3A_1278 : vector<64x32xf32> to vector<64x32x1xf32>
        %broadcast_in_dim3A_1280 = vector.shape_cast %slice3A_989 : vector<1x64xf32> to vector<1x1x64xf32>
        %mul3A_1281 = vector.broadcast %broadcast_in_dim3A_1279 : vector<64x32x1xf32> to vector<64x32x64xf32>
        %mul3A_1282 = vector.broadcast %broadcast_in_dim3A_1280 : vector<1x1x64xf32> to vector<64x32x64xf32>
        %mul3A_1283 = arith.mulf %mul3A_1281, %mul3A_1282 : vector<64x32x64xf32>
        %slice3A_1284 = vector.extract_strided_slice %reduce_sum3A_1277 {offsets = [0, 32], sizes = [64, 32], strides = [1, 1]} : vector<64x64xf32> to vector<64x32xf32>
        %broadcast_in_dim3A_1285 = vector.shape_cast %slice3A_1284 : vector<64x32xf32> to vector<64x32x1xf32>
        %broadcast_in_dim3A_1286 = vector.shape_cast %slice3A_989 : vector<1x64xf32> to vector<1x1x64xf32>
        %mul3A_1287 = vector.broadcast %broadcast_in_dim3A_1285 : vector<64x32x1xf32> to vector<64x32x64xf32>
        %mul3A_1288 = vector.broadcast %broadcast_in_dim3A_1286 : vector<1x1x64xf32> to vector<64x32x64xf32>
        %mul3A_1289 = arith.mulf %mul3A_1287, %mul3A_1288 : vector<64x32x64xf32>
        %concatenate3A_1290 = tpu.concatenate %mul3A_1283, %mul3A_1289 in 2 : vector<64x32x64xf32>, vector<64x32x64xf32> -> vector<64x32x128xf32>
        %broadcast_in_dim3A_1291 = vector.shape_cast %concatenate3A_1238 : vector<64x128xf32> to vector<64x1x128xf32>
        %broadcast_in_dim3A_1292 = vector.shape_cast %concatenate3A_1269 : vector<32x128xf32> to vector<1x32x128xf32>
        %add3A_1293 = vector.broadcast %broadcast_in_dim3A_1291 : vector<64x1x128xf32> to vector<64x32x128xf32>
        %add3A_1294 = vector.broadcast %broadcast_in_dim3A_1292 : vector<1x32x128xf32> to vector<64x32x128xf32>
        %add3A_1295 = arith.addf %add3A_1293, %add3A_1294 : vector<64x32x128xf32>
        %add3A_1296 = arith.addf %add3A_1295, %concatenate3A_1290 : vector<64x32x128xf32>
        %logistic3A_1297 = arith.negf %add3A_1296 : vector<64x32x128xf32>
        %logistic3A_1298 = math.exp %logistic3A_1297 : vector<64x32x128xf32>
        %logistic3A_1299 = arith.constant 1.000000e+00 : f32
        %logistic3A_1300 = vector.broadcast %logistic3A_1299 : f32 to vector<64x32x128xf32>
        %logistic3A_1301 = arith.addf %logistic3A_1300, %logistic3A_1298 : vector<64x32x128xf32>
        %logistic3A_1302 = arith.divf %logistic3A_1300, %logistic3A_1301 : vector<64x32x128xf32>
        %mul3A_1303 = arith.mulf %add3A_1296, %logistic3A_1302 : vector<64x32x128xf32>
        %reshape3A_1304 = vector.shape_cast %mul3A_1303 : vector<64x32x128xf32> to vector<2048x128xf32>
        %dot_general3A_1305 = arith.constant dense<0.000000e+00> : vector<2048x128xf32>
        %dot_general3A_1306 = tpu.matmul %reshape3A_1304, %concatenate3A_999, %dot_general3A_1305 {dimension_numbers = #tpu.dot_dimension_numbers<[1], [0], [0], [1], [0, 0, 1, 1], [], []>, precision = #tpu.contract_precision<fp32>, transpose_lhs_hint = false} : vector<2048x128xf32>, vector<128x128xf32>, vector<2048x128xf32> -> vector<2048x128xf32>
        %broadcast_in_dim3A_1307 = vector.shape_cast %concatenate3A_1000 : vector<128xf32> to vector<1x128xf32>
        %add3A_1308 = vector.broadcast %broadcast_in_dim3A_1307 : vector<1x128xf32> to vector<2048x128xf32>
        %add3A_1309 = arith.addf %dot_general3A_1306, %add3A_1308 : vector<2048x128xf32>
        %logistic3A_1310 = arith.negf %add3A_1309 : vector<2048x128xf32>
        %logistic3A_1311 = math.exp %logistic3A_1310 : vector<2048x128xf32>
        %logistic3A_1312 = arith.constant 1.000000e+00 : f32
        %logistic3A_1313 = vector.broadcast %logistic3A_1312 : f32 to vector<2048x128xf32>
        %logistic3A_1314 = arith.addf %logistic3A_1313, %logistic3A_1311 : vector<2048x128xf32>
        %logistic3A_1315 = arith.divf %logistic3A_1313, %logistic3A_1314 : vector<2048x128xf32>
        %mul3A_1316 = arith.mulf %add3A_1309, %logistic3A_1315 : vector<2048x128xf32>
        %iota3A = tpu.iota {dimensions = array<i32: 1>} : vector<1x64xi32>
        %add3A_1317 = vector.broadcast %mul3A_1260 : i32 to vector<1x64xi32>
        %add3A_1318 = arith.addi %add3A_1317, %iota3A : vector<1x64xi32>
        %ge3A = vector.broadcast %add3A_1318 : vector<1x64xi32> to vector<64x64xi32>
        %ge3A_1319 = vector.broadcast %get3A_1231 : vector<64x1xi32> to vector<64x64xi32>
        %ge3A_1320 = arith.cmpi sge, %ge3A, %ge3A_1319 : vector<64x64xi32>
        %lt3A = vector.broadcast %add3A_1318 : vector<1x64xi32> to vector<64x64xi32>
        %lt3A_1321 = vector.broadcast %get3A_1234 : vector<64x1xi32> to vector<64x64xi32>
        %lt3A_1322 = arith.cmpi slt, %lt3A, %lt3A_1321 : vector<64x64xi32>
        %and3A = arith.andi %ge3A_1320, %lt3A_1322 : vector<64x64xi1>
        %convert_element_type3A = arith.extui %and3A : vector<64x64xi1> to vector<64x64xi32>
        %convert_element_type3A_1323 = arith.sitofp %convert_element_type3A : vector<64x64xi32> to vector<64x64xf32>
        %broadcast_in_dim3A_1324 = arith.constant 1.000000e+00 : f32
        %broadcast_in_dim3A_1325 = vector.broadcast %broadcast_in_dim3A_1324 : f32 to vector<1x1x64xf32>
        %slice3A_1326 = vector.extract_strided_slice %convert_element_type3A_1323 {offsets = [0, 0], sizes = [64, 32], strides = [1, 1]} : vector<64x64xf32> to vector<64x32xf32>
        %broadcast_in_dim3A_1327 = vector.shape_cast %slice3A_1326 : vector<64x32xf32> to vector<64x32x1xf32>
        %mul3A_1328 = vector.broadcast %broadcast_in_dim3A_1327 : vector<64x32x1xf32> to vector<64x32x64xf32>
        %mul3A_1329 = vector.broadcast %broadcast_in_dim3A_1325 : vector<1x1x64xf32> to vector<64x32x64xf32>
        %mul3A_1330 = arith.mulf %mul3A_1328, %mul3A_1329 : vector<64x32x64xf32>
        %slice3A_1331 = vector.extract_strided_slice %convert_element_type3A_1323 {offsets = [0, 32], sizes = [64, 32], strides = [1, 1]} : vector<64x64xf32> to vector<64x32xf32>
        %broadcast_in_dim3A_1332 = vector.shape_cast %slice3A_1331 : vector<64x32xf32> to vector<64x32x1xf32>
        %mul3A_1333 = vector.broadcast %broadcast_in_dim3A_1332 : vector<64x32x1xf32> to vector<64x32x64xf32>
        %mul3A_1334 = vector.broadcast %broadcast_in_dim3A_1325 : vector<1x1x64xf32> to vector<64x32x64xf32>
        %mul3A_1335 = arith.mulf %mul3A_1333, %mul3A_1334 : vector<64x32x64xf32>
        %concatenate3A_1336 = tpu.concatenate %mul3A_1330, %mul3A_1335 in 2 : vector<64x32x64xf32>, vector<64x32x64xf32> -> vector<64x32x128xf32>
        %reshape3A_1337 = vector.shape_cast %mul3A_1316 : vector<2048x128xf32> to vector<64x32x128xf32>
        %mul3A_1338 = arith.mulf %reshape3A_1337, %concatenate3A_1336 : vector<64x32x128xf32>
        %reduce_sum3A_1339 = arith.constant dense<0.000000e+00> : vector<64x128xf32>
        %reduce_sum3A_1340 = vector.multi_reduction <add>, %mul3A_1338, %reduce_sum3A_1339 [1] : vector<64x32x128xf32> to vector<64x128xf32>
        %slice3A_1341 = vector.extract_strided_slice %reduce_sum3A_1340 {offsets = [0, 0], sizes = [64, 64], strides = [1, 1]} : vector<64x128xf32> to vector<64x64xf32>
        %slice3A_1342 = vector.extract_strided_slice %reduce_sum3A_1340 {offsets = [0, 64], sizes = [64, 64], strides = [1, 1]} : vector<64x128xf32> to vector<64x64xf32>
        %add3A_1343 = arith.addf %slice3A_1341, %slice3A_1342 : vector<64x64xf32>
        %add3A_1344 = arith.addf %while3A_1258, %add3A_1343 : vector<64x64xf32>
        scf.yield %add3A_1344 : vector<64x64xf32>
      }
      %while3A_1252 = arith.constant 1 : i32
      %while3A_1253 = scf.for %while3A_1257 = %while3A_1249 to %while3A_1245 step %while3A_1252 iter_args(%while3A_1258 = %while3A_1251) -> (vector<64x64xf32>)  : i32 {
        %mul3A_1259 = arith.constant 64 : i32
        %mul3A_1260 = arith.muli %while3A_1257, %mul3A_1259 : i32
        %get3A_1261 = arith.index_cast %mul3A_1260 : i32 to index
        %get3A_1262 = arith.constant 0 : index
        %get3A_1263 = vector.load %arg2[%get3A_1261, %get3A_1262] : memref<4096x3xf32, #tpu.memory_space<vmem>>, vector<64x3xf32>
        %get3A_1264 = arith.index_cast %mul3A_1260 : i32 to index
        %get3A_1265 = arith.constant 0 : index
        %get3A_1266 = vector.load %arg129[%get3A_1264, %get3A_1265] : memref<4096x64xf32, #tpu.memory_space<vmem>>, vector<64x64xf32>
        %slice3A_1267 = vector.extract_strided_slice %get3A_1266 {offsets = [0, 0], sizes = [32, 64], strides = [1, 1]} : vector<64x64xf32> to vector<32x64xf32>
        %slice3A_1268 = vector.extract_strided_slice %get3A_1266 {offsets = [32, 0], sizes = [32, 64], strides = [1, 1]} : vector<64x64xf32> to vector<32x64xf32>
        %concatenate3A_1269 = tpu.concatenate %slice3A_1267, %slice3A_1268 in 1 : vector<32x64xf32>, vector<32x64xf32> -> vector<32x128xf32>
        %broadcast_in_dim3A_1270 = vector.shape_cast %get3A_1228 : vector<64x3xf32> to vector<64x1x3xf32>
        %broadcast_in_dim3A_1271 = vector.shape_cast %get3A_1263 : vector<64x3xf32> to vector<1x64x3xf32>
        %sub3A_1272 = vector.broadcast %broadcast_in_dim3A_1270 : vector<64x1x3xf32> to vector<64x64x3xf32>
        %sub3A_1273 = vector.broadcast %broadcast_in_dim3A_1271 : vector<1x64x3xf32> to vector<64x64x3xf32>
        %sub3A_1274 = arith.subf %sub3A_1272, %sub3A_1273 : vector<64x64x3xf32>
        %mul3A_1275 = arith.mulf %sub3A_1274, %sub3A_1274 : vector<64x64x3xf32>
        %reduce_sum3A_1276 = arith.constant dense<0.000000e+00> : vector<64x64xf32>
        %reduce_sum3A_1277 = vector.multi_reduction <add>, %mul3A_1275, %reduce_sum3A_1276 [2] : vector<64x64x3xf32> to vector<64x64xf32>
        %slice3A_1278 = vector.extract_strided_slice %reduce_sum3A_1277 {offsets = [0, 0], sizes = [64, 32], strides = [1, 1]} : vector<64x64xf32> to vector<64x32xf32>
        %broadcast_in_dim3A_1279 = vector.shape_cast %slice3A_1278 : vector<64x32xf32> to vector<64x32x1xf32>
        %broadcast_in_dim3A_1280 = vector.shape_cast %slice3A_989 : vector<1x64xf32> to vector<1x1x64xf32>
        %mul3A_1281 = vector.broadcast %broadcast_in_dim3A_1279 : vector<64x32x1xf32> to vector<64x32x64xf32>
        %mul3A_1282 = vector.broadcast %broadcast_in_dim3A_1280 : vector<1x1x64xf32> to vector<64x32x64xf32>
        %mul3A_1283 = arith.mulf %mul3A_1281, %mul3A_1282 : vector<64x32x64xf32>
        %slice3A_1284 = vector.extract_strided_slice %reduce_sum3A_1277 {offsets = [0, 32], sizes = [64, 32], strides = [1, 1]} : vector<64x64xf32> to vector<64x32xf32>
        %broadcast_in_dim3A_1285 = vector.shape_cast %slice3A_1284 : vector<64x32xf32> to vector<64x32x1xf32>
        %broadcast_in_dim3A_1286 = vector.shape_cast %slice3A_989 : vector<1x64xf32> to vector<1x1x64xf32>
        %mul3A_1287 = vector.broadcast %broadcast_in_dim3A_1285 : vector<64x32x1xf32> to vector<64x32x64xf32>
        %mul3A_1288 = vector.broadcast %broadcast_in_dim3A_1286 : vector<1x1x64xf32> to vector<64x32x64xf32>
        %mul3A_1289 = arith.mulf %mul3A_1287, %mul3A_1288 : vector<64x32x64xf32>
        %concatenate3A_1290 = tpu.concatenate %mul3A_1283, %mul3A_1289 in 2 : vector<64x32x64xf32>, vector<64x32x64xf32> -> vector<64x32x128xf32>
        %broadcast_in_dim3A_1291 = vector.shape_cast %concatenate3A_1238 : vector<64x128xf32> to vector<64x1x128xf32>
        %broadcast_in_dim3A_1292 = vector.shape_cast %concatenate3A_1269 : vector<32x128xf32> to vector<1x32x128xf32>
        %add3A_1293 = vector.broadcast %broadcast_in_dim3A_1291 : vector<64x1x128xf32> to vector<64x32x128xf32>
        %add3A_1294 = vector.broadcast %broadcast_in_dim3A_1292 : vector<1x32x128xf32> to vector<64x32x128xf32>
        %add3A_1295 = arith.addf %add3A_1293, %add3A_1294 : vector<64x32x128xf32>
        %add3A_1296 = arith.addf %add3A_1295, %concatenate3A_1290 : vector<64x32x128xf32>
        %logistic3A_1297 = arith.negf %add3A_1296 : vector<64x32x128xf32>
        %logistic3A_1298 = math.exp %logistic3A_1297 : vector<64x32x128xf32>
        %logistic3A_1299 = arith.constant 1.000000e+00 : f32
        %logistic3A_1300 = vector.broadcast %logistic3A_1299 : f32 to vector<64x32x128xf32>
        %logistic3A_1301 = arith.addf %logistic3A_1300, %logistic3A_1298 : vector<64x32x128xf32>
        %logistic3A_1302 = arith.divf %logistic3A_1300, %logistic3A_1301 : vector<64x32x128xf32>
        %mul3A_1303 = arith.mulf %add3A_1296, %logistic3A_1302 : vector<64x32x128xf32>
        %reshape3A_1304 = vector.shape_cast %mul3A_1303 : vector<64x32x128xf32> to vector<2048x128xf32>
        %dot_general3A_1305 = arith.constant dense<0.000000e+00> : vector<2048x128xf32>
        %dot_general3A_1306 = tpu.matmul %reshape3A_1304, %concatenate3A_999, %dot_general3A_1305 {dimension_numbers = #tpu.dot_dimension_numbers<[1], [0], [0], [1], [0, 0, 1, 1], [], []>, precision = #tpu.contract_precision<fp32>, transpose_lhs_hint = false} : vector<2048x128xf32>, vector<128x128xf32>, vector<2048x128xf32> -> vector<2048x128xf32>
        %broadcast_in_dim3A_1307 = vector.shape_cast %concatenate3A_1000 : vector<128xf32> to vector<1x128xf32>
        %add3A_1308 = vector.broadcast %broadcast_in_dim3A_1307 : vector<1x128xf32> to vector<2048x128xf32>
        %add3A_1309 = arith.addf %dot_general3A_1306, %add3A_1308 : vector<2048x128xf32>
        %logistic3A_1310 = arith.negf %add3A_1309 : vector<2048x128xf32>
        %logistic3A_1311 = math.exp %logistic3A_1310 : vector<2048x128xf32>
        %logistic3A_1312 = arith.constant 1.000000e+00 : f32
        %logistic3A_1313 = vector.broadcast %logistic3A_1312 : f32 to vector<2048x128xf32>
        %logistic3A_1314 = arith.addf %logistic3A_1313, %logistic3A_1311 : vector<2048x128xf32>
        %logistic3A_1315 = arith.divf %logistic3A_1313, %logistic3A_1314 : vector<2048x128xf32>
        %mul3A_1316 = arith.mulf %add3A_1309, %logistic3A_1315 : vector<2048x128xf32>
        %iota3A = tpu.iota {dimensions = array<i32: 1>} : vector<1x64xi32>
        %add3A_1317 = vector.broadcast %mul3A_1260 : i32 to vector<1x64xi32>
        %add3A_1318 = arith.addi %add3A_1317, %iota3A : vector<1x64xi32>
        %ge3A = vector.broadcast %add3A_1318 : vector<1x64xi32> to vector<64x64xi32>
        %ge3A_1319 = vector.broadcast %get3A_1231 : vector<64x1xi32> to vector<64x64xi32>
        %ge3A_1320 = arith.cmpi sge, %ge3A, %ge3A_1319 : vector<64x64xi32>
        %lt3A = vector.broadcast %add3A_1318 : vector<1x64xi32> to vector<64x64xi32>
        %lt3A_1321 = vector.broadcast %get3A_1234 : vector<64x1xi32> to vector<64x64xi32>
        %lt3A_1322 = arith.cmpi slt, %lt3A, %lt3A_1321 : vector<64x64xi32>
        %and3A = arith.andi %ge3A_1320, %lt3A_1322 : vector<64x64xi1>
        %convert_element_type3A = arith.extui %and3A : vector<64x64xi1> to vector<64x64xi32>
        %convert_element_type3A_1323 = arith.sitofp %convert_element_type3A : vector<64x64xi32> to vector<64x64xf32>
        %broadcast_in_dim3A_1324 = arith.constant 1.000000e+00 : f32
        %broadcast_in_dim3A_1325 = vector.broadcast %broadcast_in_dim3A_1324 : f32 to vector<1x1x64xf32>
        %slice3A_1326 = vector.extract_strided_slice %convert_element_type3A_1323 {offsets = [0, 0], sizes = [64, 32], strides = [1, 1]} : vector<64x64xf32> to vector<64x32xf32>
        %broadcast_in_dim3A_1327 = vector.shape_cast %slice3A_1326 : vector<64x32xf32> to vector<64x32x1xf32>
        %mul3A_1328 = vector.broadcast %broadcast_in_dim3A_1327 : vector<64x32x1xf32> to vector<64x32x64xf32>
        %mul3A_1329 = vector.broadcast %broadcast_in_dim3A_1325 : vector<1x1x64xf32> to vector<64x32x64xf32>
        %mul3A_1330 = arith.mulf %mul3A_1328, %mul3A_1329 : vector<64x32x64xf32>
        %slice3A_1331 = vector.extract_strided_slice %convert_element_type3A_1323 {offsets = [0, 32], sizes = [64, 32], strides = [1, 1]} : vector<64x64xf32> to vector<64x32xf32>
        %broadcast_in_dim3A_1332 = vector.shape_cast %slice3A_1331 : vector<64x32xf32> to vector<64x32x1xf32>
        %mul3A_1333 = vector.broadcast %broadcast_in_dim3A_1332 : vector<64x32x1xf32> to vector<64x32x64xf32>
        %mul3A_1334 = vector.broadcast %broadcast_in_dim3A_1325 : vector<1x1x64xf32> to vector<64x32x64xf32>
        %mul3A_1335 = arith.mulf %mul3A_1333, %mul3A_1334 : vector<64x32x64xf32>
        %concatenate3A_1336 = tpu.concatenate %mul3A_1330, %mul3A_1335 in 2 : vector<64x32x64xf32>, vector<64x32x64xf32> -> vector<64x32x128xf32>
        %reshape3A_1337 = vector.shape_cast %mul3A_1316 : vector<2048x128xf32> to vector<64x32x128xf32>
        %mul3A_1338 = arith.mulf %reshape3A_1337, %concatenate3A_1336 : vector<64x32x128xf32>
        %reduce_sum3A_1339 = arith.constant dense<0.000000e+00> : vector<64x128xf32>
        %reduce_sum3A_1340 = vector.multi_reduction <add>, %mul3A_1338, %reduce_sum3A_1339 [1] : vector<64x32x128xf32> to vector<64x128xf32>
        %slice3A_1341 = vector.extract_strided_slice %reduce_sum3A_1340 {offsets = [0, 0], sizes = [64, 64], strides = [1, 1]} : vector<64x128xf32> to vector<64x64xf32>
        %slice3A_1342 = vector.extract_strided_slice %reduce_sum3A_1340 {offsets = [0, 64], sizes = [64, 64], strides = [1, 1]} : vector<64x128xf32> to vector<64x64xf32>
        %add3A_1343 = arith.addf %slice3A_1341, %slice3A_1342 : vector<64x64xf32>
        %add3A_1344 = arith.addf %while3A_1258, %add3A_1343 : vector<64x64xf32>
        scf.yield %add3A_1344 : vector<64x64xf32>
      }
      %swap3A_1254 = arith.index_cast %mul3A_1225 : i32 to index
      %swap3A_1255 = arith.constant 0 : index
      %swap3A_1256 = vector.load %arg126[%swap3A_1254, %swap3A_1255] : memref<2048x64xf32, #tpu.memory_space<vmem>>, vector<64x64xf32>
      tpu.vector_store %arg126[%swap3A_1254, %swap3A_1255], %while3A_1253 {strides = array<i32>} : memref<2048x64xf32, #tpu.memory_space<vmem>>, vector<64x64xf32>,
    }
    %scan3A_1023 = arith.constant 32 : i32
    %get3A_1024 = arith.constant 0 : index
    %get3A_1025 = arith.constant 0 : index
    %get3A_1026 = vector.load %arg123[%get3A_1024, %get3A_1025] : memref<2048x64xf32, #tpu.memory_space<vmem>>, vector<2048x64xf32>
    %get3A_1027 = arith.constant 0 : index
    %get3A_1028 = arith.constant 0 : index
    %get3A_1029 = vector.load %arg126[%get3A_1027, %get3A_1028] : memref<2048x64xf32, #tpu.memory_space<vmem>>, vector<2048x64xf32>
    %div3A_1030 = arith.constant 1.000000e+02 : f32
    %div3A_1031 = vector.broadcast %div3A_1030 : f32 to vector<2048x64xf32>
    %div3A_1032 = arith.divf %get3A_1029, %div3A_1031 : vector<2048x64xf32>
    %slice3A_1033 = vector.extract_strided_slice %get3A_99 {offsets = [0, 0], sizes = [64, 64], strides = [1, 1]} : vector<128x64xf32> to vector<64x64xf32>
    %dot_general3A_1034 = arith.constant dense<0.000000e+00> : vector<2048x64xf32>
    %dot_general3A_1035 = tpu.matmul %get3A_1026, %slice3A_1033, %dot_general3A_1034 {dimension_numbers = #tpu.dot_dimension_numbers<[1], [0], [0], [1], [0, 0, 1, 1], [], []>, precision = #tpu.contract_precision<fp32>, transpose_lhs_hint = false} : vector<2048x64xf32>, vector<64x64xf32>, vector<2048x64xf32> -> vector<2048x64xf32>
    %slice3A_1036 = vector.extract_strided_slice %get3A_99 {offsets = [64, 0], sizes = [64, 64], strides = [1, 1]} : vector<128x64xf32> to vector<64x64xf32>
    %dot_general3A_1037 = arith.constant dense<0.000000e+00> : vector<2048x64xf32>
    %dot_general3A_1038 = tpu.matmul %div3A_1032, %slice3A_1036, %dot_general3A_1037 {dimension_numbers = #tpu.dot_dimension_numbers<[1], [0], [0], [1], [0, 0, 1, 1], [], []>, precision = #tpu.contract_precision<fp32>, transpose_lhs_hint = false} : vector<2048x64xf32>, vector<64x64xf32>, vector<2048x64xf32> -> vector<2048x64xf32>
    %add3A_1039 = arith.addf %dot_general3A_1035, %dot_general3A_1038 : vector<2048x64xf32>
    %broadcast_in_dim3A_1040 = vector.shape_cast %get3A_96 : vector<64xf32> to vector<1x64xf32>
    %add3A_1041 = vector.broadcast %broadcast_in_dim3A_1040 : vector<1x64xf32> to vector<2048x64xf32>
    %add3A_1042 = arith.addf %add3A_1039, %add3A_1041 : vector<2048x64xf32>
    %logistic3A_1043 = arith.negf %add3A_1042 : vector<2048x64xf32>
    %logistic3A_1044 = math.exp %logistic3A_1043 : vector<2048x64xf32>
    %logistic3A_1045 = arith.constant 1.000000e+00 : f32
    %logistic3A_1046 = vector.broadcast %logistic3A_1045 : f32 to vector<2048x64xf32>
    %logistic3A_1047 = arith.addf %logistic3A_1046, %logistic3A_1044 : vector<2048x64xf32>
    %logistic3A_1048 = arith.divf %logistic3A_1046, %logistic3A_1047 : vector<2048x64xf32>
    %mul3A_1049 = arith.mulf %add3A_1042, %logistic3A_1048 : vector<2048x64xf32>
    %dot_general3A_1050 = arith.constant dense<0.000000e+00> : vector<2048x64xf32>
    %dot_general3A_1051 = tpu.matmul %mul3A_1049, %get3A_104, %dot_general3A_1050 {dimension_numbers = #tpu.dot_dimension_numbers<[1], [0], [0], [1], [0, 0, 1, 1], [], []>, precision = #tpu.contract_precision<fp32>, transpose_lhs_hint = false} : vector<2048x64xf32>, vector<64x64xf32>, vector<2048x64xf32> -> vector<2048x64xf32>
    %add3A_1052 = arith.addf %get3A_1026, %dot_general3A_1051 : vector<2048x64xf32>
    %broadcast_in_dim3A_1053 = vector.shape_cast %get3A_101 : vector<64xf32> to vector<1x64xf32>
    %add3A_1054 = vector.broadcast %broadcast_in_dim3A_1053 : vector<1x64xf32> to vector<2048x64xf32>
    %add3A_1055 = arith.addf %add3A_1052, %add3A_1054 : vector<2048x64xf32>
    %swap3A_1056 = arith.constant 0 : index
    %swap3A_1057 = arith.constant 0 : index
    %swap3A_1058 = vector.load %arg123[%swap3A_1056, %swap3A_1057] : memref<2048x64xf32, #tpu.memory_space<vmem>>, vector<2048x64xf32>
    tpu.vector_store %arg123[%swap3A_1056, %swap3A_1057], %add3A_1055 {strides = array<i32>} : memref<2048x64xf32, #tpu.memory_space<vmem>>, vector<2048x64xf32>,
    %slice3A_1059 = vector.extract_strided_slice %get3A_109 {offsets = [0, 0], sizes = [64, 64], strides = [1, 1]} : vector<145x64xf32> to vector<64x64xf32>
    %slice3A_1060 = vector.extract_strided_slice %get3A_109 {offsets = [64, 0], sizes = [64, 64], strides = [1, 1]} : vector<145x64xf32> to vector<64x64xf32>
    %slice3A_1061 = vector.extract_strided_slice %get3A_109 {offsets = [128, 0], sizes = [1, 64], strides = [1, 1]} : vector<145x64xf32> to vector<1x64xf32>
    %slice3A_1062 = vector.extract_strided_slice %get3A_109 {offsets = [129, 0], sizes = [16, 64], strides = [1, 1]} : vector<145x64xf32> to vector<16x64xf32>
    %dot_general3A_1063 = arith.constant dense<0.000000e+00> : vector<1x64xf32>
    %dot_general3A_1064 = tpu.matmul %slice3A_357, %slice3A_1062, %dot_general3A_1063 {dimension_numbers = #tpu.dot_dimension_numbers<[1], [0], [0], [1], [0, 0, 1, 1], [], []>, precision = #tpu.contract_precision<fp32>, transpose_lhs_hint = false} : vector<1x16xf32>, vector<16x64xf32>, vector<1x64xf32> -> vector<1x64xf32>
    %reshape3A_1065 = vector.shape_cast %get3A_106 : vector<64xf32> to vector<1x64xf32>
    %add3A_1066 = arith.addf %dot_general3A_1064, %reshape3A_1065 : vector<1x64xf32>
    %broadcast_in_dim3A_1067 = arith.constant 0.000000e+00 : f32
    %broadcast_in_dim3A_1068 = vector.broadcast %broadcast_in_dim3A_1067 : f32 to vector<64x64xf32>
    %concatenate3A_1069 = tpu.concatenate %get3A_114, %broadcast_in_dim3A_1068 in 1 : vector<64x64xf32>, vector<64x64xf32> -> vector<64x128xf32>
    %concatenate3A_1070 = tpu.concatenate %broadcast_in_dim3A_1068, %get3A_114 in 1 : vector<64x64xf32>, vector<64x64xf32> -> vector<64x128xf32>
    %concatenate3A_1071 = tpu.concatenate %concatenate3A_1069, %concatenate3A_1070 in 0 : vector<64x128xf32>, vector<64x128xf32> -> vector<128x128xf32>
    %concatenate3A_1072 = tpu.concatenate %get3A_111, %get3A_111 in 0 : vector<64xf32>, vector<64xf32> -> vector<128xf32>
    %get3A_1073 = arith.constant 0 : index
    %get3A_1074 = arith.constant 0 : index
    %get3A_1075 = vector.load %arg123[%get3A_1073, %get3A_1074] : memref<2048x64xf32, #tpu.memory_space<vmem>>, vector<2048x64xf32>
    %dot_general3A_1076 = arith.constant dense<0.000000e+00> : vector<2048x64xf32>
    %dot_general3A_1077 = tpu.matmul %get3A_1075, %slice3A_1059, %dot_general3A_1076 {dimension_numbers = #tpu.dot_dimension_numbers<[1], [0], [0], [1], [0, 0, 1, 1], [], []>, precision = #tpu.contract_precision<fp32>, transpose_lhs_hint = false} : vector<2048x64xf32>, vector<64x64xf32>, vector<2048x64xf32> -> vector<2048x64xf32>
    %add3A_1078 = vector.broadcast %add3A_1066 : vector<1x64xf32> to vector<2048x64xf32>
    %add3A_1079 = arith.addf %dot_general3A_1077, %add3A_1078 : vector<2048x64xf32>
    %swap3A_1080 = arith.constant 0 : index
    %swap3A_1081 = arith.constant 0 : index
    %swap3A_1082 = vector.load %arg128[%swap3A_1080, %swap3A_1081] : memref<2048x64xf32, #tpu.memory_space<vmem>>, vector<2048x64xf32>
    tpu.vector_store %arg128[%swap3A_1080, %swap3A_1081], %add3A_1079 {strides = array<i32>} : memref<2048x64xf32, #tpu.memory_space<vmem>>, vector<2048x64xf32>,
    %get3A_1083 = arith.constant 0 : index
    %get3A_1084 = arith.constant 0 : index
    %get3A_1085 = vector.load %arg124[%get3A_1083, %get3A_1084] : memref<4096x64xf32, #tpu.memory_space<vmem>>, vector<4096x64xf32>
    %dot_general3A_1086 = arith.constant dense<0.000000e+00> : vector<4096x64xf32>
    %dot_general3A_1087 = tpu.matmul %get3A_1085, %slice3A_1060, %dot_general3A_1086 {dimension_numbers = #tpu.dot_dimension_numbers<[1], [0], [0], [1], [0, 0, 1, 1], [], []>, precision = #tpu.contract_precision<fp32>, transpose_lhs_hint = false} : vector<4096x64xf32>, vector<64x64xf32>, vector<4096x64xf32> -> vector<4096x64xf32>
    %swap3A_1088 = arith.constant 0 : index
    %swap3A_1089 = arith.constant 0 : index
    %swap3A_1090 = vector.load %arg129[%swap3A_1088, %swap3A_1089] : memref<4096x64xf32, #tpu.memory_space<vmem>>, vector<4096x64xf32>
    tpu.vector_store %arg129[%swap3A_1088, %swap3A_1089], %dot_general3A_1087 {strides = array<i32>} : memref<4096x64xf32, #tpu.memory_space<vmem>>, vector<4096x64xf32>,
    %scan3A_1091 = arith.constant 0 : i32
    %scan3A_1092 = arith.constant 32 : i32
    %scan3A_1093 = arith.addi %scan3A_1091, %scan3A_1092 : i32
    %scan3A_1094 = arith.constant 1 : i32
    scf.for %scan3A_1223 = %scan3A_1091 to %scan3A_1093 step %scan3A_1094  : i32 {
      %mul3A_1224 = arith.constant 64 : i32
      %mul3A_1225 = arith.muli %scan3A_1223, %mul3A_1224 : i32
      %get3A_1226 = arith.index_cast %mul3A_1225 : i32 to index
      %get3A_1227 = arith.constant 0 : index
      %get3A_1228 = vector.load %arg125[%get3A_1226, %get3A_1227] : memref<2048x3xf32, #tpu.memory_space<vmem>>, vector<64x3xf32>
      %get3A_1229 = arith.index_cast %mul3A_1225 : i32 to index
      %get3A_1230 = arith.constant 0 : index
      %get3A_1231 = vector.load %arg8[%get3A_1229, %get3A_1230] : memref<2048x1xi32, #tpu.memory_space<vmem>>, vector<64x1xi32>
      %get3A_1232 = arith.index_cast %mul3A_1225 : i32 to index
      %get3A_1233 = arith.constant 0 : index
      %get3A_1234 = vector.load %arg9[%get3A_1232, %get3A_1233] : memref<2048x1xi32, #tpu.memory_space<vmem>>, vector<64x1xi32>
      %get3A_1235 = arith.index_cast %mul3A_1225 : i32 to index
      %get3A_1236 = arith.constant 0 : index
      %get3A_1237 = vector.load %arg128[%get3A_1235, %get3A_1236] : memref<2048x64xf32, #tpu.memory_space<vmem>>, vector<64x64xf32>
      %concatenate3A_1238 = tpu.concatenate %get3A_1237, %get3A_1237 in 1 : vector<64x64xf32>, vector<64x64xf32> -> vector<64x128xf32>
      %get3A_1239 = arith.index_cast %scan3A_1223 : i32 to index
      %get3A_1240 = memref.load %arg12[%get3A_1239] : memref<32xi32, #tpu.memory_space<smem>>
      %get3A_1241 = arith.index_cast %scan3A_1223 : i32 to index
      %get3A_1242 = memref.load %arg13[%get3A_1241] : memref<32xi32, #tpu.memory_space<smem>>
      %broadcast_in_dim3A_1243 = arith.constant 0.000000e+00 : f32
      %broadcast_in_dim3A_1244 = vector.broadcast %broadcast_in_dim3A_1243 : f32 to vector<64x64xf32>
      %while3A = arith.subi %get3A_1242, %get3A_1240 : i32
      %while3A_1245 = arith.addi %get3A_1240, %while3A : i32
      %while3A_1246 = arith.constant 1 : i32
      %while3A_1247 = arith.divsi %while3A, %while3A_1246 : i32
      %while3A_1248 = arith.muli %while3A_1247, %while3A_1246 : i32
      %while3A_1249 = arith.addi %get3A_1240, %while3A_1248 : i32
      %while3A_1250 = arith.constant 1 : i32
      %while3A_1251 = scf.for %while3A_1257 = %get3A_1240 to %while3A_1249 step %while3A_1250 iter_args(%while3A_1258 = %broadcast_in_dim3A_1244) -> (vector<64x64xf32>)  : i32 {
        %mul3A_1259 = arith.constant 64 : i32
        %mul3A_1260 = arith.muli %while3A_1257, %mul3A_1259 : i32
        %get3A_1261 = arith.index_cast %mul3A_1260 : i32 to index
        %get3A_1262 = arith.constant 0 : index
        %get3A_1263 = vector.load %arg2[%get3A_1261, %get3A_1262] : memref<4096x3xf32, #tpu.memory_space<vmem>>, vector<64x3xf32>
        %get3A_1264 = arith.index_cast %mul3A_1260 : i32 to index
        %get3A_1265 = arith.constant 0 : index
        %get3A_1266 = vector.load %arg129[%get3A_1264, %get3A_1265] : memref<4096x64xf32, #tpu.memory_space<vmem>>, vector<64x64xf32>
        %slice3A_1267 = vector.extract_strided_slice %get3A_1266 {offsets = [0, 0], sizes = [32, 64], strides = [1, 1]} : vector<64x64xf32> to vector<32x64xf32>
        %slice3A_1268 = vector.extract_strided_slice %get3A_1266 {offsets = [32, 0], sizes = [32, 64], strides = [1, 1]} : vector<64x64xf32> to vector<32x64xf32>
        %concatenate3A_1269 = tpu.concatenate %slice3A_1267, %slice3A_1268 in 1 : vector<32x64xf32>, vector<32x64xf32> -> vector<32x128xf32>
        %broadcast_in_dim3A_1270 = vector.shape_cast %get3A_1228 : vector<64x3xf32> to vector<64x1x3xf32>
        %broadcast_in_dim3A_1271 = vector.shape_cast %get3A_1263 : vector<64x3xf32> to vector<1x64x3xf32>
        %sub3A_1272 = vector.broadcast %broadcast_in_dim3A_1270 : vector<64x1x3xf32> to vector<64x64x3xf32>
        %sub3A_1273 = vector.broadcast %broadcast_in_dim3A_1271 : vector<1x64x3xf32> to vector<64x64x3xf32>
        %sub3A_1274 = arith.subf %sub3A_1272, %sub3A_1273 : vector<64x64x3xf32>
        %mul3A_1275 = arith.mulf %sub3A_1274, %sub3A_1274 : vector<64x64x3xf32>
        %reduce_sum3A_1276 = arith.constant dense<0.000000e+00> : vector<64x64xf32>
        %reduce_sum3A_1277 = vector.multi_reduction <add>, %mul3A_1275, %reduce_sum3A_1276 [2] : vector<64x64x3xf32> to vector<64x64xf32>
        %slice3A_1278 = vector.extract_strided_slice %reduce_sum3A_1277 {offsets = [0, 0], sizes = [64, 32], strides = [1, 1]} : vector<64x64xf32> to vector<64x32xf32>
        %broadcast_in_dim3A_1279 = vector.shape_cast %slice3A_1278 : vector<64x32xf32> to vector<64x32x1xf32>
        %broadcast_in_dim3A_1280 = vector.shape_cast %slice3A_1061 : vector<1x64xf32> to vector<1x1x64xf32>
        %mul3A_1281 = vector.broadcast %broadcast_in_dim3A_1279 : vector<64x32x1xf32> to vector<64x32x64xf32>
        %mul3A_1282 = vector.broadcast %broadcast_in_dim3A_1280 : vector<1x1x64xf32> to vector<64x32x64xf32>
        %mul3A_1283 = arith.mulf %mul3A_1281, %mul3A_1282 : vector<64x32x64xf32>
        %slice3A_1284 = vector.extract_strided_slice %reduce_sum3A_1277 {offsets = [0, 32], sizes = [64, 32], strides = [1, 1]} : vector<64x64xf32> to vector<64x32xf32>
        %broadcast_in_dim3A_1285 = vector.shape_cast %slice3A_1284 : vector<64x32xf32> to vector<64x32x1xf32>
        %broadcast_in_dim3A_1286 = vector.shape_cast %slice3A_1061 : vector<1x64xf32> to vector<1x1x64xf32>
        %mul3A_1287 = vector.broadcast %broadcast_in_dim3A_1285 : vector<64x32x1xf32> to vector<64x32x64xf32>
        %mul3A_1288 = vector.broadcast %broadcast_in_dim3A_1286 : vector<1x1x64xf32> to vector<64x32x64xf32>
        %mul3A_1289 = arith.mulf %mul3A_1287, %mul3A_1288 : vector<64x32x64xf32>
        %concatenate3A_1290 = tpu.concatenate %mul3A_1283, %mul3A_1289 in 2 : vector<64x32x64xf32>, vector<64x32x64xf32> -> vector<64x32x128xf32>
        %broadcast_in_dim3A_1291 = vector.shape_cast %concatenate3A_1238 : vector<64x128xf32> to vector<64x1x128xf32>
        %broadcast_in_dim3A_1292 = vector.shape_cast %concatenate3A_1269 : vector<32x128xf32> to vector<1x32x128xf32>
        %add3A_1293 = vector.broadcast %broadcast_in_dim3A_1291 : vector<64x1x128xf32> to vector<64x32x128xf32>
        %add3A_1294 = vector.broadcast %broadcast_in_dim3A_1292 : vector<1x32x128xf32> to vector<64x32x128xf32>
        %add3A_1295 = arith.addf %add3A_1293, %add3A_1294 : vector<64x32x128xf32>
        %add3A_1296 = arith.addf %add3A_1295, %concatenate3A_1290 : vector<64x32x128xf32>
        %logistic3A_1297 = arith.negf %add3A_1296 : vector<64x32x128xf32>
        %logistic3A_1298 = math.exp %logistic3A_1297 : vector<64x32x128xf32>
        %logistic3A_1299 = arith.constant 1.000000e+00 : f32
        %logistic3A_1300 = vector.broadcast %logistic3A_1299 : f32 to vector<64x32x128xf32>
        %logistic3A_1301 = arith.addf %logistic3A_1300, %logistic3A_1298 : vector<64x32x128xf32>
        %logistic3A_1302 = arith.divf %logistic3A_1300, %logistic3A_1301 : vector<64x32x128xf32>
        %mul3A_1303 = arith.mulf %add3A_1296, %logistic3A_1302 : vector<64x32x128xf32>
        %reshape3A_1304 = vector.shape_cast %mul3A_1303 : vector<64x32x128xf32> to vector<2048x128xf32>
        %dot_general3A_1305 = arith.constant dense<0.000000e+00> : vector<2048x128xf32>
        %dot_general3A_1306 = tpu.matmul %reshape3A_1304, %concatenate3A_1071, %dot_general3A_1305 {dimension_numbers = #tpu.dot_dimension_numbers<[1], [0], [0], [1], [0, 0, 1, 1], [], []>, precision = #tpu.contract_precision<fp32>, transpose_lhs_hint = false} : vector<2048x128xf32>, vector<128x128xf32>, vector<2048x128xf32> -> vector<2048x128xf32>
        %broadcast_in_dim3A_1307 = vector.shape_cast %concatenate3A_1072 : vector<128xf32> to vector<1x128xf32>
        %add3A_1308 = vector.broadcast %broadcast_in_dim3A_1307 : vector<1x128xf32> to vector<2048x128xf32>
        %add3A_1309 = arith.addf %dot_general3A_1306, %add3A_1308 : vector<2048x128xf32>
        %logistic3A_1310 = arith.negf %add3A_1309 : vector<2048x128xf32>
        %logistic3A_1311 = math.exp %logistic3A_1310 : vector<2048x128xf32>
        %logistic3A_1312 = arith.constant 1.000000e+00 : f32
        %logistic3A_1313 = vector.broadcast %logistic3A_1312 : f32 to vector<2048x128xf32>
        %logistic3A_1314 = arith.addf %logistic3A_1313, %logistic3A_1311 : vector<2048x128xf32>
        %logistic3A_1315 = arith.divf %logistic3A_1313, %logistic3A_1314 : vector<2048x128xf32>
        %mul3A_1316 = arith.mulf %add3A_1309, %logistic3A_1315 : vector<2048x128xf32>
        %iota3A = tpu.iota {dimensions = array<i32: 1>} : vector<1x64xi32>
        %add3A_1317 = vector.broadcast %mul3A_1260 : i32 to vector<1x64xi32>
        %add3A_1318 = arith.addi %add3A_1317, %iota3A : vector<1x64xi32>
        %ge3A = vector.broadcast %add3A_1318 : vector<1x64xi32> to vector<64x64xi32>
        %ge3A_1319 = vector.broadcast %get3A_1231 : vector<64x1xi32> to vector<64x64xi32>
        %ge3A_1320 = arith.cmpi sge, %ge3A, %ge3A_1319 : vector<64x64xi32>
        %lt3A = vector.broadcast %add3A_1318 : vector<1x64xi32> to vector<64x64xi32>
        %lt3A_1321 = vector.broadcast %get3A_1234 : vector<64x1xi32> to vector<64x64xi32>
        %lt3A_1322 = arith.cmpi slt, %lt3A, %lt3A_1321 : vector<64x64xi32>
        %and3A = arith.andi %ge3A_1320, %lt3A_1322 : vector<64x64xi1>
        %convert_element_type3A = arith.extui %and3A : vector<64x64xi1> to vector<64x64xi32>
        %convert_element_type3A_1323 = arith.sitofp %convert_element_type3A : vector<64x64xi32> to vector<64x64xf32>
        %broadcast_in_dim3A_1324 = arith.constant 1.000000e+00 : f32
        %broadcast_in_dim3A_1325 = vector.broadcast %broadcast_in_dim3A_1324 : f32 to vector<1x1x64xf32>
        %slice3A_1326 = vector.extract_strided_slice %convert_element_type3A_1323 {offsets = [0, 0], sizes = [64, 32], strides = [1, 1]} : vector<64x64xf32> to vector<64x32xf32>
        %broadcast_in_dim3A_1327 = vector.shape_cast %slice3A_1326 : vector<64x32xf32> to vector<64x32x1xf32>
        %mul3A_1328 = vector.broadcast %broadcast_in_dim3A_1327 : vector<64x32x1xf32> to vector<64x32x64xf32>
        %mul3A_1329 = vector.broadcast %broadcast_in_dim3A_1325 : vector<1x1x64xf32> to vector<64x32x64xf32>
        %mul3A_1330 = arith.mulf %mul3A_1328, %mul3A_1329 : vector<64x32x64xf32>
        %slice3A_1331 = vector.extract_strided_slice %convert_element_type3A_1323 {offsets = [0, 32], sizes = [64, 32], strides = [1, 1]} : vector<64x64xf32> to vector<64x32xf32>
        %broadcast_in_dim3A_1332 = vector.shape_cast %slice3A_1331 : vector<64x32xf32> to vector<64x32x1xf32>
        %mul3A_1333 = vector.broadcast %broadcast_in_dim3A_1332 : vector<64x32x1xf32> to vector<64x32x64xf32>
        %mul3A_1334 = vector.broadcast %broadcast_in_dim3A_1325 : vector<1x1x64xf32> to vector<64x32x64xf32>
        %mul3A_1335 = arith.mulf %mul3A_1333, %mul3A_1334 : vector<64x32x64xf32>
        %concatenate3A_1336 = tpu.concatenate %mul3A_1330, %mul3A_1335 in 2 : vector<64x32x64xf32>, vector<64x32x64xf32> -> vector<64x32x128xf32>
        %reshape3A_1337 = vector.shape_cast %mul3A_1316 : vector<2048x128xf32> to vector<64x32x128xf32>
        %mul3A_1338 = arith.mulf %reshape3A_1337, %concatenate3A_1336 : vector<64x32x128xf32>
        %reduce_sum3A_1339 = arith.constant dense<0.000000e+00> : vector<64x128xf32>
        %reduce_sum3A_1340 = vector.multi_reduction <add>, %mul3A_1338, %reduce_sum3A_1339 [1] : vector<64x32x128xf32> to vector<64x128xf32>
        %slice3A_1341 = vector.extract_strided_slice %reduce_sum3A_1340 {offsets = [0, 0], sizes = [64, 64], strides = [1, 1]} : vector<64x128xf32> to vector<64x64xf32>
        %slice3A_1342 = vector.extract_strided_slice %reduce_sum3A_1340 {offsets = [0, 64], sizes = [64, 64], strides = [1, 1]} : vector<64x128xf32> to vector<64x64xf32>
        %add3A_1343 = arith.addf %slice3A_1341, %slice3A_1342 : vector<64x64xf32>
        %add3A_1344 = arith.addf %while3A_1258, %add3A_1343 : vector<64x64xf32>
        scf.yield %add3A_1344 : vector<64x64xf32>
      }
      %while3A_1252 = arith.constant 1 : i32
      %while3A_1253 = scf.for %while3A_1257 = %while3A_1249 to %while3A_1245 step %while3A_1252 iter_args(%while3A_1258 = %while3A_1251) -> (vector<64x64xf32>)  : i32 {
        %mul3A_1259 = arith.constant 64 : i32
        %mul3A_1260 = arith.muli %while3A_1257, %mul3A_1259 : i32
        %get3A_1261 = arith.index_cast %mul3A_1260 : i32 to index
        %get3A_1262 = arith.constant 0 : index
        %get3A_1263 = vector.load %arg2[%get3A_1261, %get3A_1262] : memref<4096x3xf32, #tpu.memory_space<vmem>>, vector<64x3xf32>
        %get3A_1264 = arith.index_cast %mul3A_1260 : i32 to index
        %get3A_1265 = arith.constant 0 : index
        %get3A_1266 = vector.load %arg129[%get3A_1264, %get3A_1265] : memref<4096x64xf32, #tpu.memory_space<vmem>>, vector<64x64xf32>
        %slice3A_1267 = vector.extract_strided_slice %get3A_1266 {offsets = [0, 0], sizes = [32, 64], strides = [1, 1]} : vector<64x64xf32> to vector<32x64xf32>
        %slice3A_1268 = vector.extract_strided_slice %get3A_1266 {offsets = [32, 0], sizes = [32, 64], strides = [1, 1]} : vector<64x64xf32> to vector<32x64xf32>
        %concatenate3A_1269 = tpu.concatenate %slice3A_1267, %slice3A_1268 in 1 : vector<32x64xf32>, vector<32x64xf32> -> vector<32x128xf32>
        %broadcast_in_dim3A_1270 = vector.shape_cast %get3A_1228 : vector<64x3xf32> to vector<64x1x3xf32>
        %broadcast_in_dim3A_1271 = vector.shape_cast %get3A_1263 : vector<64x3xf32> to vector<1x64x3xf32>
        %sub3A_1272 = vector.broadcast %broadcast_in_dim3A_1270 : vector<64x1x3xf32> to vector<64x64x3xf32>
        %sub3A_1273 = vector.broadcast %broadcast_in_dim3A_1271 : vector<1x64x3xf32> to vector<64x64x3xf32>
        %sub3A_1274 = arith.subf %sub3A_1272, %sub3A_1273 : vector<64x64x3xf32>
        %mul3A_1275 = arith.mulf %sub3A_1274, %sub3A_1274 : vector<64x64x3xf32>
        %reduce_sum3A_1276 = arith.constant dense<0.000000e+00> : vector<64x64xf32>
        %reduce_sum3A_1277 = vector.multi_reduction <add>, %mul3A_1275, %reduce_sum3A_1276 [2] : vector<64x64x3xf32> to vector<64x64xf32>
        %slice3A_1278 = vector.extract_strided_slice %reduce_sum3A_1277 {offsets = [0, 0], sizes = [64, 32], strides = [1, 1]} : vector<64x64xf32> to vector<64x32xf32>
        %broadcast_in_dim3A_1279 = vector.shape_cast %slice3A_1278 : vector<64x32xf32> to vector<64x32x1xf32>
        %broadcast_in_dim3A_1280 = vector.shape_cast %slice3A_1061 : vector<1x64xf32> to vector<1x1x64xf32>
        %mul3A_1281 = vector.broadcast %broadcast_in_dim3A_1279 : vector<64x32x1xf32> to vector<64x32x64xf32>
        %mul3A_1282 = vector.broadcast %broadcast_in_dim3A_1280 : vector<1x1x64xf32> to vector<64x32x64xf32>
        %mul3A_1283 = arith.mulf %mul3A_1281, %mul3A_1282 : vector<64x32x64xf32>
        %slice3A_1284 = vector.extract_strided_slice %reduce_sum3A_1277 {offsets = [0, 32], sizes = [64, 32], strides = [1, 1]} : vector<64x64xf32> to vector<64x32xf32>
        %broadcast_in_dim3A_1285 = vector.shape_cast %slice3A_1284 : vector<64x32xf32> to vector<64x32x1xf32>
        %broadcast_in_dim3A_1286 = vector.shape_cast %slice3A_1061 : vector<1x64xf32> to vector<1x1x64xf32>
        %mul3A_1287 = vector.broadcast %broadcast_in_dim3A_1285 : vector<64x32x1xf32> to vector<64x32x64xf32>
        %mul3A_1288 = vector.broadcast %broadcast_in_dim3A_1286 : vector<1x1x64xf32> to vector<64x32x64xf32>
        %mul3A_1289 = arith.mulf %mul3A_1287, %mul3A_1288 : vector<64x32x64xf32>
        %concatenate3A_1290 = tpu.concatenate %mul3A_1283, %mul3A_1289 in 2 : vector<64x32x64xf32>, vector<64x32x64xf32> -> vector<64x32x128xf32>
        %broadcast_in_dim3A_1291 = vector.shape_cast %concatenate3A_1238 : vector<64x128xf32> to vector<64x1x128xf32>
        %broadcast_in_dim3A_1292 = vector.shape_cast %concatenate3A_1269 : vector<32x128xf32> to vector<1x32x128xf32>
        %add3A_1293 = vector.broadcast %broadcast_in_dim3A_1291 : vector<64x1x128xf32> to vector<64x32x128xf32>
        %add3A_1294 = vector.broadcast %broadcast_in_dim3A_1292 : vector<1x32x128xf32> to vector<64x32x128xf32>
        %add3A_1295 = arith.addf %add3A_1293, %add3A_1294 : vector<64x32x128xf32>
        %add3A_1296 = arith.addf %add3A_1295, %concatenate3A_1290 : vector<64x32x128xf32>
        %logistic3A_1297 = arith.negf %add3A_1296 : vector<64x32x128xf32>
        %logistic3A_1298 = math.exp %logistic3A_1297 : vector<64x32x128xf32>
        %logistic3A_1299 = arith.constant 1.000000e+00 : f32
        %logistic3A_1300 = vector.broadcast %logistic3A_1299 : f32 to vector<64x32x128xf32>
        %logistic3A_1301 = arith.addf %logistic3A_1300, %logistic3A_1298 : vector<64x32x128xf32>
        %logistic3A_1302 = arith.divf %logistic3A_1300, %logistic3A_1301 : vector<64x32x128xf32>
        %mul3A_1303 = arith.mulf %add3A_1296, %logistic3A_1302 : vector<64x32x128xf32>
        %reshape3A_1304 = vector.shape_cast %mul3A_1303 : vector<64x32x128xf32> to vector<2048x128xf32>
        %dot_general3A_1305 = arith.constant dense<0.000000e+00> : vector<2048x128xf32>
        %dot_general3A_1306 = tpu.matmul %reshape3A_1304, %concatenate3A_1071, %dot_general3A_1305 {dimension_numbers = #tpu.dot_dimension_numbers<[1], [0], [0], [1], [0, 0, 1, 1], [], []>, precision = #tpu.contract_precision<fp32>, transpose_lhs_hint = false} : vector<2048x128xf32>, vector<128x128xf32>, vector<2048x128xf32> -> vector<2048x128xf32>
        %broadcast_in_dim3A_1307 = vector.shape_cast %concatenate3A_1072 : vector<128xf32> to vector<1x128xf32>
        %add3A_1308 = vector.broadcast %broadcast_in_dim3A_1307 : vector<1x128xf32> to vector<2048x128xf32>
        %add3A_1309 = arith.addf %dot_general3A_1306, %add3A_1308 : vector<2048x128xf32>
        %logistic3A_1310 = arith.negf %add3A_1309 : vector<2048x128xf32>
        %logistic3A_1311 = math.exp %logistic3A_1310 : vector<2048x128xf32>
        %logistic3A_1312 = arith.constant 1.000000e+00 : f32
        %logistic3A_1313 = vector.broadcast %logistic3A_1312 : f32 to vector<2048x128xf32>
        %logistic3A_1314 = arith.addf %logistic3A_1313, %logistic3A_1311 : vector<2048x128xf32>
        %logistic3A_1315 = arith.divf %logistic3A_1313, %logistic3A_1314 : vector<2048x128xf32>
        %mul3A_1316 = arith.mulf %add3A_1309, %logistic3A_1315 : vector<2048x128xf32>
        %iota3A = tpu.iota {dimensions = array<i32: 1>} : vector<1x64xi32>
        %add3A_1317 = vector.broadcast %mul3A_1260 : i32 to vector<1x64xi32>
        %add3A_1318 = arith.addi %add3A_1317, %iota3A : vector<1x64xi32>
        %ge3A = vector.broadcast %add3A_1318 : vector<1x64xi32> to vector<64x64xi32>
        %ge3A_1319 = vector.broadcast %get3A_1231 : vector<64x1xi32> to vector<64x64xi32>
        %ge3A_1320 = arith.cmpi sge, %ge3A, %ge3A_1319 : vector<64x64xi32>
        %lt3A = vector.broadcast %add3A_1318 : vector<1x64xi32> to vector<64x64xi32>
        %lt3A_1321 = vector.broadcast %get3A_1234 : vector<64x1xi32> to vector<64x64xi32>
        %lt3A_1322 = arith.cmpi slt, %lt3A, %lt3A_1321 : vector<64x64xi32>
        %and3A = arith.andi %ge3A_1320, %lt3A_1322 : vector<64x64xi1>
        %convert_element_type3A = arith.extui %and3A : vector<64x64xi1> to vector<64x64xi32>
        %convert_element_type3A_1323 = arith.sitofp %convert_element_type3A : vector<64x64xi32> to vector<64x64xf32>
        %broadcast_in_dim3A_1324 = arith.constant 1.000000e+00 : f32
        %broadcast_in_dim3A_1325 = vector.broadcast %broadcast_in_dim3A_1324 : f32 to vector<1x1x64xf32>
        %slice3A_1326 = vector.extract_strided_slice %convert_element_type3A_1323 {offsets = [0, 0], sizes = [64, 32], strides = [1, 1]} : vector<64x64xf32> to vector<64x32xf32>
        %broadcast_in_dim3A_1327 = vector.shape_cast %slice3A_1326 : vector<64x32xf32> to vector<64x32x1xf32>
        %mul3A_1328 = vector.broadcast %broadcast_in_dim3A_1327 : vector<64x32x1xf32> to vector<64x32x64xf32>
        %mul3A_1329 = vector.broadcast %broadcast_in_dim3A_1325 : vector<1x1x64xf32> to vector<64x32x64xf32>
        %mul3A_1330 = arith.mulf %mul3A_1328, %mul3A_1329 : vector<64x32x64xf32>
        %slice3A_1331 = vector.extract_strided_slice %convert_element_type3A_1323 {offsets = [0, 32], sizes = [64, 32], strides = [1, 1]} : vector<64x64xf32> to vector<64x32xf32>
        %broadcast_in_dim3A_1332 = vector.shape_cast %slice3A_1331 : vector<64x32xf32> to vector<64x32x1xf32>
        %mul3A_1333 = vector.broadcast %broadcast_in_dim3A_1332 : vector<64x32x1xf32> to vector<64x32x64xf32>
        %mul3A_1334 = vector.broadcast %broadcast_in_dim3A_1325 : vector<1x1x64xf32> to vector<64x32x64xf32>
        %mul3A_1335 = arith.mulf %mul3A_1333, %mul3A_1334 : vector<64x32x64xf32>
        %concatenate3A_1336 = tpu.concatenate %mul3A_1330, %mul3A_1335 in 2 : vector<64x32x64xf32>, vector<64x32x64xf32> -> vector<64x32x128xf32>
        %reshape3A_1337 = vector.shape_cast %mul3A_1316 : vector<2048x128xf32> to vector<64x32x128xf32>
        %mul3A_1338 = arith.mulf %reshape3A_1337, %concatenate3A_1336 : vector<64x32x128xf32>
        %reduce_sum3A_1339 = arith.constant dense<0.000000e+00> : vector<64x128xf32>
        %reduce_sum3A_1340 = vector.multi_reduction <add>, %mul3A_1338, %reduce_sum3A_1339 [1] : vector<64x32x128xf32> to vector<64x128xf32>
        %slice3A_1341 = vector.extract_strided_slice %reduce_sum3A_1340 {offsets = [0, 0], sizes = [64, 64], strides = [1, 1]} : vector<64x128xf32> to vector<64x64xf32>
        %slice3A_1342 = vector.extract_strided_slice %reduce_sum3A_1340 {offsets = [0, 64], sizes = [64, 64], strides = [1, 1]} : vector<64x128xf32> to vector<64x64xf32>
        %add3A_1343 = arith.addf %slice3A_1341, %slice3A_1342 : vector<64x64xf32>
        %add3A_1344 = arith.addf %while3A_1258, %add3A_1343 : vector<64x64xf32>
        scf.yield %add3A_1344 : vector<64x64xf32>
      }
      %swap3A_1254 = arith.index_cast %mul3A_1225 : i32 to index
      %swap3A_1255 = arith.constant 0 : index
      %swap3A_1256 = vector.load %arg126[%swap3A_1254, %swap3A_1255] : memref<2048x64xf32, #tpu.memory_space<vmem>>, vector<64x64xf32>
      tpu.vector_store %arg126[%swap3A_1254, %swap3A_1255], %while3A_1253 {strides = array<i32>} : memref<2048x64xf32, #tpu.memory_space<vmem>>, vector<64x64xf32>,
    }
    %scan3A_1095 = arith.constant 32 : i32
    %get3A_1096 = arith.constant 0 : index
    %get3A_1097 = arith.constant 0 : index
    %get3A_1098 = vector.load %arg123[%get3A_1096, %get3A_1097] : memref<2048x64xf32, #tpu.memory_space<vmem>>, vector<2048x64xf32>
    %get3A_1099 = arith.constant 0 : index
    %get3A_1100 = arith.constant 0 : index
    %get3A_1101 = vector.load %arg126[%get3A_1099, %get3A_1100] : memref<2048x64xf32, #tpu.memory_space<vmem>>, vector<2048x64xf32>
    %div3A_1102 = arith.constant 1.000000e+02 : f32
    %div3A_1103 = vector.broadcast %div3A_1102 : f32 to vector<2048x64xf32>
    %div3A_1104 = arith.divf %get3A_1101, %div3A_1103 : vector<2048x64xf32>
    %slice3A_1105 = vector.extract_strided_slice %get3A_119 {offsets = [0, 0], sizes = [64, 64], strides = [1, 1]} : vector<128x64xf32> to vector<64x64xf32>
    %dot_general3A_1106 = arith.constant dense<0.000000e+00> : vector<2048x64xf32>
    %dot_general3A_1107 = tpu.matmul %get3A_1098, %slice3A_1105, %dot_general3A_1106 {dimension_numbers = #tpu.dot_dimension_numbers<[1], [0], [0], [1], [0, 0, 1, 1], [], []>, precision = #tpu.contract_precision<fp32>, transpose_lhs_hint = false} : vector<2048x64xf32>, vector<64x64xf32>, vector<2048x64xf32> -> vector<2048x64xf32>
    %slice3A_1108 = vector.extract_strided_slice %get3A_119 {offsets = [64, 0], sizes = [64, 64], strides = [1, 1]} : vector<128x64xf32> to vector<64x64xf32>
    %dot_general3A_1109 = arith.constant dense<0.000000e+00> : vector<2048x64xf32>
    %dot_general3A_1110 = tpu.matmul %div3A_1104, %slice3A_1108, %dot_general3A_1109 {dimension_numbers = #tpu.dot_dimension_numbers<[1], [0], [0], [1], [0, 0, 1, 1], [], []>, precision = #tpu.contract_precision<fp32>, transpose_lhs_hint = false} : vector<2048x64xf32>, vector<64x64xf32>, vector<2048x64xf32> -> vector<2048x64xf32>
    %add3A_1111 = arith.addf %dot_general3A_1107, %dot_general3A_1110 : vector<2048x64xf32>
    %broadcast_in_dim3A_1112 = vector.shape_cast %get3A_116 : vector<64xf32> to vector<1x64xf32>
    %add3A_1113 = vector.broadcast %broadcast_in_dim3A_1112 : vector<1x64xf32> to vector<2048x64xf32>
    %add3A_1114 = arith.addf %add3A_1111, %add3A_1113 : vector<2048x64xf32>
    %logistic3A_1115 = arith.negf %add3A_1114 : vector<2048x64xf32>
    %logistic3A_1116 = math.exp %logistic3A_1115 : vector<2048x64xf32>
    %logistic3A_1117 = arith.constant 1.000000e+00 : f32
    %logistic3A_1118 = vector.broadcast %logistic3A_1117 : f32 to vector<2048x64xf32>
    %logistic3A_1119 = arith.addf %logistic3A_1118, %logistic3A_1116 : vector<2048x64xf32>
    %logistic3A_1120 = arith.divf %logistic3A_1118, %logistic3A_1119 : vector<2048x64xf32>
    %mul3A_1121 = arith.mulf %add3A_1114, %logistic3A_1120 : vector<2048x64xf32>
    %dot_general3A_1122 = arith.constant dense<0.000000e+00> : vector<2048x64xf32>
    %dot_general3A_1123 = tpu.matmul %mul3A_1121, %get3A_124, %dot_general3A_1122 {dimension_numbers = #tpu.dot_dimension_numbers<[1], [0], [0], [1], [0, 0, 1, 1], [], []>, precision = #tpu.contract_precision<fp32>, transpose_lhs_hint = false} : vector<2048x64xf32>, vector<64x64xf32>, vector<2048x64xf32> -> vector<2048x64xf32>
    %add3A_1124 = arith.addf %get3A_1098, %dot_general3A_1123 : vector<2048x64xf32>
    %broadcast_in_dim3A_1125 = vector.shape_cast %get3A_121 : vector<64xf32> to vector<1x64xf32>
    %add3A_1126 = vector.broadcast %broadcast_in_dim3A_1125 : vector<1x64xf32> to vector<2048x64xf32>
    %add3A_1127 = arith.addf %add3A_1124, %add3A_1126 : vector<2048x64xf32>
    %swap3A_1128 = arith.constant 0 : index
    %swap3A_1129 = arith.constant 0 : index
    %swap3A_1130 = vector.load %arg123[%swap3A_1128, %swap3A_1129] : memref<2048x64xf32, #tpu.memory_space<vmem>>, vector<2048x64xf32>
    tpu.vector_store %arg123[%swap3A_1128, %swap3A_1129], %add3A_1127 {strides = array<i32>} : memref<2048x64xf32, #tpu.memory_space<vmem>>, vector<2048x64xf32>,
    %slice3A_1131 = vector.extract_strided_slice %get3A_76 {offsets = [0, 0], sizes = [64, 64], strides = [1, 1]} : vector<145x64xf32> to vector<64x64xf32>
    %slice3A_1132 = vector.extract_strided_slice %get3A_76 {offsets = [64, 0], sizes = [64, 64], strides = [1, 1]} : vector<145x64xf32> to vector<64x64xf32>
    %slice3A_1133 = vector.extract_strided_slice %get3A_76 {offsets = [128, 0], sizes = [1, 64], strides = [1, 1]} : vector<145x64xf32> to vector<1x64xf32>
    %slice3A_1134 = vector.extract_strided_slice %get3A_76 {offsets = [129, 0], sizes = [16, 64], strides = [1, 1]} : vector<145x64xf32> to vector<16x64xf32>
    %dot_general3A_1135 = arith.constant dense<0.000000e+00> : vector<1x64xf32>
    %dot_general3A_1136 = tpu.matmul %slice3A_357, %slice3A_1134, %dot_general3A_1135 {dimension_numbers = #tpu.dot_dimension_numbers<[1], [0], [0], [1], [0, 0, 1, 1], [], []>, precision = #tpu.contract_precision<fp32>, transpose_lhs_hint = false} : vector<1x16xf32>, vector<16x64xf32>, vector<1x64xf32> -> vector<1x64xf32>
    %reshape3A_1137 = vector.shape_cast %get3A_73 : vector<64xf32> to vector<1x64xf32>
    %add3A_1138 = arith.addf %dot_general3A_1136, %reshape3A_1137 : vector<1x64xf32>
    %broadcast_in_dim3A_1139 = arith.constant 0.000000e+00 : f32
    %broadcast_in_dim3A_1140 = vector.broadcast %broadcast_in_dim3A_1139 : f32 to vector<64x64xf32>
    %concatenate3A_1141 = tpu.concatenate %get3A_81, %broadcast_in_dim3A_1140 in 1 : vector<64x64xf32>, vector<64x64xf32> -> vector<64x128xf32>
    %concatenate3A_1142 = tpu.concatenate %broadcast_in_dim3A_1140, %get3A_81 in 1 : vector<64x64xf32>, vector<64x64xf32> -> vector<64x128xf32>
    %concatenate3A_1143 = tpu.concatenate %concatenate3A_1141, %concatenate3A_1142 in 0 : vector<64x128xf32>, vector<64x128xf32> -> vector<128x128xf32>
    %concatenate3A_1144 = tpu.concatenate %get3A_78, %get3A_78 in 0 : vector<64xf32>, vector<64xf32> -> vector<128xf32>
    %broadcast_in_dim3A_1145 = arith.constant 0.000000e+00 : f32
    %broadcast_in_dim3A_1146 = vector.broadcast %broadcast_in_dim3A_1145 : f32 to vector<64x1xf32>
    %concatenate3A_1147 = tpu.concatenate %get3A_84, %broadcast_in_dim3A_1146 in 1 : vector<64x1xf32>, vector<64x1xf32> -> vector<64x2xf32>
    %concatenate3A_1148 = tpu.concatenate %broadcast_in_dim3A_1146, %get3A_84 in 1 : vector<64x1xf32>, vector<64x1xf32> -> vector<64x2xf32>
    %concatenate3A_1149 = tpu.concatenate %concatenate3A_1147, %concatenate3A_1148 in 0 : vector<64x2xf32>, vector<64x2xf32> -> vector<128x2xf32>
    %get3A_1150 = arith.constant 0 : index
    %get3A_1151 = arith.constant 0 : index
    %get3A_1152 = vector.load %arg123[%get3A_1150, %get3A_1151] : memref<2048x64xf32, #tpu.memory_space<vmem>>, vector<2048x64xf32>
    %dot_general3A_1153 = arith.constant dense<0.000000e+00> : vector<2048x64xf32>
    %dot_general3A_1154 = tpu.matmul %get3A_1152, %slice3A_1131, %dot_general3A_1153 {dimension_numbers = #tpu.dot_dimension_numbers<[1], [0], [0], [1], [0, 0, 1, 1], [], []>, precision = #tpu.contract_precision<fp32>, transpose_lhs_hint = false} : vector<2048x64xf32>, vector<64x64xf32>, vector<2048x64xf32> -> vector<2048x64xf32>
    %add3A_1155 = vector.broadcast %add3A_1138 : vector<1x64xf32> to vector<2048x64xf32>
    %add3A_1156 = arith.addf %dot_general3A_1154, %add3A_1155 : vector<2048x64xf32>
    %swap3A_1157 = arith.constant 0 : index
    %swap3A_1158 = arith.constant 0 : index
    %swap3A_1159 = vector.load %arg128[%swap3A_1157, %swap3A_1158] : memref<2048x64xf32, #tpu.memory_space<vmem>>, vector<2048x64xf32>
    tpu.vector_store %arg128[%swap3A_1157, %swap3A_1158], %add3A_1156 {strides = array<i32>} : memref<2048x64xf32, #tpu.memory_space<vmem>>, vector<2048x64xf32>,
    %get3A_1160 = arith.constant 0 : index
    %get3A_1161 = arith.constant 0 : index
    %get3A_1162 = vector.load %arg124[%get3A_1160, %get3A_1161] : memref<4096x64xf32, #tpu.memory_space<vmem>>, vector<4096x64xf32>
    %dot_general3A_1163 = arith.constant dense<0.000000e+00> : vector<4096x64xf32>
    %dot_general3A_1164 = tpu.matmul %get3A_1162, %slice3A_1132, %dot_general3A_1163 {dimension_numbers = #tpu.dot_dimension_numbers<[1], [0], [0], [1], [0, 0, 1, 1], [], []>, precision = #tpu.contract_precision<fp32>, transpose_lhs_hint = false} : vector<4096x64xf32>, vector<64x64xf32>, vector<4096x64xf32> -> vector<4096x64xf32>
    %swap3A_1165 = arith.constant 0 : index
    %swap3A_1166 = arith.constant 0 : index
    %swap3A_1167 = vector.load %arg129[%swap3A_1165, %swap3A_1166] : memref<4096x64xf32, #tpu.memory_space<vmem>>, vector<4096x64xf32>
    tpu.vector_store %arg129[%swap3A_1165, %swap3A_1166], %dot_general3A_1164 {strides = array<i32>} : memref<4096x64xf32, #tpu.memory_space<vmem>>, vector<4096x64xf32>,
    %scan3A_1168 = arith.constant 0 : i32
    %scan3A_1169 = arith.constant 32 : i32
    %scan3A_1170 = arith.addi %scan3A_1168, %scan3A_1169 : i32
    %scan3A_1171 = arith.constant 1 : i32
    scf.for %scan3A_1223 = %scan3A_1168 to %scan3A_1170 step %scan3A_1171  : i32 {
      %mul3A_1224 = arith.constant 64 : i32
      %mul3A_1225 = arith.muli %scan3A_1223, %mul3A_1224 : i32
      %get3A_1226 = arith.index_cast %mul3A_1225 : i32 to index
      %get3A_1227 = arith.constant 0 : index
      %get3A_1228 = vector.load %arg125[%get3A_1226, %get3A_1227] : memref<2048x3xf32, #tpu.memory_space<vmem>>, vector<64x3xf32>
      %get3A_1229 = arith.index_cast %mul3A_1225 : i32 to index
      %get3A_1230 = arith.constant 0 : index
      %get3A_1231 = vector.load %arg8[%get3A_1229, %get3A_1230] : memref<2048x1xi32, #tpu.memory_space<vmem>>, vector<64x1xi32>
      %get3A_1232 = arith.index_cast %mul3A_1225 : i32 to index
      %get3A_1233 = arith.constant 0 : index
      %get3A_1234 = vector.load %arg9[%get3A_1232, %get3A_1233] : memref<2048x1xi32, #tpu.memory_space<vmem>>, vector<64x1xi32>
      %get3A_1235 = arith.index_cast %mul3A_1225 : i32 to index
      %get3A_1236 = arith.constant 0 : index
      %get3A_1237 = vector.load %arg128[%get3A_1235, %get3A_1236] : memref<2048x64xf32, #tpu.memory_space<vmem>>, vector<64x64xf32>
      %concatenate3A_1238 = tpu.concatenate %get3A_1237, %get3A_1237 in 1 : vector<64x64xf32>, vector<64x64xf32> -> vector<64x128xf32>
      %get3A_1239 = arith.index_cast %scan3A_1223 : i32 to index
      %get3A_1240 = memref.load %arg12[%get3A_1239] : memref<32xi32, #tpu.memory_space<smem>>
      %get3A_1241 = arith.index_cast %scan3A_1223 : i32 to index
      %get3A_1242 = memref.load %arg13[%get3A_1241] : memref<32xi32, #tpu.memory_space<smem>>
      %broadcast_in_dim3A_1243 = arith.constant 0.000000e+00 : f32
      %broadcast_in_dim3A_1244 = vector.broadcast %broadcast_in_dim3A_1243 : f32 to vector<64x3xf32>
      %while3A = arith.subi %get3A_1242, %get3A_1240 : i32
      %while3A_1245 = arith.addi %get3A_1240, %while3A : i32
      %while3A_1246 = arith.constant 1 : i32
      %while3A_1247 = arith.divsi %while3A, %while3A_1246 : i32
      %while3A_1248 = arith.muli %while3A_1247, %while3A_1246 : i32
      %while3A_1249 = arith.addi %get3A_1240, %while3A_1248 : i32
      %while3A_1250 = arith.constant 1 : i32
      %while3A_1251 = scf.for %while3A_1257 = %get3A_1240 to %while3A_1249 step %while3A_1250 iter_args(%while3A_1258 = %broadcast_in_dim3A_1244) -> (vector<64x3xf32>)  : i32 {
        %mul3A_1259 = arith.constant 64 : i32
        %mul3A_1260 = arith.muli %while3A_1257, %mul3A_1259 : i32
        %get3A_1261 = arith.index_cast %mul3A_1260 : i32 to index
        %get3A_1262 = arith.constant 0 : index
        %get3A_1263 = vector.load %arg2[%get3A_1261, %get3A_1262] : memref<4096x3xf32, #tpu.memory_space<vmem>>, vector<64x3xf32>
        %get3A_1264 = arith.index_cast %mul3A_1260 : i32 to index
        %get3A_1265 = arith.constant 0 : index
        %get3A_1266 = vector.load %arg129[%get3A_1264, %get3A_1265] : memref<4096x64xf32, #tpu.memory_space<vmem>>, vector<64x64xf32>
        %slice3A_1267 = vector.extract_strided_slice %get3A_1266 {offsets = [0, 0], sizes = [32, 64], strides = [1, 1]} : vector<64x64xf32> to vector<32x64xf32>
        %slice3A_1268 = vector.extract_strided_slice %get3A_1266 {offsets = [32, 0], sizes = [32, 64], strides = [1, 1]} : vector<64x64xf32> to vector<32x64xf32>
        %concatenate3A_1269 = tpu.concatenate %slice3A_1267, %slice3A_1268 in 1 : vector<32x64xf32>, vector<32x64xf32> -> vector<32x128xf32>
        %broadcast_in_dim3A_1270 = vector.shape_cast %get3A_1228 : vector<64x3xf32> to vector<64x1x3xf32>
        %broadcast_in_dim3A_1271 = vector.shape_cast %get3A_1263 : vector<64x3xf32> to vector<1x64x3xf32>
        %sub3A_1272 = vector.broadcast %broadcast_in_dim3A_1270 : vector<64x1x3xf32> to vector<64x64x3xf32>
        %sub3A_1273 = vector.broadcast %broadcast_in_dim3A_1271 : vector<1x64x3xf32> to vector<64x64x3xf32>
        %sub3A_1274 = arith.subf %sub3A_1272, %sub3A_1273 : vector<64x64x3xf32>
        %mul3A_1275 = arith.mulf %sub3A_1274, %sub3A_1274 : vector<64x64x3xf32>
        %reduce_sum3A_1276 = arith.constant dense<0.000000e+00> : vector<64x64xf32>
        %reduce_sum3A_1277 = vector.multi_reduction <add>, %mul3A_1275, %reduce_sum3A_1276 [2] : vector<64x64x3xf32> to vector<64x64xf32>
        %slice3A_1278 = vector.extract_strided_slice %reduce_sum3A_1277 {offsets = [0, 0], sizes = [64, 32], strides = [1, 1]} : vector<64x64xf32> to vector<64x32xf32>
        %broadcast_in_dim3A_1279 = vector.shape_cast %slice3A_1278 : vector<64x32xf32> to vector<64x32x1xf32>
        %broadcast_in_dim3A_1280 = vector.shape_cast %slice3A_1133 : vector<1x64xf32> to vector<1x1x64xf32>
        %mul3A_1281 = vector.broadcast %broadcast_in_dim3A_1279 : vector<64x32x1xf32> to vector<64x32x64xf32>
        %mul3A_1282 = vector.broadcast %broadcast_in_dim3A_1280 : vector<1x1x64xf32> to vector<64x32x64xf32>
        %mul3A_1283 = arith.mulf %mul3A_1281, %mul3A_1282 : vector<64x32x64xf32>
        %slice3A_1284 = vector.extract_strided_slice %reduce_sum3A_1277 {offsets = [0, 32], sizes = [64, 32], strides = [1, 1]} : vector<64x64xf32> to vector<64x32xf32>
        %broadcast_in_dim3A_1285 = vector.shape_cast %slice3A_1284 : vector<64x32xf32> to vector<64x32x1xf32>
        %broadcast_in_dim3A_1286 = vector.shape_cast %slice3A_1133 : vector<1x64xf32> to vector<1x1x64xf32>
        %mul3A_1287 = vector.broadcast %broadcast_in_dim3A_1285 : vector<64x32x1xf32> to vector<64x32x64xf32>
        %mul3A_1288 = vector.broadcast %broadcast_in_dim3A_1286 : vector<1x1x64xf32> to vector<64x32x64xf32>
        %mul3A_1289 = arith.mulf %mul3A_1287, %mul3A_1288 : vector<64x32x64xf32>
        %concatenate3A_1290 = tpu.concatenate %mul3A_1283, %mul3A_1289 in 2 : vector<64x32x64xf32>, vector<64x32x64xf32> -> vector<64x32x128xf32>
        %broadcast_in_dim3A_1291 = vector.shape_cast %concatenate3A_1238 : vector<64x128xf32> to vector<64x1x128xf32>
        %broadcast_in_dim3A_1292 = vector.shape_cast %concatenate3A_1269 : vector<32x128xf32> to vector<1x32x128xf32>
        %add3A_1293 = vector.broadcast %broadcast_in_dim3A_1291 : vector<64x1x128xf32> to vector<64x32x128xf32>
        %add3A_1294 = vector.broadcast %broadcast_in_dim3A_1292 : vector<1x32x128xf32> to vector<64x32x128xf32>
        %add3A_1295 = arith.addf %add3A_1293, %add3A_1294 : vector<64x32x128xf32>
        %add3A_1296 = arith.addf %add3A_1295, %concatenate3A_1290 : vector<64x32x128xf32>
        %logistic3A_1297 = arith.negf %add3A_1296 : vector<64x32x128xf32>
        %logistic3A_1298 = math.exp %logistic3A_1297 : vector<64x32x128xf32>
        %logistic3A_1299 = arith.constant 1.000000e+00 : f32
        %logistic3A_1300 = vector.broadcast %logistic3A_1299 : f32 to vector<64x32x128xf32>
        %logistic3A_1301 = arith.addf %logistic3A_1300, %logistic3A_1298 : vector<64x32x128xf32>
        %logistic3A_1302 = arith.divf %logistic3A_1300, %logistic3A_1301 : vector<64x32x128xf32>
        %mul3A_1303 = arith.mulf %add3A_1296, %logistic3A_1302 : vector<64x32x128xf32>
        %reshape3A_1304 = vector.shape_cast %mul3A_1303 : vector<64x32x128xf32> to vector<2048x128xf32>
        %dot_general3A_1305 = arith.constant dense<0.000000e+00> : vector<2048x128xf32>
        %dot_general3A_1306 = tpu.matmul %reshape3A_1304, %concatenate3A_1143, %dot_general3A_1305 {dimension_numbers = #tpu.dot_dimension_numbers<[1], [0], [0], [1], [0, 0, 1, 1], [], []>, precision = #tpu.contract_precision<fp32>, transpose_lhs_hint = false} : vector<2048x128xf32>, vector<128x128xf32>, vector<2048x128xf32> -> vector<2048x128xf32>
        %broadcast_in_dim3A_1307 = vector.shape_cast %concatenate3A_1144 : vector<128xf32> to vector<1x128xf32>
        %add3A_1308 = vector.broadcast %broadcast_in_dim3A_1307 : vector<1x128xf32> to vector<2048x128xf32>
        %add3A_1309 = arith.addf %dot_general3A_1306, %add3A_1308 : vector<2048x128xf32>
        %logistic3A_1310 = arith.negf %add3A_1309 : vector<2048x128xf32>
        %logistic3A_1311 = math.exp %logistic3A_1310 : vector<2048x128xf32>
        %logistic3A_1312 = arith.constant 1.000000e+00 : f32
        %logistic3A_1313 = vector.broadcast %logistic3A_1312 : f32 to vector<2048x128xf32>
        %logistic3A_1314 = arith.addf %logistic3A_1313, %logistic3A_1311 : vector<2048x128xf32>
        %logistic3A_1315 = arith.divf %logistic3A_1313, %logistic3A_1314 : vector<2048x128xf32>
        %mul3A_1316 = arith.mulf %add3A_1309, %logistic3A_1315 : vector<2048x128xf32>
        %iota3A = tpu.iota {dimensions = array<i32: 1>} : vector<1x64xi32>
        %add3A_1317 = vector.broadcast %mul3A_1260 : i32 to vector<1x64xi32>
        %add3A_1318 = arith.addi %add3A_1317, %iota3A : vector<1x64xi32>
        %ge3A = vector.broadcast %add3A_1318 : vector<1x64xi32> to vector<64x64xi32>
        %ge3A_1319 = vector.broadcast %get3A_1231 : vector<64x1xi32> to vector<64x64xi32>
        %ge3A_1320 = arith.cmpi sge, %ge3A, %ge3A_1319 : vector<64x64xi32>
        %lt3A = vector.broadcast %add3A_1318 : vector<1x64xi32> to vector<64x64xi32>
        %lt3A_1321 = vector.broadcast %get3A_1234 : vector<64x1xi32> to vector<64x64xi32>
        %lt3A_1322 = arith.cmpi slt, %lt3A, %lt3A_1321 : vector<64x64xi32>
        %and3A = arith.andi %ge3A_1320, %lt3A_1322 : vector<64x64xi1>
        %convert_element_type3A = arith.extui %and3A : vector<64x64xi1> to vector<64x64xi32>
        %convert_element_type3A_1323 = arith.sitofp %convert_element_type3A : vector<64x64xi32> to vector<64x64xf32>
        %dot_general3A_1324 = arith.constant dense<0.000000e+00> : vector<2048x2xf32>
        %dot_general3A_1325 = tpu.matmul %mul3A_1316, %concatenate3A_1149, %dot_general3A_1324 {dimension_numbers = #tpu.dot_dimension_numbers<[1], [0], [0], [1], [0, 0, 1, 1], [], []>, precision = #tpu.contract_precision<fp32>, transpose_lhs_hint = false} : vector<2048x128xf32>, vector<128x2xf32>, vector<2048x2xf32> -> vector<2048x2xf32>
        %tanh3A = math.tanh %dot_general3A_1325 : vector<2048x2xf32>
        %mul3A_1326 = arith.constant 7.500000e+00 : f32
        %mul3A_1327 = vector.broadcast %mul3A_1326 : f32 to vector<2048x2xf32>
        %mul3A_1328 = arith.mulf %tanh3A, %mul3A_1327 : vector<2048x2xf32>
        %reshape3A_1329 = vector.shape_cast %mul3A_1328 : vector<2048x2xf32> to vector<64x32x2xf32>
        %slice3A_1330 = vector.extract_strided_slice %reshape3A_1329 {offsets = [0, 0, 0], sizes = [64, 32, 1], strides = [1, 1, 1]} : vector<64x32x2xf32> to vector<64x32x1xf32>
        %squeeze3A = vector.shape_cast %slice3A_1330 : vector<64x32x1xf32> to vector<64x32xf32>
        %slice3A_1331 = vector.extract_strided_slice %reshape3A_1329 {offsets = [0, 0, 1], sizes = [64, 32, 1], strides = [1, 1, 1]} : vector<64x32x2xf32> to vector<64x32x1xf32>
        %squeeze3A_1332 = vector.shape_cast %slice3A_1331 : vector<64x32x1xf32> to vector<64x32xf32>
        %concatenate3A_1333 = tpu.concatenate %squeeze3A, %squeeze3A_1332 in 1 : vector<64x32xf32>, vector<64x32xf32> -> vector<64x64xf32>
        %mul3A_1334 = arith.mulf %concatenate3A_1333, %convert_element_type3A_1323 : vector<64x64xf32>
        %broadcast_in_dim3A_1335 = vector.shape_cast %mul3A_1334 : vector<64x64xf32> to vector<64x64x1xf32>
        %add3A_1336 = arith.constant 9.99999993E-9 : f32
        %add3A_1337 = vector.broadcast %add3A_1336 : f32 to vector<64x64xf32>
        %add3A_1338 = arith.addf %reduce_sum3A_1277, %add3A_1337 : vector<64x64xf32>
        %sqrt3A_1339 = math.sqrt %add3A_1338 : vector<64x64xf32>
        %broadcast_in_dim3A_1340 = vector.shape_cast %sqrt3A_1339 : vector<64x64xf32> to vector<64x64x1xf32>
        %add3A_1341 = arith.constant 1.000000e+00 : f32
        %add3A_1342 = vector.broadcast %add3A_1341 : f32 to vector<64x64x1xf32>
        %add3A_1343 = arith.addf %broadcast_in_dim3A_1340, %add3A_1342 : vector<64x64x1xf32>
        %div3A_1344 = vector.broadcast %add3A_1343 : vector<64x64x1xf32> to vector<64x64x3xf32>
        %div3A_1345 = arith.divf %sub3A_1274, %div3A_1344 : vector<64x64x3xf32>
        %mul3A_1346 = vector.broadcast %broadcast_in_dim3A_1335 : vector<64x64x1xf32> to vector<64x64x3xf32>
        %mul3A_1347 = arith.mulf %div3A_1345, %mul3A_1346 : vector<64x64x3xf32>
        %reduce_sum3A_1348 = arith.constant dense<0.000000e+00> : vector<64x3xf32>
        %reduce_sum3A_1349 = vector.multi_reduction <add>, %mul3A_1347, %reduce_sum3A_1348 [1] : vector<64x64x3xf32> to vector<64x3xf32>
        %add3A_1350 = arith.addf %while3A_1258, %reduce_sum3A_1349 : vector<64x3xf32>
        scf.yield %add3A_1350 : vector<64x3xf32>
      }
      %while3A_1252 = arith.constant 1 : i32
      %while3A_1253 = scf.for %while3A_1257 = %while3A_1249 to %while3A_1245 step %while3A_1252 iter_args(%while3A_1258 = %while3A_1251) -> (vector<64x3xf32>)  : i32 {
        %mul3A_1259 = arith.constant 64 : i32
        %mul3A_1260 = arith.muli %while3A_1257, %mul3A_1259 : i32
        %get3A_1261 = arith.index_cast %mul3A_1260 : i32 to index
        %get3A_1262 = arith.constant 0 : index
        %get3A_1263 = vector.load %arg2[%get3A_1261, %get3A_1262] : memref<4096x3xf32, #tpu.memory_space<vmem>>, vector<64x3xf32>
        %get3A_1264 = arith.index_cast %mul3A_1260 : i32 to index
        %get3A_1265 = arith.constant 0 : index
        %get3A_1266 = vector.load %arg129[%get3A_1264, %get3A_1265] : memref<4096x64xf32, #tpu.memory_space<vmem>>, vector<64x64xf32>
        %slice3A_1267 = vector.extract_strided_slice %get3A_1266 {offsets = [0, 0], sizes = [32, 64], strides = [1, 1]} : vector<64x64xf32> to vector<32x64xf32>
        %slice3A_1268 = vector.extract_strided_slice %get3A_1266 {offsets = [32, 0], sizes = [32, 64], strides = [1, 1]} : vector<64x64xf32> to vector<32x64xf32>
        %concatenate3A_1269 = tpu.concatenate %slice3A_1267, %slice3A_1268 in 1 : vector<32x64xf32>, vector<32x64xf32> -> vector<32x128xf32>
        %broadcast_in_dim3A_1270 = vector.shape_cast %get3A_1228 : vector<64x3xf32> to vector<64x1x3xf32>
        %broadcast_in_dim3A_1271 = vector.shape_cast %get3A_1263 : vector<64x3xf32> to vector<1x64x3xf32>
        %sub3A_1272 = vector.broadcast %broadcast_in_dim3A_1270 : vector<64x1x3xf32> to vector<64x64x3xf32>
        %sub3A_1273 = vector.broadcast %broadcast_in_dim3A_1271 : vector<1x64x3xf32> to vector<64x64x3xf32>
        %sub3A_1274 = arith.subf %sub3A_1272, %sub3A_1273 : vector<64x64x3xf32>
        %mul3A_1275 = arith.mulf %sub3A_1274, %sub3A_1274 : vector<64x64x3xf32>
        %reduce_sum3A_1276 = arith.constant dense<0.000000e+00> : vector<64x64xf32>
        %reduce_sum3A_1277 = vector.multi_reduction <add>, %mul3A_1275, %reduce_sum3A_1276 [2] : vector<64x64x3xf32> to vector<64x64xf32>
        %slice3A_1278 = vector.extract_strided_slice %reduce_sum3A_1277 {offsets = [0, 0], sizes = [64, 32], strides = [1, 1]} : vector<64x64xf32> to vector<64x32xf32>
        %broadcast_in_dim3A_1279 = vector.shape_cast %slice3A_1278 : vector<64x32xf32> to vector<64x32x1xf32>
        %broadcast_in_dim3A_1280 = vector.shape_cast %slice3A_1133 : vector<1x64xf32> to vector<1x1x64xf32>
        %mul3A_1281 = vector.broadcast %broadcast_in_dim3A_1279 : vector<64x32x1xf32> to vector<64x32x64xf32>
        %mul3A_1282 = vector.broadcast %broadcast_in_dim3A_1280 : vector<1x1x64xf32> to vector<64x32x64xf32>
        %mul3A_1283 = arith.mulf %mul3A_1281, %mul3A_1282 : vector<64x32x64xf32>
        %slice3A_1284 = vector.extract_strided_slice %reduce_sum3A_1277 {offsets = [0, 32], sizes = [64, 32], strides = [1, 1]} : vector<64x64xf32> to vector<64x32xf32>
        %broadcast_in_dim3A_1285 = vector.shape_cast %slice3A_1284 : vector<64x32xf32> to vector<64x32x1xf32>
        %broadcast_in_dim3A_1286 = vector.shape_cast %slice3A_1133 : vector<1x64xf32> to vector<1x1x64xf32>
        %mul3A_1287 = vector.broadcast %broadcast_in_dim3A_1285 : vector<64x32x1xf32> to vector<64x32x64xf32>
        %mul3A_1288 = vector.broadcast %broadcast_in_dim3A_1286 : vector<1x1x64xf32> to vector<64x32x64xf32>
        %mul3A_1289 = arith.mulf %mul3A_1287, %mul3A_1288 : vector<64x32x64xf32>
        %concatenate3A_1290 = tpu.concatenate %mul3A_1283, %mul3A_1289 in 2 : vector<64x32x64xf32>, vector<64x32x64xf32> -> vector<64x32x128xf32>
        %broadcast_in_dim3A_1291 = vector.shape_cast %concatenate3A_1238 : vector<64x128xf32> to vector<64x1x128xf32>
        %broadcast_in_dim3A_1292 = vector.shape_cast %concatenate3A_1269 : vector<32x128xf32> to vector<1x32x128xf32>
        %add3A_1293 = vector.broadcast %broadcast_in_dim3A_1291 : vector<64x1x128xf32> to vector<64x32x128xf32>
        %add3A_1294 = vector.broadcast %broadcast_in_dim3A_1292 : vector<1x32x128xf32> to vector<64x32x128xf32>
        %add3A_1295 = arith.addf %add3A_1293, %add3A_1294 : vector<64x32x128xf32>
        %add3A_1296 = arith.addf %add3A_1295, %concatenate3A_1290 : vector<64x32x128xf32>
        %logistic3A_1297 = arith.negf %add3A_1296 : vector<64x32x128xf32>
        %logistic3A_1298 = math.exp %logistic3A_1297 : vector<64x32x128xf32>
        %logistic3A_1299 = arith.constant 1.000000e+00 : f32
        %logistic3A_1300 = vector.broadcast %logistic3A_1299 : f32 to vector<64x32x128xf32>
        %logistic3A_1301 = arith.addf %logistic3A_1300, %logistic3A_1298 : vector<64x32x128xf32>
        %logistic3A_1302 = arith.divf %logistic3A_1300, %logistic3A_1301 : vector<64x32x128xf32>
        %mul3A_1303 = arith.mulf %add3A_1296, %logistic3A_1302 : vector<64x32x128xf32>
        %reshape3A_1304 = vector.shape_cast %mul3A_1303 : vector<64x32x128xf32> to vector<2048x128xf32>
        %dot_general3A_1305 = arith.constant dense<0.000000e+00> : vector<2048x128xf32>
        %dot_general3A_1306 = tpu.matmul %reshape3A_1304, %concatenate3A_1143, %dot_general3A_1305 {dimension_numbers = #tpu.dot_dimension_numbers<[1], [0], [0], [1], [0, 0, 1, 1], [], []>, precision = #tpu.contract_precision<fp32>, transpose_lhs_hint = false} : vector<2048x128xf32>, vector<128x128xf32>, vector<2048x128xf32> -> vector<2048x128xf32>
        %broadcast_in_dim3A_1307 = vector.shape_cast %concatenate3A_1144 : vector<128xf32> to vector<1x128xf32>
        %add3A_1308 = vector.broadcast %broadcast_in_dim3A_1307 : vector<1x128xf32> to vector<2048x128xf32>
        %add3A_1309 = arith.addf %dot_general3A_1306, %add3A_1308 : vector<2048x128xf32>
        %logistic3A_1310 = arith.negf %add3A_1309 : vector<2048x128xf32>
        %logistic3A_1311 = math.exp %logistic3A_1310 : vector<2048x128xf32>
        %logistic3A_1312 = arith.constant 1.000000e+00 : f32
        %logistic3A_1313 = vector.broadcast %logistic3A_1312 : f32 to vector<2048x128xf32>
        %logistic3A_1314 = arith.addf %logistic3A_1313, %logistic3A_1311 : vector<2048x128xf32>
        %logistic3A_1315 = arith.divf %logistic3A_1313, %logistic3A_1314 : vector<2048x128xf32>
        %mul3A_1316 = arith.mulf %add3A_1309, %logistic3A_1315 : vector<2048x128xf32>
        %iota3A = tpu.iota {dimensions = array<i32: 1>} : vector<1x64xi32>
        %add3A_1317 = vector.broadcast %mul3A_1260 : i32 to vector<1x64xi32>
        %add3A_1318 = arith.addi %add3A_1317, %iota3A : vector<1x64xi32>
        %ge3A = vector.broadcast %add3A_1318 : vector<1x64xi32> to vector<64x64xi32>
        %ge3A_1319 = vector.broadcast %get3A_1231 : vector<64x1xi32> to vector<64x64xi32>
        %ge3A_1320 = arith.cmpi sge, %ge3A, %ge3A_1319 : vector<64x64xi32>
        %lt3A = vector.broadcast %add3A_1318 : vector<1x64xi32> to vector<64x64xi32>
        %lt3A_1321 = vector.broadcast %get3A_1234 : vector<64x1xi32> to vector<64x64xi32>
        %lt3A_1322 = arith.cmpi slt, %lt3A, %lt3A_1321 : vector<64x64xi32>
        %and3A = arith.andi %ge3A_1320, %lt3A_1322 : vector<64x64xi1>
        %convert_element_type3A = arith.extui %and3A : vector<64x64xi1> to vector<64x64xi32>
        %convert_element_type3A_1323 = arith.sitofp %convert_element_type3A : vector<64x64xi32> to vector<64x64xf32>
        %dot_general3A_1324 = arith.constant dense<0.000000e+00> : vector<2048x2xf32>
        %dot_general3A_1325 = tpu.matmul %mul3A_1316, %concatenate3A_1149, %dot_general3A_1324 {dimension_numbers = #tpu.dot_dimension_numbers<[1], [0], [0], [1], [0, 0, 1, 1], [], []>, precision = #tpu.contract_precision<fp32>, transpose_lhs_hint = false} : vector<2048x128xf32>, vector<128x2xf32>, vector<2048x2xf32> -> vector<2048x2xf32>
        %tanh3A = math.tanh %dot_general3A_1325 : vector<2048x2xf32>
        %mul3A_1326 = arith.constant 7.500000e+00 : f32
        %mul3A_1327 = vector.broadcast %mul3A_1326 : f32 to vector<2048x2xf32>
        %mul3A_1328 = arith.mulf %tanh3A, %mul3A_1327 : vector<2048x2xf32>
        %reshape3A_1329 = vector.shape_cast %mul3A_1328 : vector<2048x2xf32> to vector<64x32x2xf32>
        %slice3A_1330 = vector.extract_strided_slice %reshape3A_1329 {offsets = [0, 0, 0], sizes = [64, 32, 1], strides = [1, 1, 1]} : vector<64x32x2xf32> to vector<64x32x1xf32>
        %squeeze3A = vector.shape_cast %slice3A_1330 : vector<64x32x1xf32> to vector<64x32xf32>
        %slice3A_1331 = vector.extract_strided_slice %reshape3A_1329 {offsets = [0, 0, 1], sizes = [64, 32, 1], strides = [1, 1, 1]} : vector<64x32x2xf32> to vector<64x32x1xf32>
        %squeeze3A_1332 = vector.shape_cast %slice3A_1331 : vector<64x32x1xf32> to vector<64x32xf32>
        %concatenate3A_1333 = tpu.concatenate %squeeze3A, %squeeze3A_1332 in 1 : vector<64x32xf32>, vector<64x32xf32> -> vector<64x64xf32>
        %mul3A_1334 = arith.mulf %concatenate3A_1333, %convert_element_type3A_1323 : vector<64x64xf32>
        %broadcast_in_dim3A_1335 = vector.shape_cast %mul3A_1334 : vector<64x64xf32> to vector<64x64x1xf32>
        %add3A_1336 = arith.constant 9.99999993E-9 : f32
        %add3A_1337 = vector.broadcast %add3A_1336 : f32 to vector<64x64xf32>
        %add3A_1338 = arith.addf %reduce_sum3A_1277, %add3A_1337 : vector<64x64xf32>
        %sqrt3A_1339 = math.sqrt %add3A_1338 : vector<64x64xf32>
        %broadcast_in_dim3A_1340 = vector.shape_cast %sqrt3A_1339 : vector<64x64xf32> to vector<64x64x1xf32>
        %add3A_1341 = arith.constant 1.000000e+00 : f32
        %add3A_1342 = vector.broadcast %add3A_1341 : f32 to vector<64x64x1xf32>
        %add3A_1343 = arith.addf %broadcast_in_dim3A_1340, %add3A_1342 : vector<64x64x1xf32>
        %div3A_1344 = vector.broadcast %add3A_1343 : vector<64x64x1xf32> to vector<64x64x3xf32>
        %div3A_1345 = arith.divf %sub3A_1274, %div3A_1344 : vector<64x64x3xf32>
        %mul3A_1346 = vector.broadcast %broadcast_in_dim3A_1335 : vector<64x64x1xf32> to vector<64x64x3xf32>
        %mul3A_1347 = arith.mulf %div3A_1345, %mul3A_1346 : vector<64x64x3xf32>
        %reduce_sum3A_1348 = arith.constant dense<0.000000e+00> : vector<64x3xf32>
        %reduce_sum3A_1349 = vector.multi_reduction <add>, %mul3A_1347, %reduce_sum3A_1348 [1] : vector<64x64x3xf32> to vector<64x3xf32>
        %add3A_1350 = arith.addf %while3A_1258, %reduce_sum3A_1349 : vector<64x3xf32>
        scf.yield %add3A_1350 : vector<64x3xf32>
      }
      %swap3A_1254 = arith.index_cast %mul3A_1225 : i32 to index
      %swap3A_1255 = arith.constant 0 : index
      %swap3A_1256 = vector.load %arg127[%swap3A_1254, %swap3A_1255] : memref<2048x3xf32, #tpu.memory_space<vmem>>, vector<64x3xf32>
      tpu.vector_store %arg127[%swap3A_1254, %swap3A_1255], %while3A_1253 {strides = array<i32>} : memref<2048x3xf32, #tpu.memory_space<vmem>>, vector<64x3xf32>,
    }
    %scan3A_1172 = arith.constant 32 : i32
    %get3A_1173 = arith.constant 0 : index
    %get3A_1174 = arith.constant 0 : index
    %get3A_1175 = vector.load %arg125[%get3A_1173, %get3A_1174] : memref<2048x3xf32, #tpu.memory_space<vmem>>, vector<2048x3xf32>
    %get3A_1176 = arith.constant 0 : index
    %get3A_1177 = arith.constant 0 : index
    %get3A_1178 = vector.load %arg127[%get3A_1176, %get3A_1177] : memref<2048x3xf32, #tpu.memory_space<vmem>>, vector<2048x3xf32>
    %div3A_1179 = arith.constant 1.000000e+02 : f32
    %div3A_1180 = vector.broadcast %div3A_1179 : f32 to vector<2048x3xf32>
    %div3A_1181 = arith.divf %get3A_1178, %div3A_1180 : vector<2048x3xf32>
    %add3A_1182 = arith.addf %get3A_1175, %div3A_1181 : vector<2048x3xf32>
    %swap3A_1183 = arith.constant 0 : index
    %swap3A_1184 = arith.constant 0 : index
    %swap3A_1185 = vector.load %arg125[%swap3A_1183, %swap3A_1184] : memref<2048x3xf32, #tpu.memory_space<vmem>>, vector<2048x3xf32>
    tpu.vector_store %arg125[%swap3A_1183, %swap3A_1184], %add3A_1182 {strides = array<i32>} : memref<2048x3xf32, #tpu.memory_space<vmem>>, vector<2048x3xf32>,
    %get3A_1186 = arith.constant 0 : index
    %get3A_1187 = arith.constant 0 : index
    %get3A_1188 = vector.load %arg123[%get3A_1186, %get3A_1187] : memref<2048x64xf32, #tpu.memory_space<vmem>>, vector<2048x64xf32>
    %slice3A_1189 = vector.extract_strided_slice %get3A_134 {offsets = [0, 0], sizes = [64, 64], strides = [1, 1]} : vector<64x65xf32> to vector<64x64xf32>
    %dot_general3A_1190 = arith.constant dense<0.000000e+00> : vector<2048x64xf32>
    %dot_general3A_1191 = tpu.matmul %get3A_1188, %slice3A_1189, %dot_general3A_1190 {dimension_numbers = #tpu.dot_dimension_numbers<[1], [0], [0], [1], [0, 0, 1, 1], [], []>, precision = #tpu.contract_precision<fp32>, transpose_lhs_hint = false} : vector<2048x64xf32>, vector<64x64xf32>, vector<2048x64xf32> -> vector<2048x64xf32>
    %slice3A_1192 = vector.extract_strided_slice %get3A_131 {offsets = [0], sizes = [64], strides = [1]} : vector<65xf32> to vector<64xf32>
    %broadcast_in_dim3A_1193 = vector.shape_cast %slice3A_1192 : vector<64xf32> to vector<1x64xf32>
    %add3A_1194 = vector.broadcast %broadcast_in_dim3A_1193 : vector<1x64xf32> to vector<2048x64xf32>
    %add3A_1195 = arith.addf %dot_general3A_1191, %add3A_1194 : vector<2048x64xf32>
    %dot_general3A_1196 = arith.constant dense<0.000000e+00> : vector<2048x256xf32>
    %dot_general3A_1197 = tpu.matmul %add3A_1195, %get3A_3, %dot_general3A_1196 {dimension_numbers = #tpu.dot_dimension_numbers<[1], [0], [0], [1], [0, 0, 1, 1], [], []>, precision = #tpu.contract_precision<fp32>, transpose_lhs_hint = false} : vector<2048x64xf32>, vector<64x256xf32>, vector<2048x256xf32> -> vector<2048x256xf32>
    %broadcast_in_dim3A_1198 = vector.shape_cast %get3A_0 : vector<256xf32> to vector<1x256xf32>
    %add3A_1199 = vector.broadcast %broadcast_in_dim3A_1198 : vector<1x256xf32> to vector<2048x256xf32>
    %add3A_1200 = arith.addf %dot_general3A_1197, %add3A_1199 : vector<2048x256xf32>
    %logistic3A_1201 = arith.negf %add3A_1200 : vector<2048x256xf32>
    %logistic3A_1202 = math.exp %logistic3A_1201 : vector<2048x256xf32>
    %logistic3A_1203 = arith.constant 1.000000e+00 : f32
    %logistic3A_1204 = vector.broadcast %logistic3A_1203 : f32 to vector<2048x256xf32>
    %logistic3A_1205 = arith.addf %logistic3A_1204, %logistic3A_1202 : vector<2048x256xf32>
    %logistic3A_1206 = arith.divf %logistic3A_1204, %logistic3A_1205 : vector<2048x256xf32>
    %mul3A_1207 = arith.mulf %add3A_1200, %logistic3A_1206 : vector<2048x256xf32>
    %dot_general3A_1208 = arith.constant dense<0.000000e+00> : vector<2048x128xf32>
    %dot_general3A_1209 = tpu.matmul %mul3A_1207, %get3A_8, %dot_general3A_1208 {dimension_numbers = #tpu.dot_dimension_numbers<[1], [0], [0], [1], [0, 0, 1, 1], [], []>, precision = #tpu.contract_precision<fp32>, transpose_lhs_hint = false} : vector<2048x256xf32>, vector<256x128xf32>, vector<2048x128xf32> -> vector<2048x128xf32>
    %broadcast_in_dim3A_1210 = vector.shape_cast %get3A_5 : vector<128xf32> to vector<1x128xf32>
    %add3A_1211 = vector.broadcast %broadcast_in_dim3A_1210 : vector<1x128xf32> to vector<2048x128xf32>
    %add3A_1212 = arith.addf %dot_general3A_1209, %add3A_1211 : vector<2048x128xf32>
    %swap3A_1213 = arith.constant 0 : index
    %swap3A_1214 = arith.constant 0 : index
    %swap3A_1215 = vector.load %arg122[%swap3A_1213, %swap3A_1214] : memref<2048x128xf32, #tpu.memory_space<vmem>>, vector<2048x128xf32>
    tpu.vector_store %arg122[%swap3A_1213, %swap3A_1214], %add3A_1212 {strides = array<i32>} : memref<2048x128xf32, #tpu.memory_space<vmem>>, vector<2048x128xf32>,
    %get3A_1216 = arith.constant 0 : index
    %get3A_1217 = arith.constant 0 : index
    %get3A_1218 = vector.load %arg125[%get3A_1216, %get3A_1217] : memref<2048x3xf32, #tpu.memory_space<vmem>>, vector<2048x3xf32>
    %sub3A_1219 = arith.subf %get3A_1218, %add3A : vector<2048x3xf32>
    %swap3A_1220 = arith.constant 0 : index
    %swap3A_1221 = arith.constant 0 : index
    %swap3A_1222 = vector.load %arg121[%swap3A_1220, %swap3A_1221] : memref<2048x3xf32, #tpu.memory_space<vmem>>, vector<2048x3xf32>
    tpu.vector_store %arg121[%swap3A_1220, %swap3A_1221], %sub3A_1219 {strides = array<i32>} : memref<2048x3xf32, #tpu.memory_space<vmem>>, vector<2048x3xf32>,
    return
  }
}

</mosaic_0001>

<sc_bundles>
// kernel: gather_offload_async_start.1
scs
__scs_entry_jumppad:
0x0: {  	(pc) =	sbr.rel $0x88, $3  }
0x1: {  	(tag) =	ssettag $0x0;
	lr =	simm.s32 $0x1  }
0x2: {  	[smem:$0x3F31] =	sst lr;
	_ =	strace $0xD0000000  }
0x3: {  	_ = 	snop  }
0x4: {  	_ = 	snop  }
0x5: {  	_ = 	snop  }
0x6: {  	_ = 	snop  }
0x7: {  	_ = 	snop  }
__scs_overlays_trampoline_lowered:
0x8: {  	[smem:$0x3F40] =	sst s0  }
0x9: {  	[smem:$0x3F41] =	sst s1  }
0xa: {  	[smem:$0x3F42] =	sst s2  }
0xb: {  	[smem:$0x3F43] =	sst s3  }
0xc: {  	[smem:$0x3F44] =	sst s4  }
0xd: {  	[smem:$0x3F45] =	sst s5  }
0xe: {  	[smem:$0x3F46] =	sst s6  }
0xf: {  	[smem:$0x3F47] =	sst s7  }
0x10: {  	[smem:$0x3F48] =	sst s8  }
0x11: {  	[smem:$0x3F49] =	sst s9;
	s0 =	simm.s32 @!p0 $0x0  }
0x12: {  	s1 =	sld [smem:$0x3F2F];
	s0 =	simm.s32 @p0 $0x1  }
0x13: {  	[smem:$0x3F4A] =	sst s0;
	s0 =	simm.s32 @!p1 $0x0  }
0x14: {  	s2 =	sld [smem:$0x3F2E];
	s0 =	simm.s32 @p1 $0x1  }
0x15: {  	[smem:$0x3F4B] =	sst s0;
	s0 =	simm.s32 @!p2 $0x0  }
0x16: {  	s3 =	sld [smem:$0x3FDB];
	s0 =	simm.s32 @p2 $0x1  }
0x17: {  	s4 =	simm.s32 $0x1BF5;
	[smem:$0x3F4D] =	sst s0  }
0x18: {  	s0 =	sld [smem:$0x3F30];
	_ =	swait.ge [sflag:s4], $0x0  }
0x19: {  	s7 =	sld [smem:$0x3F31]  }
0x1a: {  	s8 =	sadd.s32 $0xFFFFE003, lr  }
0x1b: {  	s9 =	sadd.s32 $0xFFFFFEF7, lr;
	s5 =	simm.s32 $0xFFFFFFFF;
	p2 =	slt.u32 s8, $0xFFFFF086  }
0x1c: {  	p1 =	slt.u32 s9, $0xF7A;
	s5 =	simm.s32 @!p2 $0x0  }
0x1d: {  	s5 =	simm.s32 @p1 $0x1;
	p0 =	seq.s32 s7, s2  }
0x1e: {  	s7 =	smul.u32 @!p0 $0xF7A, s2;
	p2 =	seq.s32 @!p0 s5, $0x0  }
0x1f: {  	s9 =	smul.u32 $0xF7A, s1;
	s8 =	simm.s32 @!p0 $0x1BF5;
	p2 =	por !p2, p0  }
0x20: {  	[sflag:s8] =	ssyncset.s32 @!p0 $0xFFFFF086;
	s6 =	sadd.s32 @!p0 s3, s7;
	s7 =	simm.s32 @!p0 $0x108  }
0x21: {  	s3 =	sadd.s32 s3, s9;
	s6 =	sadd.s32 @!p0 $0x88, s6;
	s7 =	simm.s32 @p2 $0x1082  }
0x22: {  	[simem:s7], [sflag:s8] =	dma.local @!p0 [hbm:s6], $0xF7A  }
0x23: {  	s9 =	sor.u32 $0xD0000000, s2;
	s6 =	simm.s32 $0x108;
	_ =	swait.ge @!p0 [sflag:s8], $0x0  }
0x24: {  	s3 =	sadd.s32 $0x88, s3;
	s6 =	simm.s32 @!p1 $0x1082;
	[sflag:s4] =	ssyncset.s32 $0xFFFFF086  }
0x25: {  	[simem:s6], [sflag:s4] =	dma.local [hbm:s3], $0xF7A  }
0x26: {  	[smem:$0x3F31] =	sst s1;
	(tag) =	ssettag s2;
	_ =	strace s9  }
0x27: {  	s1 =	sld [smem:$0x3F41]  }
0x28: {  	s2 =	sld [smem:$0x3F42]  }
0x29: {  	s4 =	sld [smem:$0x3F44]  }
0x2a: {  	p0 =	seq.s32 s5, $0x0;
	s5 =	sld [smem:$0x3F45]  }
0x2b: {  	s6 =	sld [smem:$0x3F46]  }
0x2c: {  	s7 =	sld [smem:$0x3F47]  }
0x2d: {  	s3 =	simm.s32 $0x108;
	s8 =	sld [smem:$0x3F48]  }
0x2e: {  	s3 =	simm.s32 @!p0 $0x1082;
	s9 =	sld [smem:$0x3F49]  }
0x2f: {  	lr =	sadd.s32 s0, s3;
	s0 =	sld [smem:$0x3F40]  }
0x30: {  	s3 =	sld [smem:$0x3F43]  }
0x31: {  	[smem:$0x3F4C] =	sst s10  }
0x32: {  	s10 =	sld [smem:$0x3F4A];
	_ =	sdelay $0x3  }
0x33: {  	p0 =	seq.s32 s10, $0x1;
	s10 =	sld [smem:$0x3F4C];
	_ =	sdelay $0x3  }
0x34: {  	[smem:$0x3F4C] =	sst s10  }
0x35: {  	s10 =	sld [smem:$0x3F4B];
	_ =	sdelay $0x3  }
0x36: {  	p1 =	seq.s32 s10, $0x1;
	s10 =	sld [smem:$0x3F4C];
	_ =	sdelay $0x3  }
0x37: {  	[smem:$0x3F4C] =	sst s10  }
0x38: {  	s10 =	sld [smem:$0x3F4D]  }
0x39: {  	_ = 	snop;
	(pc) =	sbr.ind lr, $3  }
0x3a: {  	_ = 	snop  }
0x3b: {  	_ = 	snop  }
0x3c: {  	p2 =	seq.s32 s10, $0x1;
	s10 =	sld [smem:$0x3F4C]  }
0x3d: {  	_ =	shalt  }
0x3e: {  	_ =	shalt  }
0x3f: {  	_ =	shalt  }
0x40: {  	_ =	shalt  }
0x41: {  	_ =	shalt  }
0x42: {  	_ =	shalt  }
0x43: {  	_ =	shalt  }
0x44: {  	_ =	shalt  }
0x45: {  	_ =	shalt  }
0x46: {  	_ =	shalt  }
0x47: {  	_ =	shalt  }
0x48: {  	_ =	shalt  }
0x49: {  	_ =	shalt  }
0x4a: {  	_ =	shalt  }
0x4b: {  	_ =	shalt  }
0x4c: {  	_ =	shalt  }
0x4d: {  	_ =	shalt  }
0x4e: {  	_ =	shalt  }
0x4f: {  	_ =	shalt  }
0x50: {  	_ =	shalt  }
0x51: {  	_ =	shalt  }
0x52: {  	_ =	shalt  }
0x53: {  	_ =	shalt  }
0x54: {  	_ =	shalt  }
0x55: {  	_ =	shalt  }
0x56: {  	_ =	shalt  }
0x57: {  	_ =	shalt  }
0x58: {  	_ =	shalt  }
0x59: {  	_ =	shalt  }
0x5a: {  	_ =	shalt  }
0x5b: {  	_ =	shalt  }
0x5c: {  	_ =	shalt  }
0x5d: {  	_ =	shalt  }
0x5e: {  	_ =	shalt  }
0x5f: {  	_ =	shalt  }
0x60: {  	_ =	shalt  }
0x61: {  	_ =	shalt  }
0x62: {  	_ =	shalt  }
0x63: {  	_ =	shalt  }
0x64: {  	_ =	shalt  }
0x65: {  	_ =	shalt  }
0x66: {  	_ =	shalt  }
0x67: {  	_ =	shalt  }
0x68: {  	_ =	shalt  }
0x69: {  	_ =	shalt  }
0x6a: {  	_ =	shalt  }
0x6b: {  	_ =	shalt  }
0x6c: {  	_ =	shalt  }
0x6d: {  	_ =	shalt  }
0x6e: {  	_ =	shalt  }
0x6f: {  	_ =	shalt  }
0x70: {  	_ =	shalt  }
0x71: {  	_ =	shalt  }
0x72: {  	_ =	shalt  }
0x73: {  	_ =	shalt  }
0x74: {  	_ =	shalt  }
0x75: {  	_ =	shalt  }
0x76: {  	_ =	shalt  }
0x77: {  	_ =	shalt  }
0x78: {  	_ =	shalt  }
0x79: {  	_ =	shalt  }
0x7a: {  	_ =	shalt  }
0x7b: {  	_ =	shalt  }
0x7c: {  	_ =	shalt  }
0x7d: {  	_ =	shalt  }
0x7e: {  	_ =	shalt  }
0x7f: {  	_ =	shalt  }
0x80: {  	_ =	shalt  }
0x81: {  	_ =	shalt  }
0x82: {  	_ =	shalt  }
0x83: {  	_ =	shalt  }
0x84: {  	_ =	shalt  }
0x85: {  	_ =	shalt  }
0x86: {  	_ =	shalt  }
0x87: {  	_ =	shalt  }
.Lfunc_end0:
.L_simem_size_0:
called_computation.1_lowered:
.L_overlay_start_0:
0x88: {  	s2 =	sld [smem:$0x3FD9]  }
0x89: {  	s3 =	sld [smem:$0x3FFE];
	_ =	sdelay $0x1  }
0x8a: {  	s1 =	srdreg.scid  }
0x8b: {  	s0 =	sand.u32 $0x1, s1  }
0x8c: {  	s15 =	sshll.u32 s0, $0xA;
	s2 =	sadd.s32 s3, s2  }
0x8d: {  	s2 =	sadd.s32 s2, s15  }
0x8e: {  	[smem:$0x3F58] =	sst s2  }
0x8f: {  	_ = 	snop  }
0x90: {  	s2 =	sld [smem:$0x3FD0];
	_ =	sdelay $0x2  }
0x91: {  	s4 =	simm.s32 $0xA;
	s5 =	simm.s32 $0x10;
	s16 =	sld [smem:$0x3FC5]  }
0x92: {  	[smem:s5], [sflag:s4] =	dma.local [hbm:s2], $0x1  }
0x93: {  	_ =	swait.eq [sflag:s4], $0x1  }
0x94: {  	[sflag:s4] =	ssyncset.done $0x0  }
0x95: {  	s17 =	sld [smem:$0x10];
	[sflag:s4] =	ssyncadd.s32 $0xFFFFFFFF  }
0x96: {  	s18 =	sld [smem:$0x11];
	(tm) =	ssettm $0x1  }
0x97: {  	s19 =	sld [smem:$0x3FFB];
	_ =	sdelay $0x3  }
0x98: {  	_ =	strace s19  }
0x99: {  	s5 =	sld [smem:$0x3FFC];
	_ =	sdelay $0x3  }
0x9a: {  	_ =	strace s5  }
0x9b: {  	s5 =	sld [smem:$0x3FFD];
	_ =	sdelay $0x3  }
0x9c: {  	_ =	strace s5  }
0x9d: {  	_ =	strace $0x8FFFFFFF  }
0x9e: {  	s20 =	sld [smem:$0x3FDB];
	_ =	sdelay $0x1  }
0x9f: {  	s6 =	simm.s32 $_scs_section_size  }
0xa0: {  	s7 =	simm.s32 $_size__tile_overlayer_lowered;
	s8 =	simm.s32 $_tile_overlayer_lowered  }
0xa1: {  	s23 =	simm.s32 $0x1BFF;
	s22 =	sshll.u32 s8, $0x1;
	s5 =	sadd.s32 s6, s20  }
0xa2: {  	s9 =	simm.s32 $0x0;
	s21 =	sshll.u32 s7, $0x1;
	s7 =	sadd.s32 s22, s5  }
0xa3: {  	[timem:s9], [sflag:s23] =	dma.local [hbm:s7], s21  }
0xa4: {  	_ =	swait.ge [sflag:s23], s21  }
0xa5: {  	s6 =	ssub.s32 $0x0, s21;
	[sflag:s23] =	ssyncset.done $0x0  }
0xa6: {  	[sflag:s23] =	ssyncadd.s32 s6;
	_ =	sdelay $0x1  }
0xa7: {  	s24 =	simm.s32 $0x1B8B  }
0xa8: {  	_ =	swait.ge [sflag:s24], $0x1  }
0xa9: {  	[sflag:s24] =	ssyncset.done $0x0  }
0xaa: {  	s25 =	simm.s32 $0x1B8E;
	[sflag:s24] =	ssyncadd.s32 $0xFFFFFFFF  }
0xab: {  	s26 =	simm.s32 $execute0_lowered;
	[smem:$0x3FD2] =	sst s25  }
0xac: {  	s6 =	sshll.u32 s26, $0x1;
	_ =	strace $0x80000049;
	[dreg:$0x1] =	wrdreg $0xFFFFFFFF  }
0xad: {  	s28 =	simm.s32 $_size_execute0_lowered;
	s5 =	sadd.s32 s5, s6;
	[dreg:$0x0] =	wrdreg $0x0  }
0xae: {  	s6 =	sshll.u32 s28, $0x1;
	[dreg:$0x2] =	wrdreg s5  }
0xaf: {  	[dreg:$0x3] =	wrdreg s6  }
0xb0: {  	[dreg:$0x4] =	wrdreg $0xC0  }
0xb1: {  	_ =	task [dreg:s9], $0x5FFFF  }
0xb2: {  	[dreg:$0x1] =	wrdreg $0xFFFFFFFF  }
0xb3: {  	[dreg:$0x0] =	wrdreg $0x60  }
0xb4: {  	[dreg:$0x2] =	wrdreg s16  }
0xb5: {  	[dreg:$0x3] =	wrdreg s17  }
0xb6: {  	[dreg:$0x4] =	wrdreg s18  }
0xb7: {  	[dreg:$0x5] =	wrdreg $0x9  }
0xb8: {  	_ =	task.clear_ibuf [dreg:s9], $0x6FFFF;
	_ =	strace $0x90000049  }
0xb9: {  	s29 =	simm.s32 $0x9;
	_ =	strace $0x8000004B  }
0xba: {  	_ =	swait.ge [sflag:s29], $0x1  }
0xbb: {  	[sflag:s29] =	ssyncadd.s32 $0xFFFFFFFF  }
0xbc: {  	_ =	strace $0x9000004B  }
0xbd: {  	_ =	sfence  }
0xbe: {  	s30 =	sld [smem:$0x0];
	_ =	sdelay $0x2  }
0xbf: {  	s31 =	sshll.u32 s1, $0xD;
	s1 =	sshrl.u32 s1, $0x2  }
0xc0: {  	s3 =	sand.u32 $0x4000, s31;
	s1 =	sadd.s32 s1, s30  }
0xc1: {  	s0 =	sor.u32 s3, s0;
	s1 =	sshll.u32 s1, $0x11  }
0xc2: {  	s0 =	sor.u32 s1, s0  }
0xc3: {  	s0 =	sadd.s32 $0x8F2B, s0  }
0xc4: {  	[sflag:s0] =	ssyncadd.remote.s32 $0x1  }
0xc5: {  	_ =	sfence.sel $0xFFFF  }
0xc6: {  	[dreg:$0x0] =	wrdreg $0xFFFFFFFF;
	(pc) =	sbr.abs _section_cstart, $3  }
0xc7: {  	[dreg:$0x1] =	wrdreg $0xFFFFFFFF  }
0xc8: {  	_ =	task.clear_ibuf [dreg:s9], $0x2FFFF;
	_ =	strace $0x9FFFFFFF  }
0xc9: {  	(tm) =	ssettm $0x7FFFFFFF  }
tec
execute0_lowered:
.L_overlay_start_1:
0x0: {  	(tag) =	ssettag $0x1  }
0x1: {  	s1 =	srdreg.scid  }
0x2: {  	s2 =	rddreg [dreg:$0x0];
	s0 =	stileid.u32;
	s1 =	sshll.u32 s1, $0x5  }
0x3: {  	s3 =	rddreg [dreg:$0x1];
	s5 =	sshll.u32 s0, $0x6;
	s1 =	sand.u32 $0x20, s1  }
0x4: {  	s4 =	rddreg [dreg:$0x2];
	s7 =	simm.s32 $0x1;
	s5 =	sor.u32 s5, s1  }
0x5: {  	s30 =	simm.s32 $0x2;
	s31 =	simm.s32 $0x3;
	s6 =	ssub.s32 $0x800, s5  }
0x6: {  	s11 =	simm.s32 $0x0;
	s9 =	simm.s32 $0x0;
	s8 =	sand.u32 $0x3E0, s6  }
0x7: {  	s1 =	rddreg [dreg:$0x3];
	_ =	strace $0x8000004A;
	p0 =	sne.s32 s8, $0x0  }
0x8: {  	[sflag:s7] =	ssyncpa.u1 $0x0;
	s6 =	sshrl.u32 s6, $0xA;
	s7 =	simm.s32 @!p0 $0x0  }
0x9: {  	s10 =	smov.u32 s5;
	[sflag:s30] =	ssyncpa.u1 $0x0;
	s6 =	sadd.s32 s7, s6  }
0xa: {  	[sflag:s31] =	ssyncpa.u1 $0x0;
	s8 =	simm.s32 $0x0;
	s7 =	sadd.s32 $0x1, s6  }
.LBB2_1:
0xb: {  	p0 =	sge.u32 s9, s6  }
0xc: {  	s31 =	sadd.s32 $0xFFFFFFFF, s9;
	s12 =	sxor.u32 @!p0 $0xFFFFFFFF, s8;
	s13 =	sshrl.u32 @!p0 s10, $0x3  }
0xd: {  	s14 =	sand.u32 @!p0 $0x7, s10;
	s12 =	sand.u32 @!p0 $0x20, s12;
	s13 =	sadd.s32 @!p0 s3, s13  }
0xe: {  	[tilespmem:s12], [sflag:$0x2] =	stream.linear.gather @!p0 [hbm4b:s13+s14], $0x20, $0x38;
	[tilespmem:$0x80] =	vst v63  }
0xf: {  	p0 =	sge.u32 s31, s6  }
0x10: {  	s12 =	simm.s32 @!p0 $0x2  }
0x11: {  	_ =	swait.ge @!p0 [sflag:s12], $0x20  }
0x12: {  	[sflag:s12] =	ssyncset.done @!p0 $0x0  }
0x13: {  	[sflag:s12] =	ssyncadd.s32 @!p0 $0xFFFFFFE0;
	s12 =	sand.u32 @!p0 $0x20, s8  }
0x14: {  	(ifvalue) =	ssetifvalue @!p0 $0x7FFFFFFF;
	v0 =	vld.msk @!p0 [tilespmem:s12+$0x0 ss:$0x1], $0xffff;
	_ =	sdelay $0x4  }
0x15: {  	vm0 =	vgt.s32 @!p0 v0, $0x0  }
0x16: {  	v0 =	vnsel @!p0 vm0, $0x0, v0  }
0x17: {  	v0 =	vmin.u32 @!p0 v0, $0xFFF;
	_ =	sdelay $0x2  }
0x18: {  	s14 =	simm.s32 @!p0 $0x0  }
0x19: {  	s13 =	sor.u32 @!p0 $0x40, s12;
	(ifvalue) =	ssetifvalue @!p0 $0x7FFFFFFF;
	s15 =	sor.u32 @!p0 $0x10, s12;
	vm0 =	vmmov @!p0 $0xffff  }
0x1a: {  	[tilespmem:s13], [sflag:$0x1] =	stream.indirect_vreg.gather @!p0 [hbm4b:s2+s14], $0x1, v0, vm0, $0x4038;
	[tilespmem:$0x80] =	vst v63  }
0x1b: {  	v0 =	vld.msk @!p0 [tilespmem:s15+$0x0 ss:$0x1], $0xffff;
	_ =	sdelay $0x4  }
0x1c: {  	vm1 =	vgt.s32 @!p0 v0, $0x0  }
0x1d: {  	v0 =	vnsel @!p0 vm1, $0x0, v0  }
0x1e: {  	v0 =	vmin.u32 @!p0 v0, $0xFFF;
	_ =	sdelay $0x3  }
0x1f: {  	s12 =	sor.u32 @!p0 $0x50, s12;
	(ifvalue) =	ssetifvalue @!p0 $0x7FFFFFFF  }
0x20: {  	[tilespmem:s12], [sflag:$0x1] =	stream.indirect_vreg.gather @!p0 [hbm4b:s2+s14], $0x1, v0, vm0, $0x4038;
	[tilespmem:$0x80] =	vst v63  }
0x21: {  	s12 =	simm.s32 @!p0 $0x1  }
0x22: {  	_ =	swait.ge @!p0 [sflag:s12], $0x20  }
0x23: {  	s14 =	sshrl.u32 @!p0 s11, $0x3;
	[sflag:s12] =	ssyncset.done @!p0 $0x0  }
0x24: {  	s11 =	sand.u32 @!p0 $0x7, s11;
	[sflag:s12] =	ssyncadd.s32 @!p0 $0xFFFFFFE0;
	s12 =	sadd.s32 @!p0 s4, s14  }
0x25: {  	[hbm4b:s12+s11] =	stream.linear.scatter @!p0 [tilespmem:s13], [sflag:$0x3], $0x20, $0x38;
	[tilespmem:$0x80] =	vst v63  }
0x26: {  	s13 =	sadd.s32 $0x400, s10  }
0x27: {  	p1 =	sgt.s32 s13, $0x7FF  }
0x28: {  	s13 =	smov.u32 @p1 s5;
	p1 =	sne.s32 s9, s7  }
.Ltmp0:
0x29: {  	p0 =	slt.u32 s9, $0x2;
	(pc) =	sbr.rel @p1 .LBB2_1-.Ltmp0, $4  }
0x2a: {  	s12 =	simm.s32 @!p0 $0x3  }
0x2b: {  	_ =	swait.ge @!p0 [sflag:s12], $0x20  }
0x2c: {  	s8 =	sadd.s32 $0x20, s8;
	s11 =	smov.u32 s10;
	[sflag:s12] =	ssyncset.done @!p0 $0x0  }
0x2d: {  	s9 =	sadd.s32 $0x1, s9;
	s10 =	smov.u32 s13;
	[sflag:s12] =	ssyncadd.s32 @!p0 $0xFFFFFFE0  }
0x2e: {  	_ =	sfence.sel $0x180000  }
0x2f: {  	s2 =	simm.s32 $0x2;
	[bflag:$0x0] =	sbarrier.arrive $0xFFFF  }
0x30: {  	s30 =	simm.s32 $0x3;
	[sflag:s2] =	ssyncpa.u1 $0x1  }
0x31: {  	s31 =	simm.s32 $0x1;
	[sflag:s30] =	ssyncpa.u1 $0x1  }
0x32: {  	[sflag:s31] =	ssyncpa.u1 $0x1  }
0x33: {  	p0 =	sne.s32 s0, $0x0;
	_ =	strace $0x9000004A  }
0x34: {  	s0 =	sadd.s32 @!p0 $0x100000, s1;
	[bflag:$0x2] =	sbarrier.arrive $0xFFFF  }
0x35: {  	[sflag:s0] =	ssyncadd.tile.s32 @!p0 $0x1;
	_ =	shalt  }
.Lfunc_end2:
_tile_overlayer_lowered:
.L_overlay_start_2:
0x36: {  	(tag) =	ssettag $0x2  }
0x37: {  	s0 =	rddreg [dreg:$0x0];
	s2 =	stileid.u32  }
0x38: {  	s1 =	rddreg [dreg:$0x1];
	p0 =	sne.s32 s2, $0x0  }
0x39: {  	s3 =	rddreg [dreg:$0x2];
	[bflag:$0x3] =	sbarrier.arrive $0xFFFF;
	s2 =	simm.s32 @!p0 $0x1C01  }
0x3a: {  	[timem:s3], [sflag:s2] =	dma.local @!p0 [hbm:s0], s1  }
0x3b: {  	s0 =	simm.s32 @!p0 $0x1  }
0x3c: {  	_ =	swait.ge @!p0 [sflag:s0], s1  }
0x3d: {  	s1 =	ssub.s32 @!p0 $0x0, s1;
	[sflag:s0] =	ssyncset.done @!p0 $0x0  }
0x3e: {  	[sflag:s0] =	ssyncadd.s32 @!p0 s1  }
0x3f: {  	[bflag:$0x3] =	sbarrier.arrive $0xFFFF  }
0x40: {  	_ =	shalt  }

// kernel: gather_offload_async_start.2
scs
__scs_entry_jumppad:
0x0: {  	(pc) =	sbr.rel $0x88, $3  }
0x1: {  	(tag) =	ssettag $0x0;
	lr =	simm.s32 $0x1  }
0x2: {  	[smem:$0x3F31] =	sst lr;
	_ =	strace $0xD0000000  }
0x3: {  	_ = 	snop  }
0x4: {  	_ = 	snop  }
0x5: {  	_ = 	snop  }
0x6: {  	_ = 	snop  }
0x7: {  	_ = 	snop  }
__scs_overlays_trampoline_lowered:
0x8: {  	[smem:$0x3F40] =	sst s0  }
0x9: {  	[smem:$0x3F41] =	sst s1  }
0xa: {  	[smem:$0x3F42] =	sst s2  }
0xb: {  	[smem:$0x3F43] =	sst s3  }
0xc: {  	[smem:$0x3F44] =	sst s4  }
0xd: {  	[smem:$0x3F45] =	sst s5  }
0xe: {  	[smem:$0x3F46] =	sst s6  }
0xf: {  	[smem:$0x3F47] =	sst s7  }
0x10: {  	[smem:$0x3F48] =	sst s8  }
0x11: {  	[smem:$0x3F49] =	sst s9;
	s0 =	simm.s32 @!p0 $0x0  }
0x12: {  	s1 =	sld [smem:$0x3F2F];
	s0 =	simm.s32 @p0 $0x1  }
0x13: {  	[smem:$0x3F4A] =	sst s0;
	s0 =	simm.s32 @!p1 $0x0  }
0x14: {  	s2 =	sld [smem:$0x3F2E];
	s0 =	simm.s32 @p1 $0x1  }
0x15: {  	[smem:$0x3F4B] =	sst s0;
	s0 =	simm.s32 @!p2 $0x0  }
0x16: {  	s3 =	sld [smem:$0x3FDB];
	s0 =	simm.s32 @p2 $0x1  }
0x17: {  	s4 =	simm.s32 $0x1BF5;
	[smem:$0x3F4D] =	sst s0  }
0x18: {  	s0 =	sld [smem:$0x3F30];
	_ =	swait.ge [sflag:s4], $0x0  }
0x19: {  	s7 =	sld [smem:$0x3F31]  }
0x1a: {  	s8 =	sadd.s32 $0xFFFFE003, lr  }
0x1b: {  	s9 =	sadd.s32 $0xFFFFFEF7, lr;
	s5 =	simm.s32 $0xFFFFFFFF;
	p2 =	slt.u32 s8, $0xFFFFF086  }
0x1c: {  	p1 =	slt.u32 s9, $0xF7A;
	s5 =	simm.s32 @!p2 $0x0  }
0x1d: {  	s5 =	simm.s32 @p1 $0x1;
	p0 =	seq.s32 s7, s2  }
0x1e: {  	s7 =	smul.u32 @!p0 $0xF7A, s2;
	p2 =	seq.s32 @!p0 s5, $0x0  }
0x1f: {  	s9 =	smul.u32 $0xF7A, s1;
	s8 =	simm.s32 @!p0 $0x1BF5;
	p2 =	por !p2, p0  }
0x20: {  	[sflag:s8] =	ssyncset.s32 @!p0 $0xFFFFF086;
	s6 =	sadd.s32 @!p0 s3, s7;
	s7 =	simm.s32 @!p0 $0x108  }
0x21: {  	s3 =	sadd.s32 s3, s9;
	s6 =	sadd.s32 @!p0 $0x88, s6;
	s7 =	simm.s32 @p2 $0x1082  }
0x22: {  	[simem:s7], [sflag:s8] =	dma.local @!p0 [hbm:s6], $0xF7A  }
0x23: {  	s9 =	sor.u32 $0xD0000000, s2;
	s6 =	simm.s32 $0x108;
	_ =	swait.ge @!p0 [sflag:s8], $0x0  }
0x24: {  	s3 =	sadd.s32 $0x88, s3;
	s6 =	simm.s32 @!p1 $0x1082;
	[sflag:s4] =	ssyncset.s32 $0xFFFFF086  }
0x25: {  	[simem:s6], [sflag:s4] =	dma.local [hbm:s3], $0xF7A  }
0x26: {  	[smem:$0x3F31] =	sst s1;
	(tag) =	ssettag s2;
	_ =	strace s9  }
0x27: {  	s1 =	sld [smem:$0x3F41]  }
0x28: {  	s2 =	sld [smem:$0x3F42]  }
0x29: {  	s4 =	sld [smem:$0x3F44]  }
0x2a: {  	p0 =	seq.s32 s5, $0x0;
	s5 =	sld [smem:$0x3F45]  }
0x2b: {  	s6 =	sld [smem:$0x3F46]  }
0x2c: {  	s7 =	sld [smem:$0x3F47]  }
0x2d: {  	s3 =	simm.s32 $0x108;
	s8 =	sld [smem:$0x3F48]  }
0x2e: {  	s3 =	simm.s32 @!p0 $0x1082;
	s9 =	sld [smem:$0x3F49]  }
0x2f: {  	lr =	sadd.s32 s0, s3;
	s0 =	sld [smem:$0x3F40]  }
0x30: {  	s3 =	sld [smem:$0x3F43]  }
0x31: {  	[smem:$0x3F4C] =	sst s10  }
0x32: {  	s10 =	sld [smem:$0x3F4A];
	_ =	sdelay $0x3  }
0x33: {  	p0 =	seq.s32 s10, $0x1;
	s10 =	sld [smem:$0x3F4C];
	_ =	sdelay $0x3  }
0x34: {  	[smem:$0x3F4C] =	sst s10  }
0x35: {  	s10 =	sld [smem:$0x3F4B];
	_ =	sdelay $0x3  }
0x36: {  	p1 =	seq.s32 s10, $0x1;
	s10 =	sld [smem:$0x3F4C];
	_ =	sdelay $0x3  }
0x37: {  	[smem:$0x3F4C] =	sst s10  }
0x38: {  	s10 =	sld [smem:$0x3F4D]  }
0x39: {  	_ = 	snop;
	(pc) =	sbr.ind lr, $3  }
0x3a: {  	_ = 	snop  }
0x3b: {  	_ = 	snop  }
0x3c: {  	p2 =	seq.s32 s10, $0x1;
	s10 =	sld [smem:$0x3F4C]  }
0x3d: {  	_ =	shalt  }
0x3e: {  	_ =	shalt  }
0x3f: {  	_ =	shalt  }
0x40: {  	_ =	shalt  }
0x41: {  	_ =	shalt  }
0x42: {  	_ =	shalt  }
0x43: {  	_ =	shalt  }
0x44: {  	_ =	shalt  }
0x45: {  	_ =	shalt  }
0x46: {  	_ =	shalt  }
0x47: {  	_ =	shalt  }
0x48: {  	_ =	shalt  }
0x49: {  	_ =	shalt  }
0x4a: {  	_ =	shalt  }
0x4b: {  	_ =	shalt  }
0x4c: {  	_ =	shalt  }
0x4d: {  	_ =	shalt  }
0x4e: {  	_ =	shalt  }
0x4f: {  	_ =	shalt  }
0x50: {  	_ =	shalt  }
0x51: {  	_ =	shalt  }
0x52: {  	_ =	shalt  }
0x53: {  	_ =	shalt  }
0x54: {  	_ =	shalt  }
0x55: {  	_ =	shalt  }
0x56: {  	_ =	shalt  }
0x57: {  	_ =	shalt  }
0x58: {  	_ =	shalt  }
0x59: {  	_ =	shalt  }
0x5a: {  	_ =	shalt  }
0x5b: {  	_ =	shalt  }
0x5c: {  	_ =	shalt  }
0x5d: {  	_ =	shalt  }
0x5e: {  	_ =	shalt  }
0x5f: {  	_ =	shalt  }
0x60: {  	_ =	shalt  }
0x61: {  	_ =	shalt  }
0x62: {  	_ =	shalt  }
0x63: {  	_ =	shalt  }
0x64: {  	_ =	shalt  }
0x65: {  	_ =	shalt  }
0x66: {  	_ =	shalt  }
0x67: {  	_ =	shalt  }
0x68: {  	_ =	shalt  }
0x69: {  	_ =	shalt  }
0x6a: {  	_ =	shalt  }
0x6b: {  	_ =	shalt  }
0x6c: {  	_ =	shalt  }
0x6d: {  	_ =	shalt  }
0x6e: {  	_ =	shalt  }
0x6f: {  	_ =	shalt  }
0x70: {  	_ =	shalt  }
0x71: {  	_ =	shalt  }
0x72: {  	_ =	shalt  }
0x73: {  	_ =	shalt  }
0x74: {  	_ =	shalt  }
0x75: {  	_ =	shalt  }
0x76: {  	_ =	shalt  }
0x77: {  	_ =	shalt  }
0x78: {  	_ =	shalt  }
0x79: {  	_ =	shalt  }
0x7a: {  	_ =	shalt  }
0x7b: {  	_ =	shalt  }
0x7c: {  	_ =	shalt  }
0x7d: {  	_ =	shalt  }
0x7e: {  	_ =	shalt  }
0x7f: {  	_ =	shalt  }
0x80: {  	_ =	shalt  }
0x81: {  	_ =	shalt  }
0x82: {  	_ =	shalt  }
0x83: {  	_ =	shalt  }
0x84: {  	_ =	shalt  }
0x85: {  	_ =	shalt  }
0x86: {  	_ =	shalt  }
0x87: {  	_ =	shalt  }
.Lfunc_end0:
.L_simem_size_0:
called_computation.2_lowered:
.L_overlay_start_0:
0x88: {  	s2 =	sld [smem:$0x3FD9]  }
0x89: {  	s3 =	sld [smem:$0x3FFE];
	_ =	sdelay $0x1  }
0x8a: {  	s1 =	srdreg.scid  }
0x8b: {  	s0 =	sand.u32 $0x1, s1  }
0x8c: {  	s15 =	sshll.u32 s0, $0xA;
	s2 =	sadd.s32 s3, s2  }
0x8d: {  	s2 =	sadd.s32 s2, s15  }
0x8e: {  	[smem:$0x3F58] =	sst s2  }
0x8f: {  	_ = 	snop  }
0x90: {  	s2 =	sld [smem:$0x3FD0];
	_ =	sdelay $0x2  }
0x91: {  	s4 =	simm.s32 $0xA;
	s5 =	simm.s32 $0x10;
	s16 =	sld [smem:$0x3FC6]  }
0x92: {  	[smem:s5], [sflag:s4] =	dma.local [hbm:s2], $0x1  }
0x93: {  	_ =	swait.eq [sflag:s4], $0x1  }
0x94: {  	[sflag:s4] =	ssyncset.done $0x0  }
0x95: {  	s17 =	sld [smem:$0x10];
	[sflag:s4] =	ssyncadd.s32 $0xFFFFFFFF  }
0x96: {  	s18 =	sld [smem:$0x11];
	(tm) =	ssettm $0x1  }
0x97: {  	s19 =	sld [smem:$0x3FFB];
	_ =	sdelay $0x3  }
0x98: {  	_ =	strace s19  }
0x99: {  	s5 =	sld [smem:$0x3FFC];
	_ =	sdelay $0x3  }
0x9a: {  	_ =	strace s5  }
0x9b: {  	s5 =	sld [smem:$0x3FFD];
	_ =	sdelay $0x3  }
0x9c: {  	_ =	strace s5  }
0x9d: {  	_ =	strace $0x8FFFFFFF  }
0x9e: {  	s20 =	sld [smem:$0x3FDB];
	_ =	sdelay $0x1  }
0x9f: {  	s6 =	simm.s32 $_scs_section_size  }
0xa0: {  	s7 =	simm.s32 $_size__tile_overlayer_lowered;
	s8 =	simm.s32 $_tile_overlayer_lowered  }
0xa1: {  	s23 =	simm.s32 $0x1BFF;
	s22 =	sshll.u32 s8, $0x1;
	s5 =	sadd.s32 s6, s20  }
0xa2: {  	s9 =	simm.s32 $0x0;
	s21 =	sshll.u32 s7, $0x1;
	s7 =	sadd.s32 s22, s5  }
0xa3: {  	[timem:s9], [sflag:s23] =	dma.local [hbm:s7], s21  }
0xa4: {  	_ =	swait.ge [sflag:s23], s21  }
0xa5: {  	s6 =	ssub.s32 $0x0, s21;
	[sflag:s23] =	ssyncset.done $0x0  }
0xa6: {  	[sflag:s23] =	ssyncadd.s32 s6;
	_ =	sdelay $0x1  }
0xa7: {  	s24 =	simm.s32 $0x1B8B  }
0xa8: {  	_ =	swait.ge [sflag:s24], $0x1  }
0xa9: {  	[sflag:s24] =	ssyncset.done $0x0  }
0xaa: {  	s25 =	simm.s32 $0x1B8E;
	[sflag:s24] =	ssyncadd.s32 $0xFFFFFFFF  }
0xab: {  	s26 =	simm.s32 $execute0_lowered;
	[smem:$0x3FD2] =	sst s25  }
0xac: {  	s6 =	sshll.u32 s26, $0x1;
	_ =	strace $0x8000004C;
	[dreg:$0x1] =	wrdreg $0xFFFFFFFF  }
0xad: {  	s28 =	simm.s32 $_size_execute0_lowered;
	s5 =	sadd.s32 s5, s6;
	[dreg:$0x0] =	wrdreg $0x0  }
0xae: {  	s6 =	sshll.u32 s28, $0x1;
	[dreg:$0x2] =	wrdreg s5  }
0xaf: {  	[dreg:$0x3] =	wrdreg s6  }
0xb0: {  	[dreg:$0x4] =	wrdreg $0xC0  }
0xb1: {  	_ =	task [dreg:s9], $0x5FFFF  }
0xb2: {  	[dreg:$0x1] =	wrdreg $0xFFFFFFFF  }
0xb3: {  	[dreg:$0x0] =	wrdreg $0x60  }
0xb4: {  	[dreg:$0x2] =	wrdreg s16  }
0xb5: {  	[dreg:$0x3] =	wrdreg s17  }
0xb6: {  	[dreg:$0x4] =	wrdreg s18  }
0xb7: {  	[dreg:$0x5] =	wrdreg $0x9  }
0xb8: {  	_ =	task.clear_ibuf [dreg:s9], $0x6FFFF;
	_ =	strace $0x9000004C  }
0xb9: {  	s29 =	simm.s32 $0x9;
	_ =	strace $0x8000004E  }
0xba: {  	_ =	swait.ge [sflag:s29], $0x1  }
0xbb: {  	[sflag:s29] =	ssyncadd.s32 $0xFFFFFFFF  }
0xbc: {  	_ =	strace $0x9000004E  }
0xbd: {  	_ =	sfence  }
0xbe: {  	s30 =	sld [smem:$0x0];
	_ =	sdelay $0x2  }
0xbf: {  	s31 =	sshll.u32 s1, $0xD;
	s1 =	sshrl.u32 s1, $0x2  }
0xc0: {  	s3 =	sand.u32 $0x4000, s31;
	s1 =	sadd.s32 s1, s30  }
0xc1: {  	s0 =	sor.u32 s3, s0;
	s1 =	sshll.u32 s1, $0x11  }
0xc2: {  	s0 =	sor.u32 s1, s0  }
0xc3: {  	s0 =	sadd.s32 $0x8F2B, s0  }
0xc4: {  	[sflag:s0] =	ssyncadd.remote.s32 $0x1  }
0xc5: {  	_ =	sfence.sel $0xFFFF  }
0xc6: {  	[dreg:$0x0] =	wrdreg $0xFFFFFFFF;
	(pc) =	sbr.abs _section_cstart, $3  }
0xc7: {  	[dreg:$0x1] =	wrdreg $0xFFFFFFFF  }
0xc8: {  	_ =	task.clear_ibuf [dreg:s9], $0x2FFFF;
	_ =	strace $0x9FFFFFFF  }
0xc9: {  	(tm) =	ssettm $0x7FFFFFFF  }
tec
execute0_lowered:
.L_overlay_start_1:
0x0: {  	(tag) =	ssettag $0x1  }
0x1: {  	s1 =	srdreg.scid  }
0x2: {  	s2 =	rddreg [dreg:$0x0];
	s0 =	stileid.u32;
	s1 =	sshll.u32 s1, $0x5  }
0x3: {  	s3 =	rddreg [dreg:$0x1];
	s5 =	sshll.u32 s0, $0x6;
	s1 =	sand.u32 $0x20, s1  }
0x4: {  	s4 =	rddreg [dreg:$0x2];
	s7 =	simm.s32 $0x1;
	s5 =	sor.u32 s5, s1  }
0x5: {  	s30 =	simm.s32 $0x2;
	s31 =	simm.s32 $0x3;
	s6 =	ssub.s32 $0x800, s5  }
0x6: {  	s11 =	simm.s32 $0x0;
	s9 =	simm.s32 $0x0;
	s8 =	sand.u32 $0x3E0, s6  }
0x7: {  	s1 =	rddreg [dreg:$0x3];
	_ =	strace $0x8000004D;
	p0 =	sne.s32 s8, $0x0  }
0x8: {  	[sflag:s7] =	ssyncpa.u1 $0x0;
	s6 =	sshrl.u32 s6, $0xA;
	s7 =	simm.s32 @!p0 $0x0  }
0x9: {  	s10 =	smov.u32 s5;
	[sflag:s30] =	ssyncpa.u1 $0x0;
	s6 =	sadd.s32 s7, s6  }
0xa: {  	[sflag:s31] =	ssyncpa.u1 $0x0;
	s8 =	simm.s32 $0x0;
	s7 =	sadd.s32 $0x1, s6  }
.LBB2_1:
0xb: {  	p0 =	sge.u32 s9, s6  }
0xc: {  	s31 =	sadd.s32 $0xFFFFFFFF, s9;
	s12 =	sxor.u32 @!p0 $0xFFFFFFFF, s8;
	s13 =	sshrl.u32 @!p0 s10, $0x3  }
0xd: {  	s14 =	sand.u32 @!p0 $0x7, s10;
	s12 =	sand.u32 @!p0 $0x20, s12;
	s13 =	sadd.s32 @!p0 s3, s13  }
0xe: {  	[tilespmem:s12], [sflag:$0x2] =	stream.linear.gather @!p0 [hbm4b:s13+s14], $0x20, $0x38;
	[tilespmem:$0x80] =	vst v63  }
0xf: {  	p0 =	sge.u32 s31, s6  }
0x10: {  	s12 =	simm.s32 @!p0 $0x2  }
0x11: {  	_ =	swait.ge @!p0 [sflag:s12], $0x20  }
0x12: {  	[sflag:s12] =	ssyncset.done @!p0 $0x0  }
0x13: {  	[sflag:s12] =	ssyncadd.s32 @!p0 $0xFFFFFFE0;
	s12 =	sand.u32 @!p0 $0x20, s8  }
0x14: {  	(ifvalue) =	ssetifvalue @!p0 $0x7FFFFFFF;
	v0 =	vld.msk @!p0 [tilespmem:s12+$0x0 ss:$0x1], $0xffff;
	_ =	sdelay $0x4  }
0x15: {  	vm0 =	vgt.s32 @!p0 v0, $0x0  }
0x16: {  	v0 =	vnsel @!p0 vm0, $0x0, v0  }
0x17: {  	v0 =	vmin.u32 @!p0 v0, $0x7FF;
	_ =	sdelay $0x2  }
0x18: {  	s14 =	simm.s32 @!p0 $0x0  }
0x19: {  	s13 =	sor.u32 @!p0 $0x40, s12;
	(ifvalue) =	ssetifvalue @!p0 $0x7FFFFFFF;
	s15 =	sor.u32 @!p0 $0x10, s12;
	vm0 =	vmmov @!p0 $0xffff  }
0x1a: {  	[tilespmem:s13], [sflag:$0x1] =	stream.indirect_vreg.gather @!p0 [hbm4b:s2+s14], $0x1, v0, vm0, $0x4038;
	[tilespmem:$0x80] =	vst v63  }
0x1b: {  	v0 =	vld.msk @!p0 [tilespmem:s15+$0x0 ss:$0x1], $0xffff;
	_ =	sdelay $0x4  }
0x1c: {  	vm1 =	vgt.s32 @!p0 v0, $0x0  }
0x1d: {  	v0 =	vnsel @!p0 vm1, $0x0, v0  }
0x1e: {  	v0 =	vmin.u32 @!p0 v0, $0x7FF;
	_ =	sdelay $0x3  }
0x1f: {  	s12 =	sor.u32 @!p0 $0x50, s12;
	(ifvalue) =	ssetifvalue @!p0 $0x7FFFFFFF  }
0x20: {  	[tilespmem:s12], [sflag:$0x1] =	stream.indirect_vreg.gather @!p0 [hbm4b:s2+s14], $0x1, v0, vm0, $0x4038;
	[tilespmem:$0x80] =	vst v63  }
0x21: {  	s12 =	simm.s32 @!p0 $0x1  }
0x22: {  	_ =	swait.ge @!p0 [sflag:s12], $0x20  }
0x23: {  	s14 =	sshrl.u32 @!p0 s11, $0x3;
	[sflag:s12] =	ssyncset.done @!p0 $0x0  }
0x24: {  	s11 =	sand.u32 @!p0 $0x7, s11;
	[sflag:s12] =	ssyncadd.s32 @!p0 $0xFFFFFFE0;
	s12 =	sadd.s32 @!p0 s4, s14  }
0x25: {  	[hbm4b:s12+s11] =	stream.linear.scatter @!p0 [tilespmem:s13], [sflag:$0x3], $0x20, $0x38;
	[tilespmem:$0x80] =	vst v63  }
0x26: {  	s13 =	sadd.s32 $0x400, s10  }
0x27: {  	p1 =	sgt.s32 s13, $0x7FF  }
0x28: {  	s13 =	smov.u32 @p1 s5;
	p1 =	sne.s32 s9, s7  }
.Ltmp0:
0x29: {  	p0 =	slt.u32 s9, $0x2;
	(pc) =	sbr.rel @p1 .LBB2_1-.Ltmp0, $4  }
0x2a: {  	s12 =	simm.s32 @!p0 $0x3  }
0x2b: {  	_ =	swait.ge @!p0 [sflag:s12], $0x20  }
0x2c: {  	s8 =	sadd.s32 $0x20, s8;
	s11 =	smov.u32 s10;
	[sflag:s12] =	ssyncset.done @!p0 $0x0  }
0x2d: {  	s9 =	sadd.s32 $0x1, s9;
	s10 =	smov.u32 s13;
	[sflag:s12] =	ssyncadd.s32 @!p0 $0xFFFFFFE0  }
0x2e: {  	_ =	sfence.sel $0x180000  }
0x2f: {  	s2 =	simm.s32 $0x2;
	[bflag:$0x0] =	sbarrier.arrive $0xFFFF  }
0x30: {  	s30 =	simm.s32 $0x3;
	[sflag:s2] =	ssyncpa.u1 $0x1  }
0x31: {  	s31 =	simm.s32 $0x1;
	[sflag:s30] =	ssyncpa.u1 $0x1  }
0x32: {  	[sflag:s31] =	ssyncpa.u1 $0x1  }
0x33: {  	p0 =	sne.s32 s0, $0x0;
	_ =	strace $0x9000004D  }
0x34: {  	s0 =	sadd.s32 @!p0 $0x100000, s1;
	[bflag:$0x2] =	sbarrier.arrive $0xFFFF  }
0x35: {  	[sflag:s0] =	ssyncadd.tile.s32 @!p0 $0x1;
	_ =	shalt  }
.Lfunc_end2:
_tile_overlayer_lowered:
.L_overlay_start_2:
0x36: {  	(tag) =	ssettag $0x2  }
0x37: {  	s0 =	rddreg [dreg:$0x0];
	s2 =	stileid.u32  }
0x38: {  	s1 =	rddreg [dreg:$0x1];
	p0 =	sne.s32 s2, $0x0  }
0x39: {  	s3 =	rddreg [dreg:$0x2];
	[bflag:$0x3] =	sbarrier.arrive $0xFFFF;
	s2 =	simm.s32 @!p0 $0x1C01  }
0x3a: {  	[timem:s3], [sflag:s2] =	dma.local @!p0 [hbm:s0], s1  }
0x3b: {  	s0 =	simm.s32 @!p0 $0x1  }
0x3c: {  	_ =	swait.ge @!p0 [sflag:s0], s1  }
0x3d: {  	s1 =	ssub.s32 @!p0 $0x0, s1;
	[sflag:s0] =	ssyncset.done @!p0 $0x0  }
0x3e: {  	[sflag:s0] =	ssyncadd.s32 @!p0 s1  }
0x3f: {  	[bflag:$0x3] =	sbarrier.arrive $0xFFFF  }
0x40: {  	_ =	shalt  }

// kernel: gather_offload_async_start.3
scs
__scs_entry_jumppad:
0x0: {  	(pc) =	sbr.rel $0x88, $3  }
0x1: {  	(tag) =	ssettag $0x0;
	lr =	simm.s32 $0x1  }
0x2: {  	[smem:$0x3F31] =	sst lr;
	_ =	strace $0xD0000000  }
0x3: {  	_ = 	snop  }
0x4: {  	_ = 	snop  }
0x5: {  	_ = 	snop  }
0x6: {  	_ = 	snop  }
0x7: {  	_ = 	snop  }
__scs_overlays_trampoline_lowered:
0x8: {  	[smem:$0x3F40] =	sst s0  }
0x9: {  	[smem:$0x3F41] =	sst s1  }
0xa: {  	[smem:$0x3F42] =	sst s2  }
0xb: {  	[smem:$0x3F43] =	sst s3  }
0xc: {  	[smem:$0x3F44] =	sst s4  }
0xd: {  	[smem:$0x3F45] =	sst s5  }
0xe: {  	[smem:$0x3F46] =	sst s6  }
0xf: {  	[smem:$0x3F47] =	sst s7  }
0x10: {  	[smem:$0x3F48] =	sst s8  }
0x11: {  	[smem:$0x3F49] =	sst s9;
	s0 =	simm.s32 @!p0 $0x0  }
0x12: {  	s1 =	sld [smem:$0x3F2F];
	s0 =	simm.s32 @p0 $0x1  }
0x13: {  	[smem:$0x3F4A] =	sst s0;
	s0 =	simm.s32 @!p1 $0x0  }
0x14: {  	s2 =	sld [smem:$0x3F2E];
	s0 =	simm.s32 @p1 $0x1  }
0x15: {  	[smem:$0x3F4B] =	sst s0;
	s0 =	simm.s32 @!p2 $0x0  }
0x16: {  	s3 =	sld [smem:$0x3FDB];
	s0 =	simm.s32 @p2 $0x1  }
0x17: {  	s4 =	simm.s32 $0x1BF5;
	[smem:$0x3F4D] =	sst s0  }
0x18: {  	s0 =	sld [smem:$0x3F30];
	_ =	swait.ge [sflag:s4], $0x0  }
0x19: {  	s7 =	sld [smem:$0x3F31]  }
0x1a: {  	s8 =	sadd.s32 $0xFFFFE003, lr  }
0x1b: {  	s9 =	sadd.s32 $0xFFFFFEF7, lr;
	s5 =	simm.s32 $0xFFFFFFFF;
	p2 =	slt.u32 s8, $0xFFFFF086  }
0x1c: {  	p1 =	slt.u32 s9, $0xF7A;
	s5 =	simm.s32 @!p2 $0x0  }
0x1d: {  	s5 =	simm.s32 @p1 $0x1;
	p0 =	seq.s32 s7, s2  }
0x1e: {  	s7 =	smul.u32 @!p0 $0xF7A, s2;
	p2 =	seq.s32 @!p0 s5, $0x0  }
0x1f: {  	s9 =	smul.u32 $0xF7A, s1;
	s8 =	simm.s32 @!p0 $0x1BF5;
	p2 =	por !p2, p0  }
0x20: {  	[sflag:s8] =	ssyncset.s32 @!p0 $0xFFFFF086;
	s6 =	sadd.s32 @!p0 s3, s7;
	s7 =	simm.s32 @!p0 $0x108  }
0x21: {  	s3 =	sadd.s32 s3, s9;
	s6 =	sadd.s32 @!p0 $0x88, s6;
	s7 =	simm.s32 @p2 $0x1082  }
0x22: {  	[simem:s7], [sflag:s8] =	dma.local @!p0 [hbm:s6], $0xF7A  }
0x23: {  	s9 =	sor.u32 $0xD0000000, s2;
	s6 =	simm.s32 $0x108;
	_ =	swait.ge @!p0 [sflag:s8], $0x0  }
0x24: {  	s3 =	sadd.s32 $0x88, s3;
	s6 =	simm.s32 @!p1 $0x1082;
	[sflag:s4] =	ssyncset.s32 $0xFFFFF086  }
0x25: {  	[simem:s6], [sflag:s4] =	dma.local [hbm:s3], $0xF7A  }
0x26: {  	[smem:$0x3F31] =	sst s1;
	(tag) =	ssettag s2;
	_ =	strace s9  }
0x27: {  	s1 =	sld [smem:$0x3F41]  }
0x28: {  	s2 =	sld [smem:$0x3F42]  }
0x29: {  	s4 =	sld [smem:$0x3F44]  }
0x2a: {  	p0 =	seq.s32 s5, $0x0;
	s5 =	sld [smem:$0x3F45]  }
0x2b: {  	s6 =	sld [smem:$0x3F46]  }
0x2c: {  	s7 =	sld [smem:$0x3F47]  }
0x2d: {  	s3 =	simm.s32 $0x108;
	s8 =	sld [smem:$0x3F48]  }
0x2e: {  	s3 =	simm.s32 @!p0 $0x1082;
	s9 =	sld [smem:$0x3F49]  }
0x2f: {  	lr =	sadd.s32 s0, s3;
	s0 =	sld [smem:$0x3F40]  }
0x30: {  	s3 =	sld [smem:$0x3F43]  }
0x31: {  	[smem:$0x3F4C] =	sst s10  }
0x32: {  	s10 =	sld [smem:$0x3F4A];
	_ =	sdelay $0x3  }
0x33: {  	p0 =	seq.s32 s10, $0x1;
	s10 =	sld [smem:$0x3F4C];
	_ =	sdelay $0x3  }
0x34: {  	[smem:$0x3F4C] =	sst s10  }
0x35: {  	s10 =	sld [smem:$0x3F4B];
	_ =	sdelay $0x3  }
0x36: {  	p1 =	seq.s32 s10, $0x1;
	s10 =	sld [smem:$0x3F4C];
	_ =	sdelay $0x3  }
0x37: {  	[smem:$0x3F4C] =	sst s10  }
0x38: {  	s10 =	sld [smem:$0x3F4D]  }
0x39: {  	_ = 	snop;
	(pc) =	sbr.ind lr, $3  }
0x3a: {  	_ = 	snop  }
0x3b: {  	_ = 	snop  }
0x3c: {  	p2 =	seq.s32 s10, $0x1;
	s10 =	sld [smem:$0x3F4C]  }
0x3d: {  	_ =	shalt  }
0x3e: {  	_ =	shalt  }
0x3f: {  	_ =	shalt  }
0x40: {  	_ =	shalt  }
0x41: {  	_ =	shalt  }
0x42: {  	_ =	shalt  }
0x43: {  	_ =	shalt  }
0x44: {  	_ =	shalt  }
0x45: {  	_ =	shalt  }
0x46: {  	_ =	shalt  }
0x47: {  	_ =	shalt  }
0x48: {  	_ =	shalt  }
0x49: {  	_ =	shalt  }
0x4a: {  	_ =	shalt  }
0x4b: {  	_ =	shalt  }
0x4c: {  	_ =	shalt  }
0x4d: {  	_ =	shalt  }
0x4e: {  	_ =	shalt  }
0x4f: {  	_ =	shalt  }
0x50: {  	_ =	shalt  }
0x51: {  	_ =	shalt  }
0x52: {  	_ =	shalt  }
0x53: {  	_ =	shalt  }
0x54: {  	_ =	shalt  }
0x55: {  	_ =	shalt  }
0x56: {  	_ =	shalt  }
0x57: {  	_ =	shalt  }
0x58: {  	_ =	shalt  }
0x59: {  	_ =	shalt  }
0x5a: {  	_ =	shalt  }
0x5b: {  	_ =	shalt  }
0x5c: {  	_ =	shalt  }
0x5d: {  	_ =	shalt  }
0x5e: {  	_ =	shalt  }
0x5f: {  	_ =	shalt  }
0x60: {  	_ =	shalt  }
0x61: {  	_ =	shalt  }
0x62: {  	_ =	shalt  }
0x63: {  	_ =	shalt  }
0x64: {  	_ =	shalt  }
0x65: {  	_ =	shalt  }
0x66: {  	_ =	shalt  }
0x67: {  	_ =	shalt  }
0x68: {  	_ =	shalt  }
0x69: {  	_ =	shalt  }
0x6a: {  	_ =	shalt  }
0x6b: {  	_ =	shalt  }
0x6c: {  	_ =	shalt  }
0x6d: {  	_ =	shalt  }
0x6e: {  	_ =	shalt  }
0x6f: {  	_ =	shalt  }
0x70: {  	_ =	shalt  }
0x71: {  	_ =	shalt  }
0x72: {  	_ =	shalt  }
0x73: {  	_ =	shalt  }
0x74: {  	_ =	shalt  }
0x75: {  	_ =	shalt  }
0x76: {  	_ =	shalt  }
0x77: {  	_ =	shalt  }
0x78: {  	_ =	shalt  }
0x79: {  	_ =	shalt  }
0x7a: {  	_ =	shalt  }
0x7b: {  	_ =	shalt  }
0x7c: {  	_ =	shalt  }
0x7d: {  	_ =	shalt  }
0x7e: {  	_ =	shalt  }
0x7f: {  	_ =	shalt  }
0x80: {  	_ =	shalt  }
0x81: {  	_ =	shalt  }
0x82: {  	_ =	shalt  }
0x83: {  	_ =	shalt  }
0x84: {  	_ =	shalt  }
0x85: {  	_ =	shalt  }
0x86: {  	_ =	shalt  }
0x87: {  	_ =	shalt  }
.Lfunc_end0:
.L_simem_size_0:
called_computation.3_lowered:
.L_overlay_start_0:
0x88: {  	s2 =	sld [smem:$0x3FD9]  }
0x89: {  	s3 =	sld [smem:$0x3FFE];
	_ =	sdelay $0x1  }
0x8a: {  	s1 =	srdreg.scid  }
0x8b: {  	s0 =	sand.u32 $0x1, s1  }
0x8c: {  	s15 =	sshll.u32 s0, $0xA;
	s2 =	sadd.s32 s3, s2  }
0x8d: {  	s2 =	sadd.s32 s2, s15  }
0x8e: {  	[smem:$0x3F58] =	sst s2  }
0x8f: {  	_ = 	snop  }
0x90: {  	s2 =	sld [smem:$0x3FD0];
	_ =	sdelay $0x2  }
0x91: {  	s4 =	simm.s32 $0xA;
	s5 =	simm.s32 $0x10;
	s16 =	sld [smem:$0x3FC6]  }
0x92: {  	[smem:s5], [sflag:s4] =	dma.local [hbm:s2], $0x1  }
0x93: {  	_ =	swait.eq [sflag:s4], $0x1  }
0x94: {  	[sflag:s4] =	ssyncset.done $0x0  }
0x95: {  	s17 =	sld [smem:$0x10];
	[sflag:s4] =	ssyncadd.s32 $0xFFFFFFFF  }
0x96: {  	s18 =	sld [smem:$0x11];
	(tm) =	ssettm $0x1  }
0x97: {  	s19 =	sld [smem:$0x3FFB];
	_ =	sdelay $0x3  }
0x98: {  	_ =	strace s19  }
0x99: {  	s5 =	sld [smem:$0x3FFC];
	_ =	sdelay $0x3  }
0x9a: {  	_ =	strace s5  }
0x9b: {  	s5 =	sld [smem:$0x3FFD];
	_ =	sdelay $0x3  }
0x9c: {  	_ =	strace s5  }
0x9d: {  	_ =	strace $0x8FFFFFFF  }
0x9e: {  	s20 =	sld [smem:$0x3FDB];
	_ =	sdelay $0x1  }
0x9f: {  	s6 =	simm.s32 $_scs_section_size  }
0xa0: {  	s7 =	simm.s32 $_size__tile_overlayer_lowered;
	s8 =	simm.s32 $_tile_overlayer_lowered  }
0xa1: {  	s23 =	simm.s32 $0x1BFF;
	s22 =	sshll.u32 s8, $0x1;
	s5 =	sadd.s32 s6, s20  }
0xa2: {  	s9 =	simm.s32 $0x0;
	s21 =	sshll.u32 s7, $0x1;
	s7 =	sadd.s32 s22, s5  }
0xa3: {  	[timem:s9], [sflag:s23] =	dma.local [hbm:s7], s21  }
0xa4: {  	_ =	swait.ge [sflag:s23], s21  }
0xa5: {  	s6 =	ssub.s32 $0x0, s21;
	[sflag:s23] =	ssyncset.done $0x0  }
0xa6: {  	[sflag:s23] =	ssyncadd.s32 s6;
	_ =	sdelay $0x1  }
0xa7: {  	s24 =	simm.s32 $0x1B8B  }
0xa8: {  	_ =	swait.ge [sflag:s24], $0x1  }
0xa9: {  	[sflag:s24] =	ssyncset.done $0x0  }
0xaa: {  	s25 =	simm.s32 $0x1B8E;
	[sflag:s24] =	ssyncadd.s32 $0xFFFFFFFF  }
0xab: {  	s26 =	simm.s32 $execute0_lowered;
	[smem:$0x3FD2] =	sst s25  }
0xac: {  	s6 =	sshll.u32 s26, $0x1;
	_ =	strace $0x8000004F;
	[dreg:$0x1] =	wrdreg $0xFFFFFFFF  }
0xad: {  	s28 =	simm.s32 $_size_execute0_lowered;
	s5 =	sadd.s32 s5, s6;
	[dreg:$0x0] =	wrdreg $0x0  }
0xae: {  	s6 =	sshll.u32 s28, $0x1;
	[dreg:$0x2] =	wrdreg s5  }
0xaf: {  	[dreg:$0x3] =	wrdreg s6  }
0xb0: {  	[dreg:$0x4] =	wrdreg $0xC0  }
0xb1: {  	_ =	task [dreg:s9], $0x5FFFF  }
0xb2: {  	[dreg:$0x1] =	wrdreg $0xFFFFFFFF  }
0xb3: {  	[dreg:$0x0] =	wrdreg $0x60  }
0xb4: {  	[dreg:$0x2] =	wrdreg s16  }
0xb5: {  	[dreg:$0x3] =	wrdreg s17  }
0xb6: {  	[dreg:$0x4] =	wrdreg s18  }
0xb7: {  	[dreg:$0x5] =	wrdreg $0x9  }
0xb8: {  	_ =	task.clear_ibuf [dreg:s9], $0x6FFFF;
	_ =	strace $0x9000004F  }
0xb9: {  	s29 =	simm.s32 $0x9;
	_ =	strace $0x80000051  }
0xba: {  	_ =	swait.ge [sflag:s29], $0x1  }
0xbb: {  	[sflag:s29] =	ssyncadd.s32 $0xFFFFFFFF  }
0xbc: {  	_ =	strace $0x90000051  }
0xbd: {  	_ =	sfence  }
0xbe: {  	s30 =	sld [smem:$0x0];
	_ =	sdelay $0x2  }
0xbf: {  	s31 =	sshll.u32 s1, $0xD;
	s1 =	sshrl.u32 s1, $0x2  }
0xc0: {  	s3 =	sand.u32 $0x4000, s31;
	s1 =	sadd.s32 s1, s30  }
0xc1: {  	s0 =	sor.u32 s3, s0;
	s1 =	sshll.u32 s1, $0x11  }
0xc2: {  	s0 =	sor.u32 s1, s0  }
0xc3: {  	s0 =	sadd.s32 $0x8F2B, s0  }
0xc4: {  	[sflag:s0] =	ssyncadd.remote.s32 $0x1  }
0xc5: {  	_ =	sfence.sel $0xFFFF  }
0xc6: {  	[dreg:$0x0] =	wrdreg $0xFFFFFFFF;
	(pc) =	sbr.abs _section_cstart, $3  }
0xc7: {  	[dreg:$0x1] =	wrdreg $0xFFFFFFFF  }
0xc8: {  	_ =	task.clear_ibuf [dreg:s9], $0x2FFFF;
	_ =	strace $0x9FFFFFFF  }
0xc9: {  	(tm) =	ssettm $0x7FFFFFFF  }
tec
execute0_lowered:
.L_overlay_start_1:
0x0: {  	(tag) =	ssettag $0x1  }
0x1: {  	s1 =	srdreg.scid  }
0x2: {  	s2 =	rddreg [dreg:$0x0];
	s0 =	stileid.u32;
	s1 =	sshll.u32 s1, $0x5  }
0x3: {  	s3 =	rddreg [dreg:$0x1];
	s5 =	sshll.u32 s0, $0x6;
	s1 =	sand.u32 $0x20, s1  }
0x4: {  	s4 =	rddreg [dreg:$0x2];
	s7 =	simm.s32 $0x1;
	s5 =	sor.u32 s5, s1  }
0x5: {  	s30 =	simm.s32 $0x2;
	s31 =	simm.s32 $0x3;
	s6 =	ssub.s32 $0x800, s5  }
0x6: {  	s11 =	simm.s32 $0x0;
	s9 =	simm.s32 $0x0;
	s8 =	sand.u32 $0x3E0, s6  }
0x7: {  	s1 =	rddreg [dreg:$0x3];
	_ =	strace $0x80000050;
	p0 =	sne.s32 s8, $0x0  }
0x8: {  	[sflag:s7] =	ssyncpa.u1 $0x0;
	s6 =	sshrl.u32 s6, $0xA;
	s7 =	simm.s32 @!p0 $0x0  }
0x9: {  	s10 =	smov.u32 s5;
	[sflag:s30] =	ssyncpa.u1 $0x0;
	s6 =	sadd.s32 s7, s6  }
0xa: {  	[sflag:s31] =	ssyncpa.u1 $0x0;
	s8 =	simm.s32 $0x0;
	s7 =	sadd.s32 $0x1, s6  }
.LBB2_1:
0xb: {  	p0 =	sge.u32 s9, s6  }
0xc: {  	s31 =	sadd.s32 $0xFFFFFFFF, s9;
	s12 =	sxor.u32 @!p0 $0xFFFFFFFF, s8;
	s13 =	sshrl.u32 @!p0 s10, $0x3  }
0xd: {  	s14 =	sand.u32 @!p0 $0x7, s10;
	s12 =	sand.u32 @!p0 $0x20, s12;
	s13 =	sadd.s32 @!p0 s3, s13  }
0xe: {  	[tilespmem:s12], [sflag:$0x2] =	stream.linear.gather @!p0 [hbm4b:s13+s14], $0x20, $0x38;
	[tilespmem:$0x80] =	vst v63  }
0xf: {  	p0 =	sge.u32 s31, s6  }
0x10: {  	s12 =	simm.s32 @!p0 $0x2  }
0x11: {  	_ =	swait.ge @!p0 [sflag:s12], $0x20  }
0x12: {  	[sflag:s12] =	ssyncset.done @!p0 $0x0  }
0x13: {  	[sflag:s12] =	ssyncadd.s32 @!p0 $0xFFFFFFE0;
	s12 =	sand.u32 @!p0 $0x20, s8  }
0x14: {  	(ifvalue) =	ssetifvalue @!p0 $0x7FFFFFFF;
	v0 =	vld.msk @!p0 [tilespmem:s12+$0x0 ss:$0x1], $0xffff;
	_ =	sdelay $0x4  }
0x15: {  	vm0 =	vgt.s32 @!p0 v0, $0x0  }
0x16: {  	v0 =	vnsel @!p0 vm0, $0x0, v0  }
0x17: {  	v0 =	vmin.u32 @!p0 v0, $0x7FF;
	_ =	sdelay $0x2  }
0x18: {  	s14 =	simm.s32 @!p0 $0x0  }
0x19: {  	s13 =	sor.u32 @!p0 $0x40, s12;
	(ifvalue) =	ssetifvalue @!p0 $0x7FFFFFFF;
	s15 =	sor.u32 @!p0 $0x10, s12;
	vm0 =	vmmov @!p0 $0xffff  }
0x1a: {  	[tilespmem:s13], [sflag:$0x1] =	stream.indirect_vreg.gather @!p0 [hbm4b:s2+s14], $0x1, v0, vm0, $0x4038;
	[tilespmem:$0x80] =	vst v63  }
0x1b: {  	v0 =	vld.msk @!p0 [tilespmem:s15+$0x0 ss:$0x1], $0xffff;
	_ =	sdelay $0x4  }
0x1c: {  	vm1 =	vgt.s32 @!p0 v0, $0x0  }
0x1d: {  	v0 =	vnsel @!p0 vm1, $0x0, v0  }
0x1e: {  	v0 =	vmin.u32 @!p0 v0, $0x7FF;
	_ =	sdelay $0x3  }
0x1f: {  	s12 =	sor.u32 @!p0 $0x50, s12;
	(ifvalue) =	ssetifvalue @!p0 $0x7FFFFFFF  }
0x20: {  	[tilespmem:s12], [sflag:$0x1] =	stream.indirect_vreg.gather @!p0 [hbm4b:s2+s14], $0x1, v0, vm0, $0x4038;
	[tilespmem:$0x80] =	vst v63  }
0x21: {  	s12 =	simm.s32 @!p0 $0x1  }
0x22: {  	_ =	swait.ge @!p0 [sflag:s12], $0x20  }
0x23: {  	s14 =	sshrl.u32 @!p0 s11, $0x3;
	[sflag:s12] =	ssyncset.done @!p0 $0x0  }
0x24: {  	s11 =	sand.u32 @!p0 $0x7, s11;
	[sflag:s12] =	ssyncadd.s32 @!p0 $0xFFFFFFE0;
	s12 =	sadd.s32 @!p0 s4, s14  }
0x25: {  	[hbm4b:s12+s11] =	stream.linear.scatter @!p0 [tilespmem:s13], [sflag:$0x3], $0x20, $0x38;
	[tilespmem:$0x80] =	vst v63  }
0x26: {  	s13 =	sadd.s32 $0x400, s10  }
0x27: {  	p1 =	sgt.s32 s13, $0x7FF  }
0x28: {  	s13 =	smov.u32 @p1 s5;
	p1 =	sne.s32 s9, s7  }
.Ltmp0:
0x29: {  	p0 =	slt.u32 s9, $0x2;
	(pc) =	sbr.rel @p1 .LBB2_1-.Ltmp0, $4  }
0x2a: {  	s12 =	simm.s32 @!p0 $0x3  }
0x2b: {  	_ =	swait.ge @!p0 [sflag:s12], $0x20  }
0x2c: {  	s8 =	sadd.s32 $0x20, s8;
	s11 =	smov.u32 s10;
	[sflag:s12] =	ssyncset.done @!p0 $0x0  }
0x2d: {  	s9 =	sadd.s32 $0x1, s9;
	s10 =	smov.u32 s13;
	[sflag:s12] =	ssyncadd.s32 @!p0 $0xFFFFFFE0  }
0x2e: {  	_ =	sfence.sel $0x180000  }
0x2f: {  	s2 =	simm.s32 $0x2;
	[bflag:$0x0] =	sbarrier.arrive $0xFFFF  }
0x30: {  	s30 =	simm.s32 $0x3;
	[sflag:s2] =	ssyncpa.u1 $0x1  }
0x31: {  	s31 =	simm.s32 $0x1;
	[sflag:s30] =	ssyncpa.u1 $0x1  }
0x32: {  	[sflag:s31] =	ssyncpa.u1 $0x1  }
0x33: {  	p0 =	sne.s32 s0, $0x0;
	_ =	strace $0x90000050  }
0x34: {  	s0 =	sadd.s32 @!p0 $0x100000, s1;
	[bflag:$0x2] =	sbarrier.arrive $0xFFFF  }
0x35: {  	[sflag:s0] =	ssyncadd.tile.s32 @!p0 $0x1;
	_ =	shalt  }
.Lfunc_end2:
_tile_overlayer_lowered:
.L_overlay_start_2:
0x36: {  	(tag) =	ssettag $0x2  }
0x37: {  	s0 =	rddreg [dreg:$0x0];
	s2 =	stileid.u32  }
0x38: {  	s1 =	rddreg [dreg:$0x1];
	p0 =	sne.s32 s2, $0x0  }
0x39: {  	s3 =	rddreg [dreg:$0x2];
	[bflag:$0x3] =	sbarrier.arrive $0xFFFF;
	s2 =	simm.s32 @!p0 $0x1C01  }
0x3a: {  	[timem:s3], [sflag:s2] =	dma.local @!p0 [hbm:s0], s1  }
0x3b: {  	s0 =	simm.s32 @!p0 $0x1  }
0x3c: {  	_ =	swait.ge @!p0 [sflag:s0], s1  }
0x3d: {  	s1 =	ssub.s32 @!p0 $0x0, s1;
	[sflag:s0] =	ssyncset.done @!p0 $0x0  }
0x3e: {  	[sflag:s0] =	ssyncadd.s32 @!p0 s1  }
0x3f: {  	[bflag:$0x3] =	sbarrier.arrive $0xFFFF  }
0x40: {  	_ =	shalt  }

// kernel: gather_offload_async_start
scs
__scs_entry_jumppad:
0x0: {  	(pc) =	sbr.rel $0x88, $3  }
0x1: {  	(tag) =	ssettag $0x0;
	lr =	simm.s32 $0x1  }
0x2: {  	[smem:$0x3F31] =	sst lr;
	_ =	strace $0xD0000000  }
0x3: {  	_ = 	snop  }
0x4: {  	_ = 	snop  }
0x5: {  	_ = 	snop  }
0x6: {  	_ = 	snop  }
0x7: {  	_ = 	snop  }
__scs_overlays_trampoline_lowered:
0x8: {  	[smem:$0x3F40] =	sst s0  }
0x9: {  	[smem:$0x3F41] =	sst s1  }
0xa: {  	[smem:$0x3F42] =	sst s2  }
0xb: {  	[smem:$0x3F43] =	sst s3  }
0xc: {  	[smem:$0x3F44] =	sst s4  }
0xd: {  	[smem:$0x3F45] =	sst s5  }
0xe: {  	[smem:$0x3F46] =	sst s6  }
0xf: {  	[smem:$0x3F47] =	sst s7  }
0x10: {  	[smem:$0x3F48] =	sst s8  }
0x11: {  	[smem:$0x3F49] =	sst s9;
	s0 =	simm.s32 @!p0 $0x0  }
0x12: {  	s1 =	sld [smem:$0x3F2F];
	s0 =	simm.s32 @p0 $0x1  }
0x13: {  	[smem:$0x3F4A] =	sst s0;
	s0 =	simm.s32 @!p1 $0x0  }
0x14: {  	s2 =	sld [smem:$0x3F2E];
	s0 =	simm.s32 @p1 $0x1  }
0x15: {  	[smem:$0x3F4B] =	sst s0;
	s0 =	simm.s32 @!p2 $0x0  }
0x16: {  	s3 =	sld [smem:$0x3FDB];
	s0 =	simm.s32 @p2 $0x1  }
0x17: {  	s4 =	simm.s32 $0x1BF5;
	[smem:$0x3F4D] =	sst s0  }
0x18: {  	s0 =	sld [smem:$0x3F30];
	_ =	swait.ge [sflag:s4], $0x0  }
0x19: {  	s7 =	sld [smem:$0x3F31]  }
0x1a: {  	s8 =	sadd.s32 $0xFFFFE003, lr  }
0x1b: {  	s9 =	sadd.s32 $0xFFFFFEF7, lr;
	s5 =	simm.s32 $0xFFFFFFFF;
	p2 =	slt.u32 s8, $0xFFFFF086  }
0x1c: {  	p1 =	slt.u32 s9, $0xF7A;
	s5 =	simm.s32 @!p2 $0x0  }
0x1d: {  	s5 =	simm.s32 @p1 $0x1;
	p0 =	seq.s32 s7, s2  }
0x1e: {  	s7 =	smul.u32 @!p0 $0xF7A, s2;
	p2 =	seq.s32 @!p0 s5, $0x0  }
0x1f: {  	s9 =	smul.u32 $0xF7A, s1;
	s8 =	simm.s32 @!p0 $0x1BF5;
	p2 =	por !p2, p0  }
0x20: {  	[sflag:s8] =	ssyncset.s32 @!p0 $0xFFFFF086;
	s6 =	sadd.s32 @!p0 s3, s7;
	s7 =	simm.s32 @!p0 $0x108  }
0x21: {  	s3 =	sadd.s32 s3, s9;
	s6 =	sadd.s32 @!p0 $0x88, s6;
	s7 =	simm.s32 @p2 $0x1082  }
0x22: {  	[simem:s7], [sflag:s8] =	dma.local @!p0 [hbm:s6], $0xF7A  }
0x23: {  	s9 =	sor.u32 $0xD0000000, s2;
	s6 =	simm.s32 $0x108;
	_ =	swait.ge @!p0 [sflag:s8], $0x0  }
0x24: {  	s3 =	sadd.s32 $0x88, s3;
	s6 =	simm.s32 @!p1 $0x1082;
	[sflag:s4] =	ssyncset.s32 $0xFFFFF086  }
0x25: {  	[simem:s6], [sflag:s4] =	dma.local [hbm:s3], $0xF7A  }
0x26: {  	[smem:$0x3F31] =	sst s1;
	(tag) =	ssettag s2;
	_ =	strace s9  }
0x27: {  	s1 =	sld [smem:$0x3F41]  }
0x28: {  	s2 =	sld [smem:$0x3F42]  }
0x29: {  	s4 =	sld [smem:$0x3F44]  }
0x2a: {  	p0 =	seq.s32 s5, $0x0;
	s5 =	sld [smem:$0x3F45]  }
0x2b: {  	s6 =	sld [smem:$0x3F46]  }
0x2c: {  	s7 =	sld [smem:$0x3F47]  }
0x2d: {  	s3 =	simm.s32 $0x108;
	s8 =	sld [smem:$0x3F48]  }
0x2e: {  	s3 =	simm.s32 @!p0 $0x1082;
	s9 =	sld [smem:$0x3F49]  }
0x2f: {  	lr =	sadd.s32 s0, s3;
	s0 =	sld [smem:$0x3F40]  }
0x30: {  	s3 =	sld [smem:$0x3F43]  }
0x31: {  	[smem:$0x3F4C] =	sst s10  }
0x32: {  	s10 =	sld [smem:$0x3F4A];
	_ =	sdelay $0x3  }
0x33: {  	p0 =	seq.s32 s10, $0x1;
	s10 =	sld [smem:$0x3F4C];
	_ =	sdelay $0x3  }
0x34: {  	[smem:$0x3F4C] =	sst s10  }
0x35: {  	s10 =	sld [smem:$0x3F4B];
	_ =	sdelay $0x3  }
0x36: {  	p1 =	seq.s32 s10, $0x1;
	s10 =	sld [smem:$0x3F4C];
	_ =	sdelay $0x3  }
0x37: {  	[smem:$0x3F4C] =	sst s10  }
0x38: {  	s10 =	sld [smem:$0x3F4D]  }
0x39: {  	_ = 	snop;
	(pc) =	sbr.ind lr, $3  }
0x3a: {  	_ = 	snop  }
0x3b: {  	_ = 	snop  }
0x3c: {  	p2 =	seq.s32 s10, $0x1;
	s10 =	sld [smem:$0x3F4C]  }
0x3d: {  	_ =	shalt  }
0x3e: {  	_ =	shalt  }
0x3f: {  	_ =	shalt  }
0x40: {  	_ =	shalt  }
0x41: {  	_ =	shalt  }
0x42: {  	_ =	shalt  }
0x43: {  	_ =	shalt  }
0x44: {  	_ =	shalt  }
0x45: {  	_ =	shalt  }
0x46: {  	_ =	shalt  }
0x47: {  	_ =	shalt  }
0x48: {  	_ =	shalt  }
0x49: {  	_ =	shalt  }
0x4a: {  	_ =	shalt  }
0x4b: {  	_ =	shalt  }
0x4c: {  	_ =	shalt  }
0x4d: {  	_ =	shalt  }
0x4e: {  	_ =	shalt  }
0x4f: {  	_ =	shalt  }
0x50: {  	_ =	shalt  }
0x51: {  	_ =	shalt  }
0x52: {  	_ =	shalt  }
0x53: {  	_ =	shalt  }
0x54: {  	_ =	shalt  }
0x55: {  	_ =	shalt  }
0x56: {  	_ =	shalt  }
0x57: {  	_ =	shalt  }
0x58: {  	_ =	shalt  }
0x59: {  	_ =	shalt  }
0x5a: {  	_ =	shalt  }
0x5b: {  	_ =	shalt  }
0x5c: {  	_ =	shalt  }
0x5d: {  	_ =	shalt  }
0x5e: {  	_ =	shalt  }
0x5f: {  	_ =	shalt  }
0x60: {  	_ =	shalt  }
0x61: {  	_ =	shalt  }
0x62: {  	_ =	shalt  }
0x63: {  	_ =	shalt  }
0x64: {  	_ =	shalt  }
0x65: {  	_ =	shalt  }
0x66: {  	_ =	shalt  }
0x67: {  	_ =	shalt  }
0x68: {  	_ =	shalt  }
0x69: {  	_ =	shalt  }
0x6a: {  	_ =	shalt  }
0x6b: {  	_ =	shalt  }
0x6c: {  	_ =	shalt  }
0x6d: {  	_ =	shalt  }
0x6e: {  	_ =	shalt  }
0x6f: {  	_ =	shalt  }
0x70: {  	_ =	shalt  }
0x71: {  	_ =	shalt  }
0x72: {  	_ =	shalt  }
0x73: {  	_ =	shalt  }
0x74: {  	_ =	shalt  }
0x75: {  	_ =	shalt  }
0x76: {  	_ =	shalt  }
0x77: {  	_ =	shalt  }
0x78: {  	_ =	shalt  }
0x79: {  	_ =	shalt  }
0x7a: {  	_ =	shalt  }
0x7b: {  	_ =	shalt  }
0x7c: {  	_ =	shalt  }
0x7d: {  	_ =	shalt  }
0x7e: {  	_ =	shalt  }
0x7f: {  	_ =	shalt  }
0x80: {  	_ =	shalt  }
0x81: {  	_ =	shalt  }
0x82: {  	_ =	shalt  }
0x83: {  	_ =	shalt  }
0x84: {  	_ =	shalt  }
0x85: {  	_ =	shalt  }
0x86: {  	_ =	shalt  }
0x87: {  	_ =	shalt  }
.Lfunc_end0:
.L_simem_size_0:
called_computation_lowered:
.L_overlay_start_0:
0x88: {  	s2 =	sld [smem:$0x3FD9]  }
0x89: {  	s3 =	sld [smem:$0x3FFE];
	_ =	sdelay $0x1  }
0x8a: {  	s1 =	srdreg.scid  }
0x8b: {  	s0 =	sand.u32 $0x1, s1  }
0x8c: {  	s15 =	sshll.u32 s0, $0xA;
	s2 =	sadd.s32 s3, s2  }
0x8d: {  	s2 =	sadd.s32 s2, s15  }
0x8e: {  	[smem:$0x3F58] =	sst s2  }
0x8f: {  	_ = 	snop  }
0x90: {  	s2 =	sld [smem:$0x3FD0];
	_ =	sdelay $0x2  }
0x91: {  	s4 =	simm.s32 $0xA;
	s5 =	simm.s32 $0x10;
	s16 =	sld [smem:$0x3FC5]  }
0x92: {  	[smem:s5], [sflag:s4] =	dma.local [hbm:s2], $0x1  }
0x93: {  	_ =	swait.eq [sflag:s4], $0x1  }
0x94: {  	[sflag:s4] =	ssyncset.done $0x0  }
0x95: {  	s17 =	sld [smem:$0x10];
	[sflag:s4] =	ssyncadd.s32 $0xFFFFFFFF  }
0x96: {  	s18 =	sld [smem:$0x11];
	(tm) =	ssettm $0x1  }
0x97: {  	s19 =	sld [smem:$0x3FFB];
	_ =	sdelay $0x3  }
0x98: {  	_ =	strace s19  }
0x99: {  	s5 =	sld [smem:$0x3FFC];
	_ =	sdelay $0x3  }
0x9a: {  	_ =	strace s5  }
0x9b: {  	s5 =	sld [smem:$0x3FFD];
	_ =	sdelay $0x3  }
0x9c: {  	_ =	strace s5  }
0x9d: {  	_ =	strace $0x8FFFFFFF  }
0x9e: {  	s20 =	sld [smem:$0x3FDB];
	_ =	sdelay $0x1  }
0x9f: {  	s6 =	simm.s32 $_scs_section_size  }
0xa0: {  	s7 =	simm.s32 $_size__tile_overlayer_lowered;
	s8 =	simm.s32 $_tile_overlayer_lowered  }
0xa1: {  	s23 =	simm.s32 $0x1BFF;
	s22 =	sshll.u32 s8, $0x1;
	s5 =	sadd.s32 s6, s20  }
0xa2: {  	s9 =	simm.s32 $0x0;
	s21 =	sshll.u32 s7, $0x1;
	s7 =	sadd.s32 s22, s5  }
0xa3: {  	[timem:s9], [sflag:s23] =	dma.local [hbm:s7], s21  }
0xa4: {  	_ =	swait.ge [sflag:s23], s21  }
0xa5: {  	s6 =	ssub.s32 $0x0, s21;
	[sflag:s23] =	ssyncset.done $0x0  }
0xa6: {  	[sflag:s23] =	ssyncadd.s32 s6;
	_ =	sdelay $0x1  }
0xa7: {  	s24 =	simm.s32 $0x1B8B  }
0xa8: {  	_ =	swait.ge [sflag:s24], $0x1  }
0xa9: {  	[sflag:s24] =	ssyncset.done $0x0  }
0xaa: {  	s25 =	simm.s32 $0x1B8E;
	[sflag:s24] =	ssyncadd.s32 $0xFFFFFFFF  }
0xab: {  	s26 =	simm.s32 $execute0_lowered;
	[smem:$0x3FD2] =	sst s25  }
0xac: {  	s6 =	sshll.u32 s26, $0x1;
	_ =	strace $0x80000046;
	[dreg:$0x1] =	wrdreg $0xFFFFFFFF  }
0xad: {  	s28 =	simm.s32 $_size_execute0_lowered;
	s5 =	sadd.s32 s5, s6;
	[dreg:$0x0] =	wrdreg $0x0  }
0xae: {  	s6 =	sshll.u32 s28, $0x1;
	[dreg:$0x2] =	wrdreg s5  }
0xaf: {  	[dreg:$0x3] =	wrdreg s6  }
0xb0: {  	[dreg:$0x4] =	wrdreg $0xC0  }
0xb1: {  	_ =	task [dreg:s9], $0x5FFFF  }
0xb2: {  	[dreg:$0x1] =	wrdreg $0xFFFFFFFF  }
0xb3: {  	[dreg:$0x0] =	wrdreg $0x60  }
0xb4: {  	[dreg:$0x2] =	wrdreg s16  }
0xb5: {  	[dreg:$0x3] =	wrdreg s17  }
0xb6: {  	[dreg:$0x4] =	wrdreg s18  }
0xb7: {  	[dreg:$0x5] =	wrdreg $0x9  }
0xb8: {  	_ =	task.clear_ibuf [dreg:s9], $0x6FFFF;
	_ =	strace $0x90000046  }
0xb9: {  	s29 =	simm.s32 $0x9;
	_ =	strace $0x80000048  }
0xba: {  	_ =	swait.ge [sflag:s29], $0x1  }
0xbb: {  	[sflag:s29] =	ssyncadd.s32 $0xFFFFFFFF  }
0xbc: {  	_ =	strace $0x90000048  }
0xbd: {  	_ =	sfence  }
0xbe: {  	s30 =	sld [smem:$0x0];
	_ =	sdelay $0x2  }
0xbf: {  	s31 =	sshll.u32 s1, $0xD;
	s1 =	sshrl.u32 s1, $0x2  }
0xc0: {  	s3 =	sand.u32 $0x4000, s31;
	s1 =	sadd.s32 s1, s30  }
0xc1: {  	s0 =	sor.u32 s3, s0;
	s1 =	sshll.u32 s1, $0x11  }
0xc2: {  	s0 =	sor.u32 s1, s0  }
0xc3: {  	s0 =	sadd.s32 $0x8F2B, s0  }
0xc4: {  	[sflag:s0] =	ssyncadd.remote.s32 $0x1  }
0xc5: {  	_ =	sfence.sel $0xFFFF  }
0xc6: {  	[dreg:$0x0] =	wrdreg $0xFFFFFFFF;
	(pc) =	sbr.abs _section_cstart, $3  }
0xc7: {  	[dreg:$0x1] =	wrdreg $0xFFFFFFFF  }
0xc8: {  	_ =	task.clear_ibuf [dreg:s9], $0x2FFFF;
	_ =	strace $0x9FFFFFFF  }
0xc9: {  	(tm) =	ssettm $0x7FFFFFFF  }
tec
execute0_lowered:
.L_overlay_start_1:
0x0: {  	(tag) =	ssettag $0x1  }
0x1: {  	s1 =	srdreg.scid  }
0x2: {  	s2 =	rddreg [dreg:$0x0];
	s0 =	stileid.u32;
	s1 =	sshll.u32 s1, $0x5  }
0x3: {  	s3 =	rddreg [dreg:$0x1];
	s5 =	sshll.u32 s0, $0x6;
	s1 =	sand.u32 $0x20, s1  }
0x4: {  	s4 =	rddreg [dreg:$0x2];
	s7 =	simm.s32 $0x1;
	s5 =	sor.u32 s5, s1  }
0x5: {  	s30 =	simm.s32 $0x2;
	s31 =	simm.s32 $0x3;
	s6 =	ssub.s32 $0x800, s5  }
0x6: {  	s11 =	simm.s32 $0x0;
	s9 =	simm.s32 $0x0;
	s8 =	sand.u32 $0x3E0, s6  }
0x7: {  	s1 =	rddreg [dreg:$0x3];
	_ =	strace $0x80000047;
	p0 =	sne.s32 s8, $0x0  }
0x8: {  	[sflag:s7] =	ssyncpa.u1 $0x0;
	s6 =	sshrl.u32 s6, $0xA;
	s7 =	simm.s32 @!p0 $0x0  }
0x9: {  	s10 =	smov.u32 s5;
	[sflag:s30] =	ssyncpa.u1 $0x0;
	s6 =	sadd.s32 s7, s6  }
0xa: {  	[sflag:s31] =	ssyncpa.u1 $0x0;
	s8 =	simm.s32 $0x0;
	s7 =	sadd.s32 $0x1, s6  }
.LBB2_1:
0xb: {  	p0 =	sge.u32 s9, s6  }
0xc: {  	s31 =	sadd.s32 $0xFFFFFFFF, s9;
	s12 =	sxor.u32 @!p0 $0xFFFFFFFF, s8;
	s13 =	sshrl.u32 @!p0 s10, $0x3  }
0xd: {  	s14 =	sand.u32 @!p0 $0x7, s10;
	s12 =	sand.u32 @!p0 $0x20, s12;
	s13 =	sadd.s32 @!p0 s3, s13  }
0xe: {  	[tilespmem:s12], [sflag:$0x2] =	stream.linear.gather @!p0 [hbm4b:s13+s14], $0x20, $0x38;
	[tilespmem:$0x80] =	vst v63  }
0xf: {  	p0 =	sge.u32 s31, s6  }
0x10: {  	s12 =	simm.s32 @!p0 $0x2  }
0x11: {  	_ =	swait.ge @!p0 [sflag:s12], $0x20  }
0x12: {  	[sflag:s12] =	ssyncset.done @!p0 $0x0  }
0x13: {  	[sflag:s12] =	ssyncadd.s32 @!p0 $0xFFFFFFE0;
	s12 =	sand.u32 @!p0 $0x20, s8  }
0x14: {  	(ifvalue) =	ssetifvalue @!p0 $0x7FFFFFFF;
	v0 =	vld.msk @!p0 [tilespmem:s12+$0x0 ss:$0x1], $0xffff;
	_ =	sdelay $0x4  }
0x15: {  	vm0 =	vgt.s32 @!p0 v0, $0x0  }
0x16: {  	v0 =	vnsel @!p0 vm0, $0x0, v0  }
0x17: {  	v0 =	vmin.u32 @!p0 v0, $0xFFF;
	_ =	sdelay $0x2  }
0x18: {  	s14 =	simm.s32 @!p0 $0x0  }
0x19: {  	s13 =	sor.u32 @!p0 $0x40, s12;
	(ifvalue) =	ssetifvalue @!p0 $0x7FFFFFFF;
	s15 =	sor.u32 @!p0 $0x10, s12;
	vm0 =	vmmov @!p0 $0xffff  }
0x1a: {  	[tilespmem:s13], [sflag:$0x1] =	stream.indirect_vreg.gather @!p0 [hbm4b:s2+s14], $0x1, v0, vm0, $0x4038;
	[tilespmem:$0x80] =	vst v63  }
0x1b: {  	v0 =	vld.msk @!p0 [tilespmem:s15+$0x0 ss:$0x1], $0xffff;
	_ =	sdelay $0x4  }
0x1c: {  	vm1 =	vgt.s32 @!p0 v0, $0x0  }
0x1d: {  	v0 =	vnsel @!p0 vm1, $0x0, v0  }
0x1e: {  	v0 =	vmin.u32 @!p0 v0, $0xFFF;
	_ =	sdelay $0x3  }
0x1f: {  	s12 =	sor.u32 @!p0 $0x50, s12;
	(ifvalue) =	ssetifvalue @!p0 $0x7FFFFFFF  }
0x20: {  	[tilespmem:s12], [sflag:$0x1] =	stream.indirect_vreg.gather @!p0 [hbm4b:s2+s14], $0x1, v0, vm0, $0x4038;
	[tilespmem:$0x80] =	vst v63  }
0x21: {  	s12 =	simm.s32 @!p0 $0x1  }
0x22: {  	_ =	swait.ge @!p0 [sflag:s12], $0x20  }
0x23: {  	s14 =	sshrl.u32 @!p0 s11, $0x3;
	[sflag:s12] =	ssyncset.done @!p0 $0x0  }
0x24: {  	s11 =	sand.u32 @!p0 $0x7, s11;
	[sflag:s12] =	ssyncadd.s32 @!p0 $0xFFFFFFE0;
	s12 =	sadd.s32 @!p0 s4, s14  }
0x25: {  	[hbm4b:s12+s11] =	stream.linear.scatter @!p0 [tilespmem:s13], [sflag:$0x3], $0x20, $0x38;
	[tilespmem:$0x80] =	vst v63  }
0x26: {  	s13 =	sadd.s32 $0x400, s10  }
0x27: {  	p1 =	sgt.s32 s13, $0x7FF  }
0x28: {  	s13 =	smov.u32 @p1 s5;
	p1 =	sne.s32 s9, s7  }
.Ltmp0:
0x29: {  	p0 =	slt.u32 s9, $0x2;
	(pc) =	sbr.rel @p1 .LBB2_1-.Ltmp0, $4  }
0x2a: {  	s12 =	simm.s32 @!p0 $0x3  }
0x2b: {  	_ =	swait.ge @!p0 [sflag:s12], $0x20  }
0x2c: {  	s8 =	sadd.s32 $0x20, s8;
	s11 =	smov.u32 s10;
	[sflag:s12] =	ssyncset.done @!p0 $0x0  }
0x2d: {  	s9 =	sadd.s32 $0x1, s9;
	s10 =	smov.u32 s13;
	[sflag:s12] =	ssyncadd.s32 @!p0 $0xFFFFFFE0  }
0x2e: {  	_ =	sfence.sel $0x180000  }
0x2f: {  	s2 =	simm.s32 $0x2;
	[bflag:$0x0] =	sbarrier.arrive $0xFFFF  }
0x30: {  	s30 =	simm.s32 $0x3;
	[sflag:s2] =	ssyncpa.u1 $0x1  }
0x31: {  	s31 =	simm.s32 $0x1;
	[sflag:s30] =	ssyncpa.u1 $0x1  }
0x32: {  	[sflag:s31] =	ssyncpa.u1 $0x1  }
0x33: {  	p0 =	sne.s32 s0, $0x0;
	_ =	strace $0x90000047  }
0x34: {  	s0 =	sadd.s32 @!p0 $0x100000, s1;
	[bflag:$0x2] =	sbarrier.arrive $0xFFFF  }
0x35: {  	[sflag:s0] =	ssyncadd.tile.s32 @!p0 $0x1;
	_ =	shalt  }
.Lfunc_end2:
_tile_overlayer_lowered:
.L_overlay_start_2:
0x36: {  	(tag) =	ssettag $0x2  }
0x37: {  	s0 =	rddreg [dreg:$0x0];
	s2 =	stileid.u32  }
0x38: {  	s1 =	rddreg [dreg:$0x1];
	p0 =	sne.s32 s2, $0x0  }
0x39: {  	s3 =	rddreg [dreg:$0x2];
	[bflag:$0x3] =	sbarrier.arrive $0xFFFF;
	s2 =	simm.s32 @!p0 $0x1C01  }
0x3a: {  	[timem:s3], [sflag:s2] =	dma.local @!p0 [hbm:s0], s1  }
0x3b: {  	s0 =	simm.s32 @!p0 $0x1  }
0x3c: {  	_ =	swait.ge @!p0 [sflag:s0], s1  }
0x3d: {  	s1 =	ssub.s32 @!p0 $0x0, s1;
	[sflag:s0] =	ssyncset.done @!p0 $0x0  }
0x3e: {  	[sflag:s0] =	ssyncadd.s32 @!p0 s1  }
0x3f: {  	[bflag:$0x3] =	sbarrier.arrive $0xFFFF  }
0x40: {  	_ =	shalt  }

</sc_bundles>
